<compile_context>
chip_gen: v7x
topology: tpu7x:2x2x1
jax: 0.10.2.dev20260603
libtpu: 0.0.44.dev20260713+nightly
codegen_flags: <defaults>
</compile_context>

<pallas_src>
import functools

import jax
import jax.numpy as jnp
from jax import lax
from jax.experimental import pallas as pl
from jax.experimental.pallas import tpu as pltpu
from jax.experimental.pallas import tpu_sc as plsc

NUM_CODES = 1024
D = 64
BETA = 0.25

B0 = 8
B1 = 4608
N_ROWS = B0 * B1

NC = 2
NS = 16
NW = NC * NS

DPAD = 128
LW = 2304


def _dist_argmin_kernel(z_ref, cm2_ref, idx_ref, loss_ref, csq_ref, zc_ref):
    i = pl.program_id(0)
    cm2 = cm2_ref[...]

    @pl.when(i == 0)
    def _():
        csq_ref[...] = jnp.sum(cm2 * cm2, axis=1, keepdims=True) * 0.25
        loss_ref[...] = jnp.zeros((1, 1), jnp.float32)

    z = z_ref[...]
    zc_ref[...] = lax.dot_general(cm2, z, (((1,), (1,)), ((), ())),
                                  preferred_element_type=jnp.float32)
    z_sq = jnp.sum(z * z, axis=1, keepdims=True).T

    for t in range(B1 // LW):
        zs = z_sq[:, t * LW:(t + 1) * LW]

        def body(r, carry):
            v, bi = carry
            d = (zs + zc_ref[pl.ds(r * 8, 8), pl.ds(t * LW, LW)]) \
                + csq_ref[pl.ds(r * 8, 8), :]
            better = d < v
            bi = jnp.where(better, r, bi)
            v = jnp.minimum(v, d)
            return v, bi

        v0 = jnp.full((8, LW), jnp.inf, jnp.float32)
        b0 = jnp.zeros((8, LW), jnp.int32)
        v, bi = lax.fori_loop(0, NUM_CODES // 8, body, (v0, b0),
                              unroll=True)
        m = jnp.min(v, axis=0, keepdims=True)
        srow = lax.broadcasted_iota(jnp.int32, (8, LW), 0)
        cand = bi * 8 + srow
        idx = jnp.min(jnp.where(v == m, cand, NUM_CODES), axis=0)
        idx_ref[0, 0, pl.ds(t * LW, LW)] = idx
        loss_ref[...] += jnp.sum(m).reshape(1, 1)


def _tc_dist_argmin(z2, codebook_m2):
    nblk = z2.shape[0] // B1
    idx, loss_sum = pl.pallas_call(
        _dist_argmin_kernel,
        grid=(nblk,),
        in_specs=[
            pl.BlockSpec((B1, D), lambda i: (i, 0)),
            pl.BlockSpec((NUM_CODES, D), lambda i: (0, 0)),
        ],
        out_specs=[
            pl.BlockSpec((1, 1, B1), lambda i: (i, 0, 0)),
            pl.BlockSpec((1, 1), lambda i: (0, 0)),
        ],
        out_shape=[
            jax.ShapeDtypeStruct((nblk, 1, B1), jnp.int32),
            jax.ShapeDtypeStruct((1, 1), jnp.float32),
        ],
        scratch_shapes=[pltpu.VMEM((NUM_CODES, 1), jnp.float32),
                        pltpu.VMEM((NUM_CODES, B1), jnp.float32)],
    )(z2, codebook_m2)
    return idx.reshape(z2.shape[0]), loss_sum


CHUNK = 576


def _sc_gather(codebook_padded, idx_flat):
    n = idx_flat.shape[0]
    b_per_w = n // NW
    mesh = plsc.VectorSubcoreMesh(core_axis_name="c", subcore_axis_name="s")

    @functools.partial(
        pl.kernel,
        mesh=mesh,
        out_type=jax.ShapeDtypeStruct((n, DPAD), jnp.float32),
        scratch_types=[
            pltpu.VMEM((CHUNK,), jnp.int32),
            pltpu.VMEM((CHUNK, DPAD), jnp.float32),
            pltpu.SemaphoreType.DMA,
        ],
    )
    def k(table_hbm, idx_hbm, out_hbm, idx_v, rows_v, sem):
        wid = lax.axis_index("s") * NC + lax.axis_index("c")
        base = wid * b_per_w

        @pl.loop(0, b_per_w // CHUNK)
        def _(j):
            b = base + j * CHUNK
            pltpu.sync_copy(idx_hbm.at[pl.ds(b, CHUNK)], idx_v)
            pltpu.async_copy(table_hbm.at[idx_v], rows_v, sem).wait()
            pltpu.sync_copy(rows_v, out_hbm.at[pl.ds(b, CHUNK)])

    return k(codebook_padded, idx_flat)


def kernel(z, codebook):
    codebook_m2 = codebook * -2.0
    codebook_padded = jnp.pad(codebook, ((0, 0), (0, DPAD - D)))
    z2 = z.reshape(N_ROWS, D)
    idx, loss_sum = _tc_dist_argmin(z2, codebook_m2)
    z_q = _sc_gather(codebook_padded, idx)[:, :D]
    loss = loss_sum[0, 0] * (2.0 * BETA / (N_ROWS * D))
    return z_q.reshape(z.shape), loss

# --- scband reference (transcript-rebuilt; emitter-appended) ---
"""Pipeline reference for scband-vector-quantizer-48619029791164 (READ-ONLY COPY).

The authoritative reference and input builder live on the scoring server;
editing this copy changes nothing except your own understanding.
"""

import jax, jax.numpy as jnp
import numpy as np

NUM_CODES = 1024
D = 64
BETA = 0.25

def setup_inputs(seed: int = 0) -> dict:
    key = jax.random.key(seed)
    k1, k2 = jax.random.split(key)
    z = jax.random.normal(k1, (64, 576, D), dtype=jnp.float32)
    codebook = jax.random.normal(k2, (NUM_CODES, D), dtype=jnp.float32)
    return {"z": z, "codebook": codebook}

def reference(z, codebook):
    z_flat = z.reshape(-1, z.shape[-1])
    dist = (jnp.sum(z_flat ** 2, axis=1, keepdims=True)
            - 2.0 * (z_flat @ codebook.T)
            + jnp.sum(codebook ** 2, axis=1)[None, :])
    idx = jnp.argmin(dist, axis=1)
    z_q = jnp.take(codebook, idx, axis=0).reshape(z.shape)
    loss_commit = jnp.mean((jax.lax.stop_gradient(z_q) - z) ** 2)
    loss_code = jnp.mean((z_q - jax.lax.stop_gradient(z)) ** 2)
    z_q_st = z + jax.lax.stop_gradient(z_q - z)
    return (z_q_st, BETA * (loss_commit + loss_code))

if __name__ == "__main__":
    import jax
    _d = setup_inputs()
    print(jax.jit(kernel)(*tuple(_d.values())))

</pallas_src>

<mosaic_0001>
#map = affine_map<(d0, d1) -> (0, 0)>
#map1 = affine_map<(d0, d1) -> (0)>
module attributes {stable_mosaic.version = 14 : i64} {
  func.func @k(%arg0: i32, %arg1: i32, %arg2: memref<1024x128xf32, #tpu.memory_space<hbm>>, %arg3: memref<36864xi32, #tpu.memory_space<hbm>>, %arg4: memref<36864x128xf32, #tpu.memory_space<hbm>>, %arg5: memref<576xi32, #tpu.memory_space<vmem>>, %arg6: memref<576x128xf32, #tpu.memory_space<vmem>>, %arg7: memref<!tpu.dma_semaphore, #tpu.memory_space<semaphore_mem>>) attributes {dimension_semantics = [#tpu.dimension_semantics<core_parallel>, #tpu.dimension_semantics<subcore_parallel>], iteration_bounds = array<i64: 2, 16>, scalar_prefetch = 0 : i64, scratch_operands = 3 : i64, tpu.core_type = #tpu.core_type<sc_vector_subcore>, window_params = [{transform_indices = #map}, {transform_indices = #map1}, {transform_indices = #map}]} {
    %mul3A = arith.constant 2 : i32
    %mul3A_0 = arith.muli %arg1, %mul3A : i32
    %add3A = arith.addi %mul3A_0, %arg0 : i32
    %mul3A_1 = arith.constant 1152 : i32
    %mul3A_2 = arith.muli %add3A, %mul3A_1 : i32
    %scan3A = arith.constant 0 : i32
    %scan3A_3 = arith.constant 2 : i32
    %scan3A_4 = arith.addi %scan3A, %scan3A_3 : i32
    %scan3A_5 = arith.constant 1 : i32
    scf.for %scan3A_7 = %scan3A to %scan3A_4 step %scan3A_5  : i32 {
      %mul3A_8 = arith.constant 1 : i32
      %mul3A_9 = arith.muli %scan3A_7, %mul3A_8 : i32
      %add3A_10 = arith.constant 0 : i32
      %add3A_11 = arith.addi %add3A_10, %mul3A_9 : i32
      %mul3A_12 = arith.constant 576 : i32
      %mul3A_13 = arith.muli %add3A_11, %mul3A_12 : i32
      %add3A_14 = arith.addi %mul3A_2, %mul3A_13 : i32
      "tpu.region"() ({
        %run_scoped3A = tpu.sem_alloc : memref<!tpu.dma_semaphore, #tpu.memory_space<semaphore_mem>>
        %dma_start3A_19 = tpu.memref_slice %arg3[%add3A_14] : memref<36864xi32, #tpu.memory_space<hbm>> -> memref<576xi32, #tpu.memory_space<hbm>>
        %dma_start3A_20 = tpu.memref_slice %arg3[%add3A_14] : memref<36864xi32, #tpu.memory_space<hbm>> -> memref<576xi32, #tpu.memory_space<hbm>>
        tpu.enqueue_dma source(%dma_start3A_20 : memref<576xi32, #tpu.memory_space<hbm>>) target(%arg5 : memref<576xi32, #tpu.memory_space<vmem>>) target_semaphore(%run_scoped3A : memref<!tpu.dma_semaphore, #tpu.memory_space<semaphore_mem>>)
        %dma_wait3A_21 = tpu.memref_slice %arg3[%add3A_14] : memref<36864xi32, #tpu.memory_space<hbm>> -> memref<576xi32, #tpu.memory_space<hbm>>
        %dma_wait3A_22 = tpu.memref_slice %arg3[%add3A_14] : memref<36864xi32, #tpu.memory_space<hbm>> -> memref<576xi32, #tpu.memory_space<hbm>>
        tpu.wait_dma2 semaphore(%run_scoped3A : memref<!tpu.dma_semaphore, #tpu.memory_space<semaphore_mem>>) src(%dma_wait3A_22 : memref<576xi32, #tpu.memory_space<hbm>>) dst(%arg5 : memref<576xi32, #tpu.memory_space<vmem>>)
        tpu.yield
      }) : () -> ()
      %dma_start3A = arith.constant 0 : i32
      %dma_start3A_15 = arith.constant 0 : i32
      %dma_start3A_16 = tpu.memref_slice %arg2[%dma_start3A, %dma_start3A_15] : memref<1024x128xf32, #tpu.memory_space<hbm>> -> memref<1024x128xf32, #tpu.memory_space<hbm>>
      tpu.enqueue_indirect_dma source(%dma_start3A_16 : memref<1024x128xf32, #tpu.memory_space<hbm>>) target(%arg6 : memref<576x128xf32, #tpu.memory_space<vmem>>) offsets(%arg5 : memref<576xi32, #tpu.memory_space<vmem>>) semaphore(%arg7 : memref<!tpu.dma_semaphore, #tpu.memory_space<semaphore_mem>>)
      %dma_wait3A = arith.constant 0 : i32
      %dma_wait3A_17 = arith.constant 0 : i32
      %dma_wait3A_18 = tpu.memref_slice %arg2[%dma_wait3A, %dma_wait3A_17] : memref<1024x128xf32, #tpu.memory_space<hbm>> -> memref<1024x128xf32, #tpu.memory_space<hbm>>
      tpu.wait_indirect_dma semaphore(%arg7 : memref<!tpu.dma_semaphore, #tpu.memory_space<semaphore_mem>>) src(%dma_wait3A_18 : memref<1024x128xf32, #tpu.memory_space<hbm>>) dst(%arg6 : memref<576x128xf32, #tpu.memory_space<vmem>>)
      "tpu.region"() ({
        %run_scoped3A = tpu.sem_alloc : memref<!tpu.dma_semaphore, #tpu.memory_space<semaphore_mem>>
        %dma_start3A_19 = arith.constant 0 : i32
        %dma_start3A_20 = tpu.memref_slice %arg4[%add3A_14, %dma_start3A_19] : memref<36864x128xf32, #tpu.memory_space<hbm>> -> memref<576x128xf32, #tpu.memory_space<hbm>>
        %dma_start3A_21 = arith.constant 0 : i32
        %dma_start3A_22 = tpu.memref_slice %arg4[%add3A_14, %dma_start3A_21] : memref<36864x128xf32, #tpu.memory_space<hbm>> -> memref<576x128xf32, #tpu.memory_space<hbm>>
        tpu.enqueue_dma source(%arg6 : memref<576x128xf32, #tpu.memory_space<vmem>>) target(%dma_start3A_22 : memref<576x128xf32, #tpu.memory_space<hbm>>) target_semaphore(%run_scoped3A : memref<!tpu.dma_semaphore, #tpu.memory_space<semaphore_mem>>)
        %dma_wait3A_23 = arith.constant 0 : i32
        %dma_wait3A_24 = tpu.memref_slice %arg4[%add3A_14, %dma_wait3A_23] : memref<36864x128xf32, #tpu.memory_space<hbm>> -> memref<576x128xf32, #tpu.memory_space<hbm>>
        %dma_wait3A_25 = arith.constant 0 : i32
        %dma_wait3A_26 = tpu.memref_slice %arg4[%add3A_14, %dma_wait3A_25] : memref<36864x128xf32, #tpu.memory_space<hbm>> -> memref<576x128xf32, #tpu.memory_space<hbm>>
        tpu.wait_dma2 semaphore(%run_scoped3A : memref<!tpu.dma_semaphore, #tpu.memory_space<semaphore_mem>>) src(%arg6 : memref<576x128xf32, #tpu.memory_space<vmem>>) dst(%dma_wait3A_26 : memref<576x128xf32, #tpu.memory_space<hbm>>)
        tpu.yield
      }) : () -> ()
    }
    %scan3A_6 = arith.constant 2 : i32
    return
  }
}

module attributes {stable_mosaic.version = 14 : i64} {
  func.func @_dist_argmin_kernel(%arg0: i32, %arg1: memref<4608x64xf32, #tpu.memory_space<vmem>>, %arg2: memref<1024x64xf32, #tpu.memory_space<vmem>>, %arg3: memref<1x1x4608xi32, #tpu.memory_space<vmem>>, %arg4: memref<1x1xf32, #tpu.memory_space<vmem>>, %arg5: memref<1024x1xf32, #tpu.memory_space<vmem>>, %arg6: memref<1024x4608xf32, #tpu.memory_space<vmem>>) attributes {dimension_semantics = [#tpu.dimension_semantics<arbitrary>], iteration_bounds = array<i64: 8>, scalar_prefetch = 0 : i64, scratch_operands = 2 : i64, tpu.core_type = #tpu.core_type<tc>, window_params = [{transform_indices = @transform_0, window_bounds = array<i64: 4608, 64>}, {pipeline_mode = #tpu.pipeline_mode<synchronous>, transform_indices = @transform_1, window_bounds = array<i64: 1024, 64>}, {transform_indices = @transform_2, window_bounds = array<i64: 1, 1, 4608>}, {pipeline_mode = #tpu.pipeline_mode<synchronous>, transform_indices = @transform_3, window_bounds = array<i64: 1, 1>}]} {
    %get3A = arith.constant 0 : index
    %get3A_0 = arith.constant 0 : index
    %get3A_1 = vector.load %arg2[%get3A, %get3A_0] : memref<1024x64xf32, #tpu.memory_space<vmem>>, vector<1024x64xf32>
    %eq3A = arith.constant 0 : i32
    %eq3A_2 = arith.cmpi eq, %arg0, %eq3A : i32
    %convert_element_type3A = arith.extui %eq3A_2 : i1 to i32
    %cond3A = arith.constant 0 : i32
    %cond3A_3 = arith.cmpi ne, %convert_element_type3A, %cond3A : i32
    scf.if %cond3A_3 {
      %mul3A_4945 = arith.mulf %get3A_1, %get3A_1 : vector<1024x64xf32>
      %reduce_sum3A_4946 = arith.constant dense<0.000000e+00> : vector<1024xf32>
      %reduce_sum3A_4947 = vector.multi_reduction <add>, %mul3A_4945, %reduce_sum3A_4946 [1] : vector<1024x64xf32> to vector<1024xf32>
      %broadcast_in_dim3A_4948 = vector.shape_cast %reduce_sum3A_4947 : vector<1024xf32> to vector<1024x1xf32>
      %mul3A_4949 = arith.constant 2.500000e-01 : f32
      %mul3A_4950 = vector.broadcast %mul3A_4949 : f32 to vector<1024x1xf32>
      %mul3A_4951 = arith.mulf %broadcast_in_dim3A_4948, %mul3A_4950 : vector<1024x1xf32>
      %swap3A_4952 = arith.constant 0 : index
      %swap3A_4953 = arith.constant 0 : index
      %swap3A_4954 = vector.load %arg5[%swap3A_4952, %swap3A_4953] : memref<1024x1xf32, #tpu.memory_space<vmem>>, vector<1024x1xf32>
      tpu.vector_store %arg5[%swap3A_4952, %swap3A_4953], %mul3A_4951 {strides = array<i32>} : memref<1024x1xf32, #tpu.memory_space<vmem>>, vector<1024x1xf32>,
      %broadcast_in_dim3A_4955 = arith.constant 0.000000e+00 : f32
      %broadcast_in_dim3A_4956 = vector.broadcast %broadcast_in_dim3A_4955 : f32 to vector<1x1xf32>
      %swap3A_4957 = arith.constant 0 : index
      %swap3A_4958 = arith.constant 0 : index
      %swap3A_4959 = vector.load %arg4[%swap3A_4957, %swap3A_4958] : memref<1x1xf32, #tpu.memory_space<vmem>>, vector<1x1xf32>
      tpu.vector_store %arg4[%swap3A_4957, %swap3A_4958], %broadcast_in_dim3A_4956 {strides = array<i32>} : memref<1x1xf32, #tpu.memory_space<vmem>>, vector<1x1xf32>,
    } else {
    }
    %get3A_4 = arith.constant 0 : index
    %get3A_5 = arith.constant 0 : index
    %get3A_6 = vector.load %arg1[%get3A_4, %get3A_5] : memref<4608x64xf32, #tpu.memory_space<vmem>>, vector<4608x64xf32>
    %dot_general3A = arith.constant dense<0.000000e+00> : vector<1024x4608xf32>
    %dot_general3A_7 = tpu.matmul %get3A_1, %get3A_6, %dot_general3A {dimension_numbers = #tpu.dot_dimension_numbers<[1], [1], [0], [0], [0, 0, 1, 0], [], []>, transpose_lhs_hint = false} : vector<1024x64xf32>, vector<4608x64xf32>, vector<1024x4608xf32> -> vector<1024x4608xf32>
    %swap3A = arith.constant 0 : index
    %swap3A_8 = arith.constant 0 : index
    %swap3A_9 = vector.load %arg6[%swap3A, %swap3A_8] : memref<1024x4608xf32, #tpu.memory_space<vmem>>, vector<1024x4608xf32>
    tpu.vector_store %arg6[%swap3A, %swap3A_8], %dot_general3A_7 {strides = array<i32>} : memref<1024x4608xf32, #tpu.memory_space<vmem>>, vector<1024x4608xf32>,
    %mul3A = arith.mulf %get3A_6, %get3A_6 : vector<4608x64xf32>
    %reduce_sum3A = arith.constant dense<0.000000e+00> : vector<4608xf32>
    %reduce_sum3A_10 = vector.multi_reduction <add>, %mul3A, %reduce_sum3A [1] : vector<4608x64xf32> to vector<4608xf32>
    %broadcast_in_dim3A = vector.shape_cast %reduce_sum3A_10 : vector<4608xf32> to vector<4608x1xf32>
    %transpose3A = tpu.transpose %broadcast_in_dim3A, [1, 0] : vector<4608x1xf32> -> vector<1x4608xf32>
    %slice3A = vector.extract_strided_slice %transpose3A {offsets = [0, 0], sizes = [1, 2304], strides = [1, 1]} : vector<1x4608xf32> to vector<1x2304xf32>
    %broadcast_in_dim3A_11 = arith.constant 0x7F800000 : f32
    %broadcast_in_dim3A_12 = vector.broadcast %broadcast_in_dim3A_11 : f32 to vector<8x2304xf32>
    %broadcast_in_dim3A_13 = arith.constant 0 : i32
    %broadcast_in_dim3A_14 = vector.broadcast %broadcast_in_dim3A_13 : i32 to vector<8x2304xi32>
    %scan3A = arith.constant 0 : i32
    %mul3A_15 = arith.constant 8 : i32
    %mul3A_16 = arith.muli %scan3A, %mul3A_15 : i32
    %get3A_17 = arith.index_cast %mul3A_16 : i32 to index
    %get3A_18 = arith.constant 0 : index
    %get3A_19 = vector.load %arg6[%get3A_17, %get3A_18] : memref<1024x4608xf32, #tpu.memory_space<vmem>>, vector<8x2304xf32>
    %add3A = vector.broadcast %slice3A : vector<1x2304xf32> to vector<8x2304xf32>
    %add3A_20 = arith.addf %add3A, %get3A_19 : vector<8x2304xf32>
    %mul3A_21 = arith.constant 8 : i32
    %mul3A_22 = arith.muli %scan3A, %mul3A_21 : i32
    %get3A_23 = arith.index_cast %mul3A_22 : i32 to index
    %get3A_24 = arith.constant 0 : index
    %get3A_25 = vector.load %arg5[%get3A_23, %get3A_24] : memref<1024x1xf32, #tpu.memory_space<vmem>>, vector<8x1xf32>
    %add3A_26 = vector.broadcast %get3A_25 : vector<8x1xf32> to vector<8x2304xf32>
    %add3A_27 = arith.addf %add3A_20, %add3A_26 : vector<8x2304xf32>
    %lt3A = arith.cmpf olt, %add3A_27, %broadcast_in_dim3A_12 : vector<8x2304xf32>
    %broadcast_in_dim3A_28 = vector.broadcast %scan3A : i32 to vector<8x2304xi32>
    %select_n3A = arith.select %lt3A, %broadcast_in_dim3A_28, %broadcast_in_dim3A_14 : vector<8x2304xi1>, vector<8x2304xi32>
    %min3A = arith.minimumf %broadcast_in_dim3A_12, %add3A_27 : vector<8x2304xf32>
    %scan3A_29 = arith.constant 1 : i32
    %mul3A_30 = arith.constant 8 : i32
    %mul3A_31 = arith.muli %scan3A_29, %mul3A_30 : i32
    %get3A_32 = arith.index_cast %mul3A_31 : i32 to index
    %get3A_33 = arith.constant 0 : index
    %get3A_34 = vector.load %arg6[%get3A_32, %get3A_33] : memref<1024x4608xf32, #tpu.memory_space<vmem>>, vector<8x2304xf32>
    %add3A_35 = vector.broadcast %slice3A : vector<1x2304xf32> to vector<8x2304xf32>
    %add3A_36 = arith.addf %add3A_35, %get3A_34 : vector<8x2304xf32>
    %mul3A_37 = arith.constant 8 : i32
    %mul3A_38 = arith.muli %scan3A_29, %mul3A_37 : i32
    %get3A_39 = arith.index_cast %mul3A_38 : i32 to index
    %get3A_40 = arith.constant 0 : index
    %get3A_41 = vector.load %arg5[%get3A_39, %get3A_40] : memref<1024x1xf32, #tpu.memory_space<vmem>>, vector<8x1xf32>
    %add3A_42 = vector.broadcast %get3A_41 : vector<8x1xf32> to vector<8x2304xf32>
    %add3A_43 = arith.addf %add3A_36, %add3A_42 : vector<8x2304xf32>
    %lt3A_44 = arith.cmpf olt, %add3A_43, %min3A : vector<8x2304xf32>
    %broadcast_in_dim3A_45 = vector.broadcast %scan3A_29 : i32 to vector<8x2304xi32>
    %select_n3A_46 = arith.select %lt3A_44, %broadcast_in_dim3A_45, %select_n3A : vector<8x2304xi1>, vector<8x2304xi32>
    %min3A_47 = arith.minimumf %min3A, %add3A_43 : vector<8x2304xf32>
    %scan3A_48 = arith.constant 2 : i32
    %mul3A_49 = arith.constant 8 : i32
    %mul3A_50 = arith.muli %scan3A_48, %mul3A_49 : i32
    %get3A_51 = arith.index_cast %mul3A_50 : i32 to index
    %get3A_52 = arith.constant 0 : index
    %get3A_53 = vector.load %arg6[%get3A_51, %get3A_52] : memref<1024x4608xf32, #tpu.memory_space<vmem>>, vector<8x2304xf32>
    %add3A_54 = vector.broadcast %slice3A : vector<1x2304xf32> to vector<8x2304xf32>
    %add3A_55 = arith.addf %add3A_54, %get3A_53 : vector<8x2304xf32>
    %mul3A_56 = arith.constant 8 : i32
    %mul3A_57 = arith.muli %scan3A_48, %mul3A_56 : i32
    %get3A_58 = arith.index_cast %mul3A_57 : i32 to index
    %get3A_59 = arith.constant 0 : index
    %get3A_60 = vector.load %arg5[%get3A_58, %get3A_59] : memref<1024x1xf32, #tpu.memory_space<vmem>>, vector<8x1xf32>
    %add3A_61 = vector.broadcast %get3A_60 : vector<8x1xf32> to vector<8x2304xf32>
    %add3A_62 = arith.addf %add3A_55, %add3A_61 : vector<8x2304xf32>
    %lt3A_63 = arith.cmpf olt, %add3A_62, %min3A_47 : vector<8x2304xf32>
    %broadcast_in_dim3A_64 = vector.broadcast %scan3A_48 : i32 to vector<8x2304xi32>
    %select_n3A_65 = arith.select %lt3A_63, %broadcast_in_dim3A_64, %select_n3A_46 : vector<8x2304xi1>, vector<8x2304xi32>
    %min3A_66 = arith.minimumf %min3A_47, %add3A_62 : vector<8x2304xf32>
    %scan3A_67 = arith.constant 3 : i32
    %mul3A_68 = arith.constant 8 : i32
    %mul3A_69 = arith.muli %scan3A_67, %mul3A_68 : i32
    %get3A_70 = arith.index_cast %mul3A_69 : i32 to index
    %get3A_71 = arith.constant 0 : index
    %get3A_72 = vector.load %arg6[%get3A_70, %get3A_71] : memref<1024x4608xf32, #tpu.memory_space<vmem>>, vector<8x2304xf32>
    %add3A_73 = vector.broadcast %slice3A : vector<1x2304xf32> to vector<8x2304xf32>
    %add3A_74 = arith.addf %add3A_73, %get3A_72 : vector<8x2304xf32>
    %mul3A_75 = arith.constant 8 : i32
    %mul3A_76 = arith.muli %scan3A_67, %mul3A_75 : i32
    %get3A_77 = arith.index_cast %mul3A_76 : i32 to index
    %get3A_78 = arith.constant 0 : index
    %get3A_79 = vector.load %arg5[%get3A_77, %get3A_78] : memref<1024x1xf32, #tpu.memory_space<vmem>>, vector<8x1xf32>
    %add3A_80 = vector.broadcast %get3A_79 : vector<8x1xf32> to vector<8x2304xf32>
    %add3A_81 = arith.addf %add3A_74, %add3A_80 : vector<8x2304xf32>
    %lt3A_82 = arith.cmpf olt, %add3A_81, %min3A_66 : vector<8x2304xf32>
    %broadcast_in_dim3A_83 = vector.broadcast %scan3A_67 : i32 to vector<8x2304xi32>
    %select_n3A_84 = arith.select %lt3A_82, %broadcast_in_dim3A_83, %select_n3A_65 : vector<8x2304xi1>, vector<8x2304xi32>
    %min3A_85 = arith.minimumf %min3A_66, %add3A_81 : vector<8x2304xf32>
    %scan3A_86 = arith.constant 4 : i32
    %mul3A_87 = arith.constant 8 : i32
    %mul3A_88 = arith.muli %scan3A_86, %mul3A_87 : i32
    %get3A_89 = arith.index_cast %mul3A_88 : i32 to index
    %get3A_90 = arith.constant 0 : index
    %get3A_91 = vector.load %arg6[%get3A_89, %get3A_90] : memref<1024x4608xf32, #tpu.memory_space<vmem>>, vector<8x2304xf32>
    %add3A_92 = vector.broadcast %slice3A : vector<1x2304xf32> to vector<8x2304xf32>
    %add3A_93 = arith.addf %add3A_92, %get3A_91 : vector<8x2304xf32>
    %mul3A_94 = arith.constant 8 : i32
    %mul3A_95 = arith.muli %scan3A_86, %mul3A_94 : i32
    %get3A_96 = arith.index_cast %mul3A_95 : i32 to index
    %get3A_97 = arith.constant 0 : index
    %get3A_98 = vector.load %arg5[%get3A_96, %get3A_97] : memref<1024x1xf32, #tpu.memory_space<vmem>>, vector<8x1xf32>
    %add3A_99 = vector.broadcast %get3A_98 : vector<8x1xf32> to vector<8x2304xf32>
    %add3A_100 = arith.addf %add3A_93, %add3A_99 : vector<8x2304xf32>
    %lt3A_101 = arith.cmpf olt, %add3A_100, %min3A_85 : vector<8x2304xf32>
    %broadcast_in_dim3A_102 = vector.broadcast %scan3A_86 : i32 to vector<8x2304xi32>
    %select_n3A_103 = arith.select %lt3A_101, %broadcast_in_dim3A_102, %select_n3A_84 : vector<8x2304xi1>, vector<8x2304xi32>
    %min3A_104 = arith.minimumf %min3A_85, %add3A_100 : vector<8x2304xf32>
    %scan3A_105 = arith.constant 5 : i32
    %mul3A_106 = arith.constant 8 : i32
    %mul3A_107 = arith.muli %scan3A_105, %mul3A_106 : i32
    %get3A_108 = arith.index_cast %mul3A_107 : i32 to index
    %get3A_109 = arith.constant 0 : index
    %get3A_110 = vector.load %arg6[%get3A_108, %get3A_109] : memref<1024x4608xf32, #tpu.memory_space<vmem>>, vector<8x2304xf32>
    %add3A_111 = vector.broadcast %slice3A : vector<1x2304xf32> to vector<8x2304xf32>
    %add3A_112 = arith.addf %add3A_111, %get3A_110 : vector<8x2304xf32>
    %mul3A_113 = arith.constant 8 : i32
    %mul3A_114 = arith.muli %scan3A_105, %mul3A_113 : i32
    %get3A_115 = arith.index_cast %mul3A_114 : i32 to index
    %get3A_116 = arith.constant 0 : index
    %get3A_117 = vector.load %arg5[%get3A_115, %get3A_116] : memref<1024x1xf32, #tpu.memory_space<vmem>>, vector<8x1xf32>
    %add3A_118 = vector.broadcast %get3A_117 : vector<8x1xf32> to vector<8x2304xf32>
    %add3A_119 = arith.addf %add3A_112, %add3A_118 : vector<8x2304xf32>
    %lt3A_120 = arith.cmpf olt, %add3A_119, %min3A_104 : vector<8x2304xf32>
    %broadcast_in_dim3A_121 = vector.broadcast %scan3A_105 : i32 to vector<8x2304xi32>
    %select_n3A_122 = arith.select %lt3A_120, %broadcast_in_dim3A_121, %select_n3A_103 : vector<8x2304xi1>, vector<8x2304xi32>
    %min3A_123 = arith.minimumf %min3A_104, %add3A_119 : vector<8x2304xf32>
    %scan3A_124 = arith.constant 6 : i32
    %mul3A_125 = arith.constant 8 : i32
    %mul3A_126 = arith.muli %scan3A_124, %mul3A_125 : i32
    %get3A_127 = arith.index_cast %mul3A_126 : i32 to index
    %get3A_128 = arith.constant 0 : index
    %get3A_129 = vector.load %arg6[%get3A_127, %get3A_128] : memref<1024x4608xf32, #tpu.memory_space<vmem>>, vector<8x2304xf32>
    %add3A_130 = vector.broadcast %slice3A : vector<1x2304xf32> to vector<8x2304xf32>
    %add3A_131 = arith.addf %add3A_130, %get3A_129 : vector<8x2304xf32>
    %mul3A_132 = arith.constant 8 : i32
    %mul3A_133 = arith.muli %scan3A_124, %mul3A_132 : i32
    %get3A_134 = arith.index_cast %mul3A_133 : i32 to index
    %get3A_135 = arith.constant 0 : index
    %get3A_136 = vector.load %arg5[%get3A_134, %get3A_135] : memref<1024x1xf32, #tpu.memory_space<vmem>>, vector<8x1xf32>
    %add3A_137 = vector.broadcast %get3A_136 : vector<8x1xf32> to vector<8x2304xf32>
    %add3A_138 = arith.addf %add3A_131, %add3A_137 : vector<8x2304xf32>
    %lt3A_139 = arith.cmpf olt, %add3A_138, %min3A_123 : vector<8x2304xf32>
    %broadcast_in_dim3A_140 = vector.broadcast %scan3A_124 : i32 to vector<8x2304xi32>
    %select_n3A_141 = arith.select %lt3A_139, %broadcast_in_dim3A_140, %select_n3A_122 : vector<8x2304xi1>, vector<8x2304xi32>
    %min3A_142 = arith.minimumf %min3A_123, %add3A_138 : vector<8x2304xf32>
    %scan3A_143 = arith.constant 7 : i32
    %mul3A_144 = arith.constant 8 : i32
    %mul3A_145 = arith.muli %scan3A_143, %mul3A_144 : i32
    %get3A_146 = arith.index_cast %mul3A_145 : i32 to index
    %get3A_147 = arith.constant 0 : index
    %get3A_148 = vector.load %arg6[%get3A_146, %get3A_147] : memref<1024x4608xf32, #tpu.memory_space<vmem>>, vector<8x2304xf32>
    %add3A_149 = vector.broadcast %slice3A : vector<1x2304xf32> to vector<8x2304xf32>
    %add3A_150 = arith.addf %add3A_149, %get3A_148 : vector<8x2304xf32>
    %mul3A_151 = arith.constant 8 : i32
    %mul3A_152 = arith.muli %scan3A_143, %mul3A_151 : i32
    %get3A_153 = arith.index_cast %mul3A_152 : i32 to index
    %get3A_154 = arith.constant 0 : index
    %get3A_155 = vector.load %arg5[%get3A_153, %get3A_154] : memref<1024x1xf32, #tpu.memory_space<vmem>>, vector<8x1xf32>
    %add3A_156 = vector.broadcast %get3A_155 : vector<8x1xf32> to vector<8x2304xf32>
    %add3A_157 = arith.addf %add3A_150, %add3A_156 : vector<8x2304xf32>
    %lt3A_158 = arith.cmpf olt, %add3A_157, %min3A_142 : vector<8x2304xf32>
    %broadcast_in_dim3A_159 = vector.broadcast %scan3A_143 : i32 to vector<8x2304xi32>
    %select_n3A_160 = arith.select %lt3A_158, %broadcast_in_dim3A_159, %select_n3A_141 : vector<8x2304xi1>, vector<8x2304xi32>
    %min3A_161 = arith.minimumf %min3A_142, %add3A_157 : vector<8x2304xf32>
    %scan3A_162 = arith.constant 8 : i32
    %mul3A_163 = arith.constant 8 : i32
    %mul3A_164 = arith.muli %scan3A_162, %mul3A_163 : i32
    %get3A_165 = arith.index_cast %mul3A_164 : i32 to index
    %get3A_166 = arith.constant 0 : index
    %get3A_167 = vector.load %arg6[%get3A_165, %get3A_166] : memref<1024x4608xf32, #tpu.memory_space<vmem>>, vector<8x2304xf32>
    %add3A_168 = vector.broadcast %slice3A : vector<1x2304xf32> to vector<8x2304xf32>
    %add3A_169 = arith.addf %add3A_168, %get3A_167 : vector<8x2304xf32>
    %mul3A_170 = arith.constant 8 : i32
    %mul3A_171 = arith.muli %scan3A_162, %mul3A_170 : i32
    %get3A_172 = arith.index_cast %mul3A_171 : i32 to index
    %get3A_173 = arith.constant 0 : index
    %get3A_174 = vector.load %arg5[%get3A_172, %get3A_173] : memref<1024x1xf32, #tpu.memory_space<vmem>>, vector<8x1xf32>
    %add3A_175 = vector.broadcast %get3A_174 : vector<8x1xf32> to vector<8x2304xf32>
    %add3A_176 = arith.addf %add3A_169, %add3A_175 : vector<8x2304xf32>
    %lt3A_177 = arith.cmpf olt, %add3A_176, %min3A_161 : vector<8x2304xf32>
    %broadcast_in_dim3A_178 = vector.broadcast %scan3A_162 : i32 to vector<8x2304xi32>
    %select_n3A_179 = arith.select %lt3A_177, %broadcast_in_dim3A_178, %select_n3A_160 : vector<8x2304xi1>, vector<8x2304xi32>
    %min3A_180 = arith.minimumf %min3A_161, %add3A_176 : vector<8x2304xf32>
    %scan3A_181 = arith.constant 9 : i32
    %mul3A_182 = arith.constant 8 : i32
    %mul3A_183 = arith.muli %scan3A_181, %mul3A_182 : i32
    %get3A_184 = arith.index_cast %mul3A_183 : i32 to index
    %get3A_185 = arith.constant 0 : index
    %get3A_186 = vector.load %arg6[%get3A_184, %get3A_185] : memref<1024x4608xf32, #tpu.memory_space<vmem>>, vector<8x2304xf32>
    %add3A_187 = vector.broadcast %slice3A : vector<1x2304xf32> to vector<8x2304xf32>
    %add3A_188 = arith.addf %add3A_187, %get3A_186 : vector<8x2304xf32>
    %mul3A_189 = arith.constant 8 : i32
    %mul3A_190 = arith.muli %scan3A_181, %mul3A_189 : i32
    %get3A_191 = arith.index_cast %mul3A_190 : i32 to index
    %get3A_192 = arith.constant 0 : index
    %get3A_193 = vector.load %arg5[%get3A_191, %get3A_192] : memref<1024x1xf32, #tpu.memory_space<vmem>>, vector<8x1xf32>
    %add3A_194 = vector.broadcast %get3A_193 : vector<8x1xf32> to vector<8x2304xf32>
    %add3A_195 = arith.addf %add3A_188, %add3A_194 : vector<8x2304xf32>
    %lt3A_196 = arith.cmpf olt, %add3A_195, %min3A_180 : vector<8x2304xf32>
    %broadcast_in_dim3A_197 = vector.broadcast %scan3A_181 : i32 to vector<8x2304xi32>
    %select_n3A_198 = arith.select %lt3A_196, %broadcast_in_dim3A_197, %select_n3A_179 : vector<8x2304xi1>, vector<8x2304xi32>
    %min3A_199 = arith.minimumf %min3A_180, %add3A_195 : vector<8x2304xf32>
    %scan3A_200 = arith.constant 10 : i32
    %mul3A_201 = arith.constant 8 : i32
    %mul3A_202 = arith.muli %scan3A_200, %mul3A_201 : i32
    %get3A_203 = arith.index_cast %mul3A_202 : i32 to index
    %get3A_204 = arith.constant 0 : index
    %get3A_205 = vector.load %arg6[%get3A_203, %get3A_204] : memref<1024x4608xf32, #tpu.memory_space<vmem>>, vector<8x2304xf32>
    %add3A_206 = vector.broadcast %slice3A : vector<1x2304xf32> to vector<8x2304xf32>
    %add3A_207 = arith.addf %add3A_206, %get3A_205 : vector<8x2304xf32>
    %mul3A_208 = arith.constant 8 : i32
    %mul3A_209 = arith.muli %scan3A_200, %mul3A_208 : i32
    %get3A_210 = arith.index_cast %mul3A_209 : i32 to index
    %get3A_211 = arith.constant 0 : index
    %get3A_212 = vector.load %arg5[%get3A_210, %get3A_211] : memref<1024x1xf32, #tpu.memory_space<vmem>>, vector<8x1xf32>
    %add3A_213 = vector.broadcast %get3A_212 : vector<8x1xf32> to vector<8x2304xf32>
    %add3A_214 = arith.addf %add3A_207, %add3A_213 : vector<8x2304xf32>
    %lt3A_215 = arith.cmpf olt, %add3A_214, %min3A_199 : vector<8x2304xf32>
    %broadcast_in_dim3A_216 = vector.broadcast %scan3A_200 : i32 to vector<8x2304xi32>
    %select_n3A_217 = arith.select %lt3A_215, %broadcast_in_dim3A_216, %select_n3A_198 : vector<8x2304xi1>, vector<8x2304xi32>
    %min3A_218 = arith.minimumf %min3A_199, %add3A_214 : vector<8x2304xf32>
    %scan3A_219 = arith.constant 11 : i32
    %mul3A_220 = arith.constant 8 : i32
    %mul3A_221 = arith.muli %scan3A_219, %mul3A_220 : i32
    %get3A_222 = arith.index_cast %mul3A_221 : i32 to index
    %get3A_223 = arith.constant 0 : index
    %get3A_224 = vector.load %arg6[%get3A_222, %get3A_223] : memref<1024x4608xf32, #tpu.memory_space<vmem>>, vector<8x2304xf32>
    %add3A_225 = vector.broadcast %slice3A : vector<1x2304xf32> to vector<8x2304xf32>
    %add3A_226 = arith.addf %add3A_225, %get3A_224 : vector<8x2304xf32>
    %mul3A_227 = arith.constant 8 : i32
    %mul3A_228 = arith.muli %scan3A_219, %mul3A_227 : i32
    %get3A_229 = arith.index_cast %mul3A_228 : i32 to index
    %get3A_230 = arith.constant 0 : index
    %get3A_231 = vector.load %arg5[%get3A_229, %get3A_230] : memref<1024x1xf32, #tpu.memory_space<vmem>>, vector<8x1xf32>
    %add3A_232 = vector.broadcast %get3A_231 : vector<8x1xf32> to vector<8x2304xf32>
    %add3A_233 = arith.addf %add3A_226, %add3A_232 : vector<8x2304xf32>
    %lt3A_234 = arith.cmpf olt, %add3A_233, %min3A_218 : vector<8x2304xf32>
    %broadcast_in_dim3A_235 = vector.broadcast %scan3A_219 : i32 to vector<8x2304xi32>
    %select_n3A_236 = arith.select %lt3A_234, %broadcast_in_dim3A_235, %select_n3A_217 : vector<8x2304xi1>, vector<8x2304xi32>
    %min3A_237 = arith.minimumf %min3A_218, %add3A_233 : vector<8x2304xf32>
    %scan3A_238 = arith.constant 12 : i32
    %mul3A_239 = arith.constant 8 : i32
    %mul3A_240 = arith.muli %scan3A_238, %mul3A_239 : i32
    %get3A_241 = arith.index_cast %mul3A_240 : i32 to index
    %get3A_242 = arith.constant 0 : index
    %get3A_243 = vector.load %arg6[%get3A_241, %get3A_242] : memref<1024x4608xf32, #tpu.memory_space<vmem>>, vector<8x2304xf32>
    %add3A_244 = vector.broadcast %slice3A : vector<1x2304xf32> to vector<8x2304xf32>
    %add3A_245 = arith.addf %add3A_244, %get3A_243 : vector<8x2304xf32>
    %mul3A_246 = arith.constant 8 : i32
    %mul3A_247 = arith.muli %scan3A_238, %mul3A_246 : i32
    %get3A_248 = arith.index_cast %mul3A_247 : i32 to index
    %get3A_249 = arith.constant 0 : index
    %get3A_250 = vector.load %arg5[%get3A_248, %get3A_249] : memref<1024x1xf32, #tpu.memory_space<vmem>>, vector<8x1xf32>
    %add3A_251 = vector.broadcast %get3A_250 : vector<8x1xf32> to vector<8x2304xf32>
    %add3A_252 = arith.addf %add3A_245, %add3A_251 : vector<8x2304xf32>
    %lt3A_253 = arith.cmpf olt, %add3A_252, %min3A_237 : vector<8x2304xf32>
    %broadcast_in_dim3A_254 = vector.broadcast %scan3A_238 : i32 to vector<8x2304xi32>
    %select_n3A_255 = arith.select %lt3A_253, %broadcast_in_dim3A_254, %select_n3A_236 : vector<8x2304xi1>, vector<8x2304xi32>
    %min3A_256 = arith.minimumf %min3A_237, %add3A_252 : vector<8x2304xf32>
    %scan3A_257 = arith.constant 13 : i32
    %mul3A_258 = arith.constant 8 : i32
    %mul3A_259 = arith.muli %scan3A_257, %mul3A_258 : i32
    %get3A_260 = arith.index_cast %mul3A_259 : i32 to index
    %get3A_261 = arith.constant 0 : index
    %get3A_262 = vector.load %arg6[%get3A_260, %get3A_261] : memref<1024x4608xf32, #tpu.memory_space<vmem>>, vector<8x2304xf32>
    %add3A_263 = vector.broadcast %slice3A : vector<1x2304xf32> to vector<8x2304xf32>
    %add3A_264 = arith.addf %add3A_263, %get3A_262 : vector<8x2304xf32>
    %mul3A_265 = arith.constant 8 : i32
    %mul3A_266 = arith.muli %scan3A_257, %mul3A_265 : i32
    %get3A_267 = arith.index_cast %mul3A_266 : i32 to index
    %get3A_268 = arith.constant 0 : index
    %get3A_269 = vector.load %arg5[%get3A_267, %get3A_268] : memref<1024x1xf32, #tpu.memory_space<vmem>>, vector<8x1xf32>
    %add3A_270 = vector.broadcast %get3A_269 : vector<8x1xf32> to vector<8x2304xf32>
    %add3A_271 = arith.addf %add3A_264, %add3A_270 : vector<8x2304xf32>
    %lt3A_272 = arith.cmpf olt, %add3A_271, %min3A_256 : vector<8x2304xf32>
    %broadcast_in_dim3A_273 = vector.broadcast %scan3A_257 : i32 to vector<8x2304xi32>
    %select_n3A_274 = arith.select %lt3A_272, %broadcast_in_dim3A_273, %select_n3A_255 : vector<8x2304xi1>, vector<8x2304xi32>
    %min3A_275 = arith.minimumf %min3A_256, %add3A_271 : vector<8x2304xf32>
    %scan3A_276 = arith.constant 14 : i32
    %mul3A_277 = arith.constant 8 : i32
    %mul3A_278 = arith.muli %scan3A_276, %mul3A_277 : i32
    %get3A_279 = arith.index_cast %mul3A_278 : i32 to index
    %get3A_280 = arith.constant 0 : index
    %get3A_281 = vector.load %arg6[%get3A_279, %get3A_280] : memref<1024x4608xf32, #tpu.memory_space<vmem>>, vector<8x2304xf32>
    %add3A_282 = vector.broadcast %slice3A : vector<1x2304xf32> to vector<8x2304xf32>
    %add3A_283 = arith.addf %add3A_282, %get3A_281 : vector<8x2304xf32>
    %mul3A_284 = arith.constant 8 : i32
    %mul3A_285 = arith.muli %scan3A_276, %mul3A_284 : i32
    %get3A_286 = arith.index_cast %mul3A_285 : i32 to index
    %get3A_287 = arith.constant 0 : index
    %get3A_288 = vector.load %arg5[%get3A_286, %get3A_287] : memref<1024x1xf32, #tpu.memory_space<vmem>>, vector<8x1xf32>
    %add3A_289 = vector.broadcast %get3A_288 : vector<8x1xf32> to vector<8x2304xf32>
    %add3A_290 = arith.addf %add3A_283, %add3A_289 : vector<8x2304xf32>
    %lt3A_291 = arith.cmpf olt, %add3A_290, %min3A_275 : vector<8x2304xf32>
    %broadcast_in_dim3A_292 = vector.broadcast %scan3A_276 : i32 to vector<8x2304xi32>
    %select_n3A_293 = arith.select %lt3A_291, %broadcast_in_dim3A_292, %select_n3A_274 : vector<8x2304xi1>, vector<8x2304xi32>
    %min3A_294 = arith.minimumf %min3A_275, %add3A_290 : vector<8x2304xf32>
    %scan3A_295 = arith.constant 15 : i32
    %mul3A_296 = arith.constant 8 : i32
    %mul3A_297 = arith.muli %scan3A_295, %mul3A_296 : i32
    %get3A_298 = arith.index_cast %mul3A_297 : i32 to index
    %get3A_299 = arith.constant 0 : index
    %get3A_300 = vector.load %arg6[%get3A_298, %get3A_299] : memref<1024x4608xf32, #tpu.memory_space<vmem>>, vector<8x2304xf32>
    %add3A_301 = vector.broadcast %slice3A : vector<1x2304xf32> to vector<8x2304xf32>
    %add3A_302 = arith.addf %add3A_301, %get3A_300 : vector<8x2304xf32>
    %mul3A_303 = arith.constant 8 : i32
    %mul3A_304 = arith.muli %scan3A_295, %mul3A_303 : i32
    %get3A_305 = arith.index_cast %mul3A_304 : i32 to index
    %get3A_306 = arith.constant 0 : index
    %get3A_307 = vector.load %arg5[%get3A_305, %get3A_306] : memref<1024x1xf32, #tpu.memory_space<vmem>>, vector<8x1xf32>
    %add3A_308 = vector.broadcast %get3A_307 : vector<8x1xf32> to vector<8x2304xf32>
    %add3A_309 = arith.addf %add3A_302, %add3A_308 : vector<8x2304xf32>
    %lt3A_310 = arith.cmpf olt, %add3A_309, %min3A_294 : vector<8x2304xf32>
    %broadcast_in_dim3A_311 = vector.broadcast %scan3A_295 : i32 to vector<8x2304xi32>
    %select_n3A_312 = arith.select %lt3A_310, %broadcast_in_dim3A_311, %select_n3A_293 : vector<8x2304xi1>, vector<8x2304xi32>
    %min3A_313 = arith.minimumf %min3A_294, %add3A_309 : vector<8x2304xf32>
    %scan3A_314 = arith.constant 16 : i32
    %mul3A_315 = arith.constant 8 : i32
    %mul3A_316 = arith.muli %scan3A_314, %mul3A_315 : i32
    %get3A_317 = arith.index_cast %mul3A_316 : i32 to index
    %get3A_318 = arith.constant 0 : index
    %get3A_319 = vector.load %arg6[%get3A_317, %get3A_318] : memref<1024x4608xf32, #tpu.memory_space<vmem>>, vector<8x2304xf32>
    %add3A_320 = vector.broadcast %slice3A : vector<1x2304xf32> to vector<8x2304xf32>
    %add3A_321 = arith.addf %add3A_320, %get3A_319 : vector<8x2304xf32>
    %mul3A_322 = arith.constant 8 : i32
    %mul3A_323 = arith.muli %scan3A_314, %mul3A_322 : i32
    %get3A_324 = arith.index_cast %mul3A_323 : i32 to index
    %get3A_325 = arith.constant 0 : index
    %get3A_326 = vector.load %arg5[%get3A_324, %get3A_325] : memref<1024x1xf32, #tpu.memory_space<vmem>>, vector<8x1xf32>
    %add3A_327 = vector.broadcast %get3A_326 : vector<8x1xf32> to vector<8x2304xf32>
    %add3A_328 = arith.addf %add3A_321, %add3A_327 : vector<8x2304xf32>
    %lt3A_329 = arith.cmpf olt, %add3A_328, %min3A_313 : vector<8x2304xf32>
    %broadcast_in_dim3A_330 = vector.broadcast %scan3A_314 : i32 to vector<8x2304xi32>
    %select_n3A_331 = arith.select %lt3A_329, %broadcast_in_dim3A_330, %select_n3A_312 : vector<8x2304xi1>, vector<8x2304xi32>
    %min3A_332 = arith.minimumf %min3A_313, %add3A_328 : vector<8x2304xf32>
    %scan3A_333 = arith.constant 17 : i32
    %mul3A_334 = arith.constant 8 : i32
    %mul3A_335 = arith.muli %scan3A_333, %mul3A_334 : i32
    %get3A_336 = arith.index_cast %mul3A_335 : i32 to index
    %get3A_337 = arith.constant 0 : index
    %get3A_338 = vector.load %arg6[%get3A_336, %get3A_337] : memref<1024x4608xf32, #tpu.memory_space<vmem>>, vector<8x2304xf32>
    %add3A_339 = vector.broadcast %slice3A : vector<1x2304xf32> to vector<8x2304xf32>
    %add3A_340 = arith.addf %add3A_339, %get3A_338 : vector<8x2304xf32>
    %mul3A_341 = arith.constant 8 : i32
    %mul3A_342 = arith.muli %scan3A_333, %mul3A_341 : i32
    %get3A_343 = arith.index_cast %mul3A_342 : i32 to index
    %get3A_344 = arith.constant 0 : index
    %get3A_345 = vector.load %arg5[%get3A_343, %get3A_344] : memref<1024x1xf32, #tpu.memory_space<vmem>>, vector<8x1xf32>
    %add3A_346 = vector.broadcast %get3A_345 : vector<8x1xf32> to vector<8x2304xf32>
    %add3A_347 = arith.addf %add3A_340, %add3A_346 : vector<8x2304xf32>
    %lt3A_348 = arith.cmpf olt, %add3A_347, %min3A_332 : vector<8x2304xf32>
    %broadcast_in_dim3A_349 = vector.broadcast %scan3A_333 : i32 to vector<8x2304xi32>
    %select_n3A_350 = arith.select %lt3A_348, %broadcast_in_dim3A_349, %select_n3A_331 : vector<8x2304xi1>, vector<8x2304xi32>
    %min3A_351 = arith.minimumf %min3A_332, %add3A_347 : vector<8x2304xf32>
    %scan3A_352 = arith.constant 18 : i32
    %mul3A_353 = arith.constant 8 : i32
    %mul3A_354 = arith.muli %scan3A_352, %mul3A_353 : i32
    %get3A_355 = arith.index_cast %mul3A_354 : i32 to index
    %get3A_356 = arith.constant 0 : index
    %get3A_357 = vector.load %arg6[%get3A_355, %get3A_356] : memref<1024x4608xf32, #tpu.memory_space<vmem>>, vector<8x2304xf32>
    %add3A_358 = vector.broadcast %slice3A : vector<1x2304xf32> to vector<8x2304xf32>
    %add3A_359 = arith.addf %add3A_358, %get3A_357 : vector<8x2304xf32>
    %mul3A_360 = arith.constant 8 : i32
    %mul3A_361 = arith.muli %scan3A_352, %mul3A_360 : i32
    %get3A_362 = arith.index_cast %mul3A_361 : i32 to index
    %get3A_363 = arith.constant 0 : index
    %get3A_364 = vector.load %arg5[%get3A_362, %get3A_363] : memref<1024x1xf32, #tpu.memory_space<vmem>>, vector<8x1xf32>
    %add3A_365 = vector.broadcast %get3A_364 : vector<8x1xf32> to vector<8x2304xf32>
    %add3A_366 = arith.addf %add3A_359, %add3A_365 : vector<8x2304xf32>
    %lt3A_367 = arith.cmpf olt, %add3A_366, %min3A_351 : vector<8x2304xf32>
    %broadcast_in_dim3A_368 = vector.broadcast %scan3A_352 : i32 to vector<8x2304xi32>
    %select_n3A_369 = arith.select %lt3A_367, %broadcast_in_dim3A_368, %select_n3A_350 : vector<8x2304xi1>, vector<8x2304xi32>
    %min3A_370 = arith.minimumf %min3A_351, %add3A_366 : vector<8x2304xf32>
    %scan3A_371 = arith.constant 19 : i32
    %mul3A_372 = arith.constant 8 : i32
    %mul3A_373 = arith.muli %scan3A_371, %mul3A_372 : i32
    %get3A_374 = arith.index_cast %mul3A_373 : i32 to index
    %get3A_375 = arith.constant 0 : index
    %get3A_376 = vector.load %arg6[%get3A_374, %get3A_375] : memref<1024x4608xf32, #tpu.memory_space<vmem>>, vector<8x2304xf32>
    %add3A_377 = vector.broadcast %slice3A : vector<1x2304xf32> to vector<8x2304xf32>
    %add3A_378 = arith.addf %add3A_377, %get3A_376 : vector<8x2304xf32>
    %mul3A_379 = arith.constant 8 : i32
    %mul3A_380 = arith.muli %scan3A_371, %mul3A_379 : i32
    %get3A_381 = arith.index_cast %mul3A_380 : i32 to index
    %get3A_382 = arith.constant 0 : index
    %get3A_383 = vector.load %arg5[%get3A_381, %get3A_382] : memref<1024x1xf32, #tpu.memory_space<vmem>>, vector<8x1xf32>
    %add3A_384 = vector.broadcast %get3A_383 : vector<8x1xf32> to vector<8x2304xf32>
    %add3A_385 = arith.addf %add3A_378, %add3A_384 : vector<8x2304xf32>
    %lt3A_386 = arith.cmpf olt, %add3A_385, %min3A_370 : vector<8x2304xf32>
    %broadcast_in_dim3A_387 = vector.broadcast %scan3A_371 : i32 to vector<8x2304xi32>
    %select_n3A_388 = arith.select %lt3A_386, %broadcast_in_dim3A_387, %select_n3A_369 : vector<8x2304xi1>, vector<8x2304xi32>
    %min3A_389 = arith.minimumf %min3A_370, %add3A_385 : vector<8x2304xf32>
    %scan3A_390 = arith.constant 20 : i32
    %mul3A_391 = arith.constant 8 : i32
    %mul3A_392 = arith.muli %scan3A_390, %mul3A_391 : i32
    %get3A_393 = arith.index_cast %mul3A_392 : i32 to index
    %get3A_394 = arith.constant 0 : index
    %get3A_395 = vector.load %arg6[%get3A_393, %get3A_394] : memref<1024x4608xf32, #tpu.memory_space<vmem>>, vector<8x2304xf32>
    %add3A_396 = vector.broadcast %slice3A : vector<1x2304xf32> to vector<8x2304xf32>
    %add3A_397 = arith.addf %add3A_396, %get3A_395 : vector<8x2304xf32>
    %mul3A_398 = arith.constant 8 : i32
    %mul3A_399 = arith.muli %scan3A_390, %mul3A_398 : i32
    %get3A_400 = arith.index_cast %mul3A_399 : i32 to index
    %get3A_401 = arith.constant 0 : index
    %get3A_402 = vector.load %arg5[%get3A_400, %get3A_401] : memref<1024x1xf32, #tpu.memory_space<vmem>>, vector<8x1xf32>
    %add3A_403 = vector.broadcast %get3A_402 : vector<8x1xf32> to vector<8x2304xf32>
    %add3A_404 = arith.addf %add3A_397, %add3A_403 : vector<8x2304xf32>
    %lt3A_405 = arith.cmpf olt, %add3A_404, %min3A_389 : vector<8x2304xf32>
    %broadcast_in_dim3A_406 = vector.broadcast %scan3A_390 : i32 to vector<8x2304xi32>
    %select_n3A_407 = arith.select %lt3A_405, %broadcast_in_dim3A_406, %select_n3A_388 : vector<8x2304xi1>, vector<8x2304xi32>
    %min3A_408 = arith.minimumf %min3A_389, %add3A_404 : vector<8x2304xf32>
    %scan3A_409 = arith.constant 21 : i32
    %mul3A_410 = arith.constant 8 : i32
    %mul3A_411 = arith.muli %scan3A_409, %mul3A_410 : i32
    %get3A_412 = arith.index_cast %mul3A_411 : i32 to index
    %get3A_413 = arith.constant 0 : index
    %get3A_414 = vector.load %arg6[%get3A_412, %get3A_413] : memref<1024x4608xf32, #tpu.memory_space<vmem>>, vector<8x2304xf32>
    %add3A_415 = vector.broadcast %slice3A : vector<1x2304xf32> to vector<8x2304xf32>
    %add3A_416 = arith.addf %add3A_415, %get3A_414 : vector<8x2304xf32>
    %mul3A_417 = arith.constant 8 : i32
    %mul3A_418 = arith.muli %scan3A_409, %mul3A_417 : i32
    %get3A_419 = arith.index_cast %mul3A_418 : i32 to index
    %get3A_420 = arith.constant 0 : index
    %get3A_421 = vector.load %arg5[%get3A_419, %get3A_420] : memref<1024x1xf32, #tpu.memory_space<vmem>>, vector<8x1xf32>
    %add3A_422 = vector.broadcast %get3A_421 : vector<8x1xf32> to vector<8x2304xf32>
    %add3A_423 = arith.addf %add3A_416, %add3A_422 : vector<8x2304xf32>
    %lt3A_424 = arith.cmpf olt, %add3A_423, %min3A_408 : vector<8x2304xf32>
    %broadcast_in_dim3A_425 = vector.broadcast %scan3A_409 : i32 to vector<8x2304xi32>
    %select_n3A_426 = arith.select %lt3A_424, %broadcast_in_dim3A_425, %select_n3A_407 : vector<8x2304xi1>, vector<8x2304xi32>
    %min3A_427 = arith.minimumf %min3A_408, %add3A_423 : vector<8x2304xf32>
    %scan3A_428 = arith.constant 22 : i32
    %mul3A_429 = arith.constant 8 : i32
    %mul3A_430 = arith.muli %scan3A_428, %mul3A_429 : i32
    %get3A_431 = arith.index_cast %mul3A_430 : i32 to index
    %get3A_432 = arith.constant 0 : index
    %get3A_433 = vector.load %arg6[%get3A_431, %get3A_432] : memref<1024x4608xf32, #tpu.memory_space<vmem>>, vector<8x2304xf32>
    %add3A_434 = vector.broadcast %slice3A : vector<1x2304xf32> to vector<8x2304xf32>
    %add3A_435 = arith.addf %add3A_434, %get3A_433 : vector<8x2304xf32>
    %mul3A_436 = arith.constant 8 : i32
    %mul3A_437 = arith.muli %scan3A_428, %mul3A_436 : i32
    %get3A_438 = arith.index_cast %mul3A_437 : i32 to index
    %get3A_439 = arith.constant 0 : index
    %get3A_440 = vector.load %arg5[%get3A_438, %get3A_439] : memref<1024x1xf32, #tpu.memory_space<vmem>>, vector<8x1xf32>
    %add3A_441 = vector.broadcast %get3A_440 : vector<8x1xf32> to vector<8x2304xf32>
    %add3A_442 = arith.addf %add3A_435, %add3A_441 : vector<8x2304xf32>
    %lt3A_443 = arith.cmpf olt, %add3A_442, %min3A_427 : vector<8x2304xf32>
    %broadcast_in_dim3A_444 = vector.broadcast %scan3A_428 : i32 to vector<8x2304xi32>
    %select_n3A_445 = arith.select %lt3A_443, %broadcast_in_dim3A_444, %select_n3A_426 : vector<8x2304xi1>, vector<8x2304xi32>
    %min3A_446 = arith.minimumf %min3A_427, %add3A_442 : vector<8x2304xf32>
    %scan3A_447 = arith.constant 23 : i32
    %mul3A_448 = arith.constant 8 : i32
    %mul3A_449 = arith.muli %scan3A_447, %mul3A_448 : i32
    %get3A_450 = arith.index_cast %mul3A_449 : i32 to index
    %get3A_451 = arith.constant 0 : index
    %get3A_452 = vector.load %arg6[%get3A_450, %get3A_451] : memref<1024x4608xf32, #tpu.memory_space<vmem>>, vector<8x2304xf32>
    %add3A_453 = vector.broadcast %slice3A : vector<1x2304xf32> to vector<8x2304xf32>
    %add3A_454 = arith.addf %add3A_453, %get3A_452 : vector<8x2304xf32>
    %mul3A_455 = arith.constant 8 : i32
    %mul3A_456 = arith.muli %scan3A_447, %mul3A_455 : i32
    %get3A_457 = arith.index_cast %mul3A_456 : i32 to index
    %get3A_458 = arith.constant 0 : index
    %get3A_459 = vector.load %arg5[%get3A_457, %get3A_458] : memref<1024x1xf32, #tpu.memory_space<vmem>>, vector<8x1xf32>
    %add3A_460 = vector.broadcast %get3A_459 : vector<8x1xf32> to vector<8x2304xf32>
    %add3A_461 = arith.addf %add3A_454, %add3A_460 : vector<8x2304xf32>
    %lt3A_462 = arith.cmpf olt, %add3A_461, %min3A_446 : vector<8x2304xf32>
    %broadcast_in_dim3A_463 = vector.broadcast %scan3A_447 : i32 to vector<8x2304xi32>
    %select_n3A_464 = arith.select %lt3A_462, %broadcast_in_dim3A_463, %select_n3A_445 : vector<8x2304xi1>, vector<8x2304xi32>
    %min3A_465 = arith.minimumf %min3A_446, %add3A_461 : vector<8x2304xf32>
    %scan3A_466 = arith.constant 24 : i32
    %mul3A_467 = arith.constant 8 : i32
    %mul3A_468 = arith.muli %scan3A_466, %mul3A_467 : i32
    %get3A_469 = arith.index_cast %mul3A_468 : i32 to index
    %get3A_470 = arith.constant 0 : index
    %get3A_471 = vector.load %arg6[%get3A_469, %get3A_470] : memref<1024x4608xf32, #tpu.memory_space<vmem>>, vector<8x2304xf32>
    %add3A_472 = vector.broadcast %slice3A : vector<1x2304xf32> to vector<8x2304xf32>
    %add3A_473 = arith.addf %add3A_472, %get3A_471 : vector<8x2304xf32>
    %mul3A_474 = arith.constant 8 : i32
    %mul3A_475 = arith.muli %scan3A_466, %mul3A_474 : i32
    %get3A_476 = arith.index_cast %mul3A_475 : i32 to index
    %get3A_477 = arith.constant 0 : index
    %get3A_478 = vector.load %arg5[%get3A_476, %get3A_477] : memref<1024x1xf32, #tpu.memory_space<vmem>>, vector<8x1xf32>
    %add3A_479 = vector.broadcast %get3A_478 : vector<8x1xf32> to vector<8x2304xf32>
    %add3A_480 = arith.addf %add3A_473, %add3A_479 : vector<8x2304xf32>
    %lt3A_481 = arith.cmpf olt, %add3A_480, %min3A_465 : vector<8x2304xf32>
    %broadcast_in_dim3A_482 = vector.broadcast %scan3A_466 : i32 to vector<8x2304xi32>
    %select_n3A_483 = arith.select %lt3A_481, %broadcast_in_dim3A_482, %select_n3A_464 : vector<8x2304xi1>, vector<8x2304xi32>
    %min3A_484 = arith.minimumf %min3A_465, %add3A_480 : vector<8x2304xf32>
    %scan3A_485 = arith.constant 25 : i32
    %mul3A_486 = arith.constant 8 : i32
    %mul3A_487 = arith.muli %scan3A_485, %mul3A_486 : i32
    %get3A_488 = arith.index_cast %mul3A_487 : i32 to index
    %get3A_489 = arith.constant 0 : index
    %get3A_490 = vector.load %arg6[%get3A_488, %get3A_489] : memref<1024x4608xf32, #tpu.memory_space<vmem>>, vector<8x2304xf32>
    %add3A_491 = vector.broadcast %slice3A : vector<1x2304xf32> to vector<8x2304xf32>
    %add3A_492 = arith.addf %add3A_491, %get3A_490 : vector<8x2304xf32>
    %mul3A_493 = arith.constant 8 : i32
    %mul3A_494 = arith.muli %scan3A_485, %mul3A_493 : i32
    %get3A_495 = arith.index_cast %mul3A_494 : i32 to index
    %get3A_496 = arith.constant 0 : index
    %get3A_497 = vector.load %arg5[%get3A_495, %get3A_496] : memref<1024x1xf32, #tpu.memory_space<vmem>>, vector<8x1xf32>
    %add3A_498 = vector.broadcast %get3A_497 : vector<8x1xf32> to vector<8x2304xf32>
    %add3A_499 = arith.addf %add3A_492, %add3A_498 : vector<8x2304xf32>
    %lt3A_500 = arith.cmpf olt, %add3A_499, %min3A_484 : vector<8x2304xf32>
    %broadcast_in_dim3A_501 = vector.broadcast %scan3A_485 : i32 to vector<8x2304xi32>
    %select_n3A_502 = arith.select %lt3A_500, %broadcast_in_dim3A_501, %select_n3A_483 : vector<8x2304xi1>, vector<8x2304xi32>
    %min3A_503 = arith.minimumf %min3A_484, %add3A_499 : vector<8x2304xf32>
    %scan3A_504 = arith.constant 26 : i32
    %mul3A_505 = arith.constant 8 : i32
    %mul3A_506 = arith.muli %scan3A_504, %mul3A_505 : i32
    %get3A_507 = arith.index_cast %mul3A_506 : i32 to index
    %get3A_508 = arith.constant 0 : index
    %get3A_509 = vector.load %arg6[%get3A_507, %get3A_508] : memref<1024x4608xf32, #tpu.memory_space<vmem>>, vector<8x2304xf32>
    %add3A_510 = vector.broadcast %slice3A : vector<1x2304xf32> to vector<8x2304xf32>
    %add3A_511 = arith.addf %add3A_510, %get3A_509 : vector<8x2304xf32>
    %mul3A_512 = arith.constant 8 : i32
    %mul3A_513 = arith.muli %scan3A_504, %mul3A_512 : i32
    %get3A_514 = arith.index_cast %mul3A_513 : i32 to index
    %get3A_515 = arith.constant 0 : index
    %get3A_516 = vector.load %arg5[%get3A_514, %get3A_515] : memref<1024x1xf32, #tpu.memory_space<vmem>>, vector<8x1xf32>
    %add3A_517 = vector.broadcast %get3A_516 : vector<8x1xf32> to vector<8x2304xf32>
    %add3A_518 = arith.addf %add3A_511, %add3A_517 : vector<8x2304xf32>
    %lt3A_519 = arith.cmpf olt, %add3A_518, %min3A_503 : vector<8x2304xf32>
    %broadcast_in_dim3A_520 = vector.broadcast %scan3A_504 : i32 to vector<8x2304xi32>
    %select_n3A_521 = arith.select %lt3A_519, %broadcast_in_dim3A_520, %select_n3A_502 : vector<8x2304xi1>, vector<8x2304xi32>
    %min3A_522 = arith.minimumf %min3A_503, %add3A_518 : vector<8x2304xf32>
    %scan3A_523 = arith.constant 27 : i32
    %mul3A_524 = arith.constant 8 : i32
    %mul3A_525 = arith.muli %scan3A_523, %mul3A_524 : i32
    %get3A_526 = arith.index_cast %mul3A_525 : i32 to index
    %get3A_527 = arith.constant 0 : index
    %get3A_528 = vector.load %arg6[%get3A_526, %get3A_527] : memref<1024x4608xf32, #tpu.memory_space<vmem>>, vector<8x2304xf32>
    %add3A_529 = vector.broadcast %slice3A : vector<1x2304xf32> to vector<8x2304xf32>
    %add3A_530 = arith.addf %add3A_529, %get3A_528 : vector<8x2304xf32>
    %mul3A_531 = arith.constant 8 : i32
    %mul3A_532 = arith.muli %scan3A_523, %mul3A_531 : i32
    %get3A_533 = arith.index_cast %mul3A_532 : i32 to index
    %get3A_534 = arith.constant 0 : index
    %get3A_535 = vector.load %arg5[%get3A_533, %get3A_534] : memref<1024x1xf32, #tpu.memory_space<vmem>>, vector<8x1xf32>
    %add3A_536 = vector.broadcast %get3A_535 : vector<8x1xf32> to vector<8x2304xf32>
    %add3A_537 = arith.addf %add3A_530, %add3A_536 : vector<8x2304xf32>
    %lt3A_538 = arith.cmpf olt, %add3A_537, %min3A_522 : vector<8x2304xf32>
    %broadcast_in_dim3A_539 = vector.broadcast %scan3A_523 : i32 to vector<8x2304xi32>
    %select_n3A_540 = arith.select %lt3A_538, %broadcast_in_dim3A_539, %select_n3A_521 : vector<8x2304xi1>, vector<8x2304xi32>
    %min3A_541 = arith.minimumf %min3A_522, %add3A_537 : vector<8x2304xf32>
    %scan3A_542 = arith.constant 28 : i32
    %mul3A_543 = arith.constant 8 : i32
    %mul3A_544 = arith.muli %scan3A_542, %mul3A_543 : i32
    %get3A_545 = arith.index_cast %mul3A_544 : i32 to index
    %get3A_546 = arith.constant 0 : index
    %get3A_547 = vector.load %arg6[%get3A_545, %get3A_546] : memref<1024x4608xf32, #tpu.memory_space<vmem>>, vector<8x2304xf32>
    %add3A_548 = vector.broadcast %slice3A : vector<1x2304xf32> to vector<8x2304xf32>
    %add3A_549 = arith.addf %add3A_548, %get3A_547 : vector<8x2304xf32>
    %mul3A_550 = arith.constant 8 : i32
    %mul3A_551 = arith.muli %scan3A_542, %mul3A_550 : i32
    %get3A_552 = arith.index_cast %mul3A_551 : i32 to index
    %get3A_553 = arith.constant 0 : index
    %get3A_554 = vector.load %arg5[%get3A_552, %get3A_553] : memref<1024x1xf32, #tpu.memory_space<vmem>>, vector<8x1xf32>
    %add3A_555 = vector.broadcast %get3A_554 : vector<8x1xf32> to vector<8x2304xf32>
    %add3A_556 = arith.addf %add3A_549, %add3A_555 : vector<8x2304xf32>
    %lt3A_557 = arith.cmpf olt, %add3A_556, %min3A_541 : vector<8x2304xf32>
    %broadcast_in_dim3A_558 = vector.broadcast %scan3A_542 : i32 to vector<8x2304xi32>
    %select_n3A_559 = arith.select %lt3A_557, %broadcast_in_dim3A_558, %select_n3A_540 : vector<8x2304xi1>, vector<8x2304xi32>
    %min3A_560 = arith.minimumf %min3A_541, %add3A_556 : vector<8x2304xf32>
    %scan3A_561 = arith.constant 29 : i32
    %mul3A_562 = arith.constant 8 : i32
    %mul3A_563 = arith.muli %scan3A_561, %mul3A_562 : i32
    %get3A_564 = arith.index_cast %mul3A_563 : i32 to index
    %get3A_565 = arith.constant 0 : index
    %get3A_566 = vector.load %arg6[%get3A_564, %get3A_565] : memref<1024x4608xf32, #tpu.memory_space<vmem>>, vector<8x2304xf32>
    %add3A_567 = vector.broadcast %slice3A : vector<1x2304xf32> to vector<8x2304xf32>
    %add3A_568 = arith.addf %add3A_567, %get3A_566 : vector<8x2304xf32>
    %mul3A_569 = arith.constant 8 : i32
    %mul3A_570 = arith.muli %scan3A_561, %mul3A_569 : i32
    %get3A_571 = arith.index_cast %mul3A_570 : i32 to index
    %get3A_572 = arith.constant 0 : index
    %get3A_573 = vector.load %arg5[%get3A_571, %get3A_572] : memref<1024x1xf32, #tpu.memory_space<vmem>>, vector<8x1xf32>
    %add3A_574 = vector.broadcast %get3A_573 : vector<8x1xf32> to vector<8x2304xf32>
    %add3A_575 = arith.addf %add3A_568, %add3A_574 : vector<8x2304xf32>
    %lt3A_576 = arith.cmpf olt, %add3A_575, %min3A_560 : vector<8x2304xf32>
    %broadcast_in_dim3A_577 = vector.broadcast %scan3A_561 : i32 to vector<8x2304xi32>
    %select_n3A_578 = arith.select %lt3A_576, %broadcast_in_dim3A_577, %select_n3A_559 : vector<8x2304xi1>, vector<8x2304xi32>
    %min3A_579 = arith.minimumf %min3A_560, %add3A_575 : vector<8x2304xf32>
    %scan3A_580 = arith.constant 30 : i32
    %mul3A_581 = arith.constant 8 : i32
    %mul3A_582 = arith.muli %scan3A_580, %mul3A_581 : i32
    %get3A_583 = arith.index_cast %mul3A_582 : i32 to index
    %get3A_584 = arith.constant 0 : index
    %get3A_585 = vector.load %arg6[%get3A_583, %get3A_584] : memref<1024x4608xf32, #tpu.memory_space<vmem>>, vector<8x2304xf32>
    %add3A_586 = vector.broadcast %slice3A : vector<1x2304xf32> to vector<8x2304xf32>
    %add3A_587 = arith.addf %add3A_586, %get3A_585 : vector<8x2304xf32>
    %mul3A_588 = arith.constant 8 : i32
    %mul3A_589 = arith.muli %scan3A_580, %mul3A_588 : i32
    %get3A_590 = arith.index_cast %mul3A_589 : i32 to index
    %get3A_591 = arith.constant 0 : index
    %get3A_592 = vector.load %arg5[%get3A_590, %get3A_591] : memref<1024x1xf32, #tpu.memory_space<vmem>>, vector<8x1xf32>
    %add3A_593 = vector.broadcast %get3A_592 : vector<8x1xf32> to vector<8x2304xf32>
    %add3A_594 = arith.addf %add3A_587, %add3A_593 : vector<8x2304xf32>
    %lt3A_595 = arith.cmpf olt, %add3A_594, %min3A_579 : vector<8x2304xf32>
    %broadcast_in_dim3A_596 = vector.broadcast %scan3A_580 : i32 to vector<8x2304xi32>
    %select_n3A_597 = arith.select %lt3A_595, %broadcast_in_dim3A_596, %select_n3A_578 : vector<8x2304xi1>, vector<8x2304xi32>
    %min3A_598 = arith.minimumf %min3A_579, %add3A_594 : vector<8x2304xf32>
    %scan3A_599 = arith.constant 31 : i32
    %mul3A_600 = arith.constant 8 : i32
    %mul3A_601 = arith.muli %scan3A_599, %mul3A_600 : i32
    %get3A_602 = arith.index_cast %mul3A_601 : i32 to index
    %get3A_603 = arith.constant 0 : index
    %get3A_604 = vector.load %arg6[%get3A_602, %get3A_603] : memref<1024x4608xf32, #tpu.memory_space<vmem>>, vector<8x2304xf32>
    %add3A_605 = vector.broadcast %slice3A : vector<1x2304xf32> to vector<8x2304xf32>
    %add3A_606 = arith.addf %add3A_605, %get3A_604 : vector<8x2304xf32>
    %mul3A_607 = arith.constant 8 : i32
    %mul3A_608 = arith.muli %scan3A_599, %mul3A_607 : i32
    %get3A_609 = arith.index_cast %mul3A_608 : i32 to index
    %get3A_610 = arith.constant 0 : index
    %get3A_611 = vector.load %arg5[%get3A_609, %get3A_610] : memref<1024x1xf32, #tpu.memory_space<vmem>>, vector<8x1xf32>
    %add3A_612 = vector.broadcast %get3A_611 : vector<8x1xf32> to vector<8x2304xf32>
    %add3A_613 = arith.addf %add3A_606, %add3A_612 : vector<8x2304xf32>
    %lt3A_614 = arith.cmpf olt, %add3A_613, %min3A_598 : vector<8x2304xf32>
    %broadcast_in_dim3A_615 = vector.broadcast %scan3A_599 : i32 to vector<8x2304xi32>
    %select_n3A_616 = arith.select %lt3A_614, %broadcast_in_dim3A_615, %select_n3A_597 : vector<8x2304xi1>, vector<8x2304xi32>
    %min3A_617 = arith.minimumf %min3A_598, %add3A_613 : vector<8x2304xf32>
    %scan3A_618 = arith.constant 32 : i32
    %mul3A_619 = arith.constant 8 : i32
    %mul3A_620 = arith.muli %scan3A_618, %mul3A_619 : i32
    %get3A_621 = arith.index_cast %mul3A_620 : i32 to index
    %get3A_622 = arith.constant 0 : index
    %get3A_623 = vector.load %arg6[%get3A_621, %get3A_622] : memref<1024x4608xf32, #tpu.memory_space<vmem>>, vector<8x2304xf32>
    %add3A_624 = vector.broadcast %slice3A : vector<1x2304xf32> to vector<8x2304xf32>
    %add3A_625 = arith.addf %add3A_624, %get3A_623 : vector<8x2304xf32>
    %mul3A_626 = arith.constant 8 : i32
    %mul3A_627 = arith.muli %scan3A_618, %mul3A_626 : i32
    %get3A_628 = arith.index_cast %mul3A_627 : i32 to index
    %get3A_629 = arith.constant 0 : index
    %get3A_630 = vector.load %arg5[%get3A_628, %get3A_629] : memref<1024x1xf32, #tpu.memory_space<vmem>>, vector<8x1xf32>
    %add3A_631 = vector.broadcast %get3A_630 : vector<8x1xf32> to vector<8x2304xf32>
    %add3A_632 = arith.addf %add3A_625, %add3A_631 : vector<8x2304xf32>
    %lt3A_633 = arith.cmpf olt, %add3A_632, %min3A_617 : vector<8x2304xf32>
    %broadcast_in_dim3A_634 = vector.broadcast %scan3A_618 : i32 to vector<8x2304xi32>
    %select_n3A_635 = arith.select %lt3A_633, %broadcast_in_dim3A_634, %select_n3A_616 : vector<8x2304xi1>, vector<8x2304xi32>
    %min3A_636 = arith.minimumf %min3A_617, %add3A_632 : vector<8x2304xf32>
    %scan3A_637 = arith.constant 33 : i32
    %mul3A_638 = arith.constant 8 : i32
    %mul3A_639 = arith.muli %scan3A_637, %mul3A_638 : i32
    %get3A_640 = arith.index_cast %mul3A_639 : i32 to index
    %get3A_641 = arith.constant 0 : index
    %get3A_642 = vector.load %arg6[%get3A_640, %get3A_641] : memref<1024x4608xf32, #tpu.memory_space<vmem>>, vector<8x2304xf32>
    %add3A_643 = vector.broadcast %slice3A : vector<1x2304xf32> to vector<8x2304xf32>
    %add3A_644 = arith.addf %add3A_643, %get3A_642 : vector<8x2304xf32>
    %mul3A_645 = arith.constant 8 : i32
    %mul3A_646 = arith.muli %scan3A_637, %mul3A_645 : i32
    %get3A_647 = arith.index_cast %mul3A_646 : i32 to index
    %get3A_648 = arith.constant 0 : index
    %get3A_649 = vector.load %arg5[%get3A_647, %get3A_648] : memref<1024x1xf32, #tpu.memory_space<vmem>>, vector<8x1xf32>
    %add3A_650 = vector.broadcast %get3A_649 : vector<8x1xf32> to vector<8x2304xf32>
    %add3A_651 = arith.addf %add3A_644, %add3A_650 : vector<8x2304xf32>
    %lt3A_652 = arith.cmpf olt, %add3A_651, %min3A_636 : vector<8x2304xf32>
    %broadcast_in_dim3A_653 = vector.broadcast %scan3A_637 : i32 to vector<8x2304xi32>
    %select_n3A_654 = arith.select %lt3A_652, %broadcast_in_dim3A_653, %select_n3A_635 : vector<8x2304xi1>, vector<8x2304xi32>
    %min3A_655 = arith.minimumf %min3A_636, %add3A_651 : vector<8x2304xf32>
    %scan3A_656 = arith.constant 34 : i32
    %mul3A_657 = arith.constant 8 : i32
    %mul3A_658 = arith.muli %scan3A_656, %mul3A_657 : i32
    %get3A_659 = arith.index_cast %mul3A_658 : i32 to index
    %get3A_660 = arith.constant 0 : index
    %get3A_661 = vector.load %arg6[%get3A_659, %get3A_660] : memref<1024x4608xf32, #tpu.memory_space<vmem>>, vector<8x2304xf32>
    %add3A_662 = vector.broadcast %slice3A : vector<1x2304xf32> to vector<8x2304xf32>
    %add3A_663 = arith.addf %add3A_662, %get3A_661 : vector<8x2304xf32>
    %mul3A_664 = arith.constant 8 : i32
    %mul3A_665 = arith.muli %scan3A_656, %mul3A_664 : i32
    %get3A_666 = arith.index_cast %mul3A_665 : i32 to index
    %get3A_667 = arith.constant 0 : index
    %get3A_668 = vector.load %arg5[%get3A_666, %get3A_667] : memref<1024x1xf32, #tpu.memory_space<vmem>>, vector<8x1xf32>
    %add3A_669 = vector.broadcast %get3A_668 : vector<8x1xf32> to vector<8x2304xf32>
    %add3A_670 = arith.addf %add3A_663, %add3A_669 : vector<8x2304xf32>
    %lt3A_671 = arith.cmpf olt, %add3A_670, %min3A_655 : vector<8x2304xf32>
    %broadcast_in_dim3A_672 = vector.broadcast %scan3A_656 : i32 to vector<8x2304xi32>
    %select_n3A_673 = arith.select %lt3A_671, %broadcast_in_dim3A_672, %select_n3A_654 : vector<8x2304xi1>, vector<8x2304xi32>
    %min3A_674 = arith.minimumf %min3A_655, %add3A_670 : vector<8x2304xf32>
    %scan3A_675 = arith.constant 35 : i32
    %mul3A_676 = arith.constant 8 : i32
    %mul3A_677 = arith.muli %scan3A_675, %mul3A_676 : i32
    %get3A_678 = arith.index_cast %mul3A_677 : i32 to index
    %get3A_679 = arith.constant 0 : index
    %get3A_680 = vector.load %arg6[%get3A_678, %get3A_679] : memref<1024x4608xf32, #tpu.memory_space<vmem>>, vector<8x2304xf32>
    %add3A_681 = vector.broadcast %slice3A : vector<1x2304xf32> to vector<8x2304xf32>
    %add3A_682 = arith.addf %add3A_681, %get3A_680 : vector<8x2304xf32>
    %mul3A_683 = arith.constant 8 : i32
    %mul3A_684 = arith.muli %scan3A_675, %mul3A_683 : i32
    %get3A_685 = arith.index_cast %mul3A_684 : i32 to index
    %get3A_686 = arith.constant 0 : index
    %get3A_687 = vector.load %arg5[%get3A_685, %get3A_686] : memref<1024x1xf32, #tpu.memory_space<vmem>>, vector<8x1xf32>
    %add3A_688 = vector.broadcast %get3A_687 : vector<8x1xf32> to vector<8x2304xf32>
    %add3A_689 = arith.addf %add3A_682, %add3A_688 : vector<8x2304xf32>
    %lt3A_690 = arith.cmpf olt, %add3A_689, %min3A_674 : vector<8x2304xf32>
    %broadcast_in_dim3A_691 = vector.broadcast %scan3A_675 : i32 to vector<8x2304xi32>
    %select_n3A_692 = arith.select %lt3A_690, %broadcast_in_dim3A_691, %select_n3A_673 : vector<8x2304xi1>, vector<8x2304xi32>
    %min3A_693 = arith.minimumf %min3A_674, %add3A_689 : vector<8x2304xf32>
    %scan3A_694 = arith.constant 36 : i32
    %mul3A_695 = arith.constant 8 : i32
    %mul3A_696 = arith.muli %scan3A_694, %mul3A_695 : i32
    %get3A_697 = arith.index_cast %mul3A_696 : i32 to index
    %get3A_698 = arith.constant 0 : index
    %get3A_699 = vector.load %arg6[%get3A_697, %get3A_698] : memref<1024x4608xf32, #tpu.memory_space<vmem>>, vector<8x2304xf32>
    %add3A_700 = vector.broadcast %slice3A : vector<1x2304xf32> to vector<8x2304xf32>
    %add3A_701 = arith.addf %add3A_700, %get3A_699 : vector<8x2304xf32>
    %mul3A_702 = arith.constant 8 : i32
    %mul3A_703 = arith.muli %scan3A_694, %mul3A_702 : i32
    %get3A_704 = arith.index_cast %mul3A_703 : i32 to index
    %get3A_705 = arith.constant 0 : index
    %get3A_706 = vector.load %arg5[%get3A_704, %get3A_705] : memref<1024x1xf32, #tpu.memory_space<vmem>>, vector<8x1xf32>
    %add3A_707 = vector.broadcast %get3A_706 : vector<8x1xf32> to vector<8x2304xf32>
    %add3A_708 = arith.addf %add3A_701, %add3A_707 : vector<8x2304xf32>
    %lt3A_709 = arith.cmpf olt, %add3A_708, %min3A_693 : vector<8x2304xf32>
    %broadcast_in_dim3A_710 = vector.broadcast %scan3A_694 : i32 to vector<8x2304xi32>
    %select_n3A_711 = arith.select %lt3A_709, %broadcast_in_dim3A_710, %select_n3A_692 : vector<8x2304xi1>, vector<8x2304xi32>
    %min3A_712 = arith.minimumf %min3A_693, %add3A_708 : vector<8x2304xf32>
    %scan3A_713 = arith.constant 37 : i32
    %mul3A_714 = arith.constant 8 : i32
    %mul3A_715 = arith.muli %scan3A_713, %mul3A_714 : i32
    %get3A_716 = arith.index_cast %mul3A_715 : i32 to index
    %get3A_717 = arith.constant 0 : index
    %get3A_718 = vector.load %arg6[%get3A_716, %get3A_717] : memref<1024x4608xf32, #tpu.memory_space<vmem>>, vector<8x2304xf32>
    %add3A_719 = vector.broadcast %slice3A : vector<1x2304xf32> to vector<8x2304xf32>
    %add3A_720 = arith.addf %add3A_719, %get3A_718 : vector<8x2304xf32>
    %mul3A_721 = arith.constant 8 : i32
    %mul3A_722 = arith.muli %scan3A_713, %mul3A_721 : i32
    %get3A_723 = arith.index_cast %mul3A_722 : i32 to index
    %get3A_724 = arith.constant 0 : index
    %get3A_725 = vector.load %arg5[%get3A_723, %get3A_724] : memref<1024x1xf32, #tpu.memory_space<vmem>>, vector<8x1xf32>
    %add3A_726 = vector.broadcast %get3A_725 : vector<8x1xf32> to vector<8x2304xf32>
    %add3A_727 = arith.addf %add3A_720, %add3A_726 : vector<8x2304xf32>
    %lt3A_728 = arith.cmpf olt, %add3A_727, %min3A_712 : vector<8x2304xf32>
    %broadcast_in_dim3A_729 = vector.broadcast %scan3A_713 : i32 to vector<8x2304xi32>
    %select_n3A_730 = arith.select %lt3A_728, %broadcast_in_dim3A_729, %select_n3A_711 : vector<8x2304xi1>, vector<8x2304xi32>
    %min3A_731 = arith.minimumf %min3A_712, %add3A_727 : vector<8x2304xf32>
    %scan3A_732 = arith.constant 38 : i32
    %mul3A_733 = arith.constant 8 : i32
    %mul3A_734 = arith.muli %scan3A_732, %mul3A_733 : i32
    %get3A_735 = arith.index_cast %mul3A_734 : i32 to index
    %get3A_736 = arith.constant 0 : index
    %get3A_737 = vector.load %arg6[%get3A_735, %get3A_736] : memref<1024x4608xf32, #tpu.memory_space<vmem>>, vector<8x2304xf32>
    %add3A_738 = vector.broadcast %slice3A : vector<1x2304xf32> to vector<8x2304xf32>
    %add3A_739 = arith.addf %add3A_738, %get3A_737 : vector<8x2304xf32>
    %mul3A_740 = arith.constant 8 : i32
    %mul3A_741 = arith.muli %scan3A_732, %mul3A_740 : i32
    %get3A_742 = arith.index_cast %mul3A_741 : i32 to index
    %get3A_743 = arith.constant 0 : index
    %get3A_744 = vector.load %arg5[%get3A_742, %get3A_743] : memref<1024x1xf32, #tpu.memory_space<vmem>>, vector<8x1xf32>
    %add3A_745 = vector.broadcast %get3A_744 : vector<8x1xf32> to vector<8x2304xf32>
    %add3A_746 = arith.addf %add3A_739, %add3A_745 : vector<8x2304xf32>
    %lt3A_747 = arith.cmpf olt, %add3A_746, %min3A_731 : vector<8x2304xf32>
    %broadcast_in_dim3A_748 = vector.broadcast %scan3A_732 : i32 to vector<8x2304xi32>
    %select_n3A_749 = arith.select %lt3A_747, %broadcast_in_dim3A_748, %select_n3A_730 : vector<8x2304xi1>, vector<8x2304xi32>
    %min3A_750 = arith.minimumf %min3A_731, %add3A_746 : vector<8x2304xf32>
    %scan3A_751 = arith.constant 39 : i32
    %mul3A_752 = arith.constant 8 : i32
    %mul3A_753 = arith.muli %scan3A_751, %mul3A_752 : i32
    %get3A_754 = arith.index_cast %mul3A_753 : i32 to index
    %get3A_755 = arith.constant 0 : index
    %get3A_756 = vector.load %arg6[%get3A_754, %get3A_755] : memref<1024x4608xf32, #tpu.memory_space<vmem>>, vector<8x2304xf32>
    %add3A_757 = vector.broadcast %slice3A : vector<1x2304xf32> to vector<8x2304xf32>
    %add3A_758 = arith.addf %add3A_757, %get3A_756 : vector<8x2304xf32>
    %mul3A_759 = arith.constant 8 : i32
    %mul3A_760 = arith.muli %scan3A_751, %mul3A_759 : i32
    %get3A_761 = arith.index_cast %mul3A_760 : i32 to index
    %get3A_762 = arith.constant 0 : index
    %get3A_763 = vector.load %arg5[%get3A_761, %get3A_762] : memref<1024x1xf32, #tpu.memory_space<vmem>>, vector<8x1xf32>
    %add3A_764 = vector.broadcast %get3A_763 : vector<8x1xf32> to vector<8x2304xf32>
    %add3A_765 = arith.addf %add3A_758, %add3A_764 : vector<8x2304xf32>
    %lt3A_766 = arith.cmpf olt, %add3A_765, %min3A_750 : vector<8x2304xf32>
    %broadcast_in_dim3A_767 = vector.broadcast %scan3A_751 : i32 to vector<8x2304xi32>
    %select_n3A_768 = arith.select %lt3A_766, %broadcast_in_dim3A_767, %select_n3A_749 : vector<8x2304xi1>, vector<8x2304xi32>
    %min3A_769 = arith.minimumf %min3A_750, %add3A_765 : vector<8x2304xf32>
    %scan3A_770 = arith.constant 40 : i32
    %mul3A_771 = arith.constant 8 : i32
    %mul3A_772 = arith.muli %scan3A_770, %mul3A_771 : i32
    %get3A_773 = arith.index_cast %mul3A_772 : i32 to index
    %get3A_774 = arith.constant 0 : index
    %get3A_775 = vector.load %arg6[%get3A_773, %get3A_774] : memref<1024x4608xf32, #tpu.memory_space<vmem>>, vector<8x2304xf32>
    %add3A_776 = vector.broadcast %slice3A : vector<1x2304xf32> to vector<8x2304xf32>
    %add3A_777 = arith.addf %add3A_776, %get3A_775 : vector<8x2304xf32>
    %mul3A_778 = arith.constant 8 : i32
    %mul3A_779 = arith.muli %scan3A_770, %mul3A_778 : i32
    %get3A_780 = arith.index_cast %mul3A_779 : i32 to index
    %get3A_781 = arith.constant 0 : index
    %get3A_782 = vector.load %arg5[%get3A_780, %get3A_781] : memref<1024x1xf32, #tpu.memory_space<vmem>>, vector<8x1xf32>
    %add3A_783 = vector.broadcast %get3A_782 : vector<8x1xf32> to vector<8x2304xf32>
    %add3A_784 = arith.addf %add3A_777, %add3A_783 : vector<8x2304xf32>
    %lt3A_785 = arith.cmpf olt, %add3A_784, %min3A_769 : vector<8x2304xf32>
    %broadcast_in_dim3A_786 = vector.broadcast %scan3A_770 : i32 to vector<8x2304xi32>
    %select_n3A_787 = arith.select %lt3A_785, %broadcast_in_dim3A_786, %select_n3A_768 : vector<8x2304xi1>, vector<8x2304xi32>
    %min3A_788 = arith.minimumf %min3A_769, %add3A_784 : vector<8x2304xf32>
    %scan3A_789 = arith.constant 41 : i32
    %mul3A_790 = arith.constant 8 : i32
    %mul3A_791 = arith.muli %scan3A_789, %mul3A_790 : i32
    %get3A_792 = arith.index_cast %mul3A_791 : i32 to index
    %get3A_793 = arith.constant 0 : index
    %get3A_794 = vector.load %arg6[%get3A_792, %get3A_793] : memref<1024x4608xf32, #tpu.memory_space<vmem>>, vector<8x2304xf32>
    %add3A_795 = vector.broadcast %slice3A : vector<1x2304xf32> to vector<8x2304xf32>
    %add3A_796 = arith.addf %add3A_795, %get3A_794 : vector<8x2304xf32>
    %mul3A_797 = arith.constant 8 : i32
    %mul3A_798 = arith.muli %scan3A_789, %mul3A_797 : i32
    %get3A_799 = arith.index_cast %mul3A_798 : i32 to index
    %get3A_800 = arith.constant 0 : index
    %get3A_801 = vector.load %arg5[%get3A_799, %get3A_800] : memref<1024x1xf32, #tpu.memory_space<vmem>>, vector<8x1xf32>
    %add3A_802 = vector.broadcast %get3A_801 : vector<8x1xf32> to vector<8x2304xf32>
    %add3A_803 = arith.addf %add3A_796, %add3A_802 : vector<8x2304xf32>
    %lt3A_804 = arith.cmpf olt, %add3A_803, %min3A_788 : vector<8x2304xf32>
    %broadcast_in_dim3A_805 = vector.broadcast %scan3A_789 : i32 to vector<8x2304xi32>
    %select_n3A_806 = arith.select %lt3A_804, %broadcast_in_dim3A_805, %select_n3A_787 : vector<8x2304xi1>, vector<8x2304xi32>
    %min3A_807 = arith.minimumf %min3A_788, %add3A_803 : vector<8x2304xf32>
    %scan3A_808 = arith.constant 42 : i32
    %mul3A_809 = arith.constant 8 : i32
    %mul3A_810 = arith.muli %scan3A_808, %mul3A_809 : i32
    %get3A_811 = arith.index_cast %mul3A_810 : i32 to index
    %get3A_812 = arith.constant 0 : index
    %get3A_813 = vector.load %arg6[%get3A_811, %get3A_812] : memref<1024x4608xf32, #tpu.memory_space<vmem>>, vector<8x2304xf32>
    %add3A_814 = vector.broadcast %slice3A : vector<1x2304xf32> to vector<8x2304xf32>
    %add3A_815 = arith.addf %add3A_814, %get3A_813 : vector<8x2304xf32>
    %mul3A_816 = arith.constant 8 : i32
    %mul3A_817 = arith.muli %scan3A_808, %mul3A_816 : i32
    %get3A_818 = arith.index_cast %mul3A_817 : i32 to index
    %get3A_819 = arith.constant 0 : index
    %get3A_820 = vector.load %arg5[%get3A_818, %get3A_819] : memref<1024x1xf32, #tpu.memory_space<vmem>>, vector<8x1xf32>
    %add3A_821 = vector.broadcast %get3A_820 : vector<8x1xf32> to vector<8x2304xf32>
    %add3A_822 = arith.addf %add3A_815, %add3A_821 : vector<8x2304xf32>
    %lt3A_823 = arith.cmpf olt, %add3A_822, %min3A_807 : vector<8x2304xf32>
    %broadcast_in_dim3A_824 = vector.broadcast %scan3A_808 : i32 to vector<8x2304xi32>
    %select_n3A_825 = arith.select %lt3A_823, %broadcast_in_dim3A_824, %select_n3A_806 : vector<8x2304xi1>, vector<8x2304xi32>
    %min3A_826 = arith.minimumf %min3A_807, %add3A_822 : vector<8x2304xf32>
    %scan3A_827 = arith.constant 43 : i32
    %mul3A_828 = arith.constant 8 : i32
    %mul3A_829 = arith.muli %scan3A_827, %mul3A_828 : i32
    %get3A_830 = arith.index_cast %mul3A_829 : i32 to index
    %get3A_831 = arith.constant 0 : index
    %get3A_832 = vector.load %arg6[%get3A_830, %get3A_831] : memref<1024x4608xf32, #tpu.memory_space<vmem>>, vector<8x2304xf32>
    %add3A_833 = vector.broadcast %slice3A : vector<1x2304xf32> to vector<8x2304xf32>
    %add3A_834 = arith.addf %add3A_833, %get3A_832 : vector<8x2304xf32>
    %mul3A_835 = arith.constant 8 : i32
    %mul3A_836 = arith.muli %scan3A_827, %mul3A_835 : i32
    %get3A_837 = arith.index_cast %mul3A_836 : i32 to index
    %get3A_838 = arith.constant 0 : index
    %get3A_839 = vector.load %arg5[%get3A_837, %get3A_838] : memref<1024x1xf32, #tpu.memory_space<vmem>>, vector<8x1xf32>
    %add3A_840 = vector.broadcast %get3A_839 : vector<8x1xf32> to vector<8x2304xf32>
    %add3A_841 = arith.addf %add3A_834, %add3A_840 : vector<8x2304xf32>
    %lt3A_842 = arith.cmpf olt, %add3A_841, %min3A_826 : vector<8x2304xf32>
    %broadcast_in_dim3A_843 = vector.broadcast %scan3A_827 : i32 to vector<8x2304xi32>
    %select_n3A_844 = arith.select %lt3A_842, %broadcast_in_dim3A_843, %select_n3A_825 : vector<8x2304xi1>, vector<8x2304xi32>
    %min3A_845 = arith.minimumf %min3A_826, %add3A_841 : vector<8x2304xf32>
    %scan3A_846 = arith.constant 44 : i32
    %mul3A_847 = arith.constant 8 : i32
    %mul3A_848 = arith.muli %scan3A_846, %mul3A_847 : i32
    %get3A_849 = arith.index_cast %mul3A_848 : i32 to index
    %get3A_850 = arith.constant 0 : index
    %get3A_851 = vector.load %arg6[%get3A_849, %get3A_850] : memref<1024x4608xf32, #tpu.memory_space<vmem>>, vector<8x2304xf32>
    %add3A_852 = vector.broadcast %slice3A : vector<1x2304xf32> to vector<8x2304xf32>
    %add3A_853 = arith.addf %add3A_852, %get3A_851 : vector<8x2304xf32>
    %mul3A_854 = arith.constant 8 : i32
    %mul3A_855 = arith.muli %scan3A_846, %mul3A_854 : i32
    %get3A_856 = arith.index_cast %mul3A_855 : i32 to index
    %get3A_857 = arith.constant 0 : index
    %get3A_858 = vector.load %arg5[%get3A_856, %get3A_857] : memref<1024x1xf32, #tpu.memory_space<vmem>>, vector<8x1xf32>
    %add3A_859 = vector.broadcast %get3A_858 : vector<8x1xf32> to vector<8x2304xf32>
    %add3A_860 = arith.addf %add3A_853, %add3A_859 : vector<8x2304xf32>
    %lt3A_861 = arith.cmpf olt, %add3A_860, %min3A_845 : vector<8x2304xf32>
    %broadcast_in_dim3A_862 = vector.broadcast %scan3A_846 : i32 to vector<8x2304xi32>
    %select_n3A_863 = arith.select %lt3A_861, %broadcast_in_dim3A_862, %select_n3A_844 : vector<8x2304xi1>, vector<8x2304xi32>
    %min3A_864 = arith.minimumf %min3A_845, %add3A_860 : vector<8x2304xf32>
    %scan3A_865 = arith.constant 45 : i32
    %mul3A_866 = arith.constant 8 : i32
    %mul3A_867 = arith.muli %scan3A_865, %mul3A_866 : i32
    %get3A_868 = arith.index_cast %mul3A_867 : i32 to index
    %get3A_869 = arith.constant 0 : index
    %get3A_870 = vector.load %arg6[%get3A_868, %get3A_869] : memref<1024x4608xf32, #tpu.memory_space<vmem>>, vector<8x2304xf32>
    %add3A_871 = vector.broadcast %slice3A : vector<1x2304xf32> to vector<8x2304xf32>
    %add3A_872 = arith.addf %add3A_871, %get3A_870 : vector<8x2304xf32>
    %mul3A_873 = arith.constant 8 : i32
    %mul3A_874 = arith.muli %scan3A_865, %mul3A_873 : i32
    %get3A_875 = arith.index_cast %mul3A_874 : i32 to index
    %get3A_876 = arith.constant 0 : index
    %get3A_877 = vector.load %arg5[%get3A_875, %get3A_876] : memref<1024x1xf32, #tpu.memory_space<vmem>>, vector<8x1xf32>
    %add3A_878 = vector.broadcast %get3A_877 : vector<8x1xf32> to vector<8x2304xf32>
    %add3A_879 = arith.addf %add3A_872, %add3A_878 : vector<8x2304xf32>
    %lt3A_880 = arith.cmpf olt, %add3A_879, %min3A_864 : vector<8x2304xf32>
    %broadcast_in_dim3A_881 = vector.broadcast %scan3A_865 : i32 to vector<8x2304xi32>
    %select_n3A_882 = arith.select %lt3A_880, %broadcast_in_dim3A_881, %select_n3A_863 : vector<8x2304xi1>, vector<8x2304xi32>
    %min3A_883 = arith.minimumf %min3A_864, %add3A_879 : vector<8x2304xf32>
    %scan3A_884 = arith.constant 46 : i32
    %mul3A_885 = arith.constant 8 : i32
    %mul3A_886 = arith.muli %scan3A_884, %mul3A_885 : i32
    %get3A_887 = arith.index_cast %mul3A_886 : i32 to index
    %get3A_888 = arith.constant 0 : index
    %get3A_889 = vector.load %arg6[%get3A_887, %get3A_888] : memref<1024x4608xf32, #tpu.memory_space<vmem>>, vector<8x2304xf32>
    %add3A_890 = vector.broadcast %slice3A : vector<1x2304xf32> to vector<8x2304xf32>
    %add3A_891 = arith.addf %add3A_890, %get3A_889 : vector<8x2304xf32>
    %mul3A_892 = arith.constant 8 : i32
    %mul3A_893 = arith.muli %scan3A_884, %mul3A_892 : i32
    %get3A_894 = arith.index_cast %mul3A_893 : i32 to index
    %get3A_895 = arith.constant 0 : index
    %get3A_896 = vector.load %arg5[%get3A_894, %get3A_895] : memref<1024x1xf32, #tpu.memory_space<vmem>>, vector<8x1xf32>
    %add3A_897 = vector.broadcast %get3A_896 : vector<8x1xf32> to vector<8x2304xf32>
    %add3A_898 = arith.addf %add3A_891, %add3A_897 : vector<8x2304xf32>
    %lt3A_899 = arith.cmpf olt, %add3A_898, %min3A_883 : vector<8x2304xf32>
    %broadcast_in_dim3A_900 = vector.broadcast %scan3A_884 : i32 to vector<8x2304xi32>
    %select_n3A_901 = arith.select %lt3A_899, %broadcast_in_dim3A_900, %select_n3A_882 : vector<8x2304xi1>, vector<8x2304xi32>
    %min3A_902 = arith.minimumf %min3A_883, %add3A_898 : vector<8x2304xf32>
    %scan3A_903 = arith.constant 47 : i32
    %mul3A_904 = arith.constant 8 : i32
    %mul3A_905 = arith.muli %scan3A_903, %mul3A_904 : i32
    %get3A_906 = arith.index_cast %mul3A_905 : i32 to index
    %get3A_907 = arith.constant 0 : index
    %get3A_908 = vector.load %arg6[%get3A_906, %get3A_907] : memref<1024x4608xf32, #tpu.memory_space<vmem>>, vector<8x2304xf32>
    %add3A_909 = vector.broadcast %slice3A : vector<1x2304xf32> to vector<8x2304xf32>
    %add3A_910 = arith.addf %add3A_909, %get3A_908 : vector<8x2304xf32>
    %mul3A_911 = arith.constant 8 : i32
    %mul3A_912 = arith.muli %scan3A_903, %mul3A_911 : i32
    %get3A_913 = arith.index_cast %mul3A_912 : i32 to index
    %get3A_914 = arith.constant 0 : index
    %get3A_915 = vector.load %arg5[%get3A_913, %get3A_914] : memref<1024x1xf32, #tpu.memory_space<vmem>>, vector<8x1xf32>
    %add3A_916 = vector.broadcast %get3A_915 : vector<8x1xf32> to vector<8x2304xf32>
    %add3A_917 = arith.addf %add3A_910, %add3A_916 : vector<8x2304xf32>
    %lt3A_918 = arith.cmpf olt, %add3A_917, %min3A_902 : vector<8x2304xf32>
    %broadcast_in_dim3A_919 = vector.broadcast %scan3A_903 : i32 to vector<8x2304xi32>
    %select_n3A_920 = arith.select %lt3A_918, %broadcast_in_dim3A_919, %select_n3A_901 : vector<8x2304xi1>, vector<8x2304xi32>
    %min3A_921 = arith.minimumf %min3A_902, %add3A_917 : vector<8x2304xf32>
    %scan3A_922 = arith.constant 48 : i32
    %mul3A_923 = arith.constant 8 : i32
    %mul3A_924 = arith.muli %scan3A_922, %mul3A_923 : i32
    %get3A_925 = arith.index_cast %mul3A_924 : i32 to index
    %get3A_926 = arith.constant 0 : index
    %get3A_927 = vector.load %arg6[%get3A_925, %get3A_926] : memref<1024x4608xf32, #tpu.memory_space<vmem>>, vector<8x2304xf32>
    %add3A_928 = vector.broadcast %slice3A : vector<1x2304xf32> to vector<8x2304xf32>
    %add3A_929 = arith.addf %add3A_928, %get3A_927 : vector<8x2304xf32>
    %mul3A_930 = arith.constant 8 : i32
    %mul3A_931 = arith.muli %scan3A_922, %mul3A_930 : i32
    %get3A_932 = arith.index_cast %mul3A_931 : i32 to index
    %get3A_933 = arith.constant 0 : index
    %get3A_934 = vector.load %arg5[%get3A_932, %get3A_933] : memref<1024x1xf32, #tpu.memory_space<vmem>>, vector<8x1xf32>
    %add3A_935 = vector.broadcast %get3A_934 : vector<8x1xf32> to vector<8x2304xf32>
    %add3A_936 = arith.addf %add3A_929, %add3A_935 : vector<8x2304xf32>
    %lt3A_937 = arith.cmpf olt, %add3A_936, %min3A_921 : vector<8x2304xf32>
    %broadcast_in_dim3A_938 = vector.broadcast %scan3A_922 : i32 to vector<8x2304xi32>
    %select_n3A_939 = arith.select %lt3A_937, %broadcast_in_dim3A_938, %select_n3A_920 : vector<8x2304xi1>, vector<8x2304xi32>
    %min3A_940 = arith.minimumf %min3A_921, %add3A_936 : vector<8x2304xf32>
    %scan3A_941 = arith.constant 49 : i32
    %mul3A_942 = arith.constant 8 : i32
    %mul3A_943 = arith.muli %scan3A_941, %mul3A_942 : i32
    %get3A_944 = arith.index_cast %mul3A_943 : i32 to index
    %get3A_945 = arith.constant 0 : index
    %get3A_946 = vector.load %arg6[%get3A_944, %get3A_945] : memref<1024x4608xf32, #tpu.memory_space<vmem>>, vector<8x2304xf32>
    %add3A_947 = vector.broadcast %slice3A : vector<1x2304xf32> to vector<8x2304xf32>
    %add3A_948 = arith.addf %add3A_947, %get3A_946 : vector<8x2304xf32>
    %mul3A_949 = arith.constant 8 : i32
    %mul3A_950 = arith.muli %scan3A_941, %mul3A_949 : i32
    %get3A_951 = arith.index_cast %mul3A_950 : i32 to index
    %get3A_952 = arith.constant 0 : index
    %get3A_953 = vector.load %arg5[%get3A_951, %get3A_952] : memref<1024x1xf32, #tpu.memory_space<vmem>>, vector<8x1xf32>
    %add3A_954 = vector.broadcast %get3A_953 : vector<8x1xf32> to vector<8x2304xf32>
    %add3A_955 = arith.addf %add3A_948, %add3A_954 : vector<8x2304xf32>
    %lt3A_956 = arith.cmpf olt, %add3A_955, %min3A_940 : vector<8x2304xf32>
    %broadcast_in_dim3A_957 = vector.broadcast %scan3A_941 : i32 to vector<8x2304xi32>
    %select_n3A_958 = arith.select %lt3A_956, %broadcast_in_dim3A_957, %select_n3A_939 : vector<8x2304xi1>, vector<8x2304xi32>
    %min3A_959 = arith.minimumf %min3A_940, %add3A_955 : vector<8x2304xf32>
    %scan3A_960 = arith.constant 50 : i32
    %mul3A_961 = arith.constant 8 : i32
    %mul3A_962 = arith.muli %scan3A_960, %mul3A_961 : i32
    %get3A_963 = arith.index_cast %mul3A_962 : i32 to index
    %get3A_964 = arith.constant 0 : index
    %get3A_965 = vector.load %arg6[%get3A_963, %get3A_964] : memref<1024x4608xf32, #tpu.memory_space<vmem>>, vector<8x2304xf32>
    %add3A_966 = vector.broadcast %slice3A : vector<1x2304xf32> to vector<8x2304xf32>
    %add3A_967 = arith.addf %add3A_966, %get3A_965 : vector<8x2304xf32>
    %mul3A_968 = arith.constant 8 : i32
    %mul3A_969 = arith.muli %scan3A_960, %mul3A_968 : i32
    %get3A_970 = arith.index_cast %mul3A_969 : i32 to index
    %get3A_971 = arith.constant 0 : index
    %get3A_972 = vector.load %arg5[%get3A_970, %get3A_971] : memref<1024x1xf32, #tpu.memory_space<vmem>>, vector<8x1xf32>
    %add3A_973 = vector.broadcast %get3A_972 : vector<8x1xf32> to vector<8x2304xf32>
    %add3A_974 = arith.addf %add3A_967, %add3A_973 : vector<8x2304xf32>
    %lt3A_975 = arith.cmpf olt, %add3A_974, %min3A_959 : vector<8x2304xf32>
    %broadcast_in_dim3A_976 = vector.broadcast %scan3A_960 : i32 to vector<8x2304xi32>
    %select_n3A_977 = arith.select %lt3A_975, %broadcast_in_dim3A_976, %select_n3A_958 : vector<8x2304xi1>, vector<8x2304xi32>
    %min3A_978 = arith.minimumf %min3A_959, %add3A_974 : vector<8x2304xf32>
    %scan3A_979 = arith.constant 51 : i32
    %mul3A_980 = arith.constant 8 : i32
    %mul3A_981 = arith.muli %scan3A_979, %mul3A_980 : i32
    %get3A_982 = arith.index_cast %mul3A_981 : i32 to index
    %get3A_983 = arith.constant 0 : index
    %get3A_984 = vector.load %arg6[%get3A_982, %get3A_983] : memref<1024x4608xf32, #tpu.memory_space<vmem>>, vector<8x2304xf32>
    %add3A_985 = vector.broadcast %slice3A : vector<1x2304xf32> to vector<8x2304xf32>
    %add3A_986 = arith.addf %add3A_985, %get3A_984 : vector<8x2304xf32>
    %mul3A_987 = arith.constant 8 : i32
    %mul3A_988 = arith.muli %scan3A_979, %mul3A_987 : i32
    %get3A_989 = arith.index_cast %mul3A_988 : i32 to index
    %get3A_990 = arith.constant 0 : index
    %get3A_991 = vector.load %arg5[%get3A_989, %get3A_990] : memref<1024x1xf32, #tpu.memory_space<vmem>>, vector<8x1xf32>
    %add3A_992 = vector.broadcast %get3A_991 : vector<8x1xf32> to vector<8x2304xf32>
    %add3A_993 = arith.addf %add3A_986, %add3A_992 : vector<8x2304xf32>
    %lt3A_994 = arith.cmpf olt, %add3A_993, %min3A_978 : vector<8x2304xf32>
    %broadcast_in_dim3A_995 = vector.broadcast %scan3A_979 : i32 to vector<8x2304xi32>
    %select_n3A_996 = arith.select %lt3A_994, %broadcast_in_dim3A_995, %select_n3A_977 : vector<8x2304xi1>, vector<8x2304xi32>
    %min3A_997 = arith.minimumf %min3A_978, %add3A_993 : vector<8x2304xf32>
    %scan3A_998 = arith.constant 52 : i32
    %mul3A_999 = arith.constant 8 : i32
    %mul3A_1000 = arith.muli %scan3A_998, %mul3A_999 : i32
    %get3A_1001 = arith.index_cast %mul3A_1000 : i32 to index
    %get3A_1002 = arith.constant 0 : index
    %get3A_1003 = vector.load %arg6[%get3A_1001, %get3A_1002] : memref<1024x4608xf32, #tpu.memory_space<vmem>>, vector<8x2304xf32>
    %add3A_1004 = vector.broadcast %slice3A : vector<1x2304xf32> to vector<8x2304xf32>
    %add3A_1005 = arith.addf %add3A_1004, %get3A_1003 : vector<8x2304xf32>
    %mul3A_1006 = arith.constant 8 : i32
    %mul3A_1007 = arith.muli %scan3A_998, %mul3A_1006 : i32
    %get3A_1008 = arith.index_cast %mul3A_1007 : i32 to index
    %get3A_1009 = arith.constant 0 : index
    %get3A_1010 = vector.load %arg5[%get3A_1008, %get3A_1009] : memref<1024x1xf32, #tpu.memory_space<vmem>>, vector<8x1xf32>
    %add3A_1011 = vector.broadcast %get3A_1010 : vector<8x1xf32> to vector<8x2304xf32>
    %add3A_1012 = arith.addf %add3A_1005, %add3A_1011 : vector<8x2304xf32>
    %lt3A_1013 = arith.cmpf olt, %add3A_1012, %min3A_997 : vector<8x2304xf32>
    %broadcast_in_dim3A_1014 = vector.broadcast %scan3A_998 : i32 to vector<8x2304xi32>
    %select_n3A_1015 = arith.select %lt3A_1013, %broadcast_in_dim3A_1014, %select_n3A_996 : vector<8x2304xi1>, vector<8x2304xi32>
    %min3A_1016 = arith.minimumf %min3A_997, %add3A_1012 : vector<8x2304xf32>
    %scan3A_1017 = arith.constant 53 : i32
    %mul3A_1018 = arith.constant 8 : i32
    %mul3A_1019 = arith.muli %scan3A_1017, %mul3A_1018 : i32
    %get3A_1020 = arith.index_cast %mul3A_1019 : i32 to index
    %get3A_1021 = arith.constant 0 : index
    %get3A_1022 = vector.load %arg6[%get3A_1020, %get3A_1021] : memref<1024x4608xf32, #tpu.memory_space<vmem>>, vector<8x2304xf32>
    %add3A_1023 = vector.broadcast %slice3A : vector<1x2304xf32> to vector<8x2304xf32>
    %add3A_1024 = arith.addf %add3A_1023, %get3A_1022 : vector<8x2304xf32>
    %mul3A_1025 = arith.constant 8 : i32
    %mul3A_1026 = arith.muli %scan3A_1017, %mul3A_1025 : i32
    %get3A_1027 = arith.index_cast %mul3A_1026 : i32 to index
    %get3A_1028 = arith.constant 0 : index
    %get3A_1029 = vector.load %arg5[%get3A_1027, %get3A_1028] : memref<1024x1xf32, #tpu.memory_space<vmem>>, vector<8x1xf32>
    %add3A_1030 = vector.broadcast %get3A_1029 : vector<8x1xf32> to vector<8x2304xf32>
    %add3A_1031 = arith.addf %add3A_1024, %add3A_1030 : vector<8x2304xf32>
    %lt3A_1032 = arith.cmpf olt, %add3A_1031, %min3A_1016 : vector<8x2304xf32>
    %broadcast_in_dim3A_1033 = vector.broadcast %scan3A_1017 : i32 to vector<8x2304xi32>
    %select_n3A_1034 = arith.select %lt3A_1032, %broadcast_in_dim3A_1033, %select_n3A_1015 : vector<8x2304xi1>, vector<8x2304xi32>
    %min3A_1035 = arith.minimumf %min3A_1016, %add3A_1031 : vector<8x2304xf32>
    %scan3A_1036 = arith.constant 54 : i32
    %mul3A_1037 = arith.constant 8 : i32
    %mul3A_1038 = arith.muli %scan3A_1036, %mul3A_1037 : i32
    %get3A_1039 = arith.index_cast %mul3A_1038 : i32 to index
    %get3A_1040 = arith.constant 0 : index
    %get3A_1041 = vector.load %arg6[%get3A_1039, %get3A_1040] : memref<1024x4608xf32, #tpu.memory_space<vmem>>, vector<8x2304xf32>
    %add3A_1042 = vector.broadcast %slice3A : vector<1x2304xf32> to vector<8x2304xf32>
    %add3A_1043 = arith.addf %add3A_1042, %get3A_1041 : vector<8x2304xf32>
    %mul3A_1044 = arith.constant 8 : i32
    %mul3A_1045 = arith.muli %scan3A_1036, %mul3A_1044 : i32
    %get3A_1046 = arith.index_cast %mul3A_1045 : i32 to index
    %get3A_1047 = arith.constant 0 : index
    %get3A_1048 = vector.load %arg5[%get3A_1046, %get3A_1047] : memref<1024x1xf32, #tpu.memory_space<vmem>>, vector<8x1xf32>
    %add3A_1049 = vector.broadcast %get3A_1048 : vector<8x1xf32> to vector<8x2304xf32>
    %add3A_1050 = arith.addf %add3A_1043, %add3A_1049 : vector<8x2304xf32>
    %lt3A_1051 = arith.cmpf olt, %add3A_1050, %min3A_1035 : vector<8x2304xf32>
    %broadcast_in_dim3A_1052 = vector.broadcast %scan3A_1036 : i32 to vector<8x2304xi32>
    %select_n3A_1053 = arith.select %lt3A_1051, %broadcast_in_dim3A_1052, %select_n3A_1034 : vector<8x2304xi1>, vector<8x2304xi32>
    %min3A_1054 = arith.minimumf %min3A_1035, %add3A_1050 : vector<8x2304xf32>
    %scan3A_1055 = arith.constant 55 : i32
    %mul3A_1056 = arith.constant 8 : i32
    %mul3A_1057 = arith.muli %scan3A_1055, %mul3A_1056 : i32
    %get3A_1058 = arith.index_cast %mul3A_1057 : i32 to index
    %get3A_1059 = arith.constant 0 : index
    %get3A_1060 = vector.load %arg6[%get3A_1058, %get3A_1059] : memref<1024x4608xf32, #tpu.memory_space<vmem>>, vector<8x2304xf32>
    %add3A_1061 = vector.broadcast %slice3A : vector<1x2304xf32> to vector<8x2304xf32>
    %add3A_1062 = arith.addf %add3A_1061, %get3A_1060 : vector<8x2304xf32>
    %mul3A_1063 = arith.constant 8 : i32
    %mul3A_1064 = arith.muli %scan3A_1055, %mul3A_1063 : i32
    %get3A_1065 = arith.index_cast %mul3A_1064 : i32 to index
    %get3A_1066 = arith.constant 0 : index
    %get3A_1067 = vector.load %arg5[%get3A_1065, %get3A_1066] : memref<1024x1xf32, #tpu.memory_space<vmem>>, vector<8x1xf32>
    %add3A_1068 = vector.broadcast %get3A_1067 : vector<8x1xf32> to vector<8x2304xf32>
    %add3A_1069 = arith.addf %add3A_1062, %add3A_1068 : vector<8x2304xf32>
    %lt3A_1070 = arith.cmpf olt, %add3A_1069, %min3A_1054 : vector<8x2304xf32>
    %broadcast_in_dim3A_1071 = vector.broadcast %scan3A_1055 : i32 to vector<8x2304xi32>
    %select_n3A_1072 = arith.select %lt3A_1070, %broadcast_in_dim3A_1071, %select_n3A_1053 : vector<8x2304xi1>, vector<8x2304xi32>
    %min3A_1073 = arith.minimumf %min3A_1054, %add3A_1069 : vector<8x2304xf32>
    %scan3A_1074 = arith.constant 56 : i32
    %mul3A_1075 = arith.constant 8 : i32
    %mul3A_1076 = arith.muli %scan3A_1074, %mul3A_1075 : i32
    %get3A_1077 = arith.index_cast %mul3A_1076 : i32 to index
    %get3A_1078 = arith.constant 0 : index
    %get3A_1079 = vector.load %arg6[%get3A_1077, %get3A_1078] : memref<1024x4608xf32, #tpu.memory_space<vmem>>, vector<8x2304xf32>
    %add3A_1080 = vector.broadcast %slice3A : vector<1x2304xf32> to vector<8x2304xf32>
    %add3A_1081 = arith.addf %add3A_1080, %get3A_1079 : vector<8x2304xf32>
    %mul3A_1082 = arith.constant 8 : i32
    %mul3A_1083 = arith.muli %scan3A_1074, %mul3A_1082 : i32
    %get3A_1084 = arith.index_cast %mul3A_1083 : i32 to index
    %get3A_1085 = arith.constant 0 : index
    %get3A_1086 = vector.load %arg5[%get3A_1084, %get3A_1085] : memref<1024x1xf32, #tpu.memory_space<vmem>>, vector<8x1xf32>
    %add3A_1087 = vector.broadcast %get3A_1086 : vector<8x1xf32> to vector<8x2304xf32>
    %add3A_1088 = arith.addf %add3A_1081, %add3A_1087 : vector<8x2304xf32>
    %lt3A_1089 = arith.cmpf olt, %add3A_1088, %min3A_1073 : vector<8x2304xf32>
    %broadcast_in_dim3A_1090 = vector.broadcast %scan3A_1074 : i32 to vector<8x2304xi32>
    %select_n3A_1091 = arith.select %lt3A_1089, %broadcast_in_dim3A_1090, %select_n3A_1072 : vector<8x2304xi1>, vector<8x2304xi32>
    %min3A_1092 = arith.minimumf %min3A_1073, %add3A_1088 : vector<8x2304xf32>
    %scan3A_1093 = arith.constant 57 : i32
    %mul3A_1094 = arith.constant 8 : i32
    %mul3A_1095 = arith.muli %scan3A_1093, %mul3A_1094 : i32
    %get3A_1096 = arith.index_cast %mul3A_1095 : i32 to index
    %get3A_1097 = arith.constant 0 : index
    %get3A_1098 = vector.load %arg6[%get3A_1096, %get3A_1097] : memref<1024x4608xf32, #tpu.memory_space<vmem>>, vector<8x2304xf32>
    %add3A_1099 = vector.broadcast %slice3A : vector<1x2304xf32> to vector<8x2304xf32>
    %add3A_1100 = arith.addf %add3A_1099, %get3A_1098 : vector<8x2304xf32>
    %mul3A_1101 = arith.constant 8 : i32
    %mul3A_1102 = arith.muli %scan3A_1093, %mul3A_1101 : i32
    %get3A_1103 = arith.index_cast %mul3A_1102 : i32 to index
    %get3A_1104 = arith.constant 0 : index
    %get3A_1105 = vector.load %arg5[%get3A_1103, %get3A_1104] : memref<1024x1xf32, #tpu.memory_space<vmem>>, vector<8x1xf32>
    %add3A_1106 = vector.broadcast %get3A_1105 : vector<8x1xf32> to vector<8x2304xf32>
    %add3A_1107 = arith.addf %add3A_1100, %add3A_1106 : vector<8x2304xf32>
    %lt3A_1108 = arith.cmpf olt, %add3A_1107, %min3A_1092 : vector<8x2304xf32>
    %broadcast_in_dim3A_1109 = vector.broadcast %scan3A_1093 : i32 to vector<8x2304xi32>
    %select_n3A_1110 = arith.select %lt3A_1108, %broadcast_in_dim3A_1109, %select_n3A_1091 : vector<8x2304xi1>, vector<8x2304xi32>
    %min3A_1111 = arith.minimumf %min3A_1092, %add3A_1107 : vector<8x2304xf32>
    %scan3A_1112 = arith.constant 58 : i32
    %mul3A_1113 = arith.constant 8 : i32
    %mul3A_1114 = arith.muli %scan3A_1112, %mul3A_1113 : i32
    %get3A_1115 = arith.index_cast %mul3A_1114 : i32 to index
    %get3A_1116 = arith.constant 0 : index
    %get3A_1117 = vector.load %arg6[%get3A_1115, %get3A_1116] : memref<1024x4608xf32, #tpu.memory_space<vmem>>, vector<8x2304xf32>
    %add3A_1118 = vector.broadcast %slice3A : vector<1x2304xf32> to vector<8x2304xf32>
    %add3A_1119 = arith.addf %add3A_1118, %get3A_1117 : vector<8x2304xf32>
    %mul3A_1120 = arith.constant 8 : i32
    %mul3A_1121 = arith.muli %scan3A_1112, %mul3A_1120 : i32
    %get3A_1122 = arith.index_cast %mul3A_1121 : i32 to index
    %get3A_1123 = arith.constant 0 : index
    %get3A_1124 = vector.load %arg5[%get3A_1122, %get3A_1123] : memref<1024x1xf32, #tpu.memory_space<vmem>>, vector<8x1xf32>
    %add3A_1125 = vector.broadcast %get3A_1124 : vector<8x1xf32> to vector<8x2304xf32>
    %add3A_1126 = arith.addf %add3A_1119, %add3A_1125 : vector<8x2304xf32>
    %lt3A_1127 = arith.cmpf olt, %add3A_1126, %min3A_1111 : vector<8x2304xf32>
    %broadcast_in_dim3A_1128 = vector.broadcast %scan3A_1112 : i32 to vector<8x2304xi32>
    %select_n3A_1129 = arith.select %lt3A_1127, %broadcast_in_dim3A_1128, %select_n3A_1110 : vector<8x2304xi1>, vector<8x2304xi32>
    %min3A_1130 = arith.minimumf %min3A_1111, %add3A_1126 : vector<8x2304xf32>
    %scan3A_1131 = arith.constant 59 : i32
    %mul3A_1132 = arith.constant 8 : i32
    %mul3A_1133 = arith.muli %scan3A_1131, %mul3A_1132 : i32
    %get3A_1134 = arith.index_cast %mul3A_1133 : i32 to index
    %get3A_1135 = arith.constant 0 : index
    %get3A_1136 = vector.load %arg6[%get3A_1134, %get3A_1135] : memref<1024x4608xf32, #tpu.memory_space<vmem>>, vector<8x2304xf32>
    %add3A_1137 = vector.broadcast %slice3A : vector<1x2304xf32> to vector<8x2304xf32>
    %add3A_1138 = arith.addf %add3A_1137, %get3A_1136 : vector<8x2304xf32>
    %mul3A_1139 = arith.constant 8 : i32
    %mul3A_1140 = arith.muli %scan3A_1131, %mul3A_1139 : i32
    %get3A_1141 = arith.index_cast %mul3A_1140 : i32 to index
    %get3A_1142 = arith.constant 0 : index
    %get3A_1143 = vector.load %arg5[%get3A_1141, %get3A_1142] : memref<1024x1xf32, #tpu.memory_space<vmem>>, vector<8x1xf32>
    %add3A_1144 = vector.broadcast %get3A_1143 : vector<8x1xf32> to vector<8x2304xf32>
    %add3A_1145 = arith.addf %add3A_1138, %add3A_1144 : vector<8x2304xf32>
    %lt3A_1146 = arith.cmpf olt, %add3A_1145, %min3A_1130 : vector<8x2304xf32>
    %broadcast_in_dim3A_1147 = vector.broadcast %scan3A_1131 : i32 to vector<8x2304xi32>
    %select_n3A_1148 = arith.select %lt3A_1146, %broadcast_in_dim3A_1147, %select_n3A_1129 : vector<8x2304xi1>, vector<8x2304xi32>
    %min3A_1149 = arith.minimumf %min3A_1130, %add3A_1145 : vector<8x2304xf32>
    %scan3A_1150 = arith.constant 60 : i32
    %mul3A_1151 = arith.constant 8 : i32
    %mul3A_1152 = arith.muli %scan3A_1150, %mul3A_1151 : i32
    %get3A_1153 = arith.index_cast %mul3A_1152 : i32 to index
    %get3A_1154 = arith.constant 0 : index
    %get3A_1155 = vector.load %arg6[%get3A_1153, %get3A_1154] : memref<1024x4608xf32, #tpu.memory_space<vmem>>, vector<8x2304xf32>
    %add3A_1156 = vector.broadcast %slice3A : vector<1x2304xf32> to vector<8x2304xf32>
    %add3A_1157 = arith.addf %add3A_1156, %get3A_1155 : vector<8x2304xf32>
    %mul3A_1158 = arith.constant 8 : i32
    %mul3A_1159 = arith.muli %scan3A_1150, %mul3A_1158 : i32
    %get3A_1160 = arith.index_cast %mul3A_1159 : i32 to index
    %get3A_1161 = arith.constant 0 : index
    %get3A_1162 = vector.load %arg5[%get3A_1160, %get3A_1161] : memref<1024x1xf32, #tpu.memory_space<vmem>>, vector<8x1xf32>
    %add3A_1163 = vector.broadcast %get3A_1162 : vector<8x1xf32> to vector<8x2304xf32>
    %add3A_1164 = arith.addf %add3A_1157, %add3A_1163 : vector<8x2304xf32>
    %lt3A_1165 = arith.cmpf olt, %add3A_1164, %min3A_1149 : vector<8x2304xf32>
    %broadcast_in_dim3A_1166 = vector.broadcast %scan3A_1150 : i32 to vector<8x2304xi32>
    %select_n3A_1167 = arith.select %lt3A_1165, %broadcast_in_dim3A_1166, %select_n3A_1148 : vector<8x2304xi1>, vector<8x2304xi32>
    %min3A_1168 = arith.minimumf %min3A_1149, %add3A_1164 : vector<8x2304xf32>
    %scan3A_1169 = arith.constant 61 : i32
    %mul3A_1170 = arith.constant 8 : i32
    %mul3A_1171 = arith.muli %scan3A_1169, %mul3A_1170 : i32
    %get3A_1172 = arith.index_cast %mul3A_1171 : i32 to index
    %get3A_1173 = arith.constant 0 : index
    %get3A_1174 = vector.load %arg6[%get3A_1172, %get3A_1173] : memref<1024x4608xf32, #tpu.memory_space<vmem>>, vector<8x2304xf32>
    %add3A_1175 = vector.broadcast %slice3A : vector<1x2304xf32> to vector<8x2304xf32>
    %add3A_1176 = arith.addf %add3A_1175, %get3A_1174 : vector<8x2304xf32>
    %mul3A_1177 = arith.constant 8 : i32
    %mul3A_1178 = arith.muli %scan3A_1169, %mul3A_1177 : i32
    %get3A_1179 = arith.index_cast %mul3A_1178 : i32 to index
    %get3A_1180 = arith.constant 0 : index
    %get3A_1181 = vector.load %arg5[%get3A_1179, %get3A_1180] : memref<1024x1xf32, #tpu.memory_space<vmem>>, vector<8x1xf32>
    %add3A_1182 = vector.broadcast %get3A_1181 : vector<8x1xf32> to vector<8x2304xf32>
    %add3A_1183 = arith.addf %add3A_1176, %add3A_1182 : vector<8x2304xf32>
    %lt3A_1184 = arith.cmpf olt, %add3A_1183, %min3A_1168 : vector<8x2304xf32>
    %broadcast_in_dim3A_1185 = vector.broadcast %scan3A_1169 : i32 to vector<8x2304xi32>
    %select_n3A_1186 = arith.select %lt3A_1184, %broadcast_in_dim3A_1185, %select_n3A_1167 : vector<8x2304xi1>, vector<8x2304xi32>
    %min3A_1187 = arith.minimumf %min3A_1168, %add3A_1183 : vector<8x2304xf32>
    %scan3A_1188 = arith.constant 62 : i32
    %mul3A_1189 = arith.constant 8 : i32
    %mul3A_1190 = arith.muli %scan3A_1188, %mul3A_1189 : i32
    %get3A_1191 = arith.index_cast %mul3A_1190 : i32 to index
    %get3A_1192 = arith.constant 0 : index
    %get3A_1193 = vector.load %arg6[%get3A_1191, %get3A_1192] : memref<1024x4608xf32, #tpu.memory_space<vmem>>, vector<8x2304xf32>
    %add3A_1194 = vector.broadcast %slice3A : vector<1x2304xf32> to vector<8x2304xf32>
    %add3A_1195 = arith.addf %add3A_1194, %get3A_1193 : vector<8x2304xf32>
    %mul3A_1196 = arith.constant 8 : i32
    %mul3A_1197 = arith.muli %scan3A_1188, %mul3A_1196 : i32
    %get3A_1198 = arith.index_cast %mul3A_1197 : i32 to index
    %get3A_1199 = arith.constant 0 : index
    %get3A_1200 = vector.load %arg5[%get3A_1198, %get3A_1199] : memref<1024x1xf32, #tpu.memory_space<vmem>>, vector<8x1xf32>
    %add3A_1201 = vector.broadcast %get3A_1200 : vector<8x1xf32> to vector<8x2304xf32>
    %add3A_1202 = arith.addf %add3A_1195, %add3A_1201 : vector<8x2304xf32>
    %lt3A_1203 = arith.cmpf olt, %add3A_1202, %min3A_1187 : vector<8x2304xf32>
    %broadcast_in_dim3A_1204 = vector.broadcast %scan3A_1188 : i32 to vector<8x2304xi32>
    %select_n3A_1205 = arith.select %lt3A_1203, %broadcast_in_dim3A_1204, %select_n3A_1186 : vector<8x2304xi1>, vector<8x2304xi32>
    %min3A_1206 = arith.minimumf %min3A_1187, %add3A_1202 : vector<8x2304xf32>
    %scan3A_1207 = arith.constant 63 : i32
    %mul3A_1208 = arith.constant 8 : i32
    %mul3A_1209 = arith.muli %scan3A_1207, %mul3A_1208 : i32
    %get3A_1210 = arith.index_cast %mul3A_1209 : i32 to index
    %get3A_1211 = arith.constant 0 : index
    %get3A_1212 = vector.load %arg6[%get3A_1210, %get3A_1211] : memref<1024x4608xf32, #tpu.memory_space<vmem>>, vector<8x2304xf32>
    %add3A_1213 = vector.broadcast %slice3A : vector<1x2304xf32> to vector<8x2304xf32>
    %add3A_1214 = arith.addf %add3A_1213, %get3A_1212 : vector<8x2304xf32>
    %mul3A_1215 = arith.constant 8 : i32
    %mul3A_1216 = arith.muli %scan3A_1207, %mul3A_1215 : i32
    %get3A_1217 = arith.index_cast %mul3A_1216 : i32 to index
    %get3A_1218 = arith.constant 0 : index
    %get3A_1219 = vector.load %arg5[%get3A_1217, %get3A_1218] : memref<1024x1xf32, #tpu.memory_space<vmem>>, vector<8x1xf32>
    %add3A_1220 = vector.broadcast %get3A_1219 : vector<8x1xf32> to vector<8x2304xf32>
    %add3A_1221 = arith.addf %add3A_1214, %add3A_1220 : vector<8x2304xf32>
    %lt3A_1222 = arith.cmpf olt, %add3A_1221, %min3A_1206 : vector<8x2304xf32>
    %broadcast_in_dim3A_1223 = vector.broadcast %scan3A_1207 : i32 to vector<8x2304xi32>
    %select_n3A_1224 = arith.select %lt3A_1222, %broadcast_in_dim3A_1223, %select_n3A_1205 : vector<8x2304xi1>, vector<8x2304xi32>
    %min3A_1225 = arith.minimumf %min3A_1206, %add3A_1221 : vector<8x2304xf32>
    %scan3A_1226 = arith.constant 64 : i32
    %mul3A_1227 = arith.constant 8 : i32
    %mul3A_1228 = arith.muli %scan3A_1226, %mul3A_1227 : i32
    %get3A_1229 = arith.index_cast %mul3A_1228 : i32 to index
    %get3A_1230 = arith.constant 0 : index
    %get3A_1231 = vector.load %arg6[%get3A_1229, %get3A_1230] : memref<1024x4608xf32, #tpu.memory_space<vmem>>, vector<8x2304xf32>
    %add3A_1232 = vector.broadcast %slice3A : vector<1x2304xf32> to vector<8x2304xf32>
    %add3A_1233 = arith.addf %add3A_1232, %get3A_1231 : vector<8x2304xf32>
    %mul3A_1234 = arith.constant 8 : i32
    %mul3A_1235 = arith.muli %scan3A_1226, %mul3A_1234 : i32
    %get3A_1236 = arith.index_cast %mul3A_1235 : i32 to index
    %get3A_1237 = arith.constant 0 : index
    %get3A_1238 = vector.load %arg5[%get3A_1236, %get3A_1237] : memref<1024x1xf32, #tpu.memory_space<vmem>>, vector<8x1xf32>
    %add3A_1239 = vector.broadcast %get3A_1238 : vector<8x1xf32> to vector<8x2304xf32>
    %add3A_1240 = arith.addf %add3A_1233, %add3A_1239 : vector<8x2304xf32>
    %lt3A_1241 = arith.cmpf olt, %add3A_1240, %min3A_1225 : vector<8x2304xf32>
    %broadcast_in_dim3A_1242 = vector.broadcast %scan3A_1226 : i32 to vector<8x2304xi32>
    %select_n3A_1243 = arith.select %lt3A_1241, %broadcast_in_dim3A_1242, %select_n3A_1224 : vector<8x2304xi1>, vector<8x2304xi32>
    %min3A_1244 = arith.minimumf %min3A_1225, %add3A_1240 : vector<8x2304xf32>
    %scan3A_1245 = arith.constant 65 : i32
    %mul3A_1246 = arith.constant 8 : i32
    %mul3A_1247 = arith.muli %scan3A_1245, %mul3A_1246 : i32
    %get3A_1248 = arith.index_cast %mul3A_1247 : i32 to index
    %get3A_1249 = arith.constant 0 : index
    %get3A_1250 = vector.load %arg6[%get3A_1248, %get3A_1249] : memref<1024x4608xf32, #tpu.memory_space<vmem>>, vector<8x2304xf32>
    %add3A_1251 = vector.broadcast %slice3A : vector<1x2304xf32> to vector<8x2304xf32>
    %add3A_1252 = arith.addf %add3A_1251, %get3A_1250 : vector<8x2304xf32>
    %mul3A_1253 = arith.constant 8 : i32
    %mul3A_1254 = arith.muli %scan3A_1245, %mul3A_1253 : i32
    %get3A_1255 = arith.index_cast %mul3A_1254 : i32 to index
    %get3A_1256 = arith.constant 0 : index
    %get3A_1257 = vector.load %arg5[%get3A_1255, %get3A_1256] : memref<1024x1xf32, #tpu.memory_space<vmem>>, vector<8x1xf32>
    %add3A_1258 = vector.broadcast %get3A_1257 : vector<8x1xf32> to vector<8x2304xf32>
    %add3A_1259 = arith.addf %add3A_1252, %add3A_1258 : vector<8x2304xf32>
    %lt3A_1260 = arith.cmpf olt, %add3A_1259, %min3A_1244 : vector<8x2304xf32>
    %broadcast_in_dim3A_1261 = vector.broadcast %scan3A_1245 : i32 to vector<8x2304xi32>
    %select_n3A_1262 = arith.select %lt3A_1260, %broadcast_in_dim3A_1261, %select_n3A_1243 : vector<8x2304xi1>, vector<8x2304xi32>
    %min3A_1263 = arith.minimumf %min3A_1244, %add3A_1259 : vector<8x2304xf32>
    %scan3A_1264 = arith.constant 66 : i32
    %mul3A_1265 = arith.constant 8 : i32
    %mul3A_1266 = arith.muli %scan3A_1264, %mul3A_1265 : i32
    %get3A_1267 = arith.index_cast %mul3A_1266 : i32 to index
    %get3A_1268 = arith.constant 0 : index
    %get3A_1269 = vector.load %arg6[%get3A_1267, %get3A_1268] : memref<1024x4608xf32, #tpu.memory_space<vmem>>, vector<8x2304xf32>
    %add3A_1270 = vector.broadcast %slice3A : vector<1x2304xf32> to vector<8x2304xf32>
    %add3A_1271 = arith.addf %add3A_1270, %get3A_1269 : vector<8x2304xf32>
    %mul3A_1272 = arith.constant 8 : i32
    %mul3A_1273 = arith.muli %scan3A_1264, %mul3A_1272 : i32
    %get3A_1274 = arith.index_cast %mul3A_1273 : i32 to index
    %get3A_1275 = arith.constant 0 : index
    %get3A_1276 = vector.load %arg5[%get3A_1274, %get3A_1275] : memref<1024x1xf32, #tpu.memory_space<vmem>>, vector<8x1xf32>
    %add3A_1277 = vector.broadcast %get3A_1276 : vector<8x1xf32> to vector<8x2304xf32>
    %add3A_1278 = arith.addf %add3A_1271, %add3A_1277 : vector<8x2304xf32>
    %lt3A_1279 = arith.cmpf olt, %add3A_1278, %min3A_1263 : vector<8x2304xf32>
    %broadcast_in_dim3A_1280 = vector.broadcast %scan3A_1264 : i32 to vector<8x2304xi32>
    %select_n3A_1281 = arith.select %lt3A_1279, %broadcast_in_dim3A_1280, %select_n3A_1262 : vector<8x2304xi1>, vector<8x2304xi32>
    %min3A_1282 = arith.minimumf %min3A_1263, %add3A_1278 : vector<8x2304xf32>
    %scan3A_1283 = arith.constant 67 : i32
    %mul3A_1284 = arith.constant 8 : i32
    %mul3A_1285 = arith.muli %scan3A_1283, %mul3A_1284 : i32
    %get3A_1286 = arith.index_cast %mul3A_1285 : i32 to index
    %get3A_1287 = arith.constant 0 : index
    %get3A_1288 = vector.load %arg6[%get3A_1286, %get3A_1287] : memref<1024x4608xf32, #tpu.memory_space<vmem>>, vector<8x2304xf32>
    %add3A_1289 = vector.broadcast %slice3A : vector<1x2304xf32> to vector<8x2304xf32>
    %add3A_1290 = arith.addf %add3A_1289, %get3A_1288 : vector<8x2304xf32>
    %mul3A_1291 = arith.constant 8 : i32
    %mul3A_1292 = arith.muli %scan3A_1283, %mul3A_1291 : i32
    %get3A_1293 = arith.index_cast %mul3A_1292 : i32 to index
    %get3A_1294 = arith.constant 0 : index
    %get3A_1295 = vector.load %arg5[%get3A_1293, %get3A_1294] : memref<1024x1xf32, #tpu.memory_space<vmem>>, vector<8x1xf32>
    %add3A_1296 = vector.broadcast %get3A_1295 : vector<8x1xf32> to vector<8x2304xf32>
    %add3A_1297 = arith.addf %add3A_1290, %add3A_1296 : vector<8x2304xf32>
    %lt3A_1298 = arith.cmpf olt, %add3A_1297, %min3A_1282 : vector<8x2304xf32>
    %broadcast_in_dim3A_1299 = vector.broadcast %scan3A_1283 : i32 to vector<8x2304xi32>
    %select_n3A_1300 = arith.select %lt3A_1298, %broadcast_in_dim3A_1299, %select_n3A_1281 : vector<8x2304xi1>, vector<8x2304xi32>
    %min3A_1301 = arith.minimumf %min3A_1282, %add3A_1297 : vector<8x2304xf32>
    %scan3A_1302 = arith.constant 68 : i32
    %mul3A_1303 = arith.constant 8 : i32
    %mul3A_1304 = arith.muli %scan3A_1302, %mul3A_1303 : i32
    %get3A_1305 = arith.index_cast %mul3A_1304 : i32 to index
    %get3A_1306 = arith.constant 0 : index
    %get3A_1307 = vector.load %arg6[%get3A_1305, %get3A_1306] : memref<1024x4608xf32, #tpu.memory_space<vmem>>, vector<8x2304xf32>
    %add3A_1308 = vector.broadcast %slice3A : vector<1x2304xf32> to vector<8x2304xf32>
    %add3A_1309 = arith.addf %add3A_1308, %get3A_1307 : vector<8x2304xf32>
    %mul3A_1310 = arith.constant 8 : i32
    %mul3A_1311 = arith.muli %scan3A_1302, %mul3A_1310 : i32
    %get3A_1312 = arith.index_cast %mul3A_1311 : i32 to index
    %get3A_1313 = arith.constant 0 : index
    %get3A_1314 = vector.load %arg5[%get3A_1312, %get3A_1313] : memref<1024x1xf32, #tpu.memory_space<vmem>>, vector<8x1xf32>
    %add3A_1315 = vector.broadcast %get3A_1314 : vector<8x1xf32> to vector<8x2304xf32>
    %add3A_1316 = arith.addf %add3A_1309, %add3A_1315 : vector<8x2304xf32>
    %lt3A_1317 = arith.cmpf olt, %add3A_1316, %min3A_1301 : vector<8x2304xf32>
    %broadcast_in_dim3A_1318 = vector.broadcast %scan3A_1302 : i32 to vector<8x2304xi32>
    %select_n3A_1319 = arith.select %lt3A_1317, %broadcast_in_dim3A_1318, %select_n3A_1300 : vector<8x2304xi1>, vector<8x2304xi32>
    %min3A_1320 = arith.minimumf %min3A_1301, %add3A_1316 : vector<8x2304xf32>
    %scan3A_1321 = arith.constant 69 : i32
    %mul3A_1322 = arith.constant 8 : i32
    %mul3A_1323 = arith.muli %scan3A_1321, %mul3A_1322 : i32
    %get3A_1324 = arith.index_cast %mul3A_1323 : i32 to index
    %get3A_1325 = arith.constant 0 : index
    %get3A_1326 = vector.load %arg6[%get3A_1324, %get3A_1325] : memref<1024x4608xf32, #tpu.memory_space<vmem>>, vector<8x2304xf32>
    %add3A_1327 = vector.broadcast %slice3A : vector<1x2304xf32> to vector<8x2304xf32>
    %add3A_1328 = arith.addf %add3A_1327, %get3A_1326 : vector<8x2304xf32>
    %mul3A_1329 = arith.constant 8 : i32
    %mul3A_1330 = arith.muli %scan3A_1321, %mul3A_1329 : i32
    %get3A_1331 = arith.index_cast %mul3A_1330 : i32 to index
    %get3A_1332 = arith.constant 0 : index
    %get3A_1333 = vector.load %arg5[%get3A_1331, %get3A_1332] : memref<1024x1xf32, #tpu.memory_space<vmem>>, vector<8x1xf32>
    %add3A_1334 = vector.broadcast %get3A_1333 : vector<8x1xf32> to vector<8x2304xf32>
    %add3A_1335 = arith.addf %add3A_1328, %add3A_1334 : vector<8x2304xf32>
    %lt3A_1336 = arith.cmpf olt, %add3A_1335, %min3A_1320 : vector<8x2304xf32>
    %broadcast_in_dim3A_1337 = vector.broadcast %scan3A_1321 : i32 to vector<8x2304xi32>
    %select_n3A_1338 = arith.select %lt3A_1336, %broadcast_in_dim3A_1337, %select_n3A_1319 : vector<8x2304xi1>, vector<8x2304xi32>
    %min3A_1339 = arith.minimumf %min3A_1320, %add3A_1335 : vector<8x2304xf32>
    %scan3A_1340 = arith.constant 70 : i32
    %mul3A_1341 = arith.constant 8 : i32
    %mul3A_1342 = arith.muli %scan3A_1340, %mul3A_1341 : i32
    %get3A_1343 = arith.index_cast %mul3A_1342 : i32 to index
    %get3A_1344 = arith.constant 0 : index
    %get3A_1345 = vector.load %arg6[%get3A_1343, %get3A_1344] : memref<1024x4608xf32, #tpu.memory_space<vmem>>, vector<8x2304xf32>
    %add3A_1346 = vector.broadcast %slice3A : vector<1x2304xf32> to vector<8x2304xf32>
    %add3A_1347 = arith.addf %add3A_1346, %get3A_1345 : vector<8x2304xf32>
    %mul3A_1348 = arith.constant 8 : i32
    %mul3A_1349 = arith.muli %scan3A_1340, %mul3A_1348 : i32
    %get3A_1350 = arith.index_cast %mul3A_1349 : i32 to index
    %get3A_1351 = arith.constant 0 : index
    %get3A_1352 = vector.load %arg5[%get3A_1350, %get3A_1351] : memref<1024x1xf32, #tpu.memory_space<vmem>>, vector<8x1xf32>
    %add3A_1353 = vector.broadcast %get3A_1352 : vector<8x1xf32> to vector<8x2304xf32>
    %add3A_1354 = arith.addf %add3A_1347, %add3A_1353 : vector<8x2304xf32>
    %lt3A_1355 = arith.cmpf olt, %add3A_1354, %min3A_1339 : vector<8x2304xf32>
    %broadcast_in_dim3A_1356 = vector.broadcast %scan3A_1340 : i32 to vector<8x2304xi32>
    %select_n3A_1357 = arith.select %lt3A_1355, %broadcast_in_dim3A_1356, %select_n3A_1338 : vector<8x2304xi1>, vector<8x2304xi32>
    %min3A_1358 = arith.minimumf %min3A_1339, %add3A_1354 : vector<8x2304xf32>
    %scan3A_1359 = arith.constant 71 : i32
    %mul3A_1360 = arith.constant 8 : i32
    %mul3A_1361 = arith.muli %scan3A_1359, %mul3A_1360 : i32
    %get3A_1362 = arith.index_cast %mul3A_1361 : i32 to index
    %get3A_1363 = arith.constant 0 : index
    %get3A_1364 = vector.load %arg6[%get3A_1362, %get3A_1363] : memref<1024x4608xf32, #tpu.memory_space<vmem>>, vector<8x2304xf32>
    %add3A_1365 = vector.broadcast %slice3A : vector<1x2304xf32> to vector<8x2304xf32>
    %add3A_1366 = arith.addf %add3A_1365, %get3A_1364 : vector<8x2304xf32>
    %mul3A_1367 = arith.constant 8 : i32
    %mul3A_1368 = arith.muli %scan3A_1359, %mul3A_1367 : i32
    %get3A_1369 = arith.index_cast %mul3A_1368 : i32 to index
    %get3A_1370 = arith.constant 0 : index
    %get3A_1371 = vector.load %arg5[%get3A_1369, %get3A_1370] : memref<1024x1xf32, #tpu.memory_space<vmem>>, vector<8x1xf32>
    %add3A_1372 = vector.broadcast %get3A_1371 : vector<8x1xf32> to vector<8x2304xf32>
    %add3A_1373 = arith.addf %add3A_1366, %add3A_1372 : vector<8x2304xf32>
    %lt3A_1374 = arith.cmpf olt, %add3A_1373, %min3A_1358 : vector<8x2304xf32>
    %broadcast_in_dim3A_1375 = vector.broadcast %scan3A_1359 : i32 to vector<8x2304xi32>
    %select_n3A_1376 = arith.select %lt3A_1374, %broadcast_in_dim3A_1375, %select_n3A_1357 : vector<8x2304xi1>, vector<8x2304xi32>
    %min3A_1377 = arith.minimumf %min3A_1358, %add3A_1373 : vector<8x2304xf32>
    %scan3A_1378 = arith.constant 72 : i32
    %mul3A_1379 = arith.constant 8 : i32
    %mul3A_1380 = arith.muli %scan3A_1378, %mul3A_1379 : i32
    %get3A_1381 = arith.index_cast %mul3A_1380 : i32 to index
    %get3A_1382 = arith.constant 0 : index
    %get3A_1383 = vector.load %arg6[%get3A_1381, %get3A_1382] : memref<1024x4608xf32, #tpu.memory_space<vmem>>, vector<8x2304xf32>
    %add3A_1384 = vector.broadcast %slice3A : vector<1x2304xf32> to vector<8x2304xf32>
    %add3A_1385 = arith.addf %add3A_1384, %get3A_1383 : vector<8x2304xf32>
    %mul3A_1386 = arith.constant 8 : i32
    %mul3A_1387 = arith.muli %scan3A_1378, %mul3A_1386 : i32
    %get3A_1388 = arith.index_cast %mul3A_1387 : i32 to index
    %get3A_1389 = arith.constant 0 : index
    %get3A_1390 = vector.load %arg5[%get3A_1388, %get3A_1389] : memref<1024x1xf32, #tpu.memory_space<vmem>>, vector<8x1xf32>
    %add3A_1391 = vector.broadcast %get3A_1390 : vector<8x1xf32> to vector<8x2304xf32>
    %add3A_1392 = arith.addf %add3A_1385, %add3A_1391 : vector<8x2304xf32>
    %lt3A_1393 = arith.cmpf olt, %add3A_1392, %min3A_1377 : vector<8x2304xf32>
    %broadcast_in_dim3A_1394 = vector.broadcast %scan3A_1378 : i32 to vector<8x2304xi32>
    %select_n3A_1395 = arith.select %lt3A_1393, %broadcast_in_dim3A_1394, %select_n3A_1376 : vector<8x2304xi1>, vector<8x2304xi32>
    %min3A_1396 = arith.minimumf %min3A_1377, %add3A_1392 : vector<8x2304xf32>
    %scan3A_1397 = arith.constant 73 : i32
    %mul3A_1398 = arith.constant 8 : i32
    %mul3A_1399 = arith.muli %scan3A_1397, %mul3A_1398 : i32
    %get3A_1400 = arith.index_cast %mul3A_1399 : i32 to index
    %get3A_1401 = arith.constant 0 : index
    %get3A_1402 = vector.load %arg6[%get3A_1400, %get3A_1401] : memref<1024x4608xf32, #tpu.memory_space<vmem>>, vector<8x2304xf32>
    %add3A_1403 = vector.broadcast %slice3A : vector<1x2304xf32> to vector<8x2304xf32>
    %add3A_1404 = arith.addf %add3A_1403, %get3A_1402 : vector<8x2304xf32>
    %mul3A_1405 = arith.constant 8 : i32
    %mul3A_1406 = arith.muli %scan3A_1397, %mul3A_1405 : i32
    %get3A_1407 = arith.index_cast %mul3A_1406 : i32 to index
    %get3A_1408 = arith.constant 0 : index
    %get3A_1409 = vector.load %arg5[%get3A_1407, %get3A_1408] : memref<1024x1xf32, #tpu.memory_space<vmem>>, vector<8x1xf32>
    %add3A_1410 = vector.broadcast %get3A_1409 : vector<8x1xf32> to vector<8x2304xf32>
    %add3A_1411 = arith.addf %add3A_1404, %add3A_1410 : vector<8x2304xf32>
    %lt3A_1412 = arith.cmpf olt, %add3A_1411, %min3A_1396 : vector<8x2304xf32>
    %broadcast_in_dim3A_1413 = vector.broadcast %scan3A_1397 : i32 to vector<8x2304xi32>
    %select_n3A_1414 = arith.select %lt3A_1412, %broadcast_in_dim3A_1413, %select_n3A_1395 : vector<8x2304xi1>, vector<8x2304xi32>
    %min3A_1415 = arith.minimumf %min3A_1396, %add3A_1411 : vector<8x2304xf32>
    %scan3A_1416 = arith.constant 74 : i32
    %mul3A_1417 = arith.constant 8 : i32
    %mul3A_1418 = arith.muli %scan3A_1416, %mul3A_1417 : i32
    %get3A_1419 = arith.index_cast %mul3A_1418 : i32 to index
    %get3A_1420 = arith.constant 0 : index
    %get3A_1421 = vector.load %arg6[%get3A_1419, %get3A_1420] : memref<1024x4608xf32, #tpu.memory_space<vmem>>, vector<8x2304xf32>
    %add3A_1422 = vector.broadcast %slice3A : vector<1x2304xf32> to vector<8x2304xf32>
    %add3A_1423 = arith.addf %add3A_1422, %get3A_1421 : vector<8x2304xf32>
    %mul3A_1424 = arith.constant 8 : i32
    %mul3A_1425 = arith.muli %scan3A_1416, %mul3A_1424 : i32
    %get3A_1426 = arith.index_cast %mul3A_1425 : i32 to index
    %get3A_1427 = arith.constant 0 : index
    %get3A_1428 = vector.load %arg5[%get3A_1426, %get3A_1427] : memref<1024x1xf32, #tpu.memory_space<vmem>>, vector<8x1xf32>
    %add3A_1429 = vector.broadcast %get3A_1428 : vector<8x1xf32> to vector<8x2304xf32>
    %add3A_1430 = arith.addf %add3A_1423, %add3A_1429 : vector<8x2304xf32>
    %lt3A_1431 = arith.cmpf olt, %add3A_1430, %min3A_1415 : vector<8x2304xf32>
    %broadcast_in_dim3A_1432 = vector.broadcast %scan3A_1416 : i32 to vector<8x2304xi32>
    %select_n3A_1433 = arith.select %lt3A_1431, %broadcast_in_dim3A_1432, %select_n3A_1414 : vector<8x2304xi1>, vector<8x2304xi32>
    %min3A_1434 = arith.minimumf %min3A_1415, %add3A_1430 : vector<8x2304xf32>
    %scan3A_1435 = arith.constant 75 : i32
    %mul3A_1436 = arith.constant 8 : i32
    %mul3A_1437 = arith.muli %scan3A_1435, %mul3A_1436 : i32
    %get3A_1438 = arith.index_cast %mul3A_1437 : i32 to index
    %get3A_1439 = arith.constant 0 : index
    %get3A_1440 = vector.load %arg6[%get3A_1438, %get3A_1439] : memref<1024x4608xf32, #tpu.memory_space<vmem>>, vector<8x2304xf32>
    %add3A_1441 = vector.broadcast %slice3A : vector<1x2304xf32> to vector<8x2304xf32>
    %add3A_1442 = arith.addf %add3A_1441, %get3A_1440 : vector<8x2304xf32>
    %mul3A_1443 = arith.constant 8 : i32
    %mul3A_1444 = arith.muli %scan3A_1435, %mul3A_1443 : i32
    %get3A_1445 = arith.index_cast %mul3A_1444 : i32 to index
    %get3A_1446 = arith.constant 0 : index
    %get3A_1447 = vector.load %arg5[%get3A_1445, %get3A_1446] : memref<1024x1xf32, #tpu.memory_space<vmem>>, vector<8x1xf32>
    %add3A_1448 = vector.broadcast %get3A_1447 : vector<8x1xf32> to vector<8x2304xf32>
    %add3A_1449 = arith.addf %add3A_1442, %add3A_1448 : vector<8x2304xf32>
    %lt3A_1450 = arith.cmpf olt, %add3A_1449, %min3A_1434 : vector<8x2304xf32>
    %broadcast_in_dim3A_1451 = vector.broadcast %scan3A_1435 : i32 to vector<8x2304xi32>
    %select_n3A_1452 = arith.select %lt3A_1450, %broadcast_in_dim3A_1451, %select_n3A_1433 : vector<8x2304xi1>, vector<8x2304xi32>
    %min3A_1453 = arith.minimumf %min3A_1434, %add3A_1449 : vector<8x2304xf32>
    %scan3A_1454 = arith.constant 76 : i32
    %mul3A_1455 = arith.constant 8 : i32
    %mul3A_1456 = arith.muli %scan3A_1454, %mul3A_1455 : i32
    %get3A_1457 = arith.index_cast %mul3A_1456 : i32 to index
    %get3A_1458 = arith.constant 0 : index
    %get3A_1459 = vector.load %arg6[%get3A_1457, %get3A_1458] : memref<1024x4608xf32, #tpu.memory_space<vmem>>, vector<8x2304xf32>
    %add3A_1460 = vector.broadcast %slice3A : vector<1x2304xf32> to vector<8x2304xf32>
    %add3A_1461 = arith.addf %add3A_1460, %get3A_1459 : vector<8x2304xf32>
    %mul3A_1462 = arith.constant 8 : i32
    %mul3A_1463 = arith.muli %scan3A_1454, %mul3A_1462 : i32
    %get3A_1464 = arith.index_cast %mul3A_1463 : i32 to index
    %get3A_1465 = arith.constant 0 : index
    %get3A_1466 = vector.load %arg5[%get3A_1464, %get3A_1465] : memref<1024x1xf32, #tpu.memory_space<vmem>>, vector<8x1xf32>
    %add3A_1467 = vector.broadcast %get3A_1466 : vector<8x1xf32> to vector<8x2304xf32>
    %add3A_1468 = arith.addf %add3A_1461, %add3A_1467 : vector<8x2304xf32>
    %lt3A_1469 = arith.cmpf olt, %add3A_1468, %min3A_1453 : vector<8x2304xf32>
    %broadcast_in_dim3A_1470 = vector.broadcast %scan3A_1454 : i32 to vector<8x2304xi32>
    %select_n3A_1471 = arith.select %lt3A_1469, %broadcast_in_dim3A_1470, %select_n3A_1452 : vector<8x2304xi1>, vector<8x2304xi32>
    %min3A_1472 = arith.minimumf %min3A_1453, %add3A_1468 : vector<8x2304xf32>
    %scan3A_1473 = arith.constant 77 : i32
    %mul3A_1474 = arith.constant 8 : i32
    %mul3A_1475 = arith.muli %scan3A_1473, %mul3A_1474 : i32
    %get3A_1476 = arith.index_cast %mul3A_1475 : i32 to index
    %get3A_1477 = arith.constant 0 : index
    %get3A_1478 = vector.load %arg6[%get3A_1476, %get3A_1477] : memref<1024x4608xf32, #tpu.memory_space<vmem>>, vector<8x2304xf32>
    %add3A_1479 = vector.broadcast %slice3A : vector<1x2304xf32> to vector<8x2304xf32>
    %add3A_1480 = arith.addf %add3A_1479, %get3A_1478 : vector<8x2304xf32>
    %mul3A_1481 = arith.constant 8 : i32
    %mul3A_1482 = arith.muli %scan3A_1473, %mul3A_1481 : i32
    %get3A_1483 = arith.index_cast %mul3A_1482 : i32 to index
    %get3A_1484 = arith.constant 0 : index
    %get3A_1485 = vector.load %arg5[%get3A_1483, %get3A_1484] : memref<1024x1xf32, #tpu.memory_space<vmem>>, vector<8x1xf32>
    %add3A_1486 = vector.broadcast %get3A_1485 : vector<8x1xf32> to vector<8x2304xf32>
    %add3A_1487 = arith.addf %add3A_1480, %add3A_1486 : vector<8x2304xf32>
    %lt3A_1488 = arith.cmpf olt, %add3A_1487, %min3A_1472 : vector<8x2304xf32>
    %broadcast_in_dim3A_1489 = vector.broadcast %scan3A_1473 : i32 to vector<8x2304xi32>
    %select_n3A_1490 = arith.select %lt3A_1488, %broadcast_in_dim3A_1489, %select_n3A_1471 : vector<8x2304xi1>, vector<8x2304xi32>
    %min3A_1491 = arith.minimumf %min3A_1472, %add3A_1487 : vector<8x2304xf32>
    %scan3A_1492 = arith.constant 78 : i32
    %mul3A_1493 = arith.constant 8 : i32
    %mul3A_1494 = arith.muli %scan3A_1492, %mul3A_1493 : i32
    %get3A_1495 = arith.index_cast %mul3A_1494 : i32 to index
    %get3A_1496 = arith.constant 0 : index
    %get3A_1497 = vector.load %arg6[%get3A_1495, %get3A_1496] : memref<1024x4608xf32, #tpu.memory_space<vmem>>, vector<8x2304xf32>
    %add3A_1498 = vector.broadcast %slice3A : vector<1x2304xf32> to vector<8x2304xf32>
    %add3A_1499 = arith.addf %add3A_1498, %get3A_1497 : vector<8x2304xf32>
    %mul3A_1500 = arith.constant 8 : i32
    %mul3A_1501 = arith.muli %scan3A_1492, %mul3A_1500 : i32
    %get3A_1502 = arith.index_cast %mul3A_1501 : i32 to index
    %get3A_1503 = arith.constant 0 : index
    %get3A_1504 = vector.load %arg5[%get3A_1502, %get3A_1503] : memref<1024x1xf32, #tpu.memory_space<vmem>>, vector<8x1xf32>
    %add3A_1505 = vector.broadcast %get3A_1504 : vector<8x1xf32> to vector<8x2304xf32>
    %add3A_1506 = arith.addf %add3A_1499, %add3A_1505 : vector<8x2304xf32>
    %lt3A_1507 = arith.cmpf olt, %add3A_1506, %min3A_1491 : vector<8x2304xf32>
    %broadcast_in_dim3A_1508 = vector.broadcast %scan3A_1492 : i32 to vector<8x2304xi32>
    %select_n3A_1509 = arith.select %lt3A_1507, %broadcast_in_dim3A_1508, %select_n3A_1490 : vector<8x2304xi1>, vector<8x2304xi32>
    %min3A_1510 = arith.minimumf %min3A_1491, %add3A_1506 : vector<8x2304xf32>
    %scan3A_1511 = arith.constant 79 : i32
    %mul3A_1512 = arith.constant 8 : i32
    %mul3A_1513 = arith.muli %scan3A_1511, %mul3A_1512 : i32
    %get3A_1514 = arith.index_cast %mul3A_1513 : i32 to index
    %get3A_1515 = arith.constant 0 : index
    %get3A_1516 = vector.load %arg6[%get3A_1514, %get3A_1515] : memref<1024x4608xf32, #tpu.memory_space<vmem>>, vector<8x2304xf32>
    %add3A_1517 = vector.broadcast %slice3A : vector<1x2304xf32> to vector<8x2304xf32>
    %add3A_1518 = arith.addf %add3A_1517, %get3A_1516 : vector<8x2304xf32>
    %mul3A_1519 = arith.constant 8 : i32
    %mul3A_1520 = arith.muli %scan3A_1511, %mul3A_1519 : i32
    %get3A_1521 = arith.index_cast %mul3A_1520 : i32 to index
    %get3A_1522 = arith.constant 0 : index
    %get3A_1523 = vector.load %arg5[%get3A_1521, %get3A_1522] : memref<1024x1xf32, #tpu.memory_space<vmem>>, vector<8x1xf32>
    %add3A_1524 = vector.broadcast %get3A_1523 : vector<8x1xf32> to vector<8x2304xf32>
    %add3A_1525 = arith.addf %add3A_1518, %add3A_1524 : vector<8x2304xf32>
    %lt3A_1526 = arith.cmpf olt, %add3A_1525, %min3A_1510 : vector<8x2304xf32>
    %broadcast_in_dim3A_1527 = vector.broadcast %scan3A_1511 : i32 to vector<8x2304xi32>
    %select_n3A_1528 = arith.select %lt3A_1526, %broadcast_in_dim3A_1527, %select_n3A_1509 : vector<8x2304xi1>, vector<8x2304xi32>
    %min3A_1529 = arith.minimumf %min3A_1510, %add3A_1525 : vector<8x2304xf32>
    %scan3A_1530 = arith.constant 80 : i32
    %mul3A_1531 = arith.constant 8 : i32
    %mul3A_1532 = arith.muli %scan3A_1530, %mul3A_1531 : i32
    %get3A_1533 = arith.index_cast %mul3A_1532 : i32 to index
    %get3A_1534 = arith.constant 0 : index
    %get3A_1535 = vector.load %arg6[%get3A_1533, %get3A_1534] : memref<1024x4608xf32, #tpu.memory_space<vmem>>, vector<8x2304xf32>
    %add3A_1536 = vector.broadcast %slice3A : vector<1x2304xf32> to vector<8x2304xf32>
    %add3A_1537 = arith.addf %add3A_1536, %get3A_1535 : vector<8x2304xf32>
    %mul3A_1538 = arith.constant 8 : i32
    %mul3A_1539 = arith.muli %scan3A_1530, %mul3A_1538 : i32
    %get3A_1540 = arith.index_cast %mul3A_1539 : i32 to index
    %get3A_1541 = arith.constant 0 : index
    %get3A_1542 = vector.load %arg5[%get3A_1540, %get3A_1541] : memref<1024x1xf32, #tpu.memory_space<vmem>>, vector<8x1xf32>
    %add3A_1543 = vector.broadcast %get3A_1542 : vector<8x1xf32> to vector<8x2304xf32>
    %add3A_1544 = arith.addf %add3A_1537, %add3A_1543 : vector<8x2304xf32>
    %lt3A_1545 = arith.cmpf olt, %add3A_1544, %min3A_1529 : vector<8x2304xf32>
    %broadcast_in_dim3A_1546 = vector.broadcast %scan3A_1530 : i32 to vector<8x2304xi32>
    %select_n3A_1547 = arith.select %lt3A_1545, %broadcast_in_dim3A_1546, %select_n3A_1528 : vector<8x2304xi1>, vector<8x2304xi32>
    %min3A_1548 = arith.minimumf %min3A_1529, %add3A_1544 : vector<8x2304xf32>
    %scan3A_1549 = arith.constant 81 : i32
    %mul3A_1550 = arith.constant 8 : i32
    %mul3A_1551 = arith.muli %scan3A_1549, %mul3A_1550 : i32
    %get3A_1552 = arith.index_cast %mul3A_1551 : i32 to index
    %get3A_1553 = arith.constant 0 : index
    %get3A_1554 = vector.load %arg6[%get3A_1552, %get3A_1553] : memref<1024x4608xf32, #tpu.memory_space<vmem>>, vector<8x2304xf32>
    %add3A_1555 = vector.broadcast %slice3A : vector<1x2304xf32> to vector<8x2304xf32>
    %add3A_1556 = arith.addf %add3A_1555, %get3A_1554 : vector<8x2304xf32>
    %mul3A_1557 = arith.constant 8 : i32
    %mul3A_1558 = arith.muli %scan3A_1549, %mul3A_1557 : i32
    %get3A_1559 = arith.index_cast %mul3A_1558 : i32 to index
    %get3A_1560 = arith.constant 0 : index
    %get3A_1561 = vector.load %arg5[%get3A_1559, %get3A_1560] : memref<1024x1xf32, #tpu.memory_space<vmem>>, vector<8x1xf32>
    %add3A_1562 = vector.broadcast %get3A_1561 : vector<8x1xf32> to vector<8x2304xf32>
    %add3A_1563 = arith.addf %add3A_1556, %add3A_1562 : vector<8x2304xf32>
    %lt3A_1564 = arith.cmpf olt, %add3A_1563, %min3A_1548 : vector<8x2304xf32>
    %broadcast_in_dim3A_1565 = vector.broadcast %scan3A_1549 : i32 to vector<8x2304xi32>
    %select_n3A_1566 = arith.select %lt3A_1564, %broadcast_in_dim3A_1565, %select_n3A_1547 : vector<8x2304xi1>, vector<8x2304xi32>
    %min3A_1567 = arith.minimumf %min3A_1548, %add3A_1563 : vector<8x2304xf32>
    %scan3A_1568 = arith.constant 82 : i32
    %mul3A_1569 = arith.constant 8 : i32
    %mul3A_1570 = arith.muli %scan3A_1568, %mul3A_1569 : i32
    %get3A_1571 = arith.index_cast %mul3A_1570 : i32 to index
    %get3A_1572 = arith.constant 0 : index
    %get3A_1573 = vector.load %arg6[%get3A_1571, %get3A_1572] : memref<1024x4608xf32, #tpu.memory_space<vmem>>, vector<8x2304xf32>
    %add3A_1574 = vector.broadcast %slice3A : vector<1x2304xf32> to vector<8x2304xf32>
    %add3A_1575 = arith.addf %add3A_1574, %get3A_1573 : vector<8x2304xf32>
    %mul3A_1576 = arith.constant 8 : i32
    %mul3A_1577 = arith.muli %scan3A_1568, %mul3A_1576 : i32
    %get3A_1578 = arith.index_cast %mul3A_1577 : i32 to index
    %get3A_1579 = arith.constant 0 : index
    %get3A_1580 = vector.load %arg5[%get3A_1578, %get3A_1579] : memref<1024x1xf32, #tpu.memory_space<vmem>>, vector<8x1xf32>
    %add3A_1581 = vector.broadcast %get3A_1580 : vector<8x1xf32> to vector<8x2304xf32>
    %add3A_1582 = arith.addf %add3A_1575, %add3A_1581 : vector<8x2304xf32>
    %lt3A_1583 = arith.cmpf olt, %add3A_1582, %min3A_1567 : vector<8x2304xf32>
    %broadcast_in_dim3A_1584 = vector.broadcast %scan3A_1568 : i32 to vector<8x2304xi32>
    %select_n3A_1585 = arith.select %lt3A_1583, %broadcast_in_dim3A_1584, %select_n3A_1566 : vector<8x2304xi1>, vector<8x2304xi32>
    %min3A_1586 = arith.minimumf %min3A_1567, %add3A_1582 : vector<8x2304xf32>
    %scan3A_1587 = arith.constant 83 : i32
    %mul3A_1588 = arith.constant 8 : i32
    %mul3A_1589 = arith.muli %scan3A_1587, %mul3A_1588 : i32
    %get3A_1590 = arith.index_cast %mul3A_1589 : i32 to index
    %get3A_1591 = arith.constant 0 : index
    %get3A_1592 = vector.load %arg6[%get3A_1590, %get3A_1591] : memref<1024x4608xf32, #tpu.memory_space<vmem>>, vector<8x2304xf32>
    %add3A_1593 = vector.broadcast %slice3A : vector<1x2304xf32> to vector<8x2304xf32>
    %add3A_1594 = arith.addf %add3A_1593, %get3A_1592 : vector<8x2304xf32>
    %mul3A_1595 = arith.constant 8 : i32
    %mul3A_1596 = arith.muli %scan3A_1587, %mul3A_1595 : i32
    %get3A_1597 = arith.index_cast %mul3A_1596 : i32 to index
    %get3A_1598 = arith.constant 0 : index
    %get3A_1599 = vector.load %arg5[%get3A_1597, %get3A_1598] : memref<1024x1xf32, #tpu.memory_space<vmem>>, vector<8x1xf32>
    %add3A_1600 = vector.broadcast %get3A_1599 : vector<8x1xf32> to vector<8x2304xf32>
    %add3A_1601 = arith.addf %add3A_1594, %add3A_1600 : vector<8x2304xf32>
    %lt3A_1602 = arith.cmpf olt, %add3A_1601, %min3A_1586 : vector<8x2304xf32>
    %broadcast_in_dim3A_1603 = vector.broadcast %scan3A_1587 : i32 to vector<8x2304xi32>
    %select_n3A_1604 = arith.select %lt3A_1602, %broadcast_in_dim3A_1603, %select_n3A_1585 : vector<8x2304xi1>, vector<8x2304xi32>
    %min3A_1605 = arith.minimumf %min3A_1586, %add3A_1601 : vector<8x2304xf32>
    %scan3A_1606 = arith.constant 84 : i32
    %mul3A_1607 = arith.constant 8 : i32
    %mul3A_1608 = arith.muli %scan3A_1606, %mul3A_1607 : i32
    %get3A_1609 = arith.index_cast %mul3A_1608 : i32 to index
    %get3A_1610 = arith.constant 0 : index
    %get3A_1611 = vector.load %arg6[%get3A_1609, %get3A_1610] : memref<1024x4608xf32, #tpu.memory_space<vmem>>, vector<8x2304xf32>
    %add3A_1612 = vector.broadcast %slice3A : vector<1x2304xf32> to vector<8x2304xf32>
    %add3A_1613 = arith.addf %add3A_1612, %get3A_1611 : vector<8x2304xf32>
    %mul3A_1614 = arith.constant 8 : i32
    %mul3A_1615 = arith.muli %scan3A_1606, %mul3A_1614 : i32
    %get3A_1616 = arith.index_cast %mul3A_1615 : i32 to index
    %get3A_1617 = arith.constant 0 : index
    %get3A_1618 = vector.load %arg5[%get3A_1616, %get3A_1617] : memref<1024x1xf32, #tpu.memory_space<vmem>>, vector<8x1xf32>
    %add3A_1619 = vector.broadcast %get3A_1618 : vector<8x1xf32> to vector<8x2304xf32>
    %add3A_1620 = arith.addf %add3A_1613, %add3A_1619 : vector<8x2304xf32>
    %lt3A_1621 = arith.cmpf olt, %add3A_1620, %min3A_1605 : vector<8x2304xf32>
    %broadcast_in_dim3A_1622 = vector.broadcast %scan3A_1606 : i32 to vector<8x2304xi32>
    %select_n3A_1623 = arith.select %lt3A_1621, %broadcast_in_dim3A_1622, %select_n3A_1604 : vector<8x2304xi1>, vector<8x2304xi32>
    %min3A_1624 = arith.minimumf %min3A_1605, %add3A_1620 : vector<8x2304xf32>
    %scan3A_1625 = arith.constant 85 : i32
    %mul3A_1626 = arith.constant 8 : i32
    %mul3A_1627 = arith.muli %scan3A_1625, %mul3A_1626 : i32
    %get3A_1628 = arith.index_cast %mul3A_1627 : i32 to index
    %get3A_1629 = arith.constant 0 : index
    %get3A_1630 = vector.load %arg6[%get3A_1628, %get3A_1629] : memref<1024x4608xf32, #tpu.memory_space<vmem>>, vector<8x2304xf32>
    %add3A_1631 = vector.broadcast %slice3A : vector<1x2304xf32> to vector<8x2304xf32>
    %add3A_1632 = arith.addf %add3A_1631, %get3A_1630 : vector<8x2304xf32>
    %mul3A_1633 = arith.constant 8 : i32
    %mul3A_1634 = arith.muli %scan3A_1625, %mul3A_1633 : i32
    %get3A_1635 = arith.index_cast %mul3A_1634 : i32 to index
    %get3A_1636 = arith.constant 0 : index
    %get3A_1637 = vector.load %arg5[%get3A_1635, %get3A_1636] : memref<1024x1xf32, #tpu.memory_space<vmem>>, vector<8x1xf32>
    %add3A_1638 = vector.broadcast %get3A_1637 : vector<8x1xf32> to vector<8x2304xf32>
    %add3A_1639 = arith.addf %add3A_1632, %add3A_1638 : vector<8x2304xf32>
    %lt3A_1640 = arith.cmpf olt, %add3A_1639, %min3A_1624 : vector<8x2304xf32>
    %broadcast_in_dim3A_1641 = vector.broadcast %scan3A_1625 : i32 to vector<8x2304xi32>
    %select_n3A_1642 = arith.select %lt3A_1640, %broadcast_in_dim3A_1641, %select_n3A_1623 : vector<8x2304xi1>, vector<8x2304xi32>
    %min3A_1643 = arith.minimumf %min3A_1624, %add3A_1639 : vector<8x2304xf32>
    %scan3A_1644 = arith.constant 86 : i32
    %mul3A_1645 = arith.constant 8 : i32
    %mul3A_1646 = arith.muli %scan3A_1644, %mul3A_1645 : i32
    %get3A_1647 = arith.index_cast %mul3A_1646 : i32 to index
    %get3A_1648 = arith.constant 0 : index
    %get3A_1649 = vector.load %arg6[%get3A_1647, %get3A_1648] : memref<1024x4608xf32, #tpu.memory_space<vmem>>, vector<8x2304xf32>
    %add3A_1650 = vector.broadcast %slice3A : vector<1x2304xf32> to vector<8x2304xf32>
    %add3A_1651 = arith.addf %add3A_1650, %get3A_1649 : vector<8x2304xf32>
    %mul3A_1652 = arith.constant 8 : i32
    %mul3A_1653 = arith.muli %scan3A_1644, %mul3A_1652 : i32
    %get3A_1654 = arith.index_cast %mul3A_1653 : i32 to index
    %get3A_1655 = arith.constant 0 : index
    %get3A_1656 = vector.load %arg5[%get3A_1654, %get3A_1655] : memref<1024x1xf32, #tpu.memory_space<vmem>>, vector<8x1xf32>
    %add3A_1657 = vector.broadcast %get3A_1656 : vector<8x1xf32> to vector<8x2304xf32>
    %add3A_1658 = arith.addf %add3A_1651, %add3A_1657 : vector<8x2304xf32>
    %lt3A_1659 = arith.cmpf olt, %add3A_1658, %min3A_1643 : vector<8x2304xf32>
    %broadcast_in_dim3A_1660 = vector.broadcast %scan3A_1644 : i32 to vector<8x2304xi32>
    %select_n3A_1661 = arith.select %lt3A_1659, %broadcast_in_dim3A_1660, %select_n3A_1642 : vector<8x2304xi1>, vector<8x2304xi32>
    %min3A_1662 = arith.minimumf %min3A_1643, %add3A_1658 : vector<8x2304xf32>
    %scan3A_1663 = arith.constant 87 : i32
    %mul3A_1664 = arith.constant 8 : i32
    %mul3A_1665 = arith.muli %scan3A_1663, %mul3A_1664 : i32
    %get3A_1666 = arith.index_cast %mul3A_1665 : i32 to index
    %get3A_1667 = arith.constant 0 : index
    %get3A_1668 = vector.load %arg6[%get3A_1666, %get3A_1667] : memref<1024x4608xf32, #tpu.memory_space<vmem>>, vector<8x2304xf32>
    %add3A_1669 = vector.broadcast %slice3A : vector<1x2304xf32> to vector<8x2304xf32>
    %add3A_1670 = arith.addf %add3A_1669, %get3A_1668 : vector<8x2304xf32>
    %mul3A_1671 = arith.constant 8 : i32
    %mul3A_1672 = arith.muli %scan3A_1663, %mul3A_1671 : i32
    %get3A_1673 = arith.index_cast %mul3A_1672 : i32 to index
    %get3A_1674 = arith.constant 0 : index
    %get3A_1675 = vector.load %arg5[%get3A_1673, %get3A_1674] : memref<1024x1xf32, #tpu.memory_space<vmem>>, vector<8x1xf32>
    %add3A_1676 = vector.broadcast %get3A_1675 : vector<8x1xf32> to vector<8x2304xf32>
    %add3A_1677 = arith.addf %add3A_1670, %add3A_1676 : vector<8x2304xf32>
    %lt3A_1678 = arith.cmpf olt, %add3A_1677, %min3A_1662 : vector<8x2304xf32>
    %broadcast_in_dim3A_1679 = vector.broadcast %scan3A_1663 : i32 to vector<8x2304xi32>
    %select_n3A_1680 = arith.select %lt3A_1678, %broadcast_in_dim3A_1679, %select_n3A_1661 : vector<8x2304xi1>, vector<8x2304xi32>
    %min3A_1681 = arith.minimumf %min3A_1662, %add3A_1677 : vector<8x2304xf32>
    %scan3A_1682 = arith.constant 88 : i32
    %mul3A_1683 = arith.constant 8 : i32
    %mul3A_1684 = arith.muli %scan3A_1682, %mul3A_1683 : i32
    %get3A_1685 = arith.index_cast %mul3A_1684 : i32 to index
    %get3A_1686 = arith.constant 0 : index
    %get3A_1687 = vector.load %arg6[%get3A_1685, %get3A_1686] : memref<1024x4608xf32, #tpu.memory_space<vmem>>, vector<8x2304xf32>
    %add3A_1688 = vector.broadcast %slice3A : vector<1x2304xf32> to vector<8x2304xf32>
    %add3A_1689 = arith.addf %add3A_1688, %get3A_1687 : vector<8x2304xf32>
    %mul3A_1690 = arith.constant 8 : i32
    %mul3A_1691 = arith.muli %scan3A_1682, %mul3A_1690 : i32
    %get3A_1692 = arith.index_cast %mul3A_1691 : i32 to index
    %get3A_1693 = arith.constant 0 : index
    %get3A_1694 = vector.load %arg5[%get3A_1692, %get3A_1693] : memref<1024x1xf32, #tpu.memory_space<vmem>>, vector<8x1xf32>
    %add3A_1695 = vector.broadcast %get3A_1694 : vector<8x1xf32> to vector<8x2304xf32>
    %add3A_1696 = arith.addf %add3A_1689, %add3A_1695 : vector<8x2304xf32>
    %lt3A_1697 = arith.cmpf olt, %add3A_1696, %min3A_1681 : vector<8x2304xf32>
    %broadcast_in_dim3A_1698 = vector.broadcast %scan3A_1682 : i32 to vector<8x2304xi32>
    %select_n3A_1699 = arith.select %lt3A_1697, %broadcast_in_dim3A_1698, %select_n3A_1680 : vector<8x2304xi1>, vector<8x2304xi32>
    %min3A_1700 = arith.minimumf %min3A_1681, %add3A_1696 : vector<8x2304xf32>
    %scan3A_1701 = arith.constant 89 : i32
    %mul3A_1702 = arith.constant 8 : i32
    %mul3A_1703 = arith.muli %scan3A_1701, %mul3A_1702 : i32
    %get3A_1704 = arith.index_cast %mul3A_1703 : i32 to index
    %get3A_1705 = arith.constant 0 : index
    %get3A_1706 = vector.load %arg6[%get3A_1704, %get3A_1705] : memref<1024x4608xf32, #tpu.memory_space<vmem>>, vector<8x2304xf32>
    %add3A_1707 = vector.broadcast %slice3A : vector<1x2304xf32> to vector<8x2304xf32>
    %add3A_1708 = arith.addf %add3A_1707, %get3A_1706 : vector<8x2304xf32>
    %mul3A_1709 = arith.constant 8 : i32
    %mul3A_1710 = arith.muli %scan3A_1701, %mul3A_1709 : i32
    %get3A_1711 = arith.index_cast %mul3A_1710 : i32 to index
    %get3A_1712 = arith.constant 0 : index
    %get3A_1713 = vector.load %arg5[%get3A_1711, %get3A_1712] : memref<1024x1xf32, #tpu.memory_space<vmem>>, vector<8x1xf32>
    %add3A_1714 = vector.broadcast %get3A_1713 : vector<8x1xf32> to vector<8x2304xf32>
    %add3A_1715 = arith.addf %add3A_1708, %add3A_1714 : vector<8x2304xf32>
    %lt3A_1716 = arith.cmpf olt, %add3A_1715, %min3A_1700 : vector<8x2304xf32>
    %broadcast_in_dim3A_1717 = vector.broadcast %scan3A_1701 : i32 to vector<8x2304xi32>
    %select_n3A_1718 = arith.select %lt3A_1716, %broadcast_in_dim3A_1717, %select_n3A_1699 : vector<8x2304xi1>, vector<8x2304xi32>
    %min3A_1719 = arith.minimumf %min3A_1700, %add3A_1715 : vector<8x2304xf32>
    %scan3A_1720 = arith.constant 90 : i32
    %mul3A_1721 = arith.constant 8 : i32
    %mul3A_1722 = arith.muli %scan3A_1720, %mul3A_1721 : i32
    %get3A_1723 = arith.index_cast %mul3A_1722 : i32 to index
    %get3A_1724 = arith.constant 0 : index
    %get3A_1725 = vector.load %arg6[%get3A_1723, %get3A_1724] : memref<1024x4608xf32, #tpu.memory_space<vmem>>, vector<8x2304xf32>
    %add3A_1726 = vector.broadcast %slice3A : vector<1x2304xf32> to vector<8x2304xf32>
    %add3A_1727 = arith.addf %add3A_1726, %get3A_1725 : vector<8x2304xf32>
    %mul3A_1728 = arith.constant 8 : i32
    %mul3A_1729 = arith.muli %scan3A_1720, %mul3A_1728 : i32
    %get3A_1730 = arith.index_cast %mul3A_1729 : i32 to index
    %get3A_1731 = arith.constant 0 : index
    %get3A_1732 = vector.load %arg5[%get3A_1730, %get3A_1731] : memref<1024x1xf32, #tpu.memory_space<vmem>>, vector<8x1xf32>
    %add3A_1733 = vector.broadcast %get3A_1732 : vector<8x1xf32> to vector<8x2304xf32>
    %add3A_1734 = arith.addf %add3A_1727, %add3A_1733 : vector<8x2304xf32>
    %lt3A_1735 = arith.cmpf olt, %add3A_1734, %min3A_1719 : vector<8x2304xf32>
    %broadcast_in_dim3A_1736 = vector.broadcast %scan3A_1720 : i32 to vector<8x2304xi32>
    %select_n3A_1737 = arith.select %lt3A_1735, %broadcast_in_dim3A_1736, %select_n3A_1718 : vector<8x2304xi1>, vector<8x2304xi32>
    %min3A_1738 = arith.minimumf %min3A_1719, %add3A_1734 : vector<8x2304xf32>
    %scan3A_1739 = arith.constant 91 : i32
    %mul3A_1740 = arith.constant 8 : i32
    %mul3A_1741 = arith.muli %scan3A_1739, %mul3A_1740 : i32
    %get3A_1742 = arith.index_cast %mul3A_1741 : i32 to index
    %get3A_1743 = arith.constant 0 : index
    %get3A_1744 = vector.load %arg6[%get3A_1742, %get3A_1743] : memref<1024x4608xf32, #tpu.memory_space<vmem>>, vector<8x2304xf32>
    %add3A_1745 = vector.broadcast %slice3A : vector<1x2304xf32> to vector<8x2304xf32>
    %add3A_1746 = arith.addf %add3A_1745, %get3A_1744 : vector<8x2304xf32>
    %mul3A_1747 = arith.constant 8 : i32
    %mul3A_1748 = arith.muli %scan3A_1739, %mul3A_1747 : i32
    %get3A_1749 = arith.index_cast %mul3A_1748 : i32 to index
    %get3A_1750 = arith.constant 0 : index
    %get3A_1751 = vector.load %arg5[%get3A_1749, %get3A_1750] : memref<1024x1xf32, #tpu.memory_space<vmem>>, vector<8x1xf32>
    %add3A_1752 = vector.broadcast %get3A_1751 : vector<8x1xf32> to vector<8x2304xf32>
    %add3A_1753 = arith.addf %add3A_1746, %add3A_1752 : vector<8x2304xf32>
    %lt3A_1754 = arith.cmpf olt, %add3A_1753, %min3A_1738 : vector<8x2304xf32>
    %broadcast_in_dim3A_1755 = vector.broadcast %scan3A_1739 : i32 to vector<8x2304xi32>
    %select_n3A_1756 = arith.select %lt3A_1754, %broadcast_in_dim3A_1755, %select_n3A_1737 : vector<8x2304xi1>, vector<8x2304xi32>
    %min3A_1757 = arith.minimumf %min3A_1738, %add3A_1753 : vector<8x2304xf32>
    %scan3A_1758 = arith.constant 92 : i32
    %mul3A_1759 = arith.constant 8 : i32
    %mul3A_1760 = arith.muli %scan3A_1758, %mul3A_1759 : i32
    %get3A_1761 = arith.index_cast %mul3A_1760 : i32 to index
    %get3A_1762 = arith.constant 0 : index
    %get3A_1763 = vector.load %arg6[%get3A_1761, %get3A_1762] : memref<1024x4608xf32, #tpu.memory_space<vmem>>, vector<8x2304xf32>
    %add3A_1764 = vector.broadcast %slice3A : vector<1x2304xf32> to vector<8x2304xf32>
    %add3A_1765 = arith.addf %add3A_1764, %get3A_1763 : vector<8x2304xf32>
    %mul3A_1766 = arith.constant 8 : i32
    %mul3A_1767 = arith.muli %scan3A_1758, %mul3A_1766 : i32
    %get3A_1768 = arith.index_cast %mul3A_1767 : i32 to index
    %get3A_1769 = arith.constant 0 : index
    %get3A_1770 = vector.load %arg5[%get3A_1768, %get3A_1769] : memref<1024x1xf32, #tpu.memory_space<vmem>>, vector<8x1xf32>
    %add3A_1771 = vector.broadcast %get3A_1770 : vector<8x1xf32> to vector<8x2304xf32>
    %add3A_1772 = arith.addf %add3A_1765, %add3A_1771 : vector<8x2304xf32>
    %lt3A_1773 = arith.cmpf olt, %add3A_1772, %min3A_1757 : vector<8x2304xf32>
    %broadcast_in_dim3A_1774 = vector.broadcast %scan3A_1758 : i32 to vector<8x2304xi32>
    %select_n3A_1775 = arith.select %lt3A_1773, %broadcast_in_dim3A_1774, %select_n3A_1756 : vector<8x2304xi1>, vector<8x2304xi32>
    %min3A_1776 = arith.minimumf %min3A_1757, %add3A_1772 : vector<8x2304xf32>
    %scan3A_1777 = arith.constant 93 : i32
    %mul3A_1778 = arith.constant 8 : i32
    %mul3A_1779 = arith.muli %scan3A_1777, %mul3A_1778 : i32
    %get3A_1780 = arith.index_cast %mul3A_1779 : i32 to index
    %get3A_1781 = arith.constant 0 : index
    %get3A_1782 = vector.load %arg6[%get3A_1780, %get3A_1781] : memref<1024x4608xf32, #tpu.memory_space<vmem>>, vector<8x2304xf32>
    %add3A_1783 = vector.broadcast %slice3A : vector<1x2304xf32> to vector<8x2304xf32>
    %add3A_1784 = arith.addf %add3A_1783, %get3A_1782 : vector<8x2304xf32>
    %mul3A_1785 = arith.constant 8 : i32
    %mul3A_1786 = arith.muli %scan3A_1777, %mul3A_1785 : i32
    %get3A_1787 = arith.index_cast %mul3A_1786 : i32 to index
    %get3A_1788 = arith.constant 0 : index
    %get3A_1789 = vector.load %arg5[%get3A_1787, %get3A_1788] : memref<1024x1xf32, #tpu.memory_space<vmem>>, vector<8x1xf32>
    %add3A_1790 = vector.broadcast %get3A_1789 : vector<8x1xf32> to vector<8x2304xf32>
    %add3A_1791 = arith.addf %add3A_1784, %add3A_1790 : vector<8x2304xf32>
    %lt3A_1792 = arith.cmpf olt, %add3A_1791, %min3A_1776 : vector<8x2304xf32>
    %broadcast_in_dim3A_1793 = vector.broadcast %scan3A_1777 : i32 to vector<8x2304xi32>
    %select_n3A_1794 = arith.select %lt3A_1792, %broadcast_in_dim3A_1793, %select_n3A_1775 : vector<8x2304xi1>, vector<8x2304xi32>
    %min3A_1795 = arith.minimumf %min3A_1776, %add3A_1791 : vector<8x2304xf32>
    %scan3A_1796 = arith.constant 94 : i32
    %mul3A_1797 = arith.constant 8 : i32
    %mul3A_1798 = arith.muli %scan3A_1796, %mul3A_1797 : i32
    %get3A_1799 = arith.index_cast %mul3A_1798 : i32 to index
    %get3A_1800 = arith.constant 0 : index
    %get3A_1801 = vector.load %arg6[%get3A_1799, %get3A_1800] : memref<1024x4608xf32, #tpu.memory_space<vmem>>, vector<8x2304xf32>
    %add3A_1802 = vector.broadcast %slice3A : vector<1x2304xf32> to vector<8x2304xf32>
    %add3A_1803 = arith.addf %add3A_1802, %get3A_1801 : vector<8x2304xf32>
    %mul3A_1804 = arith.constant 8 : i32
    %mul3A_1805 = arith.muli %scan3A_1796, %mul3A_1804 : i32
    %get3A_1806 = arith.index_cast %mul3A_1805 : i32 to index
    %get3A_1807 = arith.constant 0 : index
    %get3A_1808 = vector.load %arg5[%get3A_1806, %get3A_1807] : memref<1024x1xf32, #tpu.memory_space<vmem>>, vector<8x1xf32>
    %add3A_1809 = vector.broadcast %get3A_1808 : vector<8x1xf32> to vector<8x2304xf32>
    %add3A_1810 = arith.addf %add3A_1803, %add3A_1809 : vector<8x2304xf32>
    %lt3A_1811 = arith.cmpf olt, %add3A_1810, %min3A_1795 : vector<8x2304xf32>
    %broadcast_in_dim3A_1812 = vector.broadcast %scan3A_1796 : i32 to vector<8x2304xi32>
    %select_n3A_1813 = arith.select %lt3A_1811, %broadcast_in_dim3A_1812, %select_n3A_1794 : vector<8x2304xi1>, vector<8x2304xi32>
    %min3A_1814 = arith.minimumf %min3A_1795, %add3A_1810 : vector<8x2304xf32>
    %scan3A_1815 = arith.constant 95 : i32
    %mul3A_1816 = arith.constant 8 : i32
    %mul3A_1817 = arith.muli %scan3A_1815, %mul3A_1816 : i32
    %get3A_1818 = arith.index_cast %mul3A_1817 : i32 to index
    %get3A_1819 = arith.constant 0 : index
    %get3A_1820 = vector.load %arg6[%get3A_1818, %get3A_1819] : memref<1024x4608xf32, #tpu.memory_space<vmem>>, vector<8x2304xf32>
    %add3A_1821 = vector.broadcast %slice3A : vector<1x2304xf32> to vector<8x2304xf32>
    %add3A_1822 = arith.addf %add3A_1821, %get3A_1820 : vector<8x2304xf32>
    %mul3A_1823 = arith.constant 8 : i32
    %mul3A_1824 = arith.muli %scan3A_1815, %mul3A_1823 : i32
    %get3A_1825 = arith.index_cast %mul3A_1824 : i32 to index
    %get3A_1826 = arith.constant 0 : index
    %get3A_1827 = vector.load %arg5[%get3A_1825, %get3A_1826] : memref<1024x1xf32, #tpu.memory_space<vmem>>, vector<8x1xf32>
    %add3A_1828 = vector.broadcast %get3A_1827 : vector<8x1xf32> to vector<8x2304xf32>
    %add3A_1829 = arith.addf %add3A_1822, %add3A_1828 : vector<8x2304xf32>
    %lt3A_1830 = arith.cmpf olt, %add3A_1829, %min3A_1814 : vector<8x2304xf32>
    %broadcast_in_dim3A_1831 = vector.broadcast %scan3A_1815 : i32 to vector<8x2304xi32>
    %select_n3A_1832 = arith.select %lt3A_1830, %broadcast_in_dim3A_1831, %select_n3A_1813 : vector<8x2304xi1>, vector<8x2304xi32>
    %min3A_1833 = arith.minimumf %min3A_1814, %add3A_1829 : vector<8x2304xf32>
    %scan3A_1834 = arith.constant 96 : i32
    %mul3A_1835 = arith.constant 8 : i32
    %mul3A_1836 = arith.muli %scan3A_1834, %mul3A_1835 : i32
    %get3A_1837 = arith.index_cast %mul3A_1836 : i32 to index
    %get3A_1838 = arith.constant 0 : index
    %get3A_1839 = vector.load %arg6[%get3A_1837, %get3A_1838] : memref<1024x4608xf32, #tpu.memory_space<vmem>>, vector<8x2304xf32>
    %add3A_1840 = vector.broadcast %slice3A : vector<1x2304xf32> to vector<8x2304xf32>
    %add3A_1841 = arith.addf %add3A_1840, %get3A_1839 : vector<8x2304xf32>
    %mul3A_1842 = arith.constant 8 : i32
    %mul3A_1843 = arith.muli %scan3A_1834, %mul3A_1842 : i32
    %get3A_1844 = arith.index_cast %mul3A_1843 : i32 to index
    %get3A_1845 = arith.constant 0 : index
    %get3A_1846 = vector.load %arg5[%get3A_1844, %get3A_1845] : memref<1024x1xf32, #tpu.memory_space<vmem>>, vector<8x1xf32>
    %add3A_1847 = vector.broadcast %get3A_1846 : vector<8x1xf32> to vector<8x2304xf32>
    %add3A_1848 = arith.addf %add3A_1841, %add3A_1847 : vector<8x2304xf32>
    %lt3A_1849 = arith.cmpf olt, %add3A_1848, %min3A_1833 : vector<8x2304xf32>
    %broadcast_in_dim3A_1850 = vector.broadcast %scan3A_1834 : i32 to vector<8x2304xi32>
    %select_n3A_1851 = arith.select %lt3A_1849, %broadcast_in_dim3A_1850, %select_n3A_1832 : vector<8x2304xi1>, vector<8x2304xi32>
    %min3A_1852 = arith.minimumf %min3A_1833, %add3A_1848 : vector<8x2304xf32>
    %scan3A_1853 = arith.constant 97 : i32
    %mul3A_1854 = arith.constant 8 : i32
    %mul3A_1855 = arith.muli %scan3A_1853, %mul3A_1854 : i32
    %get3A_1856 = arith.index_cast %mul3A_1855 : i32 to index
    %get3A_1857 = arith.constant 0 : index
    %get3A_1858 = vector.load %arg6[%get3A_1856, %get3A_1857] : memref<1024x4608xf32, #tpu.memory_space<vmem>>, vector<8x2304xf32>
    %add3A_1859 = vector.broadcast %slice3A : vector<1x2304xf32> to vector<8x2304xf32>
    %add3A_1860 = arith.addf %add3A_1859, %get3A_1858 : vector<8x2304xf32>
    %mul3A_1861 = arith.constant 8 : i32
    %mul3A_1862 = arith.muli %scan3A_1853, %mul3A_1861 : i32
    %get3A_1863 = arith.index_cast %mul3A_1862 : i32 to index
    %get3A_1864 = arith.constant 0 : index
    %get3A_1865 = vector.load %arg5[%get3A_1863, %get3A_1864] : memref<1024x1xf32, #tpu.memory_space<vmem>>, vector<8x1xf32>
    %add3A_1866 = vector.broadcast %get3A_1865 : vector<8x1xf32> to vector<8x2304xf32>
    %add3A_1867 = arith.addf %add3A_1860, %add3A_1866 : vector<8x2304xf32>
    %lt3A_1868 = arith.cmpf olt, %add3A_1867, %min3A_1852 : vector<8x2304xf32>
    %broadcast_in_dim3A_1869 = vector.broadcast %scan3A_1853 : i32 to vector<8x2304xi32>
    %select_n3A_1870 = arith.select %lt3A_1868, %broadcast_in_dim3A_1869, %select_n3A_1851 : vector<8x2304xi1>, vector<8x2304xi32>
    %min3A_1871 = arith.minimumf %min3A_1852, %add3A_1867 : vector<8x2304xf32>
    %scan3A_1872 = arith.constant 98 : i32
    %mul3A_1873 = arith.constant 8 : i32
    %mul3A_1874 = arith.muli %scan3A_1872, %mul3A_1873 : i32
    %get3A_1875 = arith.index_cast %mul3A_1874 : i32 to index
    %get3A_1876 = arith.constant 0 : index
    %get3A_1877 = vector.load %arg6[%get3A_1875, %get3A_1876] : memref<1024x4608xf32, #tpu.memory_space<vmem>>, vector<8x2304xf32>
    %add3A_1878 = vector.broadcast %slice3A : vector<1x2304xf32> to vector<8x2304xf32>
    %add3A_1879 = arith.addf %add3A_1878, %get3A_1877 : vector<8x2304xf32>
    %mul3A_1880 = arith.constant 8 : i32
    %mul3A_1881 = arith.muli %scan3A_1872, %mul3A_1880 : i32
    %get3A_1882 = arith.index_cast %mul3A_1881 : i32 to index
    %get3A_1883 = arith.constant 0 : index
    %get3A_1884 = vector.load %arg5[%get3A_1882, %get3A_1883] : memref<1024x1xf32, #tpu.memory_space<vmem>>, vector<8x1xf32>
    %add3A_1885 = vector.broadcast %get3A_1884 : vector<8x1xf32> to vector<8x2304xf32>
    %add3A_1886 = arith.addf %add3A_1879, %add3A_1885 : vector<8x2304xf32>
    %lt3A_1887 = arith.cmpf olt, %add3A_1886, %min3A_1871 : vector<8x2304xf32>
    %broadcast_in_dim3A_1888 = vector.broadcast %scan3A_1872 : i32 to vector<8x2304xi32>
    %select_n3A_1889 = arith.select %lt3A_1887, %broadcast_in_dim3A_1888, %select_n3A_1870 : vector<8x2304xi1>, vector<8x2304xi32>
    %min3A_1890 = arith.minimumf %min3A_1871, %add3A_1886 : vector<8x2304xf32>
    %scan3A_1891 = arith.constant 99 : i32
    %mul3A_1892 = arith.constant 8 : i32
    %mul3A_1893 = arith.muli %scan3A_1891, %mul3A_1892 : i32
    %get3A_1894 = arith.index_cast %mul3A_1893 : i32 to index
    %get3A_1895 = arith.constant 0 : index
    %get3A_1896 = vector.load %arg6[%get3A_1894, %get3A_1895] : memref<1024x4608xf32, #tpu.memory_space<vmem>>, vector<8x2304xf32>
    %add3A_1897 = vector.broadcast %slice3A : vector<1x2304xf32> to vector<8x2304xf32>
    %add3A_1898 = arith.addf %add3A_1897, %get3A_1896 : vector<8x2304xf32>
    %mul3A_1899 = arith.constant 8 : i32
    %mul3A_1900 = arith.muli %scan3A_1891, %mul3A_1899 : i32
    %get3A_1901 = arith.index_cast %mul3A_1900 : i32 to index
    %get3A_1902 = arith.constant 0 : index
    %get3A_1903 = vector.load %arg5[%get3A_1901, %get3A_1902] : memref<1024x1xf32, #tpu.memory_space<vmem>>, vector<8x1xf32>
    %add3A_1904 = vector.broadcast %get3A_1903 : vector<8x1xf32> to vector<8x2304xf32>
    %add3A_1905 = arith.addf %add3A_1898, %add3A_1904 : vector<8x2304xf32>
    %lt3A_1906 = arith.cmpf olt, %add3A_1905, %min3A_1890 : vector<8x2304xf32>
    %broadcast_in_dim3A_1907 = vector.broadcast %scan3A_1891 : i32 to vector<8x2304xi32>
    %select_n3A_1908 = arith.select %lt3A_1906, %broadcast_in_dim3A_1907, %select_n3A_1889 : vector<8x2304xi1>, vector<8x2304xi32>
    %min3A_1909 = arith.minimumf %min3A_1890, %add3A_1905 : vector<8x2304xf32>
    %scan3A_1910 = arith.constant 100 : i32
    %mul3A_1911 = arith.constant 8 : i32
    %mul3A_1912 = arith.muli %scan3A_1910, %mul3A_1911 : i32
    %get3A_1913 = arith.index_cast %mul3A_1912 : i32 to index
    %get3A_1914 = arith.constant 0 : index
    %get3A_1915 = vector.load %arg6[%get3A_1913, %get3A_1914] : memref<1024x4608xf32, #tpu.memory_space<vmem>>, vector<8x2304xf32>
    %add3A_1916 = vector.broadcast %slice3A : vector<1x2304xf32> to vector<8x2304xf32>
    %add3A_1917 = arith.addf %add3A_1916, %get3A_1915 : vector<8x2304xf32>
    %mul3A_1918 = arith.constant 8 : i32
    %mul3A_1919 = arith.muli %scan3A_1910, %mul3A_1918 : i32
    %get3A_1920 = arith.index_cast %mul3A_1919 : i32 to index
    %get3A_1921 = arith.constant 0 : index
    %get3A_1922 = vector.load %arg5[%get3A_1920, %get3A_1921] : memref<1024x1xf32, #tpu.memory_space<vmem>>, vector<8x1xf32>
    %add3A_1923 = vector.broadcast %get3A_1922 : vector<8x1xf32> to vector<8x2304xf32>
    %add3A_1924 = arith.addf %add3A_1917, %add3A_1923 : vector<8x2304xf32>
    %lt3A_1925 = arith.cmpf olt, %add3A_1924, %min3A_1909 : vector<8x2304xf32>
    %broadcast_in_dim3A_1926 = vector.broadcast %scan3A_1910 : i32 to vector<8x2304xi32>
    %select_n3A_1927 = arith.select %lt3A_1925, %broadcast_in_dim3A_1926, %select_n3A_1908 : vector<8x2304xi1>, vector<8x2304xi32>
    %min3A_1928 = arith.minimumf %min3A_1909, %add3A_1924 : vector<8x2304xf32>
    %scan3A_1929 = arith.constant 101 : i32
    %mul3A_1930 = arith.constant 8 : i32
    %mul3A_1931 = arith.muli %scan3A_1929, %mul3A_1930 : i32
    %get3A_1932 = arith.index_cast %mul3A_1931 : i32 to index
    %get3A_1933 = arith.constant 0 : index
    %get3A_1934 = vector.load %arg6[%get3A_1932, %get3A_1933] : memref<1024x4608xf32, #tpu.memory_space<vmem>>, vector<8x2304xf32>
    %add3A_1935 = vector.broadcast %slice3A : vector<1x2304xf32> to vector<8x2304xf32>
    %add3A_1936 = arith.addf %add3A_1935, %get3A_1934 : vector<8x2304xf32>
    %mul3A_1937 = arith.constant 8 : i32
    %mul3A_1938 = arith.muli %scan3A_1929, %mul3A_1937 : i32
    %get3A_1939 = arith.index_cast %mul3A_1938 : i32 to index
    %get3A_1940 = arith.constant 0 : index
    %get3A_1941 = vector.load %arg5[%get3A_1939, %get3A_1940] : memref<1024x1xf32, #tpu.memory_space<vmem>>, vector<8x1xf32>
    %add3A_1942 = vector.broadcast %get3A_1941 : vector<8x1xf32> to vector<8x2304xf32>
    %add3A_1943 = arith.addf %add3A_1936, %add3A_1942 : vector<8x2304xf32>
    %lt3A_1944 = arith.cmpf olt, %add3A_1943, %min3A_1928 : vector<8x2304xf32>
    %broadcast_in_dim3A_1945 = vector.broadcast %scan3A_1929 : i32 to vector<8x2304xi32>
    %select_n3A_1946 = arith.select %lt3A_1944, %broadcast_in_dim3A_1945, %select_n3A_1927 : vector<8x2304xi1>, vector<8x2304xi32>
    %min3A_1947 = arith.minimumf %min3A_1928, %add3A_1943 : vector<8x2304xf32>
    %scan3A_1948 = arith.constant 102 : i32
    %mul3A_1949 = arith.constant 8 : i32
    %mul3A_1950 = arith.muli %scan3A_1948, %mul3A_1949 : i32
    %get3A_1951 = arith.index_cast %mul3A_1950 : i32 to index
    %get3A_1952 = arith.constant 0 : index
    %get3A_1953 = vector.load %arg6[%get3A_1951, %get3A_1952] : memref<1024x4608xf32, #tpu.memory_space<vmem>>, vector<8x2304xf32>
    %add3A_1954 = vector.broadcast %slice3A : vector<1x2304xf32> to vector<8x2304xf32>
    %add3A_1955 = arith.addf %add3A_1954, %get3A_1953 : vector<8x2304xf32>
    %mul3A_1956 = arith.constant 8 : i32
    %mul3A_1957 = arith.muli %scan3A_1948, %mul3A_1956 : i32
    %get3A_1958 = arith.index_cast %mul3A_1957 : i32 to index
    %get3A_1959 = arith.constant 0 : index
    %get3A_1960 = vector.load %arg5[%get3A_1958, %get3A_1959] : memref<1024x1xf32, #tpu.memory_space<vmem>>, vector<8x1xf32>
    %add3A_1961 = vector.broadcast %get3A_1960 : vector<8x1xf32> to vector<8x2304xf32>
    %add3A_1962 = arith.addf %add3A_1955, %add3A_1961 : vector<8x2304xf32>
    %lt3A_1963 = arith.cmpf olt, %add3A_1962, %min3A_1947 : vector<8x2304xf32>
    %broadcast_in_dim3A_1964 = vector.broadcast %scan3A_1948 : i32 to vector<8x2304xi32>
    %select_n3A_1965 = arith.select %lt3A_1963, %broadcast_in_dim3A_1964, %select_n3A_1946 : vector<8x2304xi1>, vector<8x2304xi32>
    %min3A_1966 = arith.minimumf %min3A_1947, %add3A_1962 : vector<8x2304xf32>
    %scan3A_1967 = arith.constant 103 : i32
    %mul3A_1968 = arith.constant 8 : i32
    %mul3A_1969 = arith.muli %scan3A_1967, %mul3A_1968 : i32
    %get3A_1970 = arith.index_cast %mul3A_1969 : i32 to index
    %get3A_1971 = arith.constant 0 : index
    %get3A_1972 = vector.load %arg6[%get3A_1970, %get3A_1971] : memref<1024x4608xf32, #tpu.memory_space<vmem>>, vector<8x2304xf32>
    %add3A_1973 = vector.broadcast %slice3A : vector<1x2304xf32> to vector<8x2304xf32>
    %add3A_1974 = arith.addf %add3A_1973, %get3A_1972 : vector<8x2304xf32>
    %mul3A_1975 = arith.constant 8 : i32
    %mul3A_1976 = arith.muli %scan3A_1967, %mul3A_1975 : i32
    %get3A_1977 = arith.index_cast %mul3A_1976 : i32 to index
    %get3A_1978 = arith.constant 0 : index
    %get3A_1979 = vector.load %arg5[%get3A_1977, %get3A_1978] : memref<1024x1xf32, #tpu.memory_space<vmem>>, vector<8x1xf32>
    %add3A_1980 = vector.broadcast %get3A_1979 : vector<8x1xf32> to vector<8x2304xf32>
    %add3A_1981 = arith.addf %add3A_1974, %add3A_1980 : vector<8x2304xf32>
    %lt3A_1982 = arith.cmpf olt, %add3A_1981, %min3A_1966 : vector<8x2304xf32>
    %broadcast_in_dim3A_1983 = vector.broadcast %scan3A_1967 : i32 to vector<8x2304xi32>
    %select_n3A_1984 = arith.select %lt3A_1982, %broadcast_in_dim3A_1983, %select_n3A_1965 : vector<8x2304xi1>, vector<8x2304xi32>
    %min3A_1985 = arith.minimumf %min3A_1966, %add3A_1981 : vector<8x2304xf32>
    %scan3A_1986 = arith.constant 104 : i32
    %mul3A_1987 = arith.constant 8 : i32
    %mul3A_1988 = arith.muli %scan3A_1986, %mul3A_1987 : i32
    %get3A_1989 = arith.index_cast %mul3A_1988 : i32 to index
    %get3A_1990 = arith.constant 0 : index
    %get3A_1991 = vector.load %arg6[%get3A_1989, %get3A_1990] : memref<1024x4608xf32, #tpu.memory_space<vmem>>, vector<8x2304xf32>
    %add3A_1992 = vector.broadcast %slice3A : vector<1x2304xf32> to vector<8x2304xf32>
    %add3A_1993 = arith.addf %add3A_1992, %get3A_1991 : vector<8x2304xf32>
    %mul3A_1994 = arith.constant 8 : i32
    %mul3A_1995 = arith.muli %scan3A_1986, %mul3A_1994 : i32
    %get3A_1996 = arith.index_cast %mul3A_1995 : i32 to index
    %get3A_1997 = arith.constant 0 : index
    %get3A_1998 = vector.load %arg5[%get3A_1996, %get3A_1997] : memref<1024x1xf32, #tpu.memory_space<vmem>>, vector<8x1xf32>
    %add3A_1999 = vector.broadcast %get3A_1998 : vector<8x1xf32> to vector<8x2304xf32>
    %add3A_2000 = arith.addf %add3A_1993, %add3A_1999 : vector<8x2304xf32>
    %lt3A_2001 = arith.cmpf olt, %add3A_2000, %min3A_1985 : vector<8x2304xf32>
    %broadcast_in_dim3A_2002 = vector.broadcast %scan3A_1986 : i32 to vector<8x2304xi32>
    %select_n3A_2003 = arith.select %lt3A_2001, %broadcast_in_dim3A_2002, %select_n3A_1984 : vector<8x2304xi1>, vector<8x2304xi32>
    %min3A_2004 = arith.minimumf %min3A_1985, %add3A_2000 : vector<8x2304xf32>
    %scan3A_2005 = arith.constant 105 : i32
    %mul3A_2006 = arith.constant 8 : i32
    %mul3A_2007 = arith.muli %scan3A_2005, %mul3A_2006 : i32
    %get3A_2008 = arith.index_cast %mul3A_2007 : i32 to index
    %get3A_2009 = arith.constant 0 : index
    %get3A_2010 = vector.load %arg6[%get3A_2008, %get3A_2009] : memref<1024x4608xf32, #tpu.memory_space<vmem>>, vector<8x2304xf32>
    %add3A_2011 = vector.broadcast %slice3A : vector<1x2304xf32> to vector<8x2304xf32>
    %add3A_2012 = arith.addf %add3A_2011, %get3A_2010 : vector<8x2304xf32>
    %mul3A_2013 = arith.constant 8 : i32
    %mul3A_2014 = arith.muli %scan3A_2005, %mul3A_2013 : i32
    %get3A_2015 = arith.index_cast %mul3A_2014 : i32 to index
    %get3A_2016 = arith.constant 0 : index
    %get3A_2017 = vector.load %arg5[%get3A_2015, %get3A_2016] : memref<1024x1xf32, #tpu.memory_space<vmem>>, vector<8x1xf32>
    %add3A_2018 = vector.broadcast %get3A_2017 : vector<8x1xf32> to vector<8x2304xf32>
    %add3A_2019 = arith.addf %add3A_2012, %add3A_2018 : vector<8x2304xf32>
    %lt3A_2020 = arith.cmpf olt, %add3A_2019, %min3A_2004 : vector<8x2304xf32>
    %broadcast_in_dim3A_2021 = vector.broadcast %scan3A_2005 : i32 to vector<8x2304xi32>
    %select_n3A_2022 = arith.select %lt3A_2020, %broadcast_in_dim3A_2021, %select_n3A_2003 : vector<8x2304xi1>, vector<8x2304xi32>
    %min3A_2023 = arith.minimumf %min3A_2004, %add3A_2019 : vector<8x2304xf32>
    %scan3A_2024 = arith.constant 106 : i32
    %mul3A_2025 = arith.constant 8 : i32
    %mul3A_2026 = arith.muli %scan3A_2024, %mul3A_2025 : i32
    %get3A_2027 = arith.index_cast %mul3A_2026 : i32 to index
    %get3A_2028 = arith.constant 0 : index
    %get3A_2029 = vector.load %arg6[%get3A_2027, %get3A_2028] : memref<1024x4608xf32, #tpu.memory_space<vmem>>, vector<8x2304xf32>
    %add3A_2030 = vector.broadcast %slice3A : vector<1x2304xf32> to vector<8x2304xf32>
    %add3A_2031 = arith.addf %add3A_2030, %get3A_2029 : vector<8x2304xf32>
    %mul3A_2032 = arith.constant 8 : i32
    %mul3A_2033 = arith.muli %scan3A_2024, %mul3A_2032 : i32
    %get3A_2034 = arith.index_cast %mul3A_2033 : i32 to index
    %get3A_2035 = arith.constant 0 : index
    %get3A_2036 = vector.load %arg5[%get3A_2034, %get3A_2035] : memref<1024x1xf32, #tpu.memory_space<vmem>>, vector<8x1xf32>
    %add3A_2037 = vector.broadcast %get3A_2036 : vector<8x1xf32> to vector<8x2304xf32>
    %add3A_2038 = arith.addf %add3A_2031, %add3A_2037 : vector<8x2304xf32>
    %lt3A_2039 = arith.cmpf olt, %add3A_2038, %min3A_2023 : vector<8x2304xf32>
    %broadcast_in_dim3A_2040 = vector.broadcast %scan3A_2024 : i32 to vector<8x2304xi32>
    %select_n3A_2041 = arith.select %lt3A_2039, %broadcast_in_dim3A_2040, %select_n3A_2022 : vector<8x2304xi1>, vector<8x2304xi32>
    %min3A_2042 = arith.minimumf %min3A_2023, %add3A_2038 : vector<8x2304xf32>
    %scan3A_2043 = arith.constant 107 : i32
    %mul3A_2044 = arith.constant 8 : i32
    %mul3A_2045 = arith.muli %scan3A_2043, %mul3A_2044 : i32
    %get3A_2046 = arith.index_cast %mul3A_2045 : i32 to index
    %get3A_2047 = arith.constant 0 : index
    %get3A_2048 = vector.load %arg6[%get3A_2046, %get3A_2047] : memref<1024x4608xf32, #tpu.memory_space<vmem>>, vector<8x2304xf32>
    %add3A_2049 = vector.broadcast %slice3A : vector<1x2304xf32> to vector<8x2304xf32>
    %add3A_2050 = arith.addf %add3A_2049, %get3A_2048 : vector<8x2304xf32>
    %mul3A_2051 = arith.constant 8 : i32
    %mul3A_2052 = arith.muli %scan3A_2043, %mul3A_2051 : i32
    %get3A_2053 = arith.index_cast %mul3A_2052 : i32 to index
    %get3A_2054 = arith.constant 0 : index
    %get3A_2055 = vector.load %arg5[%get3A_2053, %get3A_2054] : memref<1024x1xf32, #tpu.memory_space<vmem>>, vector<8x1xf32>
    %add3A_2056 = vector.broadcast %get3A_2055 : vector<8x1xf32> to vector<8x2304xf32>
    %add3A_2057 = arith.addf %add3A_2050, %add3A_2056 : vector<8x2304xf32>
    %lt3A_2058 = arith.cmpf olt, %add3A_2057, %min3A_2042 : vector<8x2304xf32>
    %broadcast_in_dim3A_2059 = vector.broadcast %scan3A_2043 : i32 to vector<8x2304xi32>
    %select_n3A_2060 = arith.select %lt3A_2058, %broadcast_in_dim3A_2059, %select_n3A_2041 : vector<8x2304xi1>, vector<8x2304xi32>
    %min3A_2061 = arith.minimumf %min3A_2042, %add3A_2057 : vector<8x2304xf32>
    %scan3A_2062 = arith.constant 108 : i32
    %mul3A_2063 = arith.constant 8 : i32
    %mul3A_2064 = arith.muli %scan3A_2062, %mul3A_2063 : i32
    %get3A_2065 = arith.index_cast %mul3A_2064 : i32 to index
    %get3A_2066 = arith.constant 0 : index
    %get3A_2067 = vector.load %arg6[%get3A_2065, %get3A_2066] : memref<1024x4608xf32, #tpu.memory_space<vmem>>, vector<8x2304xf32>
    %add3A_2068 = vector.broadcast %slice3A : vector<1x2304xf32> to vector<8x2304xf32>
    %add3A_2069 = arith.addf %add3A_2068, %get3A_2067 : vector<8x2304xf32>
    %mul3A_2070 = arith.constant 8 : i32
    %mul3A_2071 = arith.muli %scan3A_2062, %mul3A_2070 : i32
    %get3A_2072 = arith.index_cast %mul3A_2071 : i32 to index
    %get3A_2073 = arith.constant 0 : index
    %get3A_2074 = vector.load %arg5[%get3A_2072, %get3A_2073] : memref<1024x1xf32, #tpu.memory_space<vmem>>, vector<8x1xf32>
    %add3A_2075 = vector.broadcast %get3A_2074 : vector<8x1xf32> to vector<8x2304xf32>
    %add3A_2076 = arith.addf %add3A_2069, %add3A_2075 : vector<8x2304xf32>
    %lt3A_2077 = arith.cmpf olt, %add3A_2076, %min3A_2061 : vector<8x2304xf32>
    %broadcast_in_dim3A_2078 = vector.broadcast %scan3A_2062 : i32 to vector<8x2304xi32>
    %select_n3A_2079 = arith.select %lt3A_2077, %broadcast_in_dim3A_2078, %select_n3A_2060 : vector<8x2304xi1>, vector<8x2304xi32>
    %min3A_2080 = arith.minimumf %min3A_2061, %add3A_2076 : vector<8x2304xf32>
    %scan3A_2081 = arith.constant 109 : i32
    %mul3A_2082 = arith.constant 8 : i32
    %mul3A_2083 = arith.muli %scan3A_2081, %mul3A_2082 : i32
    %get3A_2084 = arith.index_cast %mul3A_2083 : i32 to index
    %get3A_2085 = arith.constant 0 : index
    %get3A_2086 = vector.load %arg6[%get3A_2084, %get3A_2085] : memref<1024x4608xf32, #tpu.memory_space<vmem>>, vector<8x2304xf32>
    %add3A_2087 = vector.broadcast %slice3A : vector<1x2304xf32> to vector<8x2304xf32>
    %add3A_2088 = arith.addf %add3A_2087, %get3A_2086 : vector<8x2304xf32>
    %mul3A_2089 = arith.constant 8 : i32
    %mul3A_2090 = arith.muli %scan3A_2081, %mul3A_2089 : i32
    %get3A_2091 = arith.index_cast %mul3A_2090 : i32 to index
    %get3A_2092 = arith.constant 0 : index
    %get3A_2093 = vector.load %arg5[%get3A_2091, %get3A_2092] : memref<1024x1xf32, #tpu.memory_space<vmem>>, vector<8x1xf32>
    %add3A_2094 = vector.broadcast %get3A_2093 : vector<8x1xf32> to vector<8x2304xf32>
    %add3A_2095 = arith.addf %add3A_2088, %add3A_2094 : vector<8x2304xf32>
    %lt3A_2096 = arith.cmpf olt, %add3A_2095, %min3A_2080 : vector<8x2304xf32>
    %broadcast_in_dim3A_2097 = vector.broadcast %scan3A_2081 : i32 to vector<8x2304xi32>
    %select_n3A_2098 = arith.select %lt3A_2096, %broadcast_in_dim3A_2097, %select_n3A_2079 : vector<8x2304xi1>, vector<8x2304xi32>
    %min3A_2099 = arith.minimumf %min3A_2080, %add3A_2095 : vector<8x2304xf32>
    %scan3A_2100 = arith.constant 110 : i32
    %mul3A_2101 = arith.constant 8 : i32
    %mul3A_2102 = arith.muli %scan3A_2100, %mul3A_2101 : i32
    %get3A_2103 = arith.index_cast %mul3A_2102 : i32 to index
    %get3A_2104 = arith.constant 0 : index
    %get3A_2105 = vector.load %arg6[%get3A_2103, %get3A_2104] : memref<1024x4608xf32, #tpu.memory_space<vmem>>, vector<8x2304xf32>
    %add3A_2106 = vector.broadcast %slice3A : vector<1x2304xf32> to vector<8x2304xf32>
    %add3A_2107 = arith.addf %add3A_2106, %get3A_2105 : vector<8x2304xf32>
    %mul3A_2108 = arith.constant 8 : i32
    %mul3A_2109 = arith.muli %scan3A_2100, %mul3A_2108 : i32
    %get3A_2110 = arith.index_cast %mul3A_2109 : i32 to index
    %get3A_2111 = arith.constant 0 : index
    %get3A_2112 = vector.load %arg5[%get3A_2110, %get3A_2111] : memref<1024x1xf32, #tpu.memory_space<vmem>>, vector<8x1xf32>
    %add3A_2113 = vector.broadcast %get3A_2112 : vector<8x1xf32> to vector<8x2304xf32>
    %add3A_2114 = arith.addf %add3A_2107, %add3A_2113 : vector<8x2304xf32>
    %lt3A_2115 = arith.cmpf olt, %add3A_2114, %min3A_2099 : vector<8x2304xf32>
    %broadcast_in_dim3A_2116 = vector.broadcast %scan3A_2100 : i32 to vector<8x2304xi32>
    %select_n3A_2117 = arith.select %lt3A_2115, %broadcast_in_dim3A_2116, %select_n3A_2098 : vector<8x2304xi1>, vector<8x2304xi32>
    %min3A_2118 = arith.minimumf %min3A_2099, %add3A_2114 : vector<8x2304xf32>
    %scan3A_2119 = arith.constant 111 : i32
    %mul3A_2120 = arith.constant 8 : i32
    %mul3A_2121 = arith.muli %scan3A_2119, %mul3A_2120 : i32
    %get3A_2122 = arith.index_cast %mul3A_2121 : i32 to index
    %get3A_2123 = arith.constant 0 : index
    %get3A_2124 = vector.load %arg6[%get3A_2122, %get3A_2123] : memref<1024x4608xf32, #tpu.memory_space<vmem>>, vector<8x2304xf32>
    %add3A_2125 = vector.broadcast %slice3A : vector<1x2304xf32> to vector<8x2304xf32>
    %add3A_2126 = arith.addf %add3A_2125, %get3A_2124 : vector<8x2304xf32>
    %mul3A_2127 = arith.constant 8 : i32
    %mul3A_2128 = arith.muli %scan3A_2119, %mul3A_2127 : i32
    %get3A_2129 = arith.index_cast %mul3A_2128 : i32 to index
    %get3A_2130 = arith.constant 0 : index
    %get3A_2131 = vector.load %arg5[%get3A_2129, %get3A_2130] : memref<1024x1xf32, #tpu.memory_space<vmem>>, vector<8x1xf32>
    %add3A_2132 = vector.broadcast %get3A_2131 : vector<8x1xf32> to vector<8x2304xf32>
    %add3A_2133 = arith.addf %add3A_2126, %add3A_2132 : vector<8x2304xf32>
    %lt3A_2134 = arith.cmpf olt, %add3A_2133, %min3A_2118 : vector<8x2304xf32>
    %broadcast_in_dim3A_2135 = vector.broadcast %scan3A_2119 : i32 to vector<8x2304xi32>
    %select_n3A_2136 = arith.select %lt3A_2134, %broadcast_in_dim3A_2135, %select_n3A_2117 : vector<8x2304xi1>, vector<8x2304xi32>
    %min3A_2137 = arith.minimumf %min3A_2118, %add3A_2133 : vector<8x2304xf32>
    %scan3A_2138 = arith.constant 112 : i32
    %mul3A_2139 = arith.constant 8 : i32
    %mul3A_2140 = arith.muli %scan3A_2138, %mul3A_2139 : i32
    %get3A_2141 = arith.index_cast %mul3A_2140 : i32 to index
    %get3A_2142 = arith.constant 0 : index
    %get3A_2143 = vector.load %arg6[%get3A_2141, %get3A_2142] : memref<1024x4608xf32, #tpu.memory_space<vmem>>, vector<8x2304xf32>
    %add3A_2144 = vector.broadcast %slice3A : vector<1x2304xf32> to vector<8x2304xf32>
    %add3A_2145 = arith.addf %add3A_2144, %get3A_2143 : vector<8x2304xf32>
    %mul3A_2146 = arith.constant 8 : i32
    %mul3A_2147 = arith.muli %scan3A_2138, %mul3A_2146 : i32
    %get3A_2148 = arith.index_cast %mul3A_2147 : i32 to index
    %get3A_2149 = arith.constant 0 : index
    %get3A_2150 = vector.load %arg5[%get3A_2148, %get3A_2149] : memref<1024x1xf32, #tpu.memory_space<vmem>>, vector<8x1xf32>
    %add3A_2151 = vector.broadcast %get3A_2150 : vector<8x1xf32> to vector<8x2304xf32>
    %add3A_2152 = arith.addf %add3A_2145, %add3A_2151 : vector<8x2304xf32>
    %lt3A_2153 = arith.cmpf olt, %add3A_2152, %min3A_2137 : vector<8x2304xf32>
    %broadcast_in_dim3A_2154 = vector.broadcast %scan3A_2138 : i32 to vector<8x2304xi32>
    %select_n3A_2155 = arith.select %lt3A_2153, %broadcast_in_dim3A_2154, %select_n3A_2136 : vector<8x2304xi1>, vector<8x2304xi32>
    %min3A_2156 = arith.minimumf %min3A_2137, %add3A_2152 : vector<8x2304xf32>
    %scan3A_2157 = arith.constant 113 : i32
    %mul3A_2158 = arith.constant 8 : i32
    %mul3A_2159 = arith.muli %scan3A_2157, %mul3A_2158 : i32
    %get3A_2160 = arith.index_cast %mul3A_2159 : i32 to index
    %get3A_2161 = arith.constant 0 : index
    %get3A_2162 = vector.load %arg6[%get3A_2160, %get3A_2161] : memref<1024x4608xf32, #tpu.memory_space<vmem>>, vector<8x2304xf32>
    %add3A_2163 = vector.broadcast %slice3A : vector<1x2304xf32> to vector<8x2304xf32>
    %add3A_2164 = arith.addf %add3A_2163, %get3A_2162 : vector<8x2304xf32>
    %mul3A_2165 = arith.constant 8 : i32
    %mul3A_2166 = arith.muli %scan3A_2157, %mul3A_2165 : i32
    %get3A_2167 = arith.index_cast %mul3A_2166 : i32 to index
    %get3A_2168 = arith.constant 0 : index
    %get3A_2169 = vector.load %arg5[%get3A_2167, %get3A_2168] : memref<1024x1xf32, #tpu.memory_space<vmem>>, vector<8x1xf32>
    %add3A_2170 = vector.broadcast %get3A_2169 : vector<8x1xf32> to vector<8x2304xf32>
    %add3A_2171 = arith.addf %add3A_2164, %add3A_2170 : vector<8x2304xf32>
    %lt3A_2172 = arith.cmpf olt, %add3A_2171, %min3A_2156 : vector<8x2304xf32>
    %broadcast_in_dim3A_2173 = vector.broadcast %scan3A_2157 : i32 to vector<8x2304xi32>
    %select_n3A_2174 = arith.select %lt3A_2172, %broadcast_in_dim3A_2173, %select_n3A_2155 : vector<8x2304xi1>, vector<8x2304xi32>
    %min3A_2175 = arith.minimumf %min3A_2156, %add3A_2171 : vector<8x2304xf32>
    %scan3A_2176 = arith.constant 114 : i32
    %mul3A_2177 = arith.constant 8 : i32
    %mul3A_2178 = arith.muli %scan3A_2176, %mul3A_2177 : i32
    %get3A_2179 = arith.index_cast %mul3A_2178 : i32 to index
    %get3A_2180 = arith.constant 0 : index
    %get3A_2181 = vector.load %arg6[%get3A_2179, %get3A_2180] : memref<1024x4608xf32, #tpu.memory_space<vmem>>, vector<8x2304xf32>
    %add3A_2182 = vector.broadcast %slice3A : vector<1x2304xf32> to vector<8x2304xf32>
    %add3A_2183 = arith.addf %add3A_2182, %get3A_2181 : vector<8x2304xf32>
    %mul3A_2184 = arith.constant 8 : i32
    %mul3A_2185 = arith.muli %scan3A_2176, %mul3A_2184 : i32
    %get3A_2186 = arith.index_cast %mul3A_2185 : i32 to index
    %get3A_2187 = arith.constant 0 : index
    %get3A_2188 = vector.load %arg5[%get3A_2186, %get3A_2187] : memref<1024x1xf32, #tpu.memory_space<vmem>>, vector<8x1xf32>
    %add3A_2189 = vector.broadcast %get3A_2188 : vector<8x1xf32> to vector<8x2304xf32>
    %add3A_2190 = arith.addf %add3A_2183, %add3A_2189 : vector<8x2304xf32>
    %lt3A_2191 = arith.cmpf olt, %add3A_2190, %min3A_2175 : vector<8x2304xf32>
    %broadcast_in_dim3A_2192 = vector.broadcast %scan3A_2176 : i32 to vector<8x2304xi32>
    %select_n3A_2193 = arith.select %lt3A_2191, %broadcast_in_dim3A_2192, %select_n3A_2174 : vector<8x2304xi1>, vector<8x2304xi32>
    %min3A_2194 = arith.minimumf %min3A_2175, %add3A_2190 : vector<8x2304xf32>
    %scan3A_2195 = arith.constant 115 : i32
    %mul3A_2196 = arith.constant 8 : i32
    %mul3A_2197 = arith.muli %scan3A_2195, %mul3A_2196 : i32
    %get3A_2198 = arith.index_cast %mul3A_2197 : i32 to index
    %get3A_2199 = arith.constant 0 : index
    %get3A_2200 = vector.load %arg6[%get3A_2198, %get3A_2199] : memref<1024x4608xf32, #tpu.memory_space<vmem>>, vector<8x2304xf32>
    %add3A_2201 = vector.broadcast %slice3A : vector<1x2304xf32> to vector<8x2304xf32>
    %add3A_2202 = arith.addf %add3A_2201, %get3A_2200 : vector<8x2304xf32>
    %mul3A_2203 = arith.constant 8 : i32
    %mul3A_2204 = arith.muli %scan3A_2195, %mul3A_2203 : i32
    %get3A_2205 = arith.index_cast %mul3A_2204 : i32 to index
    %get3A_2206 = arith.constant 0 : index
    %get3A_2207 = vector.load %arg5[%get3A_2205, %get3A_2206] : memref<1024x1xf32, #tpu.memory_space<vmem>>, vector<8x1xf32>
    %add3A_2208 = vector.broadcast %get3A_2207 : vector<8x1xf32> to vector<8x2304xf32>
    %add3A_2209 = arith.addf %add3A_2202, %add3A_2208 : vector<8x2304xf32>
    %lt3A_2210 = arith.cmpf olt, %add3A_2209, %min3A_2194 : vector<8x2304xf32>
    %broadcast_in_dim3A_2211 = vector.broadcast %scan3A_2195 : i32 to vector<8x2304xi32>
    %select_n3A_2212 = arith.select %lt3A_2210, %broadcast_in_dim3A_2211, %select_n3A_2193 : vector<8x2304xi1>, vector<8x2304xi32>
    %min3A_2213 = arith.minimumf %min3A_2194, %add3A_2209 : vector<8x2304xf32>
    %scan3A_2214 = arith.constant 116 : i32
    %mul3A_2215 = arith.constant 8 : i32
    %mul3A_2216 = arith.muli %scan3A_2214, %mul3A_2215 : i32
    %get3A_2217 = arith.index_cast %mul3A_2216 : i32 to index
    %get3A_2218 = arith.constant 0 : index
    %get3A_2219 = vector.load %arg6[%get3A_2217, %get3A_2218] : memref<1024x4608xf32, #tpu.memory_space<vmem>>, vector<8x2304xf32>
    %add3A_2220 = vector.broadcast %slice3A : vector<1x2304xf32> to vector<8x2304xf32>
    %add3A_2221 = arith.addf %add3A_2220, %get3A_2219 : vector<8x2304xf32>
    %mul3A_2222 = arith.constant 8 : i32
    %mul3A_2223 = arith.muli %scan3A_2214, %mul3A_2222 : i32
    %get3A_2224 = arith.index_cast %mul3A_2223 : i32 to index
    %get3A_2225 = arith.constant 0 : index
    %get3A_2226 = vector.load %arg5[%get3A_2224, %get3A_2225] : memref<1024x1xf32, #tpu.memory_space<vmem>>, vector<8x1xf32>
    %add3A_2227 = vector.broadcast %get3A_2226 : vector<8x1xf32> to vector<8x2304xf32>
    %add3A_2228 = arith.addf %add3A_2221, %add3A_2227 : vector<8x2304xf32>
    %lt3A_2229 = arith.cmpf olt, %add3A_2228, %min3A_2213 : vector<8x2304xf32>
    %broadcast_in_dim3A_2230 = vector.broadcast %scan3A_2214 : i32 to vector<8x2304xi32>
    %select_n3A_2231 = arith.select %lt3A_2229, %broadcast_in_dim3A_2230, %select_n3A_2212 : vector<8x2304xi1>, vector<8x2304xi32>
    %min3A_2232 = arith.minimumf %min3A_2213, %add3A_2228 : vector<8x2304xf32>
    %scan3A_2233 = arith.constant 117 : i32
    %mul3A_2234 = arith.constant 8 : i32
    %mul3A_2235 = arith.muli %scan3A_2233, %mul3A_2234 : i32
    %get3A_2236 = arith.index_cast %mul3A_2235 : i32 to index
    %get3A_2237 = arith.constant 0 : index
    %get3A_2238 = vector.load %arg6[%get3A_2236, %get3A_2237] : memref<1024x4608xf32, #tpu.memory_space<vmem>>, vector<8x2304xf32>
    %add3A_2239 = vector.broadcast %slice3A : vector<1x2304xf32> to vector<8x2304xf32>
    %add3A_2240 = arith.addf %add3A_2239, %get3A_2238 : vector<8x2304xf32>
    %mul3A_2241 = arith.constant 8 : i32
    %mul3A_2242 = arith.muli %scan3A_2233, %mul3A_2241 : i32
    %get3A_2243 = arith.index_cast %mul3A_2242 : i32 to index
    %get3A_2244 = arith.constant 0 : index
    %get3A_2245 = vector.load %arg5[%get3A_2243, %get3A_2244] : memref<1024x1xf32, #tpu.memory_space<vmem>>, vector<8x1xf32>
    %add3A_2246 = vector.broadcast %get3A_2245 : vector<8x1xf32> to vector<8x2304xf32>
    %add3A_2247 = arith.addf %add3A_2240, %add3A_2246 : vector<8x2304xf32>
    %lt3A_2248 = arith.cmpf olt, %add3A_2247, %min3A_2232 : vector<8x2304xf32>
    %broadcast_in_dim3A_2249 = vector.broadcast %scan3A_2233 : i32 to vector<8x2304xi32>
    %select_n3A_2250 = arith.select %lt3A_2248, %broadcast_in_dim3A_2249, %select_n3A_2231 : vector<8x2304xi1>, vector<8x2304xi32>
    %min3A_2251 = arith.minimumf %min3A_2232, %add3A_2247 : vector<8x2304xf32>
    %scan3A_2252 = arith.constant 118 : i32
    %mul3A_2253 = arith.constant 8 : i32
    %mul3A_2254 = arith.muli %scan3A_2252, %mul3A_2253 : i32
    %get3A_2255 = arith.index_cast %mul3A_2254 : i32 to index
    %get3A_2256 = arith.constant 0 : index
    %get3A_2257 = vector.load %arg6[%get3A_2255, %get3A_2256] : memref<1024x4608xf32, #tpu.memory_space<vmem>>, vector<8x2304xf32>
    %add3A_2258 = vector.broadcast %slice3A : vector<1x2304xf32> to vector<8x2304xf32>
    %add3A_2259 = arith.addf %add3A_2258, %get3A_2257 : vector<8x2304xf32>
    %mul3A_2260 = arith.constant 8 : i32
    %mul3A_2261 = arith.muli %scan3A_2252, %mul3A_2260 : i32
    %get3A_2262 = arith.index_cast %mul3A_2261 : i32 to index
    %get3A_2263 = arith.constant 0 : index
    %get3A_2264 = vector.load %arg5[%get3A_2262, %get3A_2263] : memref<1024x1xf32, #tpu.memory_space<vmem>>, vector<8x1xf32>
    %add3A_2265 = vector.broadcast %get3A_2264 : vector<8x1xf32> to vector<8x2304xf32>
    %add3A_2266 = arith.addf %add3A_2259, %add3A_2265 : vector<8x2304xf32>
    %lt3A_2267 = arith.cmpf olt, %add3A_2266, %min3A_2251 : vector<8x2304xf32>
    %broadcast_in_dim3A_2268 = vector.broadcast %scan3A_2252 : i32 to vector<8x2304xi32>
    %select_n3A_2269 = arith.select %lt3A_2267, %broadcast_in_dim3A_2268, %select_n3A_2250 : vector<8x2304xi1>, vector<8x2304xi32>
    %min3A_2270 = arith.minimumf %min3A_2251, %add3A_2266 : vector<8x2304xf32>
    %scan3A_2271 = arith.constant 119 : i32
    %mul3A_2272 = arith.constant 8 : i32
    %mul3A_2273 = arith.muli %scan3A_2271, %mul3A_2272 : i32
    %get3A_2274 = arith.index_cast %mul3A_2273 : i32 to index
    %get3A_2275 = arith.constant 0 : index
    %get3A_2276 = vector.load %arg6[%get3A_2274, %get3A_2275] : memref<1024x4608xf32, #tpu.memory_space<vmem>>, vector<8x2304xf32>
    %add3A_2277 = vector.broadcast %slice3A : vector<1x2304xf32> to vector<8x2304xf32>
    %add3A_2278 = arith.addf %add3A_2277, %get3A_2276 : vector<8x2304xf32>
    %mul3A_2279 = arith.constant 8 : i32
    %mul3A_2280 = arith.muli %scan3A_2271, %mul3A_2279 : i32
    %get3A_2281 = arith.index_cast %mul3A_2280 : i32 to index
    %get3A_2282 = arith.constant 0 : index
    %get3A_2283 = vector.load %arg5[%get3A_2281, %get3A_2282] : memref<1024x1xf32, #tpu.memory_space<vmem>>, vector<8x1xf32>
    %add3A_2284 = vector.broadcast %get3A_2283 : vector<8x1xf32> to vector<8x2304xf32>
    %add3A_2285 = arith.addf %add3A_2278, %add3A_2284 : vector<8x2304xf32>
    %lt3A_2286 = arith.cmpf olt, %add3A_2285, %min3A_2270 : vector<8x2304xf32>
    %broadcast_in_dim3A_2287 = vector.broadcast %scan3A_2271 : i32 to vector<8x2304xi32>
    %select_n3A_2288 = arith.select %lt3A_2286, %broadcast_in_dim3A_2287, %select_n3A_2269 : vector<8x2304xi1>, vector<8x2304xi32>
    %min3A_2289 = arith.minimumf %min3A_2270, %add3A_2285 : vector<8x2304xf32>
    %scan3A_2290 = arith.constant 120 : i32
    %mul3A_2291 = arith.constant 8 : i32
    %mul3A_2292 = arith.muli %scan3A_2290, %mul3A_2291 : i32
    %get3A_2293 = arith.index_cast %mul3A_2292 : i32 to index
    %get3A_2294 = arith.constant 0 : index
    %get3A_2295 = vector.load %arg6[%get3A_2293, %get3A_2294] : memref<1024x4608xf32, #tpu.memory_space<vmem>>, vector<8x2304xf32>
    %add3A_2296 = vector.broadcast %slice3A : vector<1x2304xf32> to vector<8x2304xf32>
    %add3A_2297 = arith.addf %add3A_2296, %get3A_2295 : vector<8x2304xf32>
    %mul3A_2298 = arith.constant 8 : i32
    %mul3A_2299 = arith.muli %scan3A_2290, %mul3A_2298 : i32
    %get3A_2300 = arith.index_cast %mul3A_2299 : i32 to index
    %get3A_2301 = arith.constant 0 : index
    %get3A_2302 = vector.load %arg5[%get3A_2300, %get3A_2301] : memref<1024x1xf32, #tpu.memory_space<vmem>>, vector<8x1xf32>
    %add3A_2303 = vector.broadcast %get3A_2302 : vector<8x1xf32> to vector<8x2304xf32>
    %add3A_2304 = arith.addf %add3A_2297, %add3A_2303 : vector<8x2304xf32>
    %lt3A_2305 = arith.cmpf olt, %add3A_2304, %min3A_2289 : vector<8x2304xf32>
    %broadcast_in_dim3A_2306 = vector.broadcast %scan3A_2290 : i32 to vector<8x2304xi32>
    %select_n3A_2307 = arith.select %lt3A_2305, %broadcast_in_dim3A_2306, %select_n3A_2288 : vector<8x2304xi1>, vector<8x2304xi32>
    %min3A_2308 = arith.minimumf %min3A_2289, %add3A_2304 : vector<8x2304xf32>
    %scan3A_2309 = arith.constant 121 : i32
    %mul3A_2310 = arith.constant 8 : i32
    %mul3A_2311 = arith.muli %scan3A_2309, %mul3A_2310 : i32
    %get3A_2312 = arith.index_cast %mul3A_2311 : i32 to index
    %get3A_2313 = arith.constant 0 : index
    %get3A_2314 = vector.load %arg6[%get3A_2312, %get3A_2313] : memref<1024x4608xf32, #tpu.memory_space<vmem>>, vector<8x2304xf32>
    %add3A_2315 = vector.broadcast %slice3A : vector<1x2304xf32> to vector<8x2304xf32>
    %add3A_2316 = arith.addf %add3A_2315, %get3A_2314 : vector<8x2304xf32>
    %mul3A_2317 = arith.constant 8 : i32
    %mul3A_2318 = arith.muli %scan3A_2309, %mul3A_2317 : i32
    %get3A_2319 = arith.index_cast %mul3A_2318 : i32 to index
    %get3A_2320 = arith.constant 0 : index
    %get3A_2321 = vector.load %arg5[%get3A_2319, %get3A_2320] : memref<1024x1xf32, #tpu.memory_space<vmem>>, vector<8x1xf32>
    %add3A_2322 = vector.broadcast %get3A_2321 : vector<8x1xf32> to vector<8x2304xf32>
    %add3A_2323 = arith.addf %add3A_2316, %add3A_2322 : vector<8x2304xf32>
    %lt3A_2324 = arith.cmpf olt, %add3A_2323, %min3A_2308 : vector<8x2304xf32>
    %broadcast_in_dim3A_2325 = vector.broadcast %scan3A_2309 : i32 to vector<8x2304xi32>
    %select_n3A_2326 = arith.select %lt3A_2324, %broadcast_in_dim3A_2325, %select_n3A_2307 : vector<8x2304xi1>, vector<8x2304xi32>
    %min3A_2327 = arith.minimumf %min3A_2308, %add3A_2323 : vector<8x2304xf32>
    %scan3A_2328 = arith.constant 122 : i32
    %mul3A_2329 = arith.constant 8 : i32
    %mul3A_2330 = arith.muli %scan3A_2328, %mul3A_2329 : i32
    %get3A_2331 = arith.index_cast %mul3A_2330 : i32 to index
    %get3A_2332 = arith.constant 0 : index
    %get3A_2333 = vector.load %arg6[%get3A_2331, %get3A_2332] : memref<1024x4608xf32, #tpu.memory_space<vmem>>, vector<8x2304xf32>
    %add3A_2334 = vector.broadcast %slice3A : vector<1x2304xf32> to vector<8x2304xf32>
    %add3A_2335 = arith.addf %add3A_2334, %get3A_2333 : vector<8x2304xf32>
    %mul3A_2336 = arith.constant 8 : i32
    %mul3A_2337 = arith.muli %scan3A_2328, %mul3A_2336 : i32
    %get3A_2338 = arith.index_cast %mul3A_2337 : i32 to index
    %get3A_2339 = arith.constant 0 : index
    %get3A_2340 = vector.load %arg5[%get3A_2338, %get3A_2339] : memref<1024x1xf32, #tpu.memory_space<vmem>>, vector<8x1xf32>
    %add3A_2341 = vector.broadcast %get3A_2340 : vector<8x1xf32> to vector<8x2304xf32>
    %add3A_2342 = arith.addf %add3A_2335, %add3A_2341 : vector<8x2304xf32>
    %lt3A_2343 = arith.cmpf olt, %add3A_2342, %min3A_2327 : vector<8x2304xf32>
    %broadcast_in_dim3A_2344 = vector.broadcast %scan3A_2328 : i32 to vector<8x2304xi32>
    %select_n3A_2345 = arith.select %lt3A_2343, %broadcast_in_dim3A_2344, %select_n3A_2326 : vector<8x2304xi1>, vector<8x2304xi32>
    %min3A_2346 = arith.minimumf %min3A_2327, %add3A_2342 : vector<8x2304xf32>
    %scan3A_2347 = arith.constant 123 : i32
    %mul3A_2348 = arith.constant 8 : i32
    %mul3A_2349 = arith.muli %scan3A_2347, %mul3A_2348 : i32
    %get3A_2350 = arith.index_cast %mul3A_2349 : i32 to index
    %get3A_2351 = arith.constant 0 : index
    %get3A_2352 = vector.load %arg6[%get3A_2350, %get3A_2351] : memref<1024x4608xf32, #tpu.memory_space<vmem>>, vector<8x2304xf32>
    %add3A_2353 = vector.broadcast %slice3A : vector<1x2304xf32> to vector<8x2304xf32>
    %add3A_2354 = arith.addf %add3A_2353, %get3A_2352 : vector<8x2304xf32>
    %mul3A_2355 = arith.constant 8 : i32
    %mul3A_2356 = arith.muli %scan3A_2347, %mul3A_2355 : i32
    %get3A_2357 = arith.index_cast %mul3A_2356 : i32 to index
    %get3A_2358 = arith.constant 0 : index
    %get3A_2359 = vector.load %arg5[%get3A_2357, %get3A_2358] : memref<1024x1xf32, #tpu.memory_space<vmem>>, vector<8x1xf32>
    %add3A_2360 = vector.broadcast %get3A_2359 : vector<8x1xf32> to vector<8x2304xf32>
    %add3A_2361 = arith.addf %add3A_2354, %add3A_2360 : vector<8x2304xf32>
    %lt3A_2362 = arith.cmpf olt, %add3A_2361, %min3A_2346 : vector<8x2304xf32>
    %broadcast_in_dim3A_2363 = vector.broadcast %scan3A_2347 : i32 to vector<8x2304xi32>
    %select_n3A_2364 = arith.select %lt3A_2362, %broadcast_in_dim3A_2363, %select_n3A_2345 : vector<8x2304xi1>, vector<8x2304xi32>
    %min3A_2365 = arith.minimumf %min3A_2346, %add3A_2361 : vector<8x2304xf32>
    %scan3A_2366 = arith.constant 124 : i32
    %mul3A_2367 = arith.constant 8 : i32
    %mul3A_2368 = arith.muli %scan3A_2366, %mul3A_2367 : i32
    %get3A_2369 = arith.index_cast %mul3A_2368 : i32 to index
    %get3A_2370 = arith.constant 0 : index
    %get3A_2371 = vector.load %arg6[%get3A_2369, %get3A_2370] : memref<1024x4608xf32, #tpu.memory_space<vmem>>, vector<8x2304xf32>
    %add3A_2372 = vector.broadcast %slice3A : vector<1x2304xf32> to vector<8x2304xf32>
    %add3A_2373 = arith.addf %add3A_2372, %get3A_2371 : vector<8x2304xf32>
    %mul3A_2374 = arith.constant 8 : i32
    %mul3A_2375 = arith.muli %scan3A_2366, %mul3A_2374 : i32
    %get3A_2376 = arith.index_cast %mul3A_2375 : i32 to index
    %get3A_2377 = arith.constant 0 : index
    %get3A_2378 = vector.load %arg5[%get3A_2376, %get3A_2377] : memref<1024x1xf32, #tpu.memory_space<vmem>>, vector<8x1xf32>
    %add3A_2379 = vector.broadcast %get3A_2378 : vector<8x1xf32> to vector<8x2304xf32>
    %add3A_2380 = arith.addf %add3A_2373, %add3A_2379 : vector<8x2304xf32>
    %lt3A_2381 = arith.cmpf olt, %add3A_2380, %min3A_2365 : vector<8x2304xf32>
    %broadcast_in_dim3A_2382 = vector.broadcast %scan3A_2366 : i32 to vector<8x2304xi32>
    %select_n3A_2383 = arith.select %lt3A_2381, %broadcast_in_dim3A_2382, %select_n3A_2364 : vector<8x2304xi1>, vector<8x2304xi32>
    %min3A_2384 = arith.minimumf %min3A_2365, %add3A_2380 : vector<8x2304xf32>
    %scan3A_2385 = arith.constant 125 : i32
    %mul3A_2386 = arith.constant 8 : i32
    %mul3A_2387 = arith.muli %scan3A_2385, %mul3A_2386 : i32
    %get3A_2388 = arith.index_cast %mul3A_2387 : i32 to index
    %get3A_2389 = arith.constant 0 : index
    %get3A_2390 = vector.load %arg6[%get3A_2388, %get3A_2389] : memref<1024x4608xf32, #tpu.memory_space<vmem>>, vector<8x2304xf32>
    %add3A_2391 = vector.broadcast %slice3A : vector<1x2304xf32> to vector<8x2304xf32>
    %add3A_2392 = arith.addf %add3A_2391, %get3A_2390 : vector<8x2304xf32>
    %mul3A_2393 = arith.constant 8 : i32
    %mul3A_2394 = arith.muli %scan3A_2385, %mul3A_2393 : i32
    %get3A_2395 = arith.index_cast %mul3A_2394 : i32 to index
    %get3A_2396 = arith.constant 0 : index
    %get3A_2397 = vector.load %arg5[%get3A_2395, %get3A_2396] : memref<1024x1xf32, #tpu.memory_space<vmem>>, vector<8x1xf32>
    %add3A_2398 = vector.broadcast %get3A_2397 : vector<8x1xf32> to vector<8x2304xf32>
    %add3A_2399 = arith.addf %add3A_2392, %add3A_2398 : vector<8x2304xf32>
    %lt3A_2400 = arith.cmpf olt, %add3A_2399, %min3A_2384 : vector<8x2304xf32>
    %broadcast_in_dim3A_2401 = vector.broadcast %scan3A_2385 : i32 to vector<8x2304xi32>
    %select_n3A_2402 = arith.select %lt3A_2400, %broadcast_in_dim3A_2401, %select_n3A_2383 : vector<8x2304xi1>, vector<8x2304xi32>
    %min3A_2403 = arith.minimumf %min3A_2384, %add3A_2399 : vector<8x2304xf32>
    %scan3A_2404 = arith.constant 126 : i32
    %mul3A_2405 = arith.constant 8 : i32
    %mul3A_2406 = arith.muli %scan3A_2404, %mul3A_2405 : i32
    %get3A_2407 = arith.index_cast %mul3A_2406 : i32 to index
    %get3A_2408 = arith.constant 0 : index
    %get3A_2409 = vector.load %arg6[%get3A_2407, %get3A_2408] : memref<1024x4608xf32, #tpu.memory_space<vmem>>, vector<8x2304xf32>
    %add3A_2410 = vector.broadcast %slice3A : vector<1x2304xf32> to vector<8x2304xf32>
    %add3A_2411 = arith.addf %add3A_2410, %get3A_2409 : vector<8x2304xf32>
    %mul3A_2412 = arith.constant 8 : i32
    %mul3A_2413 = arith.muli %scan3A_2404, %mul3A_2412 : i32
    %get3A_2414 = arith.index_cast %mul3A_2413 : i32 to index
    %get3A_2415 = arith.constant 0 : index
    %get3A_2416 = vector.load %arg5[%get3A_2414, %get3A_2415] : memref<1024x1xf32, #tpu.memory_space<vmem>>, vector<8x1xf32>
    %add3A_2417 = vector.broadcast %get3A_2416 : vector<8x1xf32> to vector<8x2304xf32>
    %add3A_2418 = arith.addf %add3A_2411, %add3A_2417 : vector<8x2304xf32>
    %lt3A_2419 = arith.cmpf olt, %add3A_2418, %min3A_2403 : vector<8x2304xf32>
    %broadcast_in_dim3A_2420 = vector.broadcast %scan3A_2404 : i32 to vector<8x2304xi32>
    %select_n3A_2421 = arith.select %lt3A_2419, %broadcast_in_dim3A_2420, %select_n3A_2402 : vector<8x2304xi1>, vector<8x2304xi32>
    %min3A_2422 = arith.minimumf %min3A_2403, %add3A_2418 : vector<8x2304xf32>
    %scan3A_2423 = arith.constant 127 : i32
    %mul3A_2424 = arith.constant 8 : i32
    %mul3A_2425 = arith.muli %scan3A_2423, %mul3A_2424 : i32
    %get3A_2426 = arith.index_cast %mul3A_2425 : i32 to index
    %get3A_2427 = arith.constant 0 : index
    %get3A_2428 = vector.load %arg6[%get3A_2426, %get3A_2427] : memref<1024x4608xf32, #tpu.memory_space<vmem>>, vector<8x2304xf32>
    %add3A_2429 = vector.broadcast %slice3A : vector<1x2304xf32> to vector<8x2304xf32>
    %add3A_2430 = arith.addf %add3A_2429, %get3A_2428 : vector<8x2304xf32>
    %mul3A_2431 = arith.constant 8 : i32
    %mul3A_2432 = arith.muli %scan3A_2423, %mul3A_2431 : i32
    %get3A_2433 = arith.index_cast %mul3A_2432 : i32 to index
    %get3A_2434 = arith.constant 0 : index
    %get3A_2435 = vector.load %arg5[%get3A_2433, %get3A_2434] : memref<1024x1xf32, #tpu.memory_space<vmem>>, vector<8x1xf32>
    %add3A_2436 = vector.broadcast %get3A_2435 : vector<8x1xf32> to vector<8x2304xf32>
    %add3A_2437 = arith.addf %add3A_2430, %add3A_2436 : vector<8x2304xf32>
    %lt3A_2438 = arith.cmpf olt, %add3A_2437, %min3A_2422 : vector<8x2304xf32>
    %broadcast_in_dim3A_2439 = vector.broadcast %scan3A_2423 : i32 to vector<8x2304xi32>
    %select_n3A_2440 = arith.select %lt3A_2438, %broadcast_in_dim3A_2439, %select_n3A_2421 : vector<8x2304xi1>, vector<8x2304xi32>
    %min3A_2441 = arith.minimumf %min3A_2422, %add3A_2437 : vector<8x2304xf32>
    %scan3A_2442 = arith.constant 128 : i32
    %reduce_min3A = arith.constant dense<0x7F800000> : vector<2304xf32>
    %reduce_min3A_2443 = vector.multi_reduction <minimumf>, %min3A_2441, %reduce_min3A [0] : vector<8x2304xf32> to vector<2304xf32>
    %broadcast_in_dim3A_2444 = vector.shape_cast %reduce_min3A_2443 : vector<2304xf32> to vector<1x2304xf32>
    %iota3A = tpu.iota {dimensions = array<i32: 0>} : vector<8x2304xi32>
    %mul3A_2445 = arith.constant 8 : i32
    %mul3A_2446 = vector.broadcast %mul3A_2445 : i32 to vector<8x2304xi32>
    %mul3A_2447 = arith.muli %select_n3A_2440, %mul3A_2446 : vector<8x2304xi32>
    %add3A_2448 = arith.addi %mul3A_2447, %iota3A : vector<8x2304xi32>
    %eq3A_2449 = vector.broadcast %broadcast_in_dim3A_2444 : vector<1x2304xf32> to vector<8x2304xf32>
    %eq3A_2450 = arith.cmpf oeq, %min3A_2441, %eq3A_2449 : vector<8x2304xf32>
    %jit3A = arith.constant 1024 : i32
    %broadcast_in_dim3A_2451 = vector.broadcast %jit3A : i32 to vector<8x2304xi32>
    %select_n3A_2452 = arith.select %eq3A_2450, %add3A_2448, %broadcast_in_dim3A_2451 : vector<8x2304xi1>, vector<8x2304xi32>
    %reduce_min3A_2453 = arith.constant dense<2147483647> : vector<2304xi32>
    %reduce_min3A_2454 = vector.multi_reduction <minsi>, %select_n3A_2452, %reduce_min3A_2453 [0] : vector<8x2304xi32> to vector<2304xi32>
    %swap3A_2455 = arith.constant 0 : index
    %swap3A_2456 = arith.constant 0 : index
    %swap3A_2457 = arith.constant 0 : index
    %swap3A_2458 = vector.load %arg3[%swap3A_2455, %swap3A_2456, %swap3A_2457] : memref<1x1x4608xi32, #tpu.memory_space<vmem>>, vector<1x1x2304xi32>
    %swap3A_2459 = vector.shape_cast %swap3A_2458 : vector<1x1x2304xi32> to vector<2304xi32>
    %swap3A_2460 = vector.shape_cast %reduce_min3A_2454 : vector<2304xi32> to vector<1x1x2304xi32>
    tpu.vector_store %arg3[%swap3A_2455, %swap3A_2456, %swap3A_2457], %swap3A_2460 {strides = array<i32>} : memref<1x1x4608xi32, #tpu.memory_space<vmem>>, vector<1x1x2304xi32>,
    %get3A_2461 = arith.constant 0 : index
    %get3A_2462 = arith.constant 0 : index
    %get3A_2463 = vector.load %arg4[%get3A_2461, %get3A_2462] : memref<1x1xf32, #tpu.memory_space<vmem>>, vector<1x1xf32>
    %reduce_sum3A_2464 = vector.shape_cast %broadcast_in_dim3A_2444 : vector<1x2304xf32> to vector<1x1x2304xf32>
    %reduce_sum3A_2465 = arith.constant dense<0.000000e+00> : vector<1xf32>
    %reduce_sum3A_2466 = vector.multi_reduction <add>, %reduce_sum3A_2464, %reduce_sum3A_2465 [1, 2] : vector<1x1x2304xf32> to vector<1xf32>
    %reduce_sum3A_2467 = vector.shape_cast %reduce_sum3A_2466 : vector<1xf32> to vector<1x1x1xf32>
    %reduce_sum3A_2468 = vector.extract %reduce_sum3A_2467[0, 0, 0] : f32 from vector<1x1x1xf32>
    %reshape3A = vector.broadcast %reduce_sum3A_2468 : f32 to vector<1x1xf32>
    %add3A_2469 = arith.addf %get3A_2463, %reshape3A : vector<1x1xf32>
    %swap3A_2470 = arith.constant 0 : index
    %swap3A_2471 = arith.constant 0 : index
    %swap3A_2472 = vector.load %arg4[%swap3A_2470, %swap3A_2471] : memref<1x1xf32, #tpu.memory_space<vmem>>, vector<1x1xf32>
    tpu.vector_store %arg4[%swap3A_2470, %swap3A_2471], %add3A_2469 {strides = array<i32>} : memref<1x1xf32, #tpu.memory_space<vmem>>, vector<1x1xf32>,
    %slice3A_2473 = vector.extract_strided_slice %transpose3A {offsets = [0, 2304], sizes = [1, 2304], strides = [1, 1]} : vector<1x4608xf32> to vector<1x2304xf32>
    %broadcast_in_dim3A_2474 = arith.constant 0x7F800000 : f32
    %broadcast_in_dim3A_2475 = vector.broadcast %broadcast_in_dim3A_2474 : f32 to vector<8x2304xf32>
    %broadcast_in_dim3A_2476 = arith.constant 0 : i32
    %broadcast_in_dim3A_2477 = vector.broadcast %broadcast_in_dim3A_2476 : i32 to vector<8x2304xi32>
    %scan3A_2478 = arith.constant 0 : i32
    %mul3A_2479 = arith.constant 8 : i32
    %mul3A_2480 = arith.muli %scan3A_2478, %mul3A_2479 : i32
    %get3A_2481 = arith.index_cast %mul3A_2480 : i32 to index
    %get3A_2482 = arith.constant 2304 : index
    %get3A_2483 = vector.load %arg6[%get3A_2481, %get3A_2482] : memref<1024x4608xf32, #tpu.memory_space<vmem>>, vector<8x2304xf32>
    %add3A_2484 = vector.broadcast %slice3A_2473 : vector<1x2304xf32> to vector<8x2304xf32>
    %add3A_2485 = arith.addf %add3A_2484, %get3A_2483 : vector<8x2304xf32>
    %mul3A_2486 = arith.constant 8 : i32
    %mul3A_2487 = arith.muli %scan3A_2478, %mul3A_2486 : i32
    %get3A_2488 = arith.index_cast %mul3A_2487 : i32 to index
    %get3A_2489 = arith.constant 0 : index
    %get3A_2490 = vector.load %arg5[%get3A_2488, %get3A_2489] : memref<1024x1xf32, #tpu.memory_space<vmem>>, vector<8x1xf32>
    %add3A_2491 = vector.broadcast %get3A_2490 : vector<8x1xf32> to vector<8x2304xf32>
    %add3A_2492 = arith.addf %add3A_2485, %add3A_2491 : vector<8x2304xf32>
    %lt3A_2493 = arith.cmpf olt, %add3A_2492, %broadcast_in_dim3A_2475 : vector<8x2304xf32>
    %broadcast_in_dim3A_2494 = vector.broadcast %scan3A_2478 : i32 to vector<8x2304xi32>
    %select_n3A_2495 = arith.select %lt3A_2493, %broadcast_in_dim3A_2494, %broadcast_in_dim3A_2477 : vector<8x2304xi1>, vector<8x2304xi32>
    %min3A_2496 = arith.minimumf %broadcast_in_dim3A_2475, %add3A_2492 : vector<8x2304xf32>
    %scan3A_2497 = arith.constant 1 : i32
    %mul3A_2498 = arith.constant 8 : i32
    %mul3A_2499 = arith.muli %scan3A_2497, %mul3A_2498 : i32
    %get3A_2500 = arith.index_cast %mul3A_2499 : i32 to index
    %get3A_2501 = arith.constant 2304 : index
    %get3A_2502 = vector.load %arg6[%get3A_2500, %get3A_2501] : memref<1024x4608xf32, #tpu.memory_space<vmem>>, vector<8x2304xf32>
    %add3A_2503 = vector.broadcast %slice3A_2473 : vector<1x2304xf32> to vector<8x2304xf32>
    %add3A_2504 = arith.addf %add3A_2503, %get3A_2502 : vector<8x2304xf32>
    %mul3A_2505 = arith.constant 8 : i32
    %mul3A_2506 = arith.muli %scan3A_2497, %mul3A_2505 : i32
    %get3A_2507 = arith.index_cast %mul3A_2506 : i32 to index
    %get3A_2508 = arith.constant 0 : index
    %get3A_2509 = vector.load %arg5[%get3A_2507, %get3A_2508] : memref<1024x1xf32, #tpu.memory_space<vmem>>, vector<8x1xf32>
    %add3A_2510 = vector.broadcast %get3A_2509 : vector<8x1xf32> to vector<8x2304xf32>
    %add3A_2511 = arith.addf %add3A_2504, %add3A_2510 : vector<8x2304xf32>
    %lt3A_2512 = arith.cmpf olt, %add3A_2511, %min3A_2496 : vector<8x2304xf32>
    %broadcast_in_dim3A_2513 = vector.broadcast %scan3A_2497 : i32 to vector<8x2304xi32>
    %select_n3A_2514 = arith.select %lt3A_2512, %broadcast_in_dim3A_2513, %select_n3A_2495 : vector<8x2304xi1>, vector<8x2304xi32>
    %min3A_2515 = arith.minimumf %min3A_2496, %add3A_2511 : vector<8x2304xf32>
    %scan3A_2516 = arith.constant 2 : i32
    %mul3A_2517 = arith.constant 8 : i32
    %mul3A_2518 = arith.muli %scan3A_2516, %mul3A_2517 : i32
    %get3A_2519 = arith.index_cast %mul3A_2518 : i32 to index
    %get3A_2520 = arith.constant 2304 : index
    %get3A_2521 = vector.load %arg6[%get3A_2519, %get3A_2520] : memref<1024x4608xf32, #tpu.memory_space<vmem>>, vector<8x2304xf32>
    %add3A_2522 = vector.broadcast %slice3A_2473 : vector<1x2304xf32> to vector<8x2304xf32>
    %add3A_2523 = arith.addf %add3A_2522, %get3A_2521 : vector<8x2304xf32>
    %mul3A_2524 = arith.constant 8 : i32
    %mul3A_2525 = arith.muli %scan3A_2516, %mul3A_2524 : i32
    %get3A_2526 = arith.index_cast %mul3A_2525 : i32 to index
    %get3A_2527 = arith.constant 0 : index
    %get3A_2528 = vector.load %arg5[%get3A_2526, %get3A_2527] : memref<1024x1xf32, #tpu.memory_space<vmem>>, vector<8x1xf32>
    %add3A_2529 = vector.broadcast %get3A_2528 : vector<8x1xf32> to vector<8x2304xf32>
    %add3A_2530 = arith.addf %add3A_2523, %add3A_2529 : vector<8x2304xf32>
    %lt3A_2531 = arith.cmpf olt, %add3A_2530, %min3A_2515 : vector<8x2304xf32>
    %broadcast_in_dim3A_2532 = vector.broadcast %scan3A_2516 : i32 to vector<8x2304xi32>
    %select_n3A_2533 = arith.select %lt3A_2531, %broadcast_in_dim3A_2532, %select_n3A_2514 : vector<8x2304xi1>, vector<8x2304xi32>
    %min3A_2534 = arith.minimumf %min3A_2515, %add3A_2530 : vector<8x2304xf32>
    %scan3A_2535 = arith.constant 3 : i32
    %mul3A_2536 = arith.constant 8 : i32
    %mul3A_2537 = arith.muli %scan3A_2535, %mul3A_2536 : i32
    %get3A_2538 = arith.index_cast %mul3A_2537 : i32 to index
    %get3A_2539 = arith.constant 2304 : index
    %get3A_2540 = vector.load %arg6[%get3A_2538, %get3A_2539] : memref<1024x4608xf32, #tpu.memory_space<vmem>>, vector<8x2304xf32>
    %add3A_2541 = vector.broadcast %slice3A_2473 : vector<1x2304xf32> to vector<8x2304xf32>
    %add3A_2542 = arith.addf %add3A_2541, %get3A_2540 : vector<8x2304xf32>
    %mul3A_2543 = arith.constant 8 : i32
    %mul3A_2544 = arith.muli %scan3A_2535, %mul3A_2543 : i32
    %get3A_2545 = arith.index_cast %mul3A_2544 : i32 to index
    %get3A_2546 = arith.constant 0 : index
    %get3A_2547 = vector.load %arg5[%get3A_2545, %get3A_2546] : memref<1024x1xf32, #tpu.memory_space<vmem>>, vector<8x1xf32>
    %add3A_2548 = vector.broadcast %get3A_2547 : vector<8x1xf32> to vector<8x2304xf32>
    %add3A_2549 = arith.addf %add3A_2542, %add3A_2548 : vector<8x2304xf32>
    %lt3A_2550 = arith.cmpf olt, %add3A_2549, %min3A_2534 : vector<8x2304xf32>
    %broadcast_in_dim3A_2551 = vector.broadcast %scan3A_2535 : i32 to vector<8x2304xi32>
    %select_n3A_2552 = arith.select %lt3A_2550, %broadcast_in_dim3A_2551, %select_n3A_2533 : vector<8x2304xi1>, vector<8x2304xi32>
    %min3A_2553 = arith.minimumf %min3A_2534, %add3A_2549 : vector<8x2304xf32>
    %scan3A_2554 = arith.constant 4 : i32
    %mul3A_2555 = arith.constant 8 : i32
    %mul3A_2556 = arith.muli %scan3A_2554, %mul3A_2555 : i32
    %get3A_2557 = arith.index_cast %mul3A_2556 : i32 to index
    %get3A_2558 = arith.constant 2304 : index
    %get3A_2559 = vector.load %arg6[%get3A_2557, %get3A_2558] : memref<1024x4608xf32, #tpu.memory_space<vmem>>, vector<8x2304xf32>
    %add3A_2560 = vector.broadcast %slice3A_2473 : vector<1x2304xf32> to vector<8x2304xf32>
    %add3A_2561 = arith.addf %add3A_2560, %get3A_2559 : vector<8x2304xf32>
    %mul3A_2562 = arith.constant 8 : i32
    %mul3A_2563 = arith.muli %scan3A_2554, %mul3A_2562 : i32
    %get3A_2564 = arith.index_cast %mul3A_2563 : i32 to index
    %get3A_2565 = arith.constant 0 : index
    %get3A_2566 = vector.load %arg5[%get3A_2564, %get3A_2565] : memref<1024x1xf32, #tpu.memory_space<vmem>>, vector<8x1xf32>
    %add3A_2567 = vector.broadcast %get3A_2566 : vector<8x1xf32> to vector<8x2304xf32>
    %add3A_2568 = arith.addf %add3A_2561, %add3A_2567 : vector<8x2304xf32>
    %lt3A_2569 = arith.cmpf olt, %add3A_2568, %min3A_2553 : vector<8x2304xf32>
    %broadcast_in_dim3A_2570 = vector.broadcast %scan3A_2554 : i32 to vector<8x2304xi32>
    %select_n3A_2571 = arith.select %lt3A_2569, %broadcast_in_dim3A_2570, %select_n3A_2552 : vector<8x2304xi1>, vector<8x2304xi32>
    %min3A_2572 = arith.minimumf %min3A_2553, %add3A_2568 : vector<8x2304xf32>
    %scan3A_2573 = arith.constant 5 : i32
    %mul3A_2574 = arith.constant 8 : i32
    %mul3A_2575 = arith.muli %scan3A_2573, %mul3A_2574 : i32
    %get3A_2576 = arith.index_cast %mul3A_2575 : i32 to index
    %get3A_2577 = arith.constant 2304 : index
    %get3A_2578 = vector.load %arg6[%get3A_2576, %get3A_2577] : memref<1024x4608xf32, #tpu.memory_space<vmem>>, vector<8x2304xf32>
    %add3A_2579 = vector.broadcast %slice3A_2473 : vector<1x2304xf32> to vector<8x2304xf32>
    %add3A_2580 = arith.addf %add3A_2579, %get3A_2578 : vector<8x2304xf32>
    %mul3A_2581 = arith.constant 8 : i32
    %mul3A_2582 = arith.muli %scan3A_2573, %mul3A_2581 : i32
    %get3A_2583 = arith.index_cast %mul3A_2582 : i32 to index
    %get3A_2584 = arith.constant 0 : index
    %get3A_2585 = vector.load %arg5[%get3A_2583, %get3A_2584] : memref<1024x1xf32, #tpu.memory_space<vmem>>, vector<8x1xf32>
    %add3A_2586 = vector.broadcast %get3A_2585 : vector<8x1xf32> to vector<8x2304xf32>
    %add3A_2587 = arith.addf %add3A_2580, %add3A_2586 : vector<8x2304xf32>
    %lt3A_2588 = arith.cmpf olt, %add3A_2587, %min3A_2572 : vector<8x2304xf32>
    %broadcast_in_dim3A_2589 = vector.broadcast %scan3A_2573 : i32 to vector<8x2304xi32>
    %select_n3A_2590 = arith.select %lt3A_2588, %broadcast_in_dim3A_2589, %select_n3A_2571 : vector<8x2304xi1>, vector<8x2304xi32>
    %min3A_2591 = arith.minimumf %min3A_2572, %add3A_2587 : vector<8x2304xf32>
    %scan3A_2592 = arith.constant 6 : i32
    %mul3A_2593 = arith.constant 8 : i32
    %mul3A_2594 = arith.muli %scan3A_2592, %mul3A_2593 : i32
    %get3A_2595 = arith.index_cast %mul3A_2594 : i32 to index
    %get3A_2596 = arith.constant 2304 : index
    %get3A_2597 = vector.load %arg6[%get3A_2595, %get3A_2596] : memref<1024x4608xf32, #tpu.memory_space<vmem>>, vector<8x2304xf32>
    %add3A_2598 = vector.broadcast %slice3A_2473 : vector<1x2304xf32> to vector<8x2304xf32>
    %add3A_2599 = arith.addf %add3A_2598, %get3A_2597 : vector<8x2304xf32>
    %mul3A_2600 = arith.constant 8 : i32
    %mul3A_2601 = arith.muli %scan3A_2592, %mul3A_2600 : i32
    %get3A_2602 = arith.index_cast %mul3A_2601 : i32 to index
    %get3A_2603 = arith.constant 0 : index
    %get3A_2604 = vector.load %arg5[%get3A_2602, %get3A_2603] : memref<1024x1xf32, #tpu.memory_space<vmem>>, vector<8x1xf32>
    %add3A_2605 = vector.broadcast %get3A_2604 : vector<8x1xf32> to vector<8x2304xf32>
    %add3A_2606 = arith.addf %add3A_2599, %add3A_2605 : vector<8x2304xf32>
    %lt3A_2607 = arith.cmpf olt, %add3A_2606, %min3A_2591 : vector<8x2304xf32>
    %broadcast_in_dim3A_2608 = vector.broadcast %scan3A_2592 : i32 to vector<8x2304xi32>
    %select_n3A_2609 = arith.select %lt3A_2607, %broadcast_in_dim3A_2608, %select_n3A_2590 : vector<8x2304xi1>, vector<8x2304xi32>
    %min3A_2610 = arith.minimumf %min3A_2591, %add3A_2606 : vector<8x2304xf32>
    %scan3A_2611 = arith.constant 7 : i32
    %mul3A_2612 = arith.constant 8 : i32
    %mul3A_2613 = arith.muli %scan3A_2611, %mul3A_2612 : i32
    %get3A_2614 = arith.index_cast %mul3A_2613 : i32 to index
    %get3A_2615 = arith.constant 2304 : index
    %get3A_2616 = vector.load %arg6[%get3A_2614, %get3A_2615] : memref<1024x4608xf32, #tpu.memory_space<vmem>>, vector<8x2304xf32>
    %add3A_2617 = vector.broadcast %slice3A_2473 : vector<1x2304xf32> to vector<8x2304xf32>
    %add3A_2618 = arith.addf %add3A_2617, %get3A_2616 : vector<8x2304xf32>
    %mul3A_2619 = arith.constant 8 : i32
    %mul3A_2620 = arith.muli %scan3A_2611, %mul3A_2619 : i32
    %get3A_2621 = arith.index_cast %mul3A_2620 : i32 to index
    %get3A_2622 = arith.constant 0 : index
    %get3A_2623 = vector.load %arg5[%get3A_2621, %get3A_2622] : memref<1024x1xf32, #tpu.memory_space<vmem>>, vector<8x1xf32>
    %add3A_2624 = vector.broadcast %get3A_2623 : vector<8x1xf32> to vector<8x2304xf32>
    %add3A_2625 = arith.addf %add3A_2618, %add3A_2624 : vector<8x2304xf32>
    %lt3A_2626 = arith.cmpf olt, %add3A_2625, %min3A_2610 : vector<8x2304xf32>
    %broadcast_in_dim3A_2627 = vector.broadcast %scan3A_2611 : i32 to vector<8x2304xi32>
    %select_n3A_2628 = arith.select %lt3A_2626, %broadcast_in_dim3A_2627, %select_n3A_2609 : vector<8x2304xi1>, vector<8x2304xi32>
    %min3A_2629 = arith.minimumf %min3A_2610, %add3A_2625 : vector<8x2304xf32>
    %scan3A_2630 = arith.constant 8 : i32
    %mul3A_2631 = arith.constant 8 : i32
    %mul3A_2632 = arith.muli %scan3A_2630, %mul3A_2631 : i32
    %get3A_2633 = arith.index_cast %mul3A_2632 : i32 to index
    %get3A_2634 = arith.constant 2304 : index
    %get3A_2635 = vector.load %arg6[%get3A_2633, %get3A_2634] : memref<1024x4608xf32, #tpu.memory_space<vmem>>, vector<8x2304xf32>
    %add3A_2636 = vector.broadcast %slice3A_2473 : vector<1x2304xf32> to vector<8x2304xf32>
    %add3A_2637 = arith.addf %add3A_2636, %get3A_2635 : vector<8x2304xf32>
    %mul3A_2638 = arith.constant 8 : i32
    %mul3A_2639 = arith.muli %scan3A_2630, %mul3A_2638 : i32
    %get3A_2640 = arith.index_cast %mul3A_2639 : i32 to index
    %get3A_2641 = arith.constant 0 : index
    %get3A_2642 = vector.load %arg5[%get3A_2640, %get3A_2641] : memref<1024x1xf32, #tpu.memory_space<vmem>>, vector<8x1xf32>
    %add3A_2643 = vector.broadcast %get3A_2642 : vector<8x1xf32> to vector<8x2304xf32>
    %add3A_2644 = arith.addf %add3A_2637, %add3A_2643 : vector<8x2304xf32>
    %lt3A_2645 = arith.cmpf olt, %add3A_2644, %min3A_2629 : vector<8x2304xf32>
    %broadcast_in_dim3A_2646 = vector.broadcast %scan3A_2630 : i32 to vector<8x2304xi32>
    %select_n3A_2647 = arith.select %lt3A_2645, %broadcast_in_dim3A_2646, %select_n3A_2628 : vector<8x2304xi1>, vector<8x2304xi32>
    %min3A_2648 = arith.minimumf %min3A_2629, %add3A_2644 : vector<8x2304xf32>
    %scan3A_2649 = arith.constant 9 : i32
    %mul3A_2650 = arith.constant 8 : i32
    %mul3A_2651 = arith.muli %scan3A_2649, %mul3A_2650 : i32
    %get3A_2652 = arith.index_cast %mul3A_2651 : i32 to index
    %get3A_2653 = arith.constant 2304 : index
    %get3A_2654 = vector.load %arg6[%get3A_2652, %get3A_2653] : memref<1024x4608xf32, #tpu.memory_space<vmem>>, vector<8x2304xf32>
    %add3A_2655 = vector.broadcast %slice3A_2473 : vector<1x2304xf32> to vector<8x2304xf32>
    %add3A_2656 = arith.addf %add3A_2655, %get3A_2654 : vector<8x2304xf32>
    %mul3A_2657 = arith.constant 8 : i32
    %mul3A_2658 = arith.muli %scan3A_2649, %mul3A_2657 : i32
    %get3A_2659 = arith.index_cast %mul3A_2658 : i32 to index
    %get3A_2660 = arith.constant 0 : index
    %get3A_2661 = vector.load %arg5[%get3A_2659, %get3A_2660] : memref<1024x1xf32, #tpu.memory_space<vmem>>, vector<8x1xf32>
    %add3A_2662 = vector.broadcast %get3A_2661 : vector<8x1xf32> to vector<8x2304xf32>
    %add3A_2663 = arith.addf %add3A_2656, %add3A_2662 : vector<8x2304xf32>
    %lt3A_2664 = arith.cmpf olt, %add3A_2663, %min3A_2648 : vector<8x2304xf32>
    %broadcast_in_dim3A_2665 = vector.broadcast %scan3A_2649 : i32 to vector<8x2304xi32>
    %select_n3A_2666 = arith.select %lt3A_2664, %broadcast_in_dim3A_2665, %select_n3A_2647 : vector<8x2304xi1>, vector<8x2304xi32>
    %min3A_2667 = arith.minimumf %min3A_2648, %add3A_2663 : vector<8x2304xf32>
    %scan3A_2668 = arith.constant 10 : i32
    %mul3A_2669 = arith.constant 8 : i32
    %mul3A_2670 = arith.muli %scan3A_2668, %mul3A_2669 : i32
    %get3A_2671 = arith.index_cast %mul3A_2670 : i32 to index
    %get3A_2672 = arith.constant 2304 : index
    %get3A_2673 = vector.load %arg6[%get3A_2671, %get3A_2672] : memref<1024x4608xf32, #tpu.memory_space<vmem>>, vector<8x2304xf32>
    %add3A_2674 = vector.broadcast %slice3A_2473 : vector<1x2304xf32> to vector<8x2304xf32>
    %add3A_2675 = arith.addf %add3A_2674, %get3A_2673 : vector<8x2304xf32>
    %mul3A_2676 = arith.constant 8 : i32
    %mul3A_2677 = arith.muli %scan3A_2668, %mul3A_2676 : i32
    %get3A_2678 = arith.index_cast %mul3A_2677 : i32 to index
    %get3A_2679 = arith.constant 0 : index
    %get3A_2680 = vector.load %arg5[%get3A_2678, %get3A_2679] : memref<1024x1xf32, #tpu.memory_space<vmem>>, vector<8x1xf32>
    %add3A_2681 = vector.broadcast %get3A_2680 : vector<8x1xf32> to vector<8x2304xf32>
    %add3A_2682 = arith.addf %add3A_2675, %add3A_2681 : vector<8x2304xf32>
    %lt3A_2683 = arith.cmpf olt, %add3A_2682, %min3A_2667 : vector<8x2304xf32>
    %broadcast_in_dim3A_2684 = vector.broadcast %scan3A_2668 : i32 to vector<8x2304xi32>
    %select_n3A_2685 = arith.select %lt3A_2683, %broadcast_in_dim3A_2684, %select_n3A_2666 : vector<8x2304xi1>, vector<8x2304xi32>
    %min3A_2686 = arith.minimumf %min3A_2667, %add3A_2682 : vector<8x2304xf32>
    %scan3A_2687 = arith.constant 11 : i32
    %mul3A_2688 = arith.constant 8 : i32
    %mul3A_2689 = arith.muli %scan3A_2687, %mul3A_2688 : i32
    %get3A_2690 = arith.index_cast %mul3A_2689 : i32 to index
    %get3A_2691 = arith.constant 2304 : index
    %get3A_2692 = vector.load %arg6[%get3A_2690, %get3A_2691] : memref<1024x4608xf32, #tpu.memory_space<vmem>>, vector<8x2304xf32>
    %add3A_2693 = vector.broadcast %slice3A_2473 : vector<1x2304xf32> to vector<8x2304xf32>
    %add3A_2694 = arith.addf %add3A_2693, %get3A_2692 : vector<8x2304xf32>
    %mul3A_2695 = arith.constant 8 : i32
    %mul3A_2696 = arith.muli %scan3A_2687, %mul3A_2695 : i32
    %get3A_2697 = arith.index_cast %mul3A_2696 : i32 to index
    %get3A_2698 = arith.constant 0 : index
    %get3A_2699 = vector.load %arg5[%get3A_2697, %get3A_2698] : memref<1024x1xf32, #tpu.memory_space<vmem>>, vector<8x1xf32>
    %add3A_2700 = vector.broadcast %get3A_2699 : vector<8x1xf32> to vector<8x2304xf32>
    %add3A_2701 = arith.addf %add3A_2694, %add3A_2700 : vector<8x2304xf32>
    %lt3A_2702 = arith.cmpf olt, %add3A_2701, %min3A_2686 : vector<8x2304xf32>
    %broadcast_in_dim3A_2703 = vector.broadcast %scan3A_2687 : i32 to vector<8x2304xi32>
    %select_n3A_2704 = arith.select %lt3A_2702, %broadcast_in_dim3A_2703, %select_n3A_2685 : vector<8x2304xi1>, vector<8x2304xi32>
    %min3A_2705 = arith.minimumf %min3A_2686, %add3A_2701 : vector<8x2304xf32>
    %scan3A_2706 = arith.constant 12 : i32
    %mul3A_2707 = arith.constant 8 : i32
    %mul3A_2708 = arith.muli %scan3A_2706, %mul3A_2707 : i32
    %get3A_2709 = arith.index_cast %mul3A_2708 : i32 to index
    %get3A_2710 = arith.constant 2304 : index
    %get3A_2711 = vector.load %arg6[%get3A_2709, %get3A_2710] : memref<1024x4608xf32, #tpu.memory_space<vmem>>, vector<8x2304xf32>
    %add3A_2712 = vector.broadcast %slice3A_2473 : vector<1x2304xf32> to vector<8x2304xf32>
    %add3A_2713 = arith.addf %add3A_2712, %get3A_2711 : vector<8x2304xf32>
    %mul3A_2714 = arith.constant 8 : i32
    %mul3A_2715 = arith.muli %scan3A_2706, %mul3A_2714 : i32
    %get3A_2716 = arith.index_cast %mul3A_2715 : i32 to index
    %get3A_2717 = arith.constant 0 : index
    %get3A_2718 = vector.load %arg5[%get3A_2716, %get3A_2717] : memref<1024x1xf32, #tpu.memory_space<vmem>>, vector<8x1xf32>
    %add3A_2719 = vector.broadcast %get3A_2718 : vector<8x1xf32> to vector<8x2304xf32>
    %add3A_2720 = arith.addf %add3A_2713, %add3A_2719 : vector<8x2304xf32>
    %lt3A_2721 = arith.cmpf olt, %add3A_2720, %min3A_2705 : vector<8x2304xf32>
    %broadcast_in_dim3A_2722 = vector.broadcast %scan3A_2706 : i32 to vector<8x2304xi32>
    %select_n3A_2723 = arith.select %lt3A_2721, %broadcast_in_dim3A_2722, %select_n3A_2704 : vector<8x2304xi1>, vector<8x2304xi32>
    %min3A_2724 = arith.minimumf %min3A_2705, %add3A_2720 : vector<8x2304xf32>
    %scan3A_2725 = arith.constant 13 : i32
    %mul3A_2726 = arith.constant 8 : i32
    %mul3A_2727 = arith.muli %scan3A_2725, %mul3A_2726 : i32
    %get3A_2728 = arith.index_cast %mul3A_2727 : i32 to index
    %get3A_2729 = arith.constant 2304 : index
    %get3A_2730 = vector.load %arg6[%get3A_2728, %get3A_2729] : memref<1024x4608xf32, #tpu.memory_space<vmem>>, vector<8x2304xf32>
    %add3A_2731 = vector.broadcast %slice3A_2473 : vector<1x2304xf32> to vector<8x2304xf32>
    %add3A_2732 = arith.addf %add3A_2731, %get3A_2730 : vector<8x2304xf32>
    %mul3A_2733 = arith.constant 8 : i32
    %mul3A_2734 = arith.muli %scan3A_2725, %mul3A_2733 : i32
    %get3A_2735 = arith.index_cast %mul3A_2734 : i32 to index
    %get3A_2736 = arith.constant 0 : index
    %get3A_2737 = vector.load %arg5[%get3A_2735, %get3A_2736] : memref<1024x1xf32, #tpu.memory_space<vmem>>, vector<8x1xf32>
    %add3A_2738 = vector.broadcast %get3A_2737 : vector<8x1xf32> to vector<8x2304xf32>
    %add3A_2739 = arith.addf %add3A_2732, %add3A_2738 : vector<8x2304xf32>
    %lt3A_2740 = arith.cmpf olt, %add3A_2739, %min3A_2724 : vector<8x2304xf32>
    %broadcast_in_dim3A_2741 = vector.broadcast %scan3A_2725 : i32 to vector<8x2304xi32>
    %select_n3A_2742 = arith.select %lt3A_2740, %broadcast_in_dim3A_2741, %select_n3A_2723 : vector<8x2304xi1>, vector<8x2304xi32>
    %min3A_2743 = arith.minimumf %min3A_2724, %add3A_2739 : vector<8x2304xf32>
    %scan3A_2744 = arith.constant 14 : i32
    %mul3A_2745 = arith.constant 8 : i32
    %mul3A_2746 = arith.muli %scan3A_2744, %mul3A_2745 : i32
    %get3A_2747 = arith.index_cast %mul3A_2746 : i32 to index
    %get3A_2748 = arith.constant 2304 : index
    %get3A_2749 = vector.load %arg6[%get3A_2747, %get3A_2748] : memref<1024x4608xf32, #tpu.memory_space<vmem>>, vector<8x2304xf32>
    %add3A_2750 = vector.broadcast %slice3A_2473 : vector<1x2304xf32> to vector<8x2304xf32>
    %add3A_2751 = arith.addf %add3A_2750, %get3A_2749 : vector<8x2304xf32>
    %mul3A_2752 = arith.constant 8 : i32
    %mul3A_2753 = arith.muli %scan3A_2744, %mul3A_2752 : i32
    %get3A_2754 = arith.index_cast %mul3A_2753 : i32 to index
    %get3A_2755 = arith.constant 0 : index
    %get3A_2756 = vector.load %arg5[%get3A_2754, %get3A_2755] : memref<1024x1xf32, #tpu.memory_space<vmem>>, vector<8x1xf32>
    %add3A_2757 = vector.broadcast %get3A_2756 : vector<8x1xf32> to vector<8x2304xf32>
    %add3A_2758 = arith.addf %add3A_2751, %add3A_2757 : vector<8x2304xf32>
    %lt3A_2759 = arith.cmpf olt, %add3A_2758, %min3A_2743 : vector<8x2304xf32>
    %broadcast_in_dim3A_2760 = vector.broadcast %scan3A_2744 : i32 to vector<8x2304xi32>
    %select_n3A_2761 = arith.select %lt3A_2759, %broadcast_in_dim3A_2760, %select_n3A_2742 : vector<8x2304xi1>, vector<8x2304xi32>
    %min3A_2762 = arith.minimumf %min3A_2743, %add3A_2758 : vector<8x2304xf32>
    %scan3A_2763 = arith.constant 15 : i32
    %mul3A_2764 = arith.constant 8 : i32
    %mul3A_2765 = arith.muli %scan3A_2763, %mul3A_2764 : i32
    %get3A_2766 = arith.index_cast %mul3A_2765 : i32 to index
    %get3A_2767 = arith.constant 2304 : index
    %get3A_2768 = vector.load %arg6[%get3A_2766, %get3A_2767] : memref<1024x4608xf32, #tpu.memory_space<vmem>>, vector<8x2304xf32>
    %add3A_2769 = vector.broadcast %slice3A_2473 : vector<1x2304xf32> to vector<8x2304xf32>
    %add3A_2770 = arith.addf %add3A_2769, %get3A_2768 : vector<8x2304xf32>
    %mul3A_2771 = arith.constant 8 : i32
    %mul3A_2772 = arith.muli %scan3A_2763, %mul3A_2771 : i32
    %get3A_2773 = arith.index_cast %mul3A_2772 : i32 to index
    %get3A_2774 = arith.constant 0 : index
    %get3A_2775 = vector.load %arg5[%get3A_2773, %get3A_2774] : memref<1024x1xf32, #tpu.memory_space<vmem>>, vector<8x1xf32>
    %add3A_2776 = vector.broadcast %get3A_2775 : vector<8x1xf32> to vector<8x2304xf32>
    %add3A_2777 = arith.addf %add3A_2770, %add3A_2776 : vector<8x2304xf32>
    %lt3A_2778 = arith.cmpf olt, %add3A_2777, %min3A_2762 : vector<8x2304xf32>
    %broadcast_in_dim3A_2779 = vector.broadcast %scan3A_2763 : i32 to vector<8x2304xi32>
    %select_n3A_2780 = arith.select %lt3A_2778, %broadcast_in_dim3A_2779, %select_n3A_2761 : vector<8x2304xi1>, vector<8x2304xi32>
    %min3A_2781 = arith.minimumf %min3A_2762, %add3A_2777 : vector<8x2304xf32>
    %scan3A_2782 = arith.constant 16 : i32
    %mul3A_2783 = arith.constant 8 : i32
    %mul3A_2784 = arith.muli %scan3A_2782, %mul3A_2783 : i32
    %get3A_2785 = arith.index_cast %mul3A_2784 : i32 to index
    %get3A_2786 = arith.constant 2304 : index
    %get3A_2787 = vector.load %arg6[%get3A_2785, %get3A_2786] : memref<1024x4608xf32, #tpu.memory_space<vmem>>, vector<8x2304xf32>
    %add3A_2788 = vector.broadcast %slice3A_2473 : vector<1x2304xf32> to vector<8x2304xf32>
    %add3A_2789 = arith.addf %add3A_2788, %get3A_2787 : vector<8x2304xf32>
    %mul3A_2790 = arith.constant 8 : i32
    %mul3A_2791 = arith.muli %scan3A_2782, %mul3A_2790 : i32
    %get3A_2792 = arith.index_cast %mul3A_2791 : i32 to index
    %get3A_2793 = arith.constant 0 : index
    %get3A_2794 = vector.load %arg5[%get3A_2792, %get3A_2793] : memref<1024x1xf32, #tpu.memory_space<vmem>>, vector<8x1xf32>
    %add3A_2795 = vector.broadcast %get3A_2794 : vector<8x1xf32> to vector<8x2304xf32>
    %add3A_2796 = arith.addf %add3A_2789, %add3A_2795 : vector<8x2304xf32>
    %lt3A_2797 = arith.cmpf olt, %add3A_2796, %min3A_2781 : vector<8x2304xf32>
    %broadcast_in_dim3A_2798 = vector.broadcast %scan3A_2782 : i32 to vector<8x2304xi32>
    %select_n3A_2799 = arith.select %lt3A_2797, %broadcast_in_dim3A_2798, %select_n3A_2780 : vector<8x2304xi1>, vector<8x2304xi32>
    %min3A_2800 = arith.minimumf %min3A_2781, %add3A_2796 : vector<8x2304xf32>
    %scan3A_2801 = arith.constant 17 : i32
    %mul3A_2802 = arith.constant 8 : i32
    %mul3A_2803 = arith.muli %scan3A_2801, %mul3A_2802 : i32
    %get3A_2804 = arith.index_cast %mul3A_2803 : i32 to index
    %get3A_2805 = arith.constant 2304 : index
    %get3A_2806 = vector.load %arg6[%get3A_2804, %get3A_2805] : memref<1024x4608xf32, #tpu.memory_space<vmem>>, vector<8x2304xf32>
    %add3A_2807 = vector.broadcast %slice3A_2473 : vector<1x2304xf32> to vector<8x2304xf32>
    %add3A_2808 = arith.addf %add3A_2807, %get3A_2806 : vector<8x2304xf32>
    %mul3A_2809 = arith.constant 8 : i32
    %mul3A_2810 = arith.muli %scan3A_2801, %mul3A_2809 : i32
    %get3A_2811 = arith.index_cast %mul3A_2810 : i32 to index
    %get3A_2812 = arith.constant 0 : index
    %get3A_2813 = vector.load %arg5[%get3A_2811, %get3A_2812] : memref<1024x1xf32, #tpu.memory_space<vmem>>, vector<8x1xf32>
    %add3A_2814 = vector.broadcast %get3A_2813 : vector<8x1xf32> to vector<8x2304xf32>
    %add3A_2815 = arith.addf %add3A_2808, %add3A_2814 : vector<8x2304xf32>
    %lt3A_2816 = arith.cmpf olt, %add3A_2815, %min3A_2800 : vector<8x2304xf32>
    %broadcast_in_dim3A_2817 = vector.broadcast %scan3A_2801 : i32 to vector<8x2304xi32>
    %select_n3A_2818 = arith.select %lt3A_2816, %broadcast_in_dim3A_2817, %select_n3A_2799 : vector<8x2304xi1>, vector<8x2304xi32>
    %min3A_2819 = arith.minimumf %min3A_2800, %add3A_2815 : vector<8x2304xf32>
    %scan3A_2820 = arith.constant 18 : i32
    %mul3A_2821 = arith.constant 8 : i32
    %mul3A_2822 = arith.muli %scan3A_2820, %mul3A_2821 : i32
    %get3A_2823 = arith.index_cast %mul3A_2822 : i32 to index
    %get3A_2824 = arith.constant 2304 : index
    %get3A_2825 = vector.load %arg6[%get3A_2823, %get3A_2824] : memref<1024x4608xf32, #tpu.memory_space<vmem>>, vector<8x2304xf32>
    %add3A_2826 = vector.broadcast %slice3A_2473 : vector<1x2304xf32> to vector<8x2304xf32>
    %add3A_2827 = arith.addf %add3A_2826, %get3A_2825 : vector<8x2304xf32>
    %mul3A_2828 = arith.constant 8 : i32
    %mul3A_2829 = arith.muli %scan3A_2820, %mul3A_2828 : i32
    %get3A_2830 = arith.index_cast %mul3A_2829 : i32 to index
    %get3A_2831 = arith.constant 0 : index
    %get3A_2832 = vector.load %arg5[%get3A_2830, %get3A_2831] : memref<1024x1xf32, #tpu.memory_space<vmem>>, vector<8x1xf32>
    %add3A_2833 = vector.broadcast %get3A_2832 : vector<8x1xf32> to vector<8x2304xf32>
    %add3A_2834 = arith.addf %add3A_2827, %add3A_2833 : vector<8x2304xf32>
    %lt3A_2835 = arith.cmpf olt, %add3A_2834, %min3A_2819 : vector<8x2304xf32>
    %broadcast_in_dim3A_2836 = vector.broadcast %scan3A_2820 : i32 to vector<8x2304xi32>
    %select_n3A_2837 = arith.select %lt3A_2835, %broadcast_in_dim3A_2836, %select_n3A_2818 : vector<8x2304xi1>, vector<8x2304xi32>
    %min3A_2838 = arith.minimumf %min3A_2819, %add3A_2834 : vector<8x2304xf32>
    %scan3A_2839 = arith.constant 19 : i32
    %mul3A_2840 = arith.constant 8 : i32
    %mul3A_2841 = arith.muli %scan3A_2839, %mul3A_2840 : i32
    %get3A_2842 = arith.index_cast %mul3A_2841 : i32 to index
    %get3A_2843 = arith.constant 2304 : index
    %get3A_2844 = vector.load %arg6[%get3A_2842, %get3A_2843] : memref<1024x4608xf32, #tpu.memory_space<vmem>>, vector<8x2304xf32>
    %add3A_2845 = vector.broadcast %slice3A_2473 : vector<1x2304xf32> to vector<8x2304xf32>
    %add3A_2846 = arith.addf %add3A_2845, %get3A_2844 : vector<8x2304xf32>
    %mul3A_2847 = arith.constant 8 : i32
    %mul3A_2848 = arith.muli %scan3A_2839, %mul3A_2847 : i32
    %get3A_2849 = arith.index_cast %mul3A_2848 : i32 to index
    %get3A_2850 = arith.constant 0 : index
    %get3A_2851 = vector.load %arg5[%get3A_2849, %get3A_2850] : memref<1024x1xf32, #tpu.memory_space<vmem>>, vector<8x1xf32>
    %add3A_2852 = vector.broadcast %get3A_2851 : vector<8x1xf32> to vector<8x2304xf32>
    %add3A_2853 = arith.addf %add3A_2846, %add3A_2852 : vector<8x2304xf32>
    %lt3A_2854 = arith.cmpf olt, %add3A_2853, %min3A_2838 : vector<8x2304xf32>
    %broadcast_in_dim3A_2855 = vector.broadcast %scan3A_2839 : i32 to vector<8x2304xi32>
    %select_n3A_2856 = arith.select %lt3A_2854, %broadcast_in_dim3A_2855, %select_n3A_2837 : vector<8x2304xi1>, vector<8x2304xi32>
    %min3A_2857 = arith.minimumf %min3A_2838, %add3A_2853 : vector<8x2304xf32>
    %scan3A_2858 = arith.constant 20 : i32
    %mul3A_2859 = arith.constant 8 : i32
    %mul3A_2860 = arith.muli %scan3A_2858, %mul3A_2859 : i32
    %get3A_2861 = arith.index_cast %mul3A_2860 : i32 to index
    %get3A_2862 = arith.constant 2304 : index
    %get3A_2863 = vector.load %arg6[%get3A_2861, %get3A_2862] : memref<1024x4608xf32, #tpu.memory_space<vmem>>, vector<8x2304xf32>
    %add3A_2864 = vector.broadcast %slice3A_2473 : vector<1x2304xf32> to vector<8x2304xf32>
    %add3A_2865 = arith.addf %add3A_2864, %get3A_2863 : vector<8x2304xf32>
    %mul3A_2866 = arith.constant 8 : i32
    %mul3A_2867 = arith.muli %scan3A_2858, %mul3A_2866 : i32
    %get3A_2868 = arith.index_cast %mul3A_2867 : i32 to index
    %get3A_2869 = arith.constant 0 : index
    %get3A_2870 = vector.load %arg5[%get3A_2868, %get3A_2869] : memref<1024x1xf32, #tpu.memory_space<vmem>>, vector<8x1xf32>
    %add3A_2871 = vector.broadcast %get3A_2870 : vector<8x1xf32> to vector<8x2304xf32>
    %add3A_2872 = arith.addf %add3A_2865, %add3A_2871 : vector<8x2304xf32>
    %lt3A_2873 = arith.cmpf olt, %add3A_2872, %min3A_2857 : vector<8x2304xf32>
    %broadcast_in_dim3A_2874 = vector.broadcast %scan3A_2858 : i32 to vector<8x2304xi32>
    %select_n3A_2875 = arith.select %lt3A_2873, %broadcast_in_dim3A_2874, %select_n3A_2856 : vector<8x2304xi1>, vector<8x2304xi32>
    %min3A_2876 = arith.minimumf %min3A_2857, %add3A_2872 : vector<8x2304xf32>
    %scan3A_2877 = arith.constant 21 : i32
    %mul3A_2878 = arith.constant 8 : i32
    %mul3A_2879 = arith.muli %scan3A_2877, %mul3A_2878 : i32
    %get3A_2880 = arith.index_cast %mul3A_2879 : i32 to index
    %get3A_2881 = arith.constant 2304 : index
    %get3A_2882 = vector.load %arg6[%get3A_2880, %get3A_2881] : memref<1024x4608xf32, #tpu.memory_space<vmem>>, vector<8x2304xf32>
    %add3A_2883 = vector.broadcast %slice3A_2473 : vector<1x2304xf32> to vector<8x2304xf32>
    %add3A_2884 = arith.addf %add3A_2883, %get3A_2882 : vector<8x2304xf32>
    %mul3A_2885 = arith.constant 8 : i32
    %mul3A_2886 = arith.muli %scan3A_2877, %mul3A_2885 : i32
    %get3A_2887 = arith.index_cast %mul3A_2886 : i32 to index
    %get3A_2888 = arith.constant 0 : index
    %get3A_2889 = vector.load %arg5[%get3A_2887, %get3A_2888] : memref<1024x1xf32, #tpu.memory_space<vmem>>, vector<8x1xf32>
    %add3A_2890 = vector.broadcast %get3A_2889 : vector<8x1xf32> to vector<8x2304xf32>
    %add3A_2891 = arith.addf %add3A_2884, %add3A_2890 : vector<8x2304xf32>
    %lt3A_2892 = arith.cmpf olt, %add3A_2891, %min3A_2876 : vector<8x2304xf32>
    %broadcast_in_dim3A_2893 = vector.broadcast %scan3A_2877 : i32 to vector<8x2304xi32>
    %select_n3A_2894 = arith.select %lt3A_2892, %broadcast_in_dim3A_2893, %select_n3A_2875 : vector<8x2304xi1>, vector<8x2304xi32>
    %min3A_2895 = arith.minimumf %min3A_2876, %add3A_2891 : vector<8x2304xf32>
    %scan3A_2896 = arith.constant 22 : i32
    %mul3A_2897 = arith.constant 8 : i32
    %mul3A_2898 = arith.muli %scan3A_2896, %mul3A_2897 : i32
    %get3A_2899 = arith.index_cast %mul3A_2898 : i32 to index
    %get3A_2900 = arith.constant 2304 : index
    %get3A_2901 = vector.load %arg6[%get3A_2899, %get3A_2900] : memref<1024x4608xf32, #tpu.memory_space<vmem>>, vector<8x2304xf32>
    %add3A_2902 = vector.broadcast %slice3A_2473 : vector<1x2304xf32> to vector<8x2304xf32>
    %add3A_2903 = arith.addf %add3A_2902, %get3A_2901 : vector<8x2304xf32>
    %mul3A_2904 = arith.constant 8 : i32
    %mul3A_2905 = arith.muli %scan3A_2896, %mul3A_2904 : i32
    %get3A_2906 = arith.index_cast %mul3A_2905 : i32 to index
    %get3A_2907 = arith.constant 0 : index
    %get3A_2908 = vector.load %arg5[%get3A_2906, %get3A_2907] : memref<1024x1xf32, #tpu.memory_space<vmem>>, vector<8x1xf32>
    %add3A_2909 = vector.broadcast %get3A_2908 : vector<8x1xf32> to vector<8x2304xf32>
    %add3A_2910 = arith.addf %add3A_2903, %add3A_2909 : vector<8x2304xf32>
    %lt3A_2911 = arith.cmpf olt, %add3A_2910, %min3A_2895 : vector<8x2304xf32>
    %broadcast_in_dim3A_2912 = vector.broadcast %scan3A_2896 : i32 to vector<8x2304xi32>
    %select_n3A_2913 = arith.select %lt3A_2911, %broadcast_in_dim3A_2912, %select_n3A_2894 : vector<8x2304xi1>, vector<8x2304xi32>
    %min3A_2914 = arith.minimumf %min3A_2895, %add3A_2910 : vector<8x2304xf32>
    %scan3A_2915 = arith.constant 23 : i32
    %mul3A_2916 = arith.constant 8 : i32
    %mul3A_2917 = arith.muli %scan3A_2915, %mul3A_2916 : i32
    %get3A_2918 = arith.index_cast %mul3A_2917 : i32 to index
    %get3A_2919 = arith.constant 2304 : index
    %get3A_2920 = vector.load %arg6[%get3A_2918, %get3A_2919] : memref<1024x4608xf32, #tpu.memory_space<vmem>>, vector<8x2304xf32>
    %add3A_2921 = vector.broadcast %slice3A_2473 : vector<1x2304xf32> to vector<8x2304xf32>
    %add3A_2922 = arith.addf %add3A_2921, %get3A_2920 : vector<8x2304xf32>
    %mul3A_2923 = arith.constant 8 : i32
    %mul3A_2924 = arith.muli %scan3A_2915, %mul3A_2923 : i32
    %get3A_2925 = arith.index_cast %mul3A_2924 : i32 to index
    %get3A_2926 = arith.constant 0 : index
    %get3A_2927 = vector.load %arg5[%get3A_2925, %get3A_2926] : memref<1024x1xf32, #tpu.memory_space<vmem>>, vector<8x1xf32>
    %add3A_2928 = vector.broadcast %get3A_2927 : vector<8x1xf32> to vector<8x2304xf32>
    %add3A_2929 = arith.addf %add3A_2922, %add3A_2928 : vector<8x2304xf32>
    %lt3A_2930 = arith.cmpf olt, %add3A_2929, %min3A_2914 : vector<8x2304xf32>
    %broadcast_in_dim3A_2931 = vector.broadcast %scan3A_2915 : i32 to vector<8x2304xi32>
    %select_n3A_2932 = arith.select %lt3A_2930, %broadcast_in_dim3A_2931, %select_n3A_2913 : vector<8x2304xi1>, vector<8x2304xi32>
    %min3A_2933 = arith.minimumf %min3A_2914, %add3A_2929 : vector<8x2304xf32>
    %scan3A_2934 = arith.constant 24 : i32
    %mul3A_2935 = arith.constant 8 : i32
    %mul3A_2936 = arith.muli %scan3A_2934, %mul3A_2935 : i32
    %get3A_2937 = arith.index_cast %mul3A_2936 : i32 to index
    %get3A_2938 = arith.constant 2304 : index
    %get3A_2939 = vector.load %arg6[%get3A_2937, %get3A_2938] : memref<1024x4608xf32, #tpu.memory_space<vmem>>, vector<8x2304xf32>
    %add3A_2940 = vector.broadcast %slice3A_2473 : vector<1x2304xf32> to vector<8x2304xf32>
    %add3A_2941 = arith.addf %add3A_2940, %get3A_2939 : vector<8x2304xf32>
    %mul3A_2942 = arith.constant 8 : i32
    %mul3A_2943 = arith.muli %scan3A_2934, %mul3A_2942 : i32
    %get3A_2944 = arith.index_cast %mul3A_2943 : i32 to index
    %get3A_2945 = arith.constant 0 : index
    %get3A_2946 = vector.load %arg5[%get3A_2944, %get3A_2945] : memref<1024x1xf32, #tpu.memory_space<vmem>>, vector<8x1xf32>
    %add3A_2947 = vector.broadcast %get3A_2946 : vector<8x1xf32> to vector<8x2304xf32>
    %add3A_2948 = arith.addf %add3A_2941, %add3A_2947 : vector<8x2304xf32>
    %lt3A_2949 = arith.cmpf olt, %add3A_2948, %min3A_2933 : vector<8x2304xf32>
    %broadcast_in_dim3A_2950 = vector.broadcast %scan3A_2934 : i32 to vector<8x2304xi32>
    %select_n3A_2951 = arith.select %lt3A_2949, %broadcast_in_dim3A_2950, %select_n3A_2932 : vector<8x2304xi1>, vector<8x2304xi32>
    %min3A_2952 = arith.minimumf %min3A_2933, %add3A_2948 : vector<8x2304xf32>
    %scan3A_2953 = arith.constant 25 : i32
    %mul3A_2954 = arith.constant 8 : i32
    %mul3A_2955 = arith.muli %scan3A_2953, %mul3A_2954 : i32
    %get3A_2956 = arith.index_cast %mul3A_2955 : i32 to index
    %get3A_2957 = arith.constant 2304 : index
    %get3A_2958 = vector.load %arg6[%get3A_2956, %get3A_2957] : memref<1024x4608xf32, #tpu.memory_space<vmem>>, vector<8x2304xf32>
    %add3A_2959 = vector.broadcast %slice3A_2473 : vector<1x2304xf32> to vector<8x2304xf32>
    %add3A_2960 = arith.addf %add3A_2959, %get3A_2958 : vector<8x2304xf32>
    %mul3A_2961 = arith.constant 8 : i32
    %mul3A_2962 = arith.muli %scan3A_2953, %mul3A_2961 : i32
    %get3A_2963 = arith.index_cast %mul3A_2962 : i32 to index
    %get3A_2964 = arith.constant 0 : index
    %get3A_2965 = vector.load %arg5[%get3A_2963, %get3A_2964] : memref<1024x1xf32, #tpu.memory_space<vmem>>, vector<8x1xf32>
    %add3A_2966 = vector.broadcast %get3A_2965 : vector<8x1xf32> to vector<8x2304xf32>
    %add3A_2967 = arith.addf %add3A_2960, %add3A_2966 : vector<8x2304xf32>
    %lt3A_2968 = arith.cmpf olt, %add3A_2967, %min3A_2952 : vector<8x2304xf32>
    %broadcast_in_dim3A_2969 = vector.broadcast %scan3A_2953 : i32 to vector<8x2304xi32>
    %select_n3A_2970 = arith.select %lt3A_2968, %broadcast_in_dim3A_2969, %select_n3A_2951 : vector<8x2304xi1>, vector<8x2304xi32>
    %min3A_2971 = arith.minimumf %min3A_2952, %add3A_2967 : vector<8x2304xf32>
    %scan3A_2972 = arith.constant 26 : i32
    %mul3A_2973 = arith.constant 8 : i32
    %mul3A_2974 = arith.muli %scan3A_2972, %mul3A_2973 : i32
    %get3A_2975 = arith.index_cast %mul3A_2974 : i32 to index
    %get3A_2976 = arith.constant 2304 : index
    %get3A_2977 = vector.load %arg6[%get3A_2975, %get3A_2976] : memref<1024x4608xf32, #tpu.memory_space<vmem>>, vector<8x2304xf32>
    %add3A_2978 = vector.broadcast %slice3A_2473 : vector<1x2304xf32> to vector<8x2304xf32>
    %add3A_2979 = arith.addf %add3A_2978, %get3A_2977 : vector<8x2304xf32>
    %mul3A_2980 = arith.constant 8 : i32
    %mul3A_2981 = arith.muli %scan3A_2972, %mul3A_2980 : i32
    %get3A_2982 = arith.index_cast %mul3A_2981 : i32 to index
    %get3A_2983 = arith.constant 0 : index
    %get3A_2984 = vector.load %arg5[%get3A_2982, %get3A_2983] : memref<1024x1xf32, #tpu.memory_space<vmem>>, vector<8x1xf32>
    %add3A_2985 = vector.broadcast %get3A_2984 : vector<8x1xf32> to vector<8x2304xf32>
    %add3A_2986 = arith.addf %add3A_2979, %add3A_2985 : vector<8x2304xf32>
    %lt3A_2987 = arith.cmpf olt, %add3A_2986, %min3A_2971 : vector<8x2304xf32>
    %broadcast_in_dim3A_2988 = vector.broadcast %scan3A_2972 : i32 to vector<8x2304xi32>
    %select_n3A_2989 = arith.select %lt3A_2987, %broadcast_in_dim3A_2988, %select_n3A_2970 : vector<8x2304xi1>, vector<8x2304xi32>
    %min3A_2990 = arith.minimumf %min3A_2971, %add3A_2986 : vector<8x2304xf32>
    %scan3A_2991 = arith.constant 27 : i32
    %mul3A_2992 = arith.constant 8 : i32
    %mul3A_2993 = arith.muli %scan3A_2991, %mul3A_2992 : i32
    %get3A_2994 = arith.index_cast %mul3A_2993 : i32 to index
    %get3A_2995 = arith.constant 2304 : index
    %get3A_2996 = vector.load %arg6[%get3A_2994, %get3A_2995] : memref<1024x4608xf32, #tpu.memory_space<vmem>>, vector<8x2304xf32>
    %add3A_2997 = vector.broadcast %slice3A_2473 : vector<1x2304xf32> to vector<8x2304xf32>
    %add3A_2998 = arith.addf %add3A_2997, %get3A_2996 : vector<8x2304xf32>
    %mul3A_2999 = arith.constant 8 : i32
    %mul3A_3000 = arith.muli %scan3A_2991, %mul3A_2999 : i32
    %get3A_3001 = arith.index_cast %mul3A_3000 : i32 to index
    %get3A_3002 = arith.constant 0 : index
    %get3A_3003 = vector.load %arg5[%get3A_3001, %get3A_3002] : memref<1024x1xf32, #tpu.memory_space<vmem>>, vector<8x1xf32>
    %add3A_3004 = vector.broadcast %get3A_3003 : vector<8x1xf32> to vector<8x2304xf32>
    %add3A_3005 = arith.addf %add3A_2998, %add3A_3004 : vector<8x2304xf32>
    %lt3A_3006 = arith.cmpf olt, %add3A_3005, %min3A_2990 : vector<8x2304xf32>
    %broadcast_in_dim3A_3007 = vector.broadcast %scan3A_2991 : i32 to vector<8x2304xi32>
    %select_n3A_3008 = arith.select %lt3A_3006, %broadcast_in_dim3A_3007, %select_n3A_2989 : vector<8x2304xi1>, vector<8x2304xi32>
    %min3A_3009 = arith.minimumf %min3A_2990, %add3A_3005 : vector<8x2304xf32>
    %scan3A_3010 = arith.constant 28 : i32
    %mul3A_3011 = arith.constant 8 : i32
    %mul3A_3012 = arith.muli %scan3A_3010, %mul3A_3011 : i32
    %get3A_3013 = arith.index_cast %mul3A_3012 : i32 to index
    %get3A_3014 = arith.constant 2304 : index
    %get3A_3015 = vector.load %arg6[%get3A_3013, %get3A_3014] : memref<1024x4608xf32, #tpu.memory_space<vmem>>, vector<8x2304xf32>
    %add3A_3016 = vector.broadcast %slice3A_2473 : vector<1x2304xf32> to vector<8x2304xf32>
    %add3A_3017 = arith.addf %add3A_3016, %get3A_3015 : vector<8x2304xf32>
    %mul3A_3018 = arith.constant 8 : i32
    %mul3A_3019 = arith.muli %scan3A_3010, %mul3A_3018 : i32
    %get3A_3020 = arith.index_cast %mul3A_3019 : i32 to index
    %get3A_3021 = arith.constant 0 : index
    %get3A_3022 = vector.load %arg5[%get3A_3020, %get3A_3021] : memref<1024x1xf32, #tpu.memory_space<vmem>>, vector<8x1xf32>
    %add3A_3023 = vector.broadcast %get3A_3022 : vector<8x1xf32> to vector<8x2304xf32>
    %add3A_3024 = arith.addf %add3A_3017, %add3A_3023 : vector<8x2304xf32>
    %lt3A_3025 = arith.cmpf olt, %add3A_3024, %min3A_3009 : vector<8x2304xf32>
    %broadcast_in_dim3A_3026 = vector.broadcast %scan3A_3010 : i32 to vector<8x2304xi32>
    %select_n3A_3027 = arith.select %lt3A_3025, %broadcast_in_dim3A_3026, %select_n3A_3008 : vector<8x2304xi1>, vector<8x2304xi32>
    %min3A_3028 = arith.minimumf %min3A_3009, %add3A_3024 : vector<8x2304xf32>
    %scan3A_3029 = arith.constant 29 : i32
    %mul3A_3030 = arith.constant 8 : i32
    %mul3A_3031 = arith.muli %scan3A_3029, %mul3A_3030 : i32
    %get3A_3032 = arith.index_cast %mul3A_3031 : i32 to index
    %get3A_3033 = arith.constant 2304 : index
    %get3A_3034 = vector.load %arg6[%get3A_3032, %get3A_3033] : memref<1024x4608xf32, #tpu.memory_space<vmem>>, vector<8x2304xf32>
    %add3A_3035 = vector.broadcast %slice3A_2473 : vector<1x2304xf32> to vector<8x2304xf32>
    %add3A_3036 = arith.addf %add3A_3035, %get3A_3034 : vector<8x2304xf32>
    %mul3A_3037 = arith.constant 8 : i32
    %mul3A_3038 = arith.muli %scan3A_3029, %mul3A_3037 : i32
    %get3A_3039 = arith.index_cast %mul3A_3038 : i32 to index
    %get3A_3040 = arith.constant 0 : index
    %get3A_3041 = vector.load %arg5[%get3A_3039, %get3A_3040] : memref<1024x1xf32, #tpu.memory_space<vmem>>, vector<8x1xf32>
    %add3A_3042 = vector.broadcast %get3A_3041 : vector<8x1xf32> to vector<8x2304xf32>
    %add3A_3043 = arith.addf %add3A_3036, %add3A_3042 : vector<8x2304xf32>
    %lt3A_3044 = arith.cmpf olt, %add3A_3043, %min3A_3028 : vector<8x2304xf32>
    %broadcast_in_dim3A_3045 = vector.broadcast %scan3A_3029 : i32 to vector<8x2304xi32>
    %select_n3A_3046 = arith.select %lt3A_3044, %broadcast_in_dim3A_3045, %select_n3A_3027 : vector<8x2304xi1>, vector<8x2304xi32>
    %min3A_3047 = arith.minimumf %min3A_3028, %add3A_3043 : vector<8x2304xf32>
    %scan3A_3048 = arith.constant 30 : i32
    %mul3A_3049 = arith.constant 8 : i32
    %mul3A_3050 = arith.muli %scan3A_3048, %mul3A_3049 : i32
    %get3A_3051 = arith.index_cast %mul3A_3050 : i32 to index
    %get3A_3052 = arith.constant 2304 : index
    %get3A_3053 = vector.load %arg6[%get3A_3051, %get3A_3052] : memref<1024x4608xf32, #tpu.memory_space<vmem>>, vector<8x2304xf32>
    %add3A_3054 = vector.broadcast %slice3A_2473 : vector<1x2304xf32> to vector<8x2304xf32>
    %add3A_3055 = arith.addf %add3A_3054, %get3A_3053 : vector<8x2304xf32>
    %mul3A_3056 = arith.constant 8 : i32
    %mul3A_3057 = arith.muli %scan3A_3048, %mul3A_3056 : i32
    %get3A_3058 = arith.index_cast %mul3A_3057 : i32 to index
    %get3A_3059 = arith.constant 0 : index
    %get3A_3060 = vector.load %arg5[%get3A_3058, %get3A_3059] : memref<1024x1xf32, #tpu.memory_space<vmem>>, vector<8x1xf32>
    %add3A_3061 = vector.broadcast %get3A_3060 : vector<8x1xf32> to vector<8x2304xf32>
    %add3A_3062 = arith.addf %add3A_3055, %add3A_3061 : vector<8x2304xf32>
    %lt3A_3063 = arith.cmpf olt, %add3A_3062, %min3A_3047 : vector<8x2304xf32>
    %broadcast_in_dim3A_3064 = vector.broadcast %scan3A_3048 : i32 to vector<8x2304xi32>
    %select_n3A_3065 = arith.select %lt3A_3063, %broadcast_in_dim3A_3064, %select_n3A_3046 : vector<8x2304xi1>, vector<8x2304xi32>
    %min3A_3066 = arith.minimumf %min3A_3047, %add3A_3062 : vector<8x2304xf32>
    %scan3A_3067 = arith.constant 31 : i32
    %mul3A_3068 = arith.constant 8 : i32
    %mul3A_3069 = arith.muli %scan3A_3067, %mul3A_3068 : i32
    %get3A_3070 = arith.index_cast %mul3A_3069 : i32 to index
    %get3A_3071 = arith.constant 2304 : index
    %get3A_3072 = vector.load %arg6[%get3A_3070, %get3A_3071] : memref<1024x4608xf32, #tpu.memory_space<vmem>>, vector<8x2304xf32>
    %add3A_3073 = vector.broadcast %slice3A_2473 : vector<1x2304xf32> to vector<8x2304xf32>
    %add3A_3074 = arith.addf %add3A_3073, %get3A_3072 : vector<8x2304xf32>
    %mul3A_3075 = arith.constant 8 : i32
    %mul3A_3076 = arith.muli %scan3A_3067, %mul3A_3075 : i32
    %get3A_3077 = arith.index_cast %mul3A_3076 : i32 to index
    %get3A_3078 = arith.constant 0 : index
    %get3A_3079 = vector.load %arg5[%get3A_3077, %get3A_3078] : memref<1024x1xf32, #tpu.memory_space<vmem>>, vector<8x1xf32>
    %add3A_3080 = vector.broadcast %get3A_3079 : vector<8x1xf32> to vector<8x2304xf32>
    %add3A_3081 = arith.addf %add3A_3074, %add3A_3080 : vector<8x2304xf32>
    %lt3A_3082 = arith.cmpf olt, %add3A_3081, %min3A_3066 : vector<8x2304xf32>
    %broadcast_in_dim3A_3083 = vector.broadcast %scan3A_3067 : i32 to vector<8x2304xi32>
    %select_n3A_3084 = arith.select %lt3A_3082, %broadcast_in_dim3A_3083, %select_n3A_3065 : vector<8x2304xi1>, vector<8x2304xi32>
    %min3A_3085 = arith.minimumf %min3A_3066, %add3A_3081 : vector<8x2304xf32>
    %scan3A_3086 = arith.constant 32 : i32
    %mul3A_3087 = arith.constant 8 : i32
    %mul3A_3088 = arith.muli %scan3A_3086, %mul3A_3087 : i32
    %get3A_3089 = arith.index_cast %mul3A_3088 : i32 to index
    %get3A_3090 = arith.constant 2304 : index
    %get3A_3091 = vector.load %arg6[%get3A_3089, %get3A_3090] : memref<1024x4608xf32, #tpu.memory_space<vmem>>, vector<8x2304xf32>
    %add3A_3092 = vector.broadcast %slice3A_2473 : vector<1x2304xf32> to vector<8x2304xf32>
    %add3A_3093 = arith.addf %add3A_3092, %get3A_3091 : vector<8x2304xf32>
    %mul3A_3094 = arith.constant 8 : i32
    %mul3A_3095 = arith.muli %scan3A_3086, %mul3A_3094 : i32
    %get3A_3096 = arith.index_cast %mul3A_3095 : i32 to index
    %get3A_3097 = arith.constant 0 : index
    %get3A_3098 = vector.load %arg5[%get3A_3096, %get3A_3097] : memref<1024x1xf32, #tpu.memory_space<vmem>>, vector<8x1xf32>
    %add3A_3099 = vector.broadcast %get3A_3098 : vector<8x1xf32> to vector<8x2304xf32>
    %add3A_3100 = arith.addf %add3A_3093, %add3A_3099 : vector<8x2304xf32>
    %lt3A_3101 = arith.cmpf olt, %add3A_3100, %min3A_3085 : vector<8x2304xf32>
    %broadcast_in_dim3A_3102 = vector.broadcast %scan3A_3086 : i32 to vector<8x2304xi32>
    %select_n3A_3103 = arith.select %lt3A_3101, %broadcast_in_dim3A_3102, %select_n3A_3084 : vector<8x2304xi1>, vector<8x2304xi32>
    %min3A_3104 = arith.minimumf %min3A_3085, %add3A_3100 : vector<8x2304xf32>
    %scan3A_3105 = arith.constant 33 : i32
    %mul3A_3106 = arith.constant 8 : i32
    %mul3A_3107 = arith.muli %scan3A_3105, %mul3A_3106 : i32
    %get3A_3108 = arith.index_cast %mul3A_3107 : i32 to index
    %get3A_3109 = arith.constant 2304 : index
    %get3A_3110 = vector.load %arg6[%get3A_3108, %get3A_3109] : memref<1024x4608xf32, #tpu.memory_space<vmem>>, vector<8x2304xf32>
    %add3A_3111 = vector.broadcast %slice3A_2473 : vector<1x2304xf32> to vector<8x2304xf32>
    %add3A_3112 = arith.addf %add3A_3111, %get3A_3110 : vector<8x2304xf32>
    %mul3A_3113 = arith.constant 8 : i32
    %mul3A_3114 = arith.muli %scan3A_3105, %mul3A_3113 : i32
    %get3A_3115 = arith.index_cast %mul3A_3114 : i32 to index
    %get3A_3116 = arith.constant 0 : index
    %get3A_3117 = vector.load %arg5[%get3A_3115, %get3A_3116] : memref<1024x1xf32, #tpu.memory_space<vmem>>, vector<8x1xf32>
    %add3A_3118 = vector.broadcast %get3A_3117 : vector<8x1xf32> to vector<8x2304xf32>
    %add3A_3119 = arith.addf %add3A_3112, %add3A_3118 : vector<8x2304xf32>
    %lt3A_3120 = arith.cmpf olt, %add3A_3119, %min3A_3104 : vector<8x2304xf32>
    %broadcast_in_dim3A_3121 = vector.broadcast %scan3A_3105 : i32 to vector<8x2304xi32>
    %select_n3A_3122 = arith.select %lt3A_3120, %broadcast_in_dim3A_3121, %select_n3A_3103 : vector<8x2304xi1>, vector<8x2304xi32>
    %min3A_3123 = arith.minimumf %min3A_3104, %add3A_3119 : vector<8x2304xf32>
    %scan3A_3124 = arith.constant 34 : i32
    %mul3A_3125 = arith.constant 8 : i32
    %mul3A_3126 = arith.muli %scan3A_3124, %mul3A_3125 : i32
    %get3A_3127 = arith.index_cast %mul3A_3126 : i32 to index
    %get3A_3128 = arith.constant 2304 : index
    %get3A_3129 = vector.load %arg6[%get3A_3127, %get3A_3128] : memref<1024x4608xf32, #tpu.memory_space<vmem>>, vector<8x2304xf32>
    %add3A_3130 = vector.broadcast %slice3A_2473 : vector<1x2304xf32> to vector<8x2304xf32>
    %add3A_3131 = arith.addf %add3A_3130, %get3A_3129 : vector<8x2304xf32>
    %mul3A_3132 = arith.constant 8 : i32
    %mul3A_3133 = arith.muli %scan3A_3124, %mul3A_3132 : i32
    %get3A_3134 = arith.index_cast %mul3A_3133 : i32 to index
    %get3A_3135 = arith.constant 0 : index
    %get3A_3136 = vector.load %arg5[%get3A_3134, %get3A_3135] : memref<1024x1xf32, #tpu.memory_space<vmem>>, vector<8x1xf32>
    %add3A_3137 = vector.broadcast %get3A_3136 : vector<8x1xf32> to vector<8x2304xf32>
    %add3A_3138 = arith.addf %add3A_3131, %add3A_3137 : vector<8x2304xf32>
    %lt3A_3139 = arith.cmpf olt, %add3A_3138, %min3A_3123 : vector<8x2304xf32>
    %broadcast_in_dim3A_3140 = vector.broadcast %scan3A_3124 : i32 to vector<8x2304xi32>
    %select_n3A_3141 = arith.select %lt3A_3139, %broadcast_in_dim3A_3140, %select_n3A_3122 : vector<8x2304xi1>, vector<8x2304xi32>
    %min3A_3142 = arith.minimumf %min3A_3123, %add3A_3138 : vector<8x2304xf32>
    %scan3A_3143 = arith.constant 35 : i32
    %mul3A_3144 = arith.constant 8 : i32
    %mul3A_3145 = arith.muli %scan3A_3143, %mul3A_3144 : i32
    %get3A_3146 = arith.index_cast %mul3A_3145 : i32 to index
    %get3A_3147 = arith.constant 2304 : index
    %get3A_3148 = vector.load %arg6[%get3A_3146, %get3A_3147] : memref<1024x4608xf32, #tpu.memory_space<vmem>>, vector<8x2304xf32>
    %add3A_3149 = vector.broadcast %slice3A_2473 : vector<1x2304xf32> to vector<8x2304xf32>
    %add3A_3150 = arith.addf %add3A_3149, %get3A_3148 : vector<8x2304xf32>
    %mul3A_3151 = arith.constant 8 : i32
    %mul3A_3152 = arith.muli %scan3A_3143, %mul3A_3151 : i32
    %get3A_3153 = arith.index_cast %mul3A_3152 : i32 to index
    %get3A_3154 = arith.constant 0 : index
    %get3A_3155 = vector.load %arg5[%get3A_3153, %get3A_3154] : memref<1024x1xf32, #tpu.memory_space<vmem>>, vector<8x1xf32>
    %add3A_3156 = vector.broadcast %get3A_3155 : vector<8x1xf32> to vector<8x2304xf32>
    %add3A_3157 = arith.addf %add3A_3150, %add3A_3156 : vector<8x2304xf32>
    %lt3A_3158 = arith.cmpf olt, %add3A_3157, %min3A_3142 : vector<8x2304xf32>
    %broadcast_in_dim3A_3159 = vector.broadcast %scan3A_3143 : i32 to vector<8x2304xi32>
    %select_n3A_3160 = arith.select %lt3A_3158, %broadcast_in_dim3A_3159, %select_n3A_3141 : vector<8x2304xi1>, vector<8x2304xi32>
    %min3A_3161 = arith.minimumf %min3A_3142, %add3A_3157 : vector<8x2304xf32>
    %scan3A_3162 = arith.constant 36 : i32
    %mul3A_3163 = arith.constant 8 : i32
    %mul3A_3164 = arith.muli %scan3A_3162, %mul3A_3163 : i32
    %get3A_3165 = arith.index_cast %mul3A_3164 : i32 to index
    %get3A_3166 = arith.constant 2304 : index
    %get3A_3167 = vector.load %arg6[%get3A_3165, %get3A_3166] : memref<1024x4608xf32, #tpu.memory_space<vmem>>, vector<8x2304xf32>
    %add3A_3168 = vector.broadcast %slice3A_2473 : vector<1x2304xf32> to vector<8x2304xf32>
    %add3A_3169 = arith.addf %add3A_3168, %get3A_3167 : vector<8x2304xf32>
    %mul3A_3170 = arith.constant 8 : i32
    %mul3A_3171 = arith.muli %scan3A_3162, %mul3A_3170 : i32
    %get3A_3172 = arith.index_cast %mul3A_3171 : i32 to index
    %get3A_3173 = arith.constant 0 : index
    %get3A_3174 = vector.load %arg5[%get3A_3172, %get3A_3173] : memref<1024x1xf32, #tpu.memory_space<vmem>>, vector<8x1xf32>
    %add3A_3175 = vector.broadcast %get3A_3174 : vector<8x1xf32> to vector<8x2304xf32>
    %add3A_3176 = arith.addf %add3A_3169, %add3A_3175 : vector<8x2304xf32>
    %lt3A_3177 = arith.cmpf olt, %add3A_3176, %min3A_3161 : vector<8x2304xf32>
    %broadcast_in_dim3A_3178 = vector.broadcast %scan3A_3162 : i32 to vector<8x2304xi32>
    %select_n3A_3179 = arith.select %lt3A_3177, %broadcast_in_dim3A_3178, %select_n3A_3160 : vector<8x2304xi1>, vector<8x2304xi32>
    %min3A_3180 = arith.minimumf %min3A_3161, %add3A_3176 : vector<8x2304xf32>
    %scan3A_3181 = arith.constant 37 : i32
    %mul3A_3182 = arith.constant 8 : i32
    %mul3A_3183 = arith.muli %scan3A_3181, %mul3A_3182 : i32
    %get3A_3184 = arith.index_cast %mul3A_3183 : i32 to index
    %get3A_3185 = arith.constant 2304 : index
    %get3A_3186 = vector.load %arg6[%get3A_3184, %get3A_3185] : memref<1024x4608xf32, #tpu.memory_space<vmem>>, vector<8x2304xf32>
    %add3A_3187 = vector.broadcast %slice3A_2473 : vector<1x2304xf32> to vector<8x2304xf32>
    %add3A_3188 = arith.addf %add3A_3187, %get3A_3186 : vector<8x2304xf32>
    %mul3A_3189 = arith.constant 8 : i32
    %mul3A_3190 = arith.muli %scan3A_3181, %mul3A_3189 : i32
    %get3A_3191 = arith.index_cast %mul3A_3190 : i32 to index
    %get3A_3192 = arith.constant 0 : index
    %get3A_3193 = vector.load %arg5[%get3A_3191, %get3A_3192] : memref<1024x1xf32, #tpu.memory_space<vmem>>, vector<8x1xf32>
    %add3A_3194 = vector.broadcast %get3A_3193 : vector<8x1xf32> to vector<8x2304xf32>
    %add3A_3195 = arith.addf %add3A_3188, %add3A_3194 : vector<8x2304xf32>
    %lt3A_3196 = arith.cmpf olt, %add3A_3195, %min3A_3180 : vector<8x2304xf32>
    %broadcast_in_dim3A_3197 = vector.broadcast %scan3A_3181 : i32 to vector<8x2304xi32>
    %select_n3A_3198 = arith.select %lt3A_3196, %broadcast_in_dim3A_3197, %select_n3A_3179 : vector<8x2304xi1>, vector<8x2304xi32>
    %min3A_3199 = arith.minimumf %min3A_3180, %add3A_3195 : vector<8x2304xf32>
    %scan3A_3200 = arith.constant 38 : i32
    %mul3A_3201 = arith.constant 8 : i32
    %mul3A_3202 = arith.muli %scan3A_3200, %mul3A_3201 : i32
    %get3A_3203 = arith.index_cast %mul3A_3202 : i32 to index
    %get3A_3204 = arith.constant 2304 : index
    %get3A_3205 = vector.load %arg6[%get3A_3203, %get3A_3204] : memref<1024x4608xf32, #tpu.memory_space<vmem>>, vector<8x2304xf32>
    %add3A_3206 = vector.broadcast %slice3A_2473 : vector<1x2304xf32> to vector<8x2304xf32>
    %add3A_3207 = arith.addf %add3A_3206, %get3A_3205 : vector<8x2304xf32>
    %mul3A_3208 = arith.constant 8 : i32
    %mul3A_3209 = arith.muli %scan3A_3200, %mul3A_3208 : i32
    %get3A_3210 = arith.index_cast %mul3A_3209 : i32 to index
    %get3A_3211 = arith.constant 0 : index
    %get3A_3212 = vector.load %arg5[%get3A_3210, %get3A_3211] : memref<1024x1xf32, #tpu.memory_space<vmem>>, vector<8x1xf32>
    %add3A_3213 = vector.broadcast %get3A_3212 : vector<8x1xf32> to vector<8x2304xf32>
    %add3A_3214 = arith.addf %add3A_3207, %add3A_3213 : vector<8x2304xf32>
    %lt3A_3215 = arith.cmpf olt, %add3A_3214, %min3A_3199 : vector<8x2304xf32>
    %broadcast_in_dim3A_3216 = vector.broadcast %scan3A_3200 : i32 to vector<8x2304xi32>
    %select_n3A_3217 = arith.select %lt3A_3215, %broadcast_in_dim3A_3216, %select_n3A_3198 : vector<8x2304xi1>, vector<8x2304xi32>
    %min3A_3218 = arith.minimumf %min3A_3199, %add3A_3214 : vector<8x2304xf32>
    %scan3A_3219 = arith.constant 39 : i32
    %mul3A_3220 = arith.constant 8 : i32
    %mul3A_3221 = arith.muli %scan3A_3219, %mul3A_3220 : i32
    %get3A_3222 = arith.index_cast %mul3A_3221 : i32 to index
    %get3A_3223 = arith.constant 2304 : index
    %get3A_3224 = vector.load %arg6[%get3A_3222, %get3A_3223] : memref<1024x4608xf32, #tpu.memory_space<vmem>>, vector<8x2304xf32>
    %add3A_3225 = vector.broadcast %slice3A_2473 : vector<1x2304xf32> to vector<8x2304xf32>
    %add3A_3226 = arith.addf %add3A_3225, %get3A_3224 : vector<8x2304xf32>
    %mul3A_3227 = arith.constant 8 : i32
    %mul3A_3228 = arith.muli %scan3A_3219, %mul3A_3227 : i32
    %get3A_3229 = arith.index_cast %mul3A_3228 : i32 to index
    %get3A_3230 = arith.constant 0 : index
    %get3A_3231 = vector.load %arg5[%get3A_3229, %get3A_3230] : memref<1024x1xf32, #tpu.memory_space<vmem>>, vector<8x1xf32>
    %add3A_3232 = vector.broadcast %get3A_3231 : vector<8x1xf32> to vector<8x2304xf32>
    %add3A_3233 = arith.addf %add3A_3226, %add3A_3232 : vector<8x2304xf32>
    %lt3A_3234 = arith.cmpf olt, %add3A_3233, %min3A_3218 : vector<8x2304xf32>
    %broadcast_in_dim3A_3235 = vector.broadcast %scan3A_3219 : i32 to vector<8x2304xi32>
    %select_n3A_3236 = arith.select %lt3A_3234, %broadcast_in_dim3A_3235, %select_n3A_3217 : vector<8x2304xi1>, vector<8x2304xi32>
    %min3A_3237 = arith.minimumf %min3A_3218, %add3A_3233 : vector<8x2304xf32>
    %scan3A_3238 = arith.constant 40 : i32
    %mul3A_3239 = arith.constant 8 : i32
    %mul3A_3240 = arith.muli %scan3A_3238, %mul3A_3239 : i32
    %get3A_3241 = arith.index_cast %mul3A_3240 : i32 to index
    %get3A_3242 = arith.constant 2304 : index
    %get3A_3243 = vector.load %arg6[%get3A_3241, %get3A_3242] : memref<1024x4608xf32, #tpu.memory_space<vmem>>, vector<8x2304xf32>
    %add3A_3244 = vector.broadcast %slice3A_2473 : vector<1x2304xf32> to vector<8x2304xf32>
    %add3A_3245 = arith.addf %add3A_3244, %get3A_3243 : vector<8x2304xf32>
    %mul3A_3246 = arith.constant 8 : i32
    %mul3A_3247 = arith.muli %scan3A_3238, %mul3A_3246 : i32
    %get3A_3248 = arith.index_cast %mul3A_3247 : i32 to index
    %get3A_3249 = arith.constant 0 : index
    %get3A_3250 = vector.load %arg5[%get3A_3248, %get3A_3249] : memref<1024x1xf32, #tpu.memory_space<vmem>>, vector<8x1xf32>
    %add3A_3251 = vector.broadcast %get3A_3250 : vector<8x1xf32> to vector<8x2304xf32>
    %add3A_3252 = arith.addf %add3A_3245, %add3A_3251 : vector<8x2304xf32>
    %lt3A_3253 = arith.cmpf olt, %add3A_3252, %min3A_3237 : vector<8x2304xf32>
    %broadcast_in_dim3A_3254 = vector.broadcast %scan3A_3238 : i32 to vector<8x2304xi32>
    %select_n3A_3255 = arith.select %lt3A_3253, %broadcast_in_dim3A_3254, %select_n3A_3236 : vector<8x2304xi1>, vector<8x2304xi32>
    %min3A_3256 = arith.minimumf %min3A_3237, %add3A_3252 : vector<8x2304xf32>
    %scan3A_3257 = arith.constant 41 : i32
    %mul3A_3258 = arith.constant 8 : i32
    %mul3A_3259 = arith.muli %scan3A_3257, %mul3A_3258 : i32
    %get3A_3260 = arith.index_cast %mul3A_3259 : i32 to index
    %get3A_3261 = arith.constant 2304 : index
    %get3A_3262 = vector.load %arg6[%get3A_3260, %get3A_3261] : memref<1024x4608xf32, #tpu.memory_space<vmem>>, vector<8x2304xf32>
    %add3A_3263 = vector.broadcast %slice3A_2473 : vector<1x2304xf32> to vector<8x2304xf32>
    %add3A_3264 = arith.addf %add3A_3263, %get3A_3262 : vector<8x2304xf32>
    %mul3A_3265 = arith.constant 8 : i32
    %mul3A_3266 = arith.muli %scan3A_3257, %mul3A_3265 : i32
    %get3A_3267 = arith.index_cast %mul3A_3266 : i32 to index
    %get3A_3268 = arith.constant 0 : index
    %get3A_3269 = vector.load %arg5[%get3A_3267, %get3A_3268] : memref<1024x1xf32, #tpu.memory_space<vmem>>, vector<8x1xf32>
    %add3A_3270 = vector.broadcast %get3A_3269 : vector<8x1xf32> to vector<8x2304xf32>
    %add3A_3271 = arith.addf %add3A_3264, %add3A_3270 : vector<8x2304xf32>
    %lt3A_3272 = arith.cmpf olt, %add3A_3271, %min3A_3256 : vector<8x2304xf32>
    %broadcast_in_dim3A_3273 = vector.broadcast %scan3A_3257 : i32 to vector<8x2304xi32>
    %select_n3A_3274 = arith.select %lt3A_3272, %broadcast_in_dim3A_3273, %select_n3A_3255 : vector<8x2304xi1>, vector<8x2304xi32>
    %min3A_3275 = arith.minimumf %min3A_3256, %add3A_3271 : vector<8x2304xf32>
    %scan3A_3276 = arith.constant 42 : i32
    %mul3A_3277 = arith.constant 8 : i32
    %mul3A_3278 = arith.muli %scan3A_3276, %mul3A_3277 : i32
    %get3A_3279 = arith.index_cast %mul3A_3278 : i32 to index
    %get3A_3280 = arith.constant 2304 : index
    %get3A_3281 = vector.load %arg6[%get3A_3279, %get3A_3280] : memref<1024x4608xf32, #tpu.memory_space<vmem>>, vector<8x2304xf32>
    %add3A_3282 = vector.broadcast %slice3A_2473 : vector<1x2304xf32> to vector<8x2304xf32>
    %add3A_3283 = arith.addf %add3A_3282, %get3A_3281 : vector<8x2304xf32>
    %mul3A_3284 = arith.constant 8 : i32
    %mul3A_3285 = arith.muli %scan3A_3276, %mul3A_3284 : i32
    %get3A_3286 = arith.index_cast %mul3A_3285 : i32 to index
    %get3A_3287 = arith.constant 0 : index
    %get3A_3288 = vector.load %arg5[%get3A_3286, %get3A_3287] : memref<1024x1xf32, #tpu.memory_space<vmem>>, vector<8x1xf32>
    %add3A_3289 = vector.broadcast %get3A_3288 : vector<8x1xf32> to vector<8x2304xf32>
    %add3A_3290 = arith.addf %add3A_3283, %add3A_3289 : vector<8x2304xf32>
    %lt3A_3291 = arith.cmpf olt, %add3A_3290, %min3A_3275 : vector<8x2304xf32>
    %broadcast_in_dim3A_3292 = vector.broadcast %scan3A_3276 : i32 to vector<8x2304xi32>
    %select_n3A_3293 = arith.select %lt3A_3291, %broadcast_in_dim3A_3292, %select_n3A_3274 : vector<8x2304xi1>, vector<8x2304xi32>
    %min3A_3294 = arith.minimumf %min3A_3275, %add3A_3290 : vector<8x2304xf32>
    %scan3A_3295 = arith.constant 43 : i32
    %mul3A_3296 = arith.constant 8 : i32
    %mul3A_3297 = arith.muli %scan3A_3295, %mul3A_3296 : i32
    %get3A_3298 = arith.index_cast %mul3A_3297 : i32 to index
    %get3A_3299 = arith.constant 2304 : index
    %get3A_3300 = vector.load %arg6[%get3A_3298, %get3A_3299] : memref<1024x4608xf32, #tpu.memory_space<vmem>>, vector<8x2304xf32>
    %add3A_3301 = vector.broadcast %slice3A_2473 : vector<1x2304xf32> to vector<8x2304xf32>
    %add3A_3302 = arith.addf %add3A_3301, %get3A_3300 : vector<8x2304xf32>
    %mul3A_3303 = arith.constant 8 : i32
    %mul3A_3304 = arith.muli %scan3A_3295, %mul3A_3303 : i32
    %get3A_3305 = arith.index_cast %mul3A_3304 : i32 to index
    %get3A_3306 = arith.constant 0 : index
    %get3A_3307 = vector.load %arg5[%get3A_3305, %get3A_3306] : memref<1024x1xf32, #tpu.memory_space<vmem>>, vector<8x1xf32>
    %add3A_3308 = vector.broadcast %get3A_3307 : vector<8x1xf32> to vector<8x2304xf32>
    %add3A_3309 = arith.addf %add3A_3302, %add3A_3308 : vector<8x2304xf32>
    %lt3A_3310 = arith.cmpf olt, %add3A_3309, %min3A_3294 : vector<8x2304xf32>
    %broadcast_in_dim3A_3311 = vector.broadcast %scan3A_3295 : i32 to vector<8x2304xi32>
    %select_n3A_3312 = arith.select %lt3A_3310, %broadcast_in_dim3A_3311, %select_n3A_3293 : vector<8x2304xi1>, vector<8x2304xi32>
    %min3A_3313 = arith.minimumf %min3A_3294, %add3A_3309 : vector<8x2304xf32>
    %scan3A_3314 = arith.constant 44 : i32
    %mul3A_3315 = arith.constant 8 : i32
    %mul3A_3316 = arith.muli %scan3A_3314, %mul3A_3315 : i32
    %get3A_3317 = arith.index_cast %mul3A_3316 : i32 to index
    %get3A_3318 = arith.constant 2304 : index
    %get3A_3319 = vector.load %arg6[%get3A_3317, %get3A_3318] : memref<1024x4608xf32, #tpu.memory_space<vmem>>, vector<8x2304xf32>
    %add3A_3320 = vector.broadcast %slice3A_2473 : vector<1x2304xf32> to vector<8x2304xf32>
    %add3A_3321 = arith.addf %add3A_3320, %get3A_3319 : vector<8x2304xf32>
    %mul3A_3322 = arith.constant 8 : i32
    %mul3A_3323 = arith.muli %scan3A_3314, %mul3A_3322 : i32
    %get3A_3324 = arith.index_cast %mul3A_3323 : i32 to index
    %get3A_3325 = arith.constant 0 : index
    %get3A_3326 = vector.load %arg5[%get3A_3324, %get3A_3325] : memref<1024x1xf32, #tpu.memory_space<vmem>>, vector<8x1xf32>
    %add3A_3327 = vector.broadcast %get3A_3326 : vector<8x1xf32> to vector<8x2304xf32>
    %add3A_3328 = arith.addf %add3A_3321, %add3A_3327 : vector<8x2304xf32>
    %lt3A_3329 = arith.cmpf olt, %add3A_3328, %min3A_3313 : vector<8x2304xf32>
    %broadcast_in_dim3A_3330 = vector.broadcast %scan3A_3314 : i32 to vector<8x2304xi32>
    %select_n3A_3331 = arith.select %lt3A_3329, %broadcast_in_dim3A_3330, %select_n3A_3312 : vector<8x2304xi1>, vector<8x2304xi32>
    %min3A_3332 = arith.minimumf %min3A_3313, %add3A_3328 : vector<8x2304xf32>
    %scan3A_3333 = arith.constant 45 : i32
    %mul3A_3334 = arith.constant 8 : i32
    %mul3A_3335 = arith.muli %scan3A_3333, %mul3A_3334 : i32
    %get3A_3336 = arith.index_cast %mul3A_3335 : i32 to index
    %get3A_3337 = arith.constant 2304 : index
    %get3A_3338 = vector.load %arg6[%get3A_3336, %get3A_3337] : memref<1024x4608xf32, #tpu.memory_space<vmem>>, vector<8x2304xf32>
    %add3A_3339 = vector.broadcast %slice3A_2473 : vector<1x2304xf32> to vector<8x2304xf32>
    %add3A_3340 = arith.addf %add3A_3339, %get3A_3338 : vector<8x2304xf32>
    %mul3A_3341 = arith.constant 8 : i32
    %mul3A_3342 = arith.muli %scan3A_3333, %mul3A_3341 : i32
    %get3A_3343 = arith.index_cast %mul3A_3342 : i32 to index
    %get3A_3344 = arith.constant 0 : index
    %get3A_3345 = vector.load %arg5[%get3A_3343, %get3A_3344] : memref<1024x1xf32, #tpu.memory_space<vmem>>, vector<8x1xf32>
    %add3A_3346 = vector.broadcast %get3A_3345 : vector<8x1xf32> to vector<8x2304xf32>
    %add3A_3347 = arith.addf %add3A_3340, %add3A_3346 : vector<8x2304xf32>
    %lt3A_3348 = arith.cmpf olt, %add3A_3347, %min3A_3332 : vector<8x2304xf32>
    %broadcast_in_dim3A_3349 = vector.broadcast %scan3A_3333 : i32 to vector<8x2304xi32>
    %select_n3A_3350 = arith.select %lt3A_3348, %broadcast_in_dim3A_3349, %select_n3A_3331 : vector<8x2304xi1>, vector<8x2304xi32>
    %min3A_3351 = arith.minimumf %min3A_3332, %add3A_3347 : vector<8x2304xf32>
    %scan3A_3352 = arith.constant 46 : i32
    %mul3A_3353 = arith.constant 8 : i32
    %mul3A_3354 = arith.muli %scan3A_3352, %mul3A_3353 : i32
    %get3A_3355 = arith.index_cast %mul3A_3354 : i32 to index
    %get3A_3356 = arith.constant 2304 : index
    %get3A_3357 = vector.load %arg6[%get3A_3355, %get3A_3356] : memref<1024x4608xf32, #tpu.memory_space<vmem>>, vector<8x2304xf32>
    %add3A_3358 = vector.broadcast %slice3A_2473 : vector<1x2304xf32> to vector<8x2304xf32>
    %add3A_3359 = arith.addf %add3A_3358, %get3A_3357 : vector<8x2304xf32>
    %mul3A_3360 = arith.constant 8 : i32
    %mul3A_3361 = arith.muli %scan3A_3352, %mul3A_3360 : i32
    %get3A_3362 = arith.index_cast %mul3A_3361 : i32 to index
    %get3A_3363 = arith.constant 0 : index
    %get3A_3364 = vector.load %arg5[%get3A_3362, %get3A_3363] : memref<1024x1xf32, #tpu.memory_space<vmem>>, vector<8x1xf32>
    %add3A_3365 = vector.broadcast %get3A_3364 : vector<8x1xf32> to vector<8x2304xf32>
    %add3A_3366 = arith.addf %add3A_3359, %add3A_3365 : vector<8x2304xf32>
    %lt3A_3367 = arith.cmpf olt, %add3A_3366, %min3A_3351 : vector<8x2304xf32>
    %broadcast_in_dim3A_3368 = vector.broadcast %scan3A_3352 : i32 to vector<8x2304xi32>
    %select_n3A_3369 = arith.select %lt3A_3367, %broadcast_in_dim3A_3368, %select_n3A_3350 : vector<8x2304xi1>, vector<8x2304xi32>
    %min3A_3370 = arith.minimumf %min3A_3351, %add3A_3366 : vector<8x2304xf32>
    %scan3A_3371 = arith.constant 47 : i32
    %mul3A_3372 = arith.constant 8 : i32
    %mul3A_3373 = arith.muli %scan3A_3371, %mul3A_3372 : i32
    %get3A_3374 = arith.index_cast %mul3A_3373 : i32 to index
    %get3A_3375 = arith.constant 2304 : index
    %get3A_3376 = vector.load %arg6[%get3A_3374, %get3A_3375] : memref<1024x4608xf32, #tpu.memory_space<vmem>>, vector<8x2304xf32>
    %add3A_3377 = vector.broadcast %slice3A_2473 : vector<1x2304xf32> to vector<8x2304xf32>
    %add3A_3378 = arith.addf %add3A_3377, %get3A_3376 : vector<8x2304xf32>
    %mul3A_3379 = arith.constant 8 : i32
    %mul3A_3380 = arith.muli %scan3A_3371, %mul3A_3379 : i32
    %get3A_3381 = arith.index_cast %mul3A_3380 : i32 to index
    %get3A_3382 = arith.constant 0 : index
    %get3A_3383 = vector.load %arg5[%get3A_3381, %get3A_3382] : memref<1024x1xf32, #tpu.memory_space<vmem>>, vector<8x1xf32>
    %add3A_3384 = vector.broadcast %get3A_3383 : vector<8x1xf32> to vector<8x2304xf32>
    %add3A_3385 = arith.addf %add3A_3378, %add3A_3384 : vector<8x2304xf32>
    %lt3A_3386 = arith.cmpf olt, %add3A_3385, %min3A_3370 : vector<8x2304xf32>
    %broadcast_in_dim3A_3387 = vector.broadcast %scan3A_3371 : i32 to vector<8x2304xi32>
    %select_n3A_3388 = arith.select %lt3A_3386, %broadcast_in_dim3A_3387, %select_n3A_3369 : vector<8x2304xi1>, vector<8x2304xi32>
    %min3A_3389 = arith.minimumf %min3A_3370, %add3A_3385 : vector<8x2304xf32>
    %scan3A_3390 = arith.constant 48 : i32
    %mul3A_3391 = arith.constant 8 : i32
    %mul3A_3392 = arith.muli %scan3A_3390, %mul3A_3391 : i32
    %get3A_3393 = arith.index_cast %mul3A_3392 : i32 to index
    %get3A_3394 = arith.constant 2304 : index
    %get3A_3395 = vector.load %arg6[%get3A_3393, %get3A_3394] : memref<1024x4608xf32, #tpu.memory_space<vmem>>, vector<8x2304xf32>
    %add3A_3396 = vector.broadcast %slice3A_2473 : vector<1x2304xf32> to vector<8x2304xf32>
    %add3A_3397 = arith.addf %add3A_3396, %get3A_3395 : vector<8x2304xf32>
    %mul3A_3398 = arith.constant 8 : i32
    %mul3A_3399 = arith.muli %scan3A_3390, %mul3A_3398 : i32
    %get3A_3400 = arith.index_cast %mul3A_3399 : i32 to index
    %get3A_3401 = arith.constant 0 : index
    %get3A_3402 = vector.load %arg5[%get3A_3400, %get3A_3401] : memref<1024x1xf32, #tpu.memory_space<vmem>>, vector<8x1xf32>
    %add3A_3403 = vector.broadcast %get3A_3402 : vector<8x1xf32> to vector<8x2304xf32>
    %add3A_3404 = arith.addf %add3A_3397, %add3A_3403 : vector<8x2304xf32>
    %lt3A_3405 = arith.cmpf olt, %add3A_3404, %min3A_3389 : vector<8x2304xf32>
    %broadcast_in_dim3A_3406 = vector.broadcast %scan3A_3390 : i32 to vector<8x2304xi32>
    %select_n3A_3407 = arith.select %lt3A_3405, %broadcast_in_dim3A_3406, %select_n3A_3388 : vector<8x2304xi1>, vector<8x2304xi32>
    %min3A_3408 = arith.minimumf %min3A_3389, %add3A_3404 : vector<8x2304xf32>
    %scan3A_3409 = arith.constant 49 : i32
    %mul3A_3410 = arith.constant 8 : i32
    %mul3A_3411 = arith.muli %scan3A_3409, %mul3A_3410 : i32
    %get3A_3412 = arith.index_cast %mul3A_3411 : i32 to index
    %get3A_3413 = arith.constant 2304 : index
    %get3A_3414 = vector.load %arg6[%get3A_3412, %get3A_3413] : memref<1024x4608xf32, #tpu.memory_space<vmem>>, vector<8x2304xf32>
    %add3A_3415 = vector.broadcast %slice3A_2473 : vector<1x2304xf32> to vector<8x2304xf32>
    %add3A_3416 = arith.addf %add3A_3415, %get3A_3414 : vector<8x2304xf32>
    %mul3A_3417 = arith.constant 8 : i32
    %mul3A_3418 = arith.muli %scan3A_3409, %mul3A_3417 : i32
    %get3A_3419 = arith.index_cast %mul3A_3418 : i32 to index
    %get3A_3420 = arith.constant 0 : index
    %get3A_3421 = vector.load %arg5[%get3A_3419, %get3A_3420] : memref<1024x1xf32, #tpu.memory_space<vmem>>, vector<8x1xf32>
    %add3A_3422 = vector.broadcast %get3A_3421 : vector<8x1xf32> to vector<8x2304xf32>
    %add3A_3423 = arith.addf %add3A_3416, %add3A_3422 : vector<8x2304xf32>
    %lt3A_3424 = arith.cmpf olt, %add3A_3423, %min3A_3408 : vector<8x2304xf32>
    %broadcast_in_dim3A_3425 = vector.broadcast %scan3A_3409 : i32 to vector<8x2304xi32>
    %select_n3A_3426 = arith.select %lt3A_3424, %broadcast_in_dim3A_3425, %select_n3A_3407 : vector<8x2304xi1>, vector<8x2304xi32>
    %min3A_3427 = arith.minimumf %min3A_3408, %add3A_3423 : vector<8x2304xf32>
    %scan3A_3428 = arith.constant 50 : i32
    %mul3A_3429 = arith.constant 8 : i32
    %mul3A_3430 = arith.muli %scan3A_3428, %mul3A_3429 : i32
    %get3A_3431 = arith.index_cast %mul3A_3430 : i32 to index
    %get3A_3432 = arith.constant 2304 : index
    %get3A_3433 = vector.load %arg6[%get3A_3431, %get3A_3432] : memref<1024x4608xf32, #tpu.memory_space<vmem>>, vector<8x2304xf32>
    %add3A_3434 = vector.broadcast %slice3A_2473 : vector<1x2304xf32> to vector<8x2304xf32>
    %add3A_3435 = arith.addf %add3A_3434, %get3A_3433 : vector<8x2304xf32>
    %mul3A_3436 = arith.constant 8 : i32
    %mul3A_3437 = arith.muli %scan3A_3428, %mul3A_3436 : i32
    %get3A_3438 = arith.index_cast %mul3A_3437 : i32 to index
    %get3A_3439 = arith.constant 0 : index
    %get3A_3440 = vector.load %arg5[%get3A_3438, %get3A_3439] : memref<1024x1xf32, #tpu.memory_space<vmem>>, vector<8x1xf32>
    %add3A_3441 = vector.broadcast %get3A_3440 : vector<8x1xf32> to vector<8x2304xf32>
    %add3A_3442 = arith.addf %add3A_3435, %add3A_3441 : vector<8x2304xf32>
    %lt3A_3443 = arith.cmpf olt, %add3A_3442, %min3A_3427 : vector<8x2304xf32>
    %broadcast_in_dim3A_3444 = vector.broadcast %scan3A_3428 : i32 to vector<8x2304xi32>
    %select_n3A_3445 = arith.select %lt3A_3443, %broadcast_in_dim3A_3444, %select_n3A_3426 : vector<8x2304xi1>, vector<8x2304xi32>
    %min3A_3446 = arith.minimumf %min3A_3427, %add3A_3442 : vector<8x2304xf32>
    %scan3A_3447 = arith.constant 51 : i32
    %mul3A_3448 = arith.constant 8 : i32
    %mul3A_3449 = arith.muli %scan3A_3447, %mul3A_3448 : i32
    %get3A_3450 = arith.index_cast %mul3A_3449 : i32 to index
    %get3A_3451 = arith.constant 2304 : index
    %get3A_3452 = vector.load %arg6[%get3A_3450, %get3A_3451] : memref<1024x4608xf32, #tpu.memory_space<vmem>>, vector<8x2304xf32>
    %add3A_3453 = vector.broadcast %slice3A_2473 : vector<1x2304xf32> to vector<8x2304xf32>
    %add3A_3454 = arith.addf %add3A_3453, %get3A_3452 : vector<8x2304xf32>
    %mul3A_3455 = arith.constant 8 : i32
    %mul3A_3456 = arith.muli %scan3A_3447, %mul3A_3455 : i32
    %get3A_3457 = arith.index_cast %mul3A_3456 : i32 to index
    %get3A_3458 = arith.constant 0 : index
    %get3A_3459 = vector.load %arg5[%get3A_3457, %get3A_3458] : memref<1024x1xf32, #tpu.memory_space<vmem>>, vector<8x1xf32>
    %add3A_3460 = vector.broadcast %get3A_3459 : vector<8x1xf32> to vector<8x2304xf32>
    %add3A_3461 = arith.addf %add3A_3454, %add3A_3460 : vector<8x2304xf32>
    %lt3A_3462 = arith.cmpf olt, %add3A_3461, %min3A_3446 : vector<8x2304xf32>
    %broadcast_in_dim3A_3463 = vector.broadcast %scan3A_3447 : i32 to vector<8x2304xi32>
    %select_n3A_3464 = arith.select %lt3A_3462, %broadcast_in_dim3A_3463, %select_n3A_3445 : vector<8x2304xi1>, vector<8x2304xi32>
    %min3A_3465 = arith.minimumf %min3A_3446, %add3A_3461 : vector<8x2304xf32>
    %scan3A_3466 = arith.constant 52 : i32
    %mul3A_3467 = arith.constant 8 : i32
    %mul3A_3468 = arith.muli %scan3A_3466, %mul3A_3467 : i32
    %get3A_3469 = arith.index_cast %mul3A_3468 : i32 to index
    %get3A_3470 = arith.constant 2304 : index
    %get3A_3471 = vector.load %arg6[%get3A_3469, %get3A_3470] : memref<1024x4608xf32, #tpu.memory_space<vmem>>, vector<8x2304xf32>
    %add3A_3472 = vector.broadcast %slice3A_2473 : vector<1x2304xf32> to vector<8x2304xf32>
    %add3A_3473 = arith.addf %add3A_3472, %get3A_3471 : vector<8x2304xf32>
    %mul3A_3474 = arith.constant 8 : i32
    %mul3A_3475 = arith.muli %scan3A_3466, %mul3A_3474 : i32
    %get3A_3476 = arith.index_cast %mul3A_3475 : i32 to index
    %get3A_3477 = arith.constant 0 : index
    %get3A_3478 = vector.load %arg5[%get3A_3476, %get3A_3477] : memref<1024x1xf32, #tpu.memory_space<vmem>>, vector<8x1xf32>
    %add3A_3479 = vector.broadcast %get3A_3478 : vector<8x1xf32> to vector<8x2304xf32>
    %add3A_3480 = arith.addf %add3A_3473, %add3A_3479 : vector<8x2304xf32>
    %lt3A_3481 = arith.cmpf olt, %add3A_3480, %min3A_3465 : vector<8x2304xf32>
    %broadcast_in_dim3A_3482 = vector.broadcast %scan3A_3466 : i32 to vector<8x2304xi32>
    %select_n3A_3483 = arith.select %lt3A_3481, %broadcast_in_dim3A_3482, %select_n3A_3464 : vector<8x2304xi1>, vector<8x2304xi32>
    %min3A_3484 = arith.minimumf %min3A_3465, %add3A_3480 : vector<8x2304xf32>
    %scan3A_3485 = arith.constant 53 : i32
    %mul3A_3486 = arith.constant 8 : i32
    %mul3A_3487 = arith.muli %scan3A_3485, %mul3A_3486 : i32
    %get3A_3488 = arith.index_cast %mul3A_3487 : i32 to index
    %get3A_3489 = arith.constant 2304 : index
    %get3A_3490 = vector.load %arg6[%get3A_3488, %get3A_3489] : memref<1024x4608xf32, #tpu.memory_space<vmem>>, vector<8x2304xf32>
    %add3A_3491 = vector.broadcast %slice3A_2473 : vector<1x2304xf32> to vector<8x2304xf32>
    %add3A_3492 = arith.addf %add3A_3491, %get3A_3490 : vector<8x2304xf32>
    %mul3A_3493 = arith.constant 8 : i32
    %mul3A_3494 = arith.muli %scan3A_3485, %mul3A_3493 : i32
    %get3A_3495 = arith.index_cast %mul3A_3494 : i32 to index
    %get3A_3496 = arith.constant 0 : index
    %get3A_3497 = vector.load %arg5[%get3A_3495, %get3A_3496] : memref<1024x1xf32, #tpu.memory_space<vmem>>, vector<8x1xf32>
    %add3A_3498 = vector.broadcast %get3A_3497 : vector<8x1xf32> to vector<8x2304xf32>
    %add3A_3499 = arith.addf %add3A_3492, %add3A_3498 : vector<8x2304xf32>
    %lt3A_3500 = arith.cmpf olt, %add3A_3499, %min3A_3484 : vector<8x2304xf32>
    %broadcast_in_dim3A_3501 = vector.broadcast %scan3A_3485 : i32 to vector<8x2304xi32>
    %select_n3A_3502 = arith.select %lt3A_3500, %broadcast_in_dim3A_3501, %select_n3A_3483 : vector<8x2304xi1>, vector<8x2304xi32>
    %min3A_3503 = arith.minimumf %min3A_3484, %add3A_3499 : vector<8x2304xf32>
    %scan3A_3504 = arith.constant 54 : i32
    %mul3A_3505 = arith.constant 8 : i32
    %mul3A_3506 = arith.muli %scan3A_3504, %mul3A_3505 : i32
    %get3A_3507 = arith.index_cast %mul3A_3506 : i32 to index
    %get3A_3508 = arith.constant 2304 : index
    %get3A_3509 = vector.load %arg6[%get3A_3507, %get3A_3508] : memref<1024x4608xf32, #tpu.memory_space<vmem>>, vector<8x2304xf32>
    %add3A_3510 = vector.broadcast %slice3A_2473 : vector<1x2304xf32> to vector<8x2304xf32>
    %add3A_3511 = arith.addf %add3A_3510, %get3A_3509 : vector<8x2304xf32>
    %mul3A_3512 = arith.constant 8 : i32
    %mul3A_3513 = arith.muli %scan3A_3504, %mul3A_3512 : i32
    %get3A_3514 = arith.index_cast %mul3A_3513 : i32 to index
    %get3A_3515 = arith.constant 0 : index
    %get3A_3516 = vector.load %arg5[%get3A_3514, %get3A_3515] : memref<1024x1xf32, #tpu.memory_space<vmem>>, vector<8x1xf32>
    %add3A_3517 = vector.broadcast %get3A_3516 : vector<8x1xf32> to vector<8x2304xf32>
    %add3A_3518 = arith.addf %add3A_3511, %add3A_3517 : vector<8x2304xf32>
    %lt3A_3519 = arith.cmpf olt, %add3A_3518, %min3A_3503 : vector<8x2304xf32>
    %broadcast_in_dim3A_3520 = vector.broadcast %scan3A_3504 : i32 to vector<8x2304xi32>
    %select_n3A_3521 = arith.select %lt3A_3519, %broadcast_in_dim3A_3520, %select_n3A_3502 : vector<8x2304xi1>, vector<8x2304xi32>
    %min3A_3522 = arith.minimumf %min3A_3503, %add3A_3518 : vector<8x2304xf32>
    %scan3A_3523 = arith.constant 55 : i32
    %mul3A_3524 = arith.constant 8 : i32
    %mul3A_3525 = arith.muli %scan3A_3523, %mul3A_3524 : i32
    %get3A_3526 = arith.index_cast %mul3A_3525 : i32 to index
    %get3A_3527 = arith.constant 2304 : index
    %get3A_3528 = vector.load %arg6[%get3A_3526, %get3A_3527] : memref<1024x4608xf32, #tpu.memory_space<vmem>>, vector<8x2304xf32>
    %add3A_3529 = vector.broadcast %slice3A_2473 : vector<1x2304xf32> to vector<8x2304xf32>
    %add3A_3530 = arith.addf %add3A_3529, %get3A_3528 : vector<8x2304xf32>
    %mul3A_3531 = arith.constant 8 : i32
    %mul3A_3532 = arith.muli %scan3A_3523, %mul3A_3531 : i32
    %get3A_3533 = arith.index_cast %mul3A_3532 : i32 to index
    %get3A_3534 = arith.constant 0 : index
    %get3A_3535 = vector.load %arg5[%get3A_3533, %get3A_3534] : memref<1024x1xf32, #tpu.memory_space<vmem>>, vector<8x1xf32>
    %add3A_3536 = vector.broadcast %get3A_3535 : vector<8x1xf32> to vector<8x2304xf32>
    %add3A_3537 = arith.addf %add3A_3530, %add3A_3536 : vector<8x2304xf32>
    %lt3A_3538 = arith.cmpf olt, %add3A_3537, %min3A_3522 : vector<8x2304xf32>
    %broadcast_in_dim3A_3539 = vector.broadcast %scan3A_3523 : i32 to vector<8x2304xi32>
    %select_n3A_3540 = arith.select %lt3A_3538, %broadcast_in_dim3A_3539, %select_n3A_3521 : vector<8x2304xi1>, vector<8x2304xi32>
    %min3A_3541 = arith.minimumf %min3A_3522, %add3A_3537 : vector<8x2304xf32>
    %scan3A_3542 = arith.constant 56 : i32
    %mul3A_3543 = arith.constant 8 : i32
    %mul3A_3544 = arith.muli %scan3A_3542, %mul3A_3543 : i32
    %get3A_3545 = arith.index_cast %mul3A_3544 : i32 to index
    %get3A_3546 = arith.constant 2304 : index
    %get3A_3547 = vector.load %arg6[%get3A_3545, %get3A_3546] : memref<1024x4608xf32, #tpu.memory_space<vmem>>, vector<8x2304xf32>
    %add3A_3548 = vector.broadcast %slice3A_2473 : vector<1x2304xf32> to vector<8x2304xf32>
    %add3A_3549 = arith.addf %add3A_3548, %get3A_3547 : vector<8x2304xf32>
    %mul3A_3550 = arith.constant 8 : i32
    %mul3A_3551 = arith.muli %scan3A_3542, %mul3A_3550 : i32
    %get3A_3552 = arith.index_cast %mul3A_3551 : i32 to index
    %get3A_3553 = arith.constant 0 : index
    %get3A_3554 = vector.load %arg5[%get3A_3552, %get3A_3553] : memref<1024x1xf32, #tpu.memory_space<vmem>>, vector<8x1xf32>
    %add3A_3555 = vector.broadcast %get3A_3554 : vector<8x1xf32> to vector<8x2304xf32>
    %add3A_3556 = arith.addf %add3A_3549, %add3A_3555 : vector<8x2304xf32>
    %lt3A_3557 = arith.cmpf olt, %add3A_3556, %min3A_3541 : vector<8x2304xf32>
    %broadcast_in_dim3A_3558 = vector.broadcast %scan3A_3542 : i32 to vector<8x2304xi32>
    %select_n3A_3559 = arith.select %lt3A_3557, %broadcast_in_dim3A_3558, %select_n3A_3540 : vector<8x2304xi1>, vector<8x2304xi32>
    %min3A_3560 = arith.minimumf %min3A_3541, %add3A_3556 : vector<8x2304xf32>
    %scan3A_3561 = arith.constant 57 : i32
    %mul3A_3562 = arith.constant 8 : i32
    %mul3A_3563 = arith.muli %scan3A_3561, %mul3A_3562 : i32
    %get3A_3564 = arith.index_cast %mul3A_3563 : i32 to index
    %get3A_3565 = arith.constant 2304 : index
    %get3A_3566 = vector.load %arg6[%get3A_3564, %get3A_3565] : memref<1024x4608xf32, #tpu.memory_space<vmem>>, vector<8x2304xf32>
    %add3A_3567 = vector.broadcast %slice3A_2473 : vector<1x2304xf32> to vector<8x2304xf32>
    %add3A_3568 = arith.addf %add3A_3567, %get3A_3566 : vector<8x2304xf32>
    %mul3A_3569 = arith.constant 8 : i32
    %mul3A_3570 = arith.muli %scan3A_3561, %mul3A_3569 : i32
    %get3A_3571 = arith.index_cast %mul3A_3570 : i32 to index
    %get3A_3572 = arith.constant 0 : index
    %get3A_3573 = vector.load %arg5[%get3A_3571, %get3A_3572] : memref<1024x1xf32, #tpu.memory_space<vmem>>, vector<8x1xf32>
    %add3A_3574 = vector.broadcast %get3A_3573 : vector<8x1xf32> to vector<8x2304xf32>
    %add3A_3575 = arith.addf %add3A_3568, %add3A_3574 : vector<8x2304xf32>
    %lt3A_3576 = arith.cmpf olt, %add3A_3575, %min3A_3560 : vector<8x2304xf32>
    %broadcast_in_dim3A_3577 = vector.broadcast %scan3A_3561 : i32 to vector<8x2304xi32>
    %select_n3A_3578 = arith.select %lt3A_3576, %broadcast_in_dim3A_3577, %select_n3A_3559 : vector<8x2304xi1>, vector<8x2304xi32>
    %min3A_3579 = arith.minimumf %min3A_3560, %add3A_3575 : vector<8x2304xf32>
    %scan3A_3580 = arith.constant 58 : i32
    %mul3A_3581 = arith.constant 8 : i32
    %mul3A_3582 = arith.muli %scan3A_3580, %mul3A_3581 : i32
    %get3A_3583 = arith.index_cast %mul3A_3582 : i32 to index
    %get3A_3584 = arith.constant 2304 : index
    %get3A_3585 = vector.load %arg6[%get3A_3583, %get3A_3584] : memref<1024x4608xf32, #tpu.memory_space<vmem>>, vector<8x2304xf32>
    %add3A_3586 = vector.broadcast %slice3A_2473 : vector<1x2304xf32> to vector<8x2304xf32>
    %add3A_3587 = arith.addf %add3A_3586, %get3A_3585 : vector<8x2304xf32>
    %mul3A_3588 = arith.constant 8 : i32
    %mul3A_3589 = arith.muli %scan3A_3580, %mul3A_3588 : i32
    %get3A_3590 = arith.index_cast %mul3A_3589 : i32 to index
    %get3A_3591 = arith.constant 0 : index
    %get3A_3592 = vector.load %arg5[%get3A_3590, %get3A_3591] : memref<1024x1xf32, #tpu.memory_space<vmem>>, vector<8x1xf32>
    %add3A_3593 = vector.broadcast %get3A_3592 : vector<8x1xf32> to vector<8x2304xf32>
    %add3A_3594 = arith.addf %add3A_3587, %add3A_3593 : vector<8x2304xf32>
    %lt3A_3595 = arith.cmpf olt, %add3A_3594, %min3A_3579 : vector<8x2304xf32>
    %broadcast_in_dim3A_3596 = vector.broadcast %scan3A_3580 : i32 to vector<8x2304xi32>
    %select_n3A_3597 = arith.select %lt3A_3595, %broadcast_in_dim3A_3596, %select_n3A_3578 : vector<8x2304xi1>, vector<8x2304xi32>
    %min3A_3598 = arith.minimumf %min3A_3579, %add3A_3594 : vector<8x2304xf32>
    %scan3A_3599 = arith.constant 59 : i32
    %mul3A_3600 = arith.constant 8 : i32
    %mul3A_3601 = arith.muli %scan3A_3599, %mul3A_3600 : i32
    %get3A_3602 = arith.index_cast %mul3A_3601 : i32 to index
    %get3A_3603 = arith.constant 2304 : index
    %get3A_3604 = vector.load %arg6[%get3A_3602, %get3A_3603] : memref<1024x4608xf32, #tpu.memory_space<vmem>>, vector<8x2304xf32>
    %add3A_3605 = vector.broadcast %slice3A_2473 : vector<1x2304xf32> to vector<8x2304xf32>
    %add3A_3606 = arith.addf %add3A_3605, %get3A_3604 : vector<8x2304xf32>
    %mul3A_3607 = arith.constant 8 : i32
    %mul3A_3608 = arith.muli %scan3A_3599, %mul3A_3607 : i32
    %get3A_3609 = arith.index_cast %mul3A_3608 : i32 to index
    %get3A_3610 = arith.constant 0 : index
    %get3A_3611 = vector.load %arg5[%get3A_3609, %get3A_3610] : memref<1024x1xf32, #tpu.memory_space<vmem>>, vector<8x1xf32>
    %add3A_3612 = vector.broadcast %get3A_3611 : vector<8x1xf32> to vector<8x2304xf32>
    %add3A_3613 = arith.addf %add3A_3606, %add3A_3612 : vector<8x2304xf32>
    %lt3A_3614 = arith.cmpf olt, %add3A_3613, %min3A_3598 : vector<8x2304xf32>
    %broadcast_in_dim3A_3615 = vector.broadcast %scan3A_3599 : i32 to vector<8x2304xi32>
    %select_n3A_3616 = arith.select %lt3A_3614, %broadcast_in_dim3A_3615, %select_n3A_3597 : vector<8x2304xi1>, vector<8x2304xi32>
    %min3A_3617 = arith.minimumf %min3A_3598, %add3A_3613 : vector<8x2304xf32>
    %scan3A_3618 = arith.constant 60 : i32
    %mul3A_3619 = arith.constant 8 : i32
    %mul3A_3620 = arith.muli %scan3A_3618, %mul3A_3619 : i32
    %get3A_3621 = arith.index_cast %mul3A_3620 : i32 to index
    %get3A_3622 = arith.constant 2304 : index
    %get3A_3623 = vector.load %arg6[%get3A_3621, %get3A_3622] : memref<1024x4608xf32, #tpu.memory_space<vmem>>, vector<8x2304xf32>
    %add3A_3624 = vector.broadcast %slice3A_2473 : vector<1x2304xf32> to vector<8x2304xf32>
    %add3A_3625 = arith.addf %add3A_3624, %get3A_3623 : vector<8x2304xf32>
    %mul3A_3626 = arith.constant 8 : i32
    %mul3A_3627 = arith.muli %scan3A_3618, %mul3A_3626 : i32
    %get3A_3628 = arith.index_cast %mul3A_3627 : i32 to index
    %get3A_3629 = arith.constant 0 : index
    %get3A_3630 = vector.load %arg5[%get3A_3628, %get3A_3629] : memref<1024x1xf32, #tpu.memory_space<vmem>>, vector<8x1xf32>
    %add3A_3631 = vector.broadcast %get3A_3630 : vector<8x1xf32> to vector<8x2304xf32>
    %add3A_3632 = arith.addf %add3A_3625, %add3A_3631 : vector<8x2304xf32>
    %lt3A_3633 = arith.cmpf olt, %add3A_3632, %min3A_3617 : vector<8x2304xf32>
    %broadcast_in_dim3A_3634 = vector.broadcast %scan3A_3618 : i32 to vector<8x2304xi32>
    %select_n3A_3635 = arith.select %lt3A_3633, %broadcast_in_dim3A_3634, %select_n3A_3616 : vector<8x2304xi1>, vector<8x2304xi32>
    %min3A_3636 = arith.minimumf %min3A_3617, %add3A_3632 : vector<8x2304xf32>
    %scan3A_3637 = arith.constant 61 : i32
    %mul3A_3638 = arith.constant 8 : i32
    %mul3A_3639 = arith.muli %scan3A_3637, %mul3A_3638 : i32
    %get3A_3640 = arith.index_cast %mul3A_3639 : i32 to index
    %get3A_3641 = arith.constant 2304 : index
    %get3A_3642 = vector.load %arg6[%get3A_3640, %get3A_3641] : memref<1024x4608xf32, #tpu.memory_space<vmem>>, vector<8x2304xf32>
    %add3A_3643 = vector.broadcast %slice3A_2473 : vector<1x2304xf32> to vector<8x2304xf32>
    %add3A_3644 = arith.addf %add3A_3643, %get3A_3642 : vector<8x2304xf32>
    %mul3A_3645 = arith.constant 8 : i32
    %mul3A_3646 = arith.muli %scan3A_3637, %mul3A_3645 : i32
    %get3A_3647 = arith.index_cast %mul3A_3646 : i32 to index
    %get3A_3648 = arith.constant 0 : index
    %get3A_3649 = vector.load %arg5[%get3A_3647, %get3A_3648] : memref<1024x1xf32, #tpu.memory_space<vmem>>, vector<8x1xf32>
    %add3A_3650 = vector.broadcast %get3A_3649 : vector<8x1xf32> to vector<8x2304xf32>
    %add3A_3651 = arith.addf %add3A_3644, %add3A_3650 : vector<8x2304xf32>
    %lt3A_3652 = arith.cmpf olt, %add3A_3651, %min3A_3636 : vector<8x2304xf32>
    %broadcast_in_dim3A_3653 = vector.broadcast %scan3A_3637 : i32 to vector<8x2304xi32>
    %select_n3A_3654 = arith.select %lt3A_3652, %broadcast_in_dim3A_3653, %select_n3A_3635 : vector<8x2304xi1>, vector<8x2304xi32>
    %min3A_3655 = arith.minimumf %min3A_3636, %add3A_3651 : vector<8x2304xf32>
    %scan3A_3656 = arith.constant 62 : i32
    %mul3A_3657 = arith.constant 8 : i32
    %mul3A_3658 = arith.muli %scan3A_3656, %mul3A_3657 : i32
    %get3A_3659 = arith.index_cast %mul3A_3658 : i32 to index
    %get3A_3660 = arith.constant 2304 : index
    %get3A_3661 = vector.load %arg6[%get3A_3659, %get3A_3660] : memref<1024x4608xf32, #tpu.memory_space<vmem>>, vector<8x2304xf32>
    %add3A_3662 = vector.broadcast %slice3A_2473 : vector<1x2304xf32> to vector<8x2304xf32>
    %add3A_3663 = arith.addf %add3A_3662, %get3A_3661 : vector<8x2304xf32>
    %mul3A_3664 = arith.constant 8 : i32
    %mul3A_3665 = arith.muli %scan3A_3656, %mul3A_3664 : i32
    %get3A_3666 = arith.index_cast %mul3A_3665 : i32 to index
    %get3A_3667 = arith.constant 0 : index
    %get3A_3668 = vector.load %arg5[%get3A_3666, %get3A_3667] : memref<1024x1xf32, #tpu.memory_space<vmem>>, vector<8x1xf32>
    %add3A_3669 = vector.broadcast %get3A_3668 : vector<8x1xf32> to vector<8x2304xf32>
    %add3A_3670 = arith.addf %add3A_3663, %add3A_3669 : vector<8x2304xf32>
    %lt3A_3671 = arith.cmpf olt, %add3A_3670, %min3A_3655 : vector<8x2304xf32>
    %broadcast_in_dim3A_3672 = vector.broadcast %scan3A_3656 : i32 to vector<8x2304xi32>
    %select_n3A_3673 = arith.select %lt3A_3671, %broadcast_in_dim3A_3672, %select_n3A_3654 : vector<8x2304xi1>, vector<8x2304xi32>
    %min3A_3674 = arith.minimumf %min3A_3655, %add3A_3670 : vector<8x2304xf32>
    %scan3A_3675 = arith.constant 63 : i32
    %mul3A_3676 = arith.constant 8 : i32
    %mul3A_3677 = arith.muli %scan3A_3675, %mul3A_3676 : i32
    %get3A_3678 = arith.index_cast %mul3A_3677 : i32 to index
    %get3A_3679 = arith.constant 2304 : index
    %get3A_3680 = vector.load %arg6[%get3A_3678, %get3A_3679] : memref<1024x4608xf32, #tpu.memory_space<vmem>>, vector<8x2304xf32>
    %add3A_3681 = vector.broadcast %slice3A_2473 : vector<1x2304xf32> to vector<8x2304xf32>
    %add3A_3682 = arith.addf %add3A_3681, %get3A_3680 : vector<8x2304xf32>
    %mul3A_3683 = arith.constant 8 : i32
    %mul3A_3684 = arith.muli %scan3A_3675, %mul3A_3683 : i32
    %get3A_3685 = arith.index_cast %mul3A_3684 : i32 to index
    %get3A_3686 = arith.constant 0 : index
    %get3A_3687 = vector.load %arg5[%get3A_3685, %get3A_3686] : memref<1024x1xf32, #tpu.memory_space<vmem>>, vector<8x1xf32>
    %add3A_3688 = vector.broadcast %get3A_3687 : vector<8x1xf32> to vector<8x2304xf32>
    %add3A_3689 = arith.addf %add3A_3682, %add3A_3688 : vector<8x2304xf32>
    %lt3A_3690 = arith.cmpf olt, %add3A_3689, %min3A_3674 : vector<8x2304xf32>
    %broadcast_in_dim3A_3691 = vector.broadcast %scan3A_3675 : i32 to vector<8x2304xi32>
    %select_n3A_3692 = arith.select %lt3A_3690, %broadcast_in_dim3A_3691, %select_n3A_3673 : vector<8x2304xi1>, vector<8x2304xi32>
    %min3A_3693 = arith.minimumf %min3A_3674, %add3A_3689 : vector<8x2304xf32>
    %scan3A_3694 = arith.constant 64 : i32
    %mul3A_3695 = arith.constant 8 : i32
    %mul3A_3696 = arith.muli %scan3A_3694, %mul3A_3695 : i32
    %get3A_3697 = arith.index_cast %mul3A_3696 : i32 to index
    %get3A_3698 = arith.constant 2304 : index
    %get3A_3699 = vector.load %arg6[%get3A_3697, %get3A_3698] : memref<1024x4608xf32, #tpu.memory_space<vmem>>, vector<8x2304xf32>
    %add3A_3700 = vector.broadcast %slice3A_2473 : vector<1x2304xf32> to vector<8x2304xf32>
    %add3A_3701 = arith.addf %add3A_3700, %get3A_3699 : vector<8x2304xf32>
    %mul3A_3702 = arith.constant 8 : i32
    %mul3A_3703 = arith.muli %scan3A_3694, %mul3A_3702 : i32
    %get3A_3704 = arith.index_cast %mul3A_3703 : i32 to index
    %get3A_3705 = arith.constant 0 : index
    %get3A_3706 = vector.load %arg5[%get3A_3704, %get3A_3705] : memref<1024x1xf32, #tpu.memory_space<vmem>>, vector<8x1xf32>
    %add3A_3707 = vector.broadcast %get3A_3706 : vector<8x1xf32> to vector<8x2304xf32>
    %add3A_3708 = arith.addf %add3A_3701, %add3A_3707 : vector<8x2304xf32>
    %lt3A_3709 = arith.cmpf olt, %add3A_3708, %min3A_3693 : vector<8x2304xf32>
    %broadcast_in_dim3A_3710 = vector.broadcast %scan3A_3694 : i32 to vector<8x2304xi32>
    %select_n3A_3711 = arith.select %lt3A_3709, %broadcast_in_dim3A_3710, %select_n3A_3692 : vector<8x2304xi1>, vector<8x2304xi32>
    %min3A_3712 = arith.minimumf %min3A_3693, %add3A_3708 : vector<8x2304xf32>
    %scan3A_3713 = arith.constant 65 : i32
    %mul3A_3714 = arith.constant 8 : i32
    %mul3A_3715 = arith.muli %scan3A_3713, %mul3A_3714 : i32
    %get3A_3716 = arith.index_cast %mul3A_3715 : i32 to index
    %get3A_3717 = arith.constant 2304 : index
    %get3A_3718 = vector.load %arg6[%get3A_3716, %get3A_3717] : memref<1024x4608xf32, #tpu.memory_space<vmem>>, vector<8x2304xf32>
    %add3A_3719 = vector.broadcast %slice3A_2473 : vector<1x2304xf32> to vector<8x2304xf32>
    %add3A_3720 = arith.addf %add3A_3719, %get3A_3718 : vector<8x2304xf32>
    %mul3A_3721 = arith.constant 8 : i32
    %mul3A_3722 = arith.muli %scan3A_3713, %mul3A_3721 : i32
    %get3A_3723 = arith.index_cast %mul3A_3722 : i32 to index
    %get3A_3724 = arith.constant 0 : index
    %get3A_3725 = vector.load %arg5[%get3A_3723, %get3A_3724] : memref<1024x1xf32, #tpu.memory_space<vmem>>, vector<8x1xf32>
    %add3A_3726 = vector.broadcast %get3A_3725 : vector<8x1xf32> to vector<8x2304xf32>
    %add3A_3727 = arith.addf %add3A_3720, %add3A_3726 : vector<8x2304xf32>
    %lt3A_3728 = arith.cmpf olt, %add3A_3727, %min3A_3712 : vector<8x2304xf32>
    %broadcast_in_dim3A_3729 = vector.broadcast %scan3A_3713 : i32 to vector<8x2304xi32>
    %select_n3A_3730 = arith.select %lt3A_3728, %broadcast_in_dim3A_3729, %select_n3A_3711 : vector<8x2304xi1>, vector<8x2304xi32>
    %min3A_3731 = arith.minimumf %min3A_3712, %add3A_3727 : vector<8x2304xf32>
    %scan3A_3732 = arith.constant 66 : i32
    %mul3A_3733 = arith.constant 8 : i32
    %mul3A_3734 = arith.muli %scan3A_3732, %mul3A_3733 : i32
    %get3A_3735 = arith.index_cast %mul3A_3734 : i32 to index
    %get3A_3736 = arith.constant 2304 : index
    %get3A_3737 = vector.load %arg6[%get3A_3735, %get3A_3736] : memref<1024x4608xf32, #tpu.memory_space<vmem>>, vector<8x2304xf32>
    %add3A_3738 = vector.broadcast %slice3A_2473 : vector<1x2304xf32> to vector<8x2304xf32>
    %add3A_3739 = arith.addf %add3A_3738, %get3A_3737 : vector<8x2304xf32>
    %mul3A_3740 = arith.constant 8 : i32
    %mul3A_3741 = arith.muli %scan3A_3732, %mul3A_3740 : i32
    %get3A_3742 = arith.index_cast %mul3A_3741 : i32 to index
    %get3A_3743 = arith.constant 0 : index
    %get3A_3744 = vector.load %arg5[%get3A_3742, %get3A_3743] : memref<1024x1xf32, #tpu.memory_space<vmem>>, vector<8x1xf32>
    %add3A_3745 = vector.broadcast %get3A_3744 : vector<8x1xf32> to vector<8x2304xf32>
    %add3A_3746 = arith.addf %add3A_3739, %add3A_3745 : vector<8x2304xf32>
    %lt3A_3747 = arith.cmpf olt, %add3A_3746, %min3A_3731 : vector<8x2304xf32>
    %broadcast_in_dim3A_3748 = vector.broadcast %scan3A_3732 : i32 to vector<8x2304xi32>
    %select_n3A_3749 = arith.select %lt3A_3747, %broadcast_in_dim3A_3748, %select_n3A_3730 : vector<8x2304xi1>, vector<8x2304xi32>
    %min3A_3750 = arith.minimumf %min3A_3731, %add3A_3746 : vector<8x2304xf32>
    %scan3A_3751 = arith.constant 67 : i32
    %mul3A_3752 = arith.constant 8 : i32
    %mul3A_3753 = arith.muli %scan3A_3751, %mul3A_3752 : i32
    %get3A_3754 = arith.index_cast %mul3A_3753 : i32 to index
    %get3A_3755 = arith.constant 2304 : index
    %get3A_3756 = vector.load %arg6[%get3A_3754, %get3A_3755] : memref<1024x4608xf32, #tpu.memory_space<vmem>>, vector<8x2304xf32>
    %add3A_3757 = vector.broadcast %slice3A_2473 : vector<1x2304xf32> to vector<8x2304xf32>
    %add3A_3758 = arith.addf %add3A_3757, %get3A_3756 : vector<8x2304xf32>
    %mul3A_3759 = arith.constant 8 : i32
    %mul3A_3760 = arith.muli %scan3A_3751, %mul3A_3759 : i32
    %get3A_3761 = arith.index_cast %mul3A_3760 : i32 to index
    %get3A_3762 = arith.constant 0 : index
    %get3A_3763 = vector.load %arg5[%get3A_3761, %get3A_3762] : memref<1024x1xf32, #tpu.memory_space<vmem>>, vector<8x1xf32>
    %add3A_3764 = vector.broadcast %get3A_3763 : vector<8x1xf32> to vector<8x2304xf32>
    %add3A_3765 = arith.addf %add3A_3758, %add3A_3764 : vector<8x2304xf32>
    %lt3A_3766 = arith.cmpf olt, %add3A_3765, %min3A_3750 : vector<8x2304xf32>
    %broadcast_in_dim3A_3767 = vector.broadcast %scan3A_3751 : i32 to vector<8x2304xi32>
    %select_n3A_3768 = arith.select %lt3A_3766, %broadcast_in_dim3A_3767, %select_n3A_3749 : vector<8x2304xi1>, vector<8x2304xi32>
    %min3A_3769 = arith.minimumf %min3A_3750, %add3A_3765 : vector<8x2304xf32>
    %scan3A_3770 = arith.constant 68 : i32
    %mul3A_3771 = arith.constant 8 : i32
    %mul3A_3772 = arith.muli %scan3A_3770, %mul3A_3771 : i32
    %get3A_3773 = arith.index_cast %mul3A_3772 : i32 to index
    %get3A_3774 = arith.constant 2304 : index
    %get3A_3775 = vector.load %arg6[%get3A_3773, %get3A_3774] : memref<1024x4608xf32, #tpu.memory_space<vmem>>, vector<8x2304xf32>
    %add3A_3776 = vector.broadcast %slice3A_2473 : vector<1x2304xf32> to vector<8x2304xf32>
    %add3A_3777 = arith.addf %add3A_3776, %get3A_3775 : vector<8x2304xf32>
    %mul3A_3778 = arith.constant 8 : i32
    %mul3A_3779 = arith.muli %scan3A_3770, %mul3A_3778 : i32
    %get3A_3780 = arith.index_cast %mul3A_3779 : i32 to index
    %get3A_3781 = arith.constant 0 : index
    %get3A_3782 = vector.load %arg5[%get3A_3780, %get3A_3781] : memref<1024x1xf32, #tpu.memory_space<vmem>>, vector<8x1xf32>
    %add3A_3783 = vector.broadcast %get3A_3782 : vector<8x1xf32> to vector<8x2304xf32>
    %add3A_3784 = arith.addf %add3A_3777, %add3A_3783 : vector<8x2304xf32>
    %lt3A_3785 = arith.cmpf olt, %add3A_3784, %min3A_3769 : vector<8x2304xf32>
    %broadcast_in_dim3A_3786 = vector.broadcast %scan3A_3770 : i32 to vector<8x2304xi32>
    %select_n3A_3787 = arith.select %lt3A_3785, %broadcast_in_dim3A_3786, %select_n3A_3768 : vector<8x2304xi1>, vector<8x2304xi32>
    %min3A_3788 = arith.minimumf %min3A_3769, %add3A_3784 : vector<8x2304xf32>
    %scan3A_3789 = arith.constant 69 : i32
    %mul3A_3790 = arith.constant 8 : i32
    %mul3A_3791 = arith.muli %scan3A_3789, %mul3A_3790 : i32
    %get3A_3792 = arith.index_cast %mul3A_3791 : i32 to index
    %get3A_3793 = arith.constant 2304 : index
    %get3A_3794 = vector.load %arg6[%get3A_3792, %get3A_3793] : memref<1024x4608xf32, #tpu.memory_space<vmem>>, vector<8x2304xf32>
    %add3A_3795 = vector.broadcast %slice3A_2473 : vector<1x2304xf32> to vector<8x2304xf32>
    %add3A_3796 = arith.addf %add3A_3795, %get3A_3794 : vector<8x2304xf32>
    %mul3A_3797 = arith.constant 8 : i32
    %mul3A_3798 = arith.muli %scan3A_3789, %mul3A_3797 : i32
    %get3A_3799 = arith.index_cast %mul3A_3798 : i32 to index
    %get3A_3800 = arith.constant 0 : index
    %get3A_3801 = vector.load %arg5[%get3A_3799, %get3A_3800] : memref<1024x1xf32, #tpu.memory_space<vmem>>, vector<8x1xf32>
    %add3A_3802 = vector.broadcast %get3A_3801 : vector<8x1xf32> to vector<8x2304xf32>
    %add3A_3803 = arith.addf %add3A_3796, %add3A_3802 : vector<8x2304xf32>
    %lt3A_3804 = arith.cmpf olt, %add3A_3803, %min3A_3788 : vector<8x2304xf32>
    %broadcast_in_dim3A_3805 = vector.broadcast %scan3A_3789 : i32 to vector<8x2304xi32>
    %select_n3A_3806 = arith.select %lt3A_3804, %broadcast_in_dim3A_3805, %select_n3A_3787 : vector<8x2304xi1>, vector<8x2304xi32>
    %min3A_3807 = arith.minimumf %min3A_3788, %add3A_3803 : vector<8x2304xf32>
    %scan3A_3808 = arith.constant 70 : i32
    %mul3A_3809 = arith.constant 8 : i32
    %mul3A_3810 = arith.muli %scan3A_3808, %mul3A_3809 : i32
    %get3A_3811 = arith.index_cast %mul3A_3810 : i32 to index
    %get3A_3812 = arith.constant 2304 : index
    %get3A_3813 = vector.load %arg6[%get3A_3811, %get3A_3812] : memref<1024x4608xf32, #tpu.memory_space<vmem>>, vector<8x2304xf32>
    %add3A_3814 = vector.broadcast %slice3A_2473 : vector<1x2304xf32> to vector<8x2304xf32>
    %add3A_3815 = arith.addf %add3A_3814, %get3A_3813 : vector<8x2304xf32>
    %mul3A_3816 = arith.constant 8 : i32
    %mul3A_3817 = arith.muli %scan3A_3808, %mul3A_3816 : i32
    %get3A_3818 = arith.index_cast %mul3A_3817 : i32 to index
    %get3A_3819 = arith.constant 0 : index
    %get3A_3820 = vector.load %arg5[%get3A_3818, %get3A_3819] : memref<1024x1xf32, #tpu.memory_space<vmem>>, vector<8x1xf32>
    %add3A_3821 = vector.broadcast %get3A_3820 : vector<8x1xf32> to vector<8x2304xf32>
    %add3A_3822 = arith.addf %add3A_3815, %add3A_3821 : vector<8x2304xf32>
    %lt3A_3823 = arith.cmpf olt, %add3A_3822, %min3A_3807 : vector<8x2304xf32>
    %broadcast_in_dim3A_3824 = vector.broadcast %scan3A_3808 : i32 to vector<8x2304xi32>
    %select_n3A_3825 = arith.select %lt3A_3823, %broadcast_in_dim3A_3824, %select_n3A_3806 : vector<8x2304xi1>, vector<8x2304xi32>
    %min3A_3826 = arith.minimumf %min3A_3807, %add3A_3822 : vector<8x2304xf32>
    %scan3A_3827 = arith.constant 71 : i32
    %mul3A_3828 = arith.constant 8 : i32
    %mul3A_3829 = arith.muli %scan3A_3827, %mul3A_3828 : i32
    %get3A_3830 = arith.index_cast %mul3A_3829 : i32 to index
    %get3A_3831 = arith.constant 2304 : index
    %get3A_3832 = vector.load %arg6[%get3A_3830, %get3A_3831] : memref<1024x4608xf32, #tpu.memory_space<vmem>>, vector<8x2304xf32>
    %add3A_3833 = vector.broadcast %slice3A_2473 : vector<1x2304xf32> to vector<8x2304xf32>
    %add3A_3834 = arith.addf %add3A_3833, %get3A_3832 : vector<8x2304xf32>
    %mul3A_3835 = arith.constant 8 : i32
    %mul3A_3836 = arith.muli %scan3A_3827, %mul3A_3835 : i32
    %get3A_3837 = arith.index_cast %mul3A_3836 : i32 to index
    %get3A_3838 = arith.constant 0 : index
    %get3A_3839 = vector.load %arg5[%get3A_3837, %get3A_3838] : memref<1024x1xf32, #tpu.memory_space<vmem>>, vector<8x1xf32>
    %add3A_3840 = vector.broadcast %get3A_3839 : vector<8x1xf32> to vector<8x2304xf32>
    %add3A_3841 = arith.addf %add3A_3834, %add3A_3840 : vector<8x2304xf32>
    %lt3A_3842 = arith.cmpf olt, %add3A_3841, %min3A_3826 : vector<8x2304xf32>
    %broadcast_in_dim3A_3843 = vector.broadcast %scan3A_3827 : i32 to vector<8x2304xi32>
    %select_n3A_3844 = arith.select %lt3A_3842, %broadcast_in_dim3A_3843, %select_n3A_3825 : vector<8x2304xi1>, vector<8x2304xi32>
    %min3A_3845 = arith.minimumf %min3A_3826, %add3A_3841 : vector<8x2304xf32>
    %scan3A_3846 = arith.constant 72 : i32
    %mul3A_3847 = arith.constant 8 : i32
    %mul3A_3848 = arith.muli %scan3A_3846, %mul3A_3847 : i32
    %get3A_3849 = arith.index_cast %mul3A_3848 : i32 to index
    %get3A_3850 = arith.constant 2304 : index
    %get3A_3851 = vector.load %arg6[%get3A_3849, %get3A_3850] : memref<1024x4608xf32, #tpu.memory_space<vmem>>, vector<8x2304xf32>
    %add3A_3852 = vector.broadcast %slice3A_2473 : vector<1x2304xf32> to vector<8x2304xf32>
    %add3A_3853 = arith.addf %add3A_3852, %get3A_3851 : vector<8x2304xf32>
    %mul3A_3854 = arith.constant 8 : i32
    %mul3A_3855 = arith.muli %scan3A_3846, %mul3A_3854 : i32
    %get3A_3856 = arith.index_cast %mul3A_3855 : i32 to index
    %get3A_3857 = arith.constant 0 : index
    %get3A_3858 = vector.load %arg5[%get3A_3856, %get3A_3857] : memref<1024x1xf32, #tpu.memory_space<vmem>>, vector<8x1xf32>
    %add3A_3859 = vector.broadcast %get3A_3858 : vector<8x1xf32> to vector<8x2304xf32>
    %add3A_3860 = arith.addf %add3A_3853, %add3A_3859 : vector<8x2304xf32>
    %lt3A_3861 = arith.cmpf olt, %add3A_3860, %min3A_3845 : vector<8x2304xf32>
    %broadcast_in_dim3A_3862 = vector.broadcast %scan3A_3846 : i32 to vector<8x2304xi32>
    %select_n3A_3863 = arith.select %lt3A_3861, %broadcast_in_dim3A_3862, %select_n3A_3844 : vector<8x2304xi1>, vector<8x2304xi32>
    %min3A_3864 = arith.minimumf %min3A_3845, %add3A_3860 : vector<8x2304xf32>
    %scan3A_3865 = arith.constant 73 : i32
    %mul3A_3866 = arith.constant 8 : i32
    %mul3A_3867 = arith.muli %scan3A_3865, %mul3A_3866 : i32
    %get3A_3868 = arith.index_cast %mul3A_3867 : i32 to index
    %get3A_3869 = arith.constant 2304 : index
    %get3A_3870 = vector.load %arg6[%get3A_3868, %get3A_3869] : memref<1024x4608xf32, #tpu.memory_space<vmem>>, vector<8x2304xf32>
    %add3A_3871 = vector.broadcast %slice3A_2473 : vector<1x2304xf32> to vector<8x2304xf32>
    %add3A_3872 = arith.addf %add3A_3871, %get3A_3870 : vector<8x2304xf32>
    %mul3A_3873 = arith.constant 8 : i32
    %mul3A_3874 = arith.muli %scan3A_3865, %mul3A_3873 : i32
    %get3A_3875 = arith.index_cast %mul3A_3874 : i32 to index
    %get3A_3876 = arith.constant 0 : index
    %get3A_3877 = vector.load %arg5[%get3A_3875, %get3A_3876] : memref<1024x1xf32, #tpu.memory_space<vmem>>, vector<8x1xf32>
    %add3A_3878 = vector.broadcast %get3A_3877 : vector<8x1xf32> to vector<8x2304xf32>
    %add3A_3879 = arith.addf %add3A_3872, %add3A_3878 : vector<8x2304xf32>
    %lt3A_3880 = arith.cmpf olt, %add3A_3879, %min3A_3864 : vector<8x2304xf32>
    %broadcast_in_dim3A_3881 = vector.broadcast %scan3A_3865 : i32 to vector<8x2304xi32>
    %select_n3A_3882 = arith.select %lt3A_3880, %broadcast_in_dim3A_3881, %select_n3A_3863 : vector<8x2304xi1>, vector<8x2304xi32>
    %min3A_3883 = arith.minimumf %min3A_3864, %add3A_3879 : vector<8x2304xf32>
    %scan3A_3884 = arith.constant 74 : i32
    %mul3A_3885 = arith.constant 8 : i32
    %mul3A_3886 = arith.muli %scan3A_3884, %mul3A_3885 : i32
    %get3A_3887 = arith.index_cast %mul3A_3886 : i32 to index
    %get3A_3888 = arith.constant 2304 : index
    %get3A_3889 = vector.load %arg6[%get3A_3887, %get3A_3888] : memref<1024x4608xf32, #tpu.memory_space<vmem>>, vector<8x2304xf32>
    %add3A_3890 = vector.broadcast %slice3A_2473 : vector<1x2304xf32> to vector<8x2304xf32>
    %add3A_3891 = arith.addf %add3A_3890, %get3A_3889 : vector<8x2304xf32>
    %mul3A_3892 = arith.constant 8 : i32
    %mul3A_3893 = arith.muli %scan3A_3884, %mul3A_3892 : i32
    %get3A_3894 = arith.index_cast %mul3A_3893 : i32 to index
    %get3A_3895 = arith.constant 0 : index
    %get3A_3896 = vector.load %arg5[%get3A_3894, %get3A_3895] : memref<1024x1xf32, #tpu.memory_space<vmem>>, vector<8x1xf32>
    %add3A_3897 = vector.broadcast %get3A_3896 : vector<8x1xf32> to vector<8x2304xf32>
    %add3A_3898 = arith.addf %add3A_3891, %add3A_3897 : vector<8x2304xf32>
    %lt3A_3899 = arith.cmpf olt, %add3A_3898, %min3A_3883 : vector<8x2304xf32>
    %broadcast_in_dim3A_3900 = vector.broadcast %scan3A_3884 : i32 to vector<8x2304xi32>
    %select_n3A_3901 = arith.select %lt3A_3899, %broadcast_in_dim3A_3900, %select_n3A_3882 : vector<8x2304xi1>, vector<8x2304xi32>
    %min3A_3902 = arith.minimumf %min3A_3883, %add3A_3898 : vector<8x2304xf32>
    %scan3A_3903 = arith.constant 75 : i32
    %mul3A_3904 = arith.constant 8 : i32
    %mul3A_3905 = arith.muli %scan3A_3903, %mul3A_3904 : i32
    %get3A_3906 = arith.index_cast %mul3A_3905 : i32 to index
    %get3A_3907 = arith.constant 2304 : index
    %get3A_3908 = vector.load %arg6[%get3A_3906, %get3A_3907] : memref<1024x4608xf32, #tpu.memory_space<vmem>>, vector<8x2304xf32>
    %add3A_3909 = vector.broadcast %slice3A_2473 : vector<1x2304xf32> to vector<8x2304xf32>
    %add3A_3910 = arith.addf %add3A_3909, %get3A_3908 : vector<8x2304xf32>
    %mul3A_3911 = arith.constant 8 : i32
    %mul3A_3912 = arith.muli %scan3A_3903, %mul3A_3911 : i32
    %get3A_3913 = arith.index_cast %mul3A_3912 : i32 to index
    %get3A_3914 = arith.constant 0 : index
    %get3A_3915 = vector.load %arg5[%get3A_3913, %get3A_3914] : memref<1024x1xf32, #tpu.memory_space<vmem>>, vector<8x1xf32>
    %add3A_3916 = vector.broadcast %get3A_3915 : vector<8x1xf32> to vector<8x2304xf32>
    %add3A_3917 = arith.addf %add3A_3910, %add3A_3916 : vector<8x2304xf32>
    %lt3A_3918 = arith.cmpf olt, %add3A_3917, %min3A_3902 : vector<8x2304xf32>
    %broadcast_in_dim3A_3919 = vector.broadcast %scan3A_3903 : i32 to vector<8x2304xi32>
    %select_n3A_3920 = arith.select %lt3A_3918, %broadcast_in_dim3A_3919, %select_n3A_3901 : vector<8x2304xi1>, vector<8x2304xi32>
    %min3A_3921 = arith.minimumf %min3A_3902, %add3A_3917 : vector<8x2304xf32>
    %scan3A_3922 = arith.constant 76 : i32
    %mul3A_3923 = arith.constant 8 : i32
    %mul3A_3924 = arith.muli %scan3A_3922, %mul3A_3923 : i32
    %get3A_3925 = arith.index_cast %mul3A_3924 : i32 to index
    %get3A_3926 = arith.constant 2304 : index
    %get3A_3927 = vector.load %arg6[%get3A_3925, %get3A_3926] : memref<1024x4608xf32, #tpu.memory_space<vmem>>, vector<8x2304xf32>
    %add3A_3928 = vector.broadcast %slice3A_2473 : vector<1x2304xf32> to vector<8x2304xf32>
    %add3A_3929 = arith.addf %add3A_3928, %get3A_3927 : vector<8x2304xf32>
    %mul3A_3930 = arith.constant 8 : i32
    %mul3A_3931 = arith.muli %scan3A_3922, %mul3A_3930 : i32
    %get3A_3932 = arith.index_cast %mul3A_3931 : i32 to index
    %get3A_3933 = arith.constant 0 : index
    %get3A_3934 = vector.load %arg5[%get3A_3932, %get3A_3933] : memref<1024x1xf32, #tpu.memory_space<vmem>>, vector<8x1xf32>
    %add3A_3935 = vector.broadcast %get3A_3934 : vector<8x1xf32> to vector<8x2304xf32>
    %add3A_3936 = arith.addf %add3A_3929, %add3A_3935 : vector<8x2304xf32>
    %lt3A_3937 = arith.cmpf olt, %add3A_3936, %min3A_3921 : vector<8x2304xf32>
    %broadcast_in_dim3A_3938 = vector.broadcast %scan3A_3922 : i32 to vector<8x2304xi32>
    %select_n3A_3939 = arith.select %lt3A_3937, %broadcast_in_dim3A_3938, %select_n3A_3920 : vector<8x2304xi1>, vector<8x2304xi32>
    %min3A_3940 = arith.minimumf %min3A_3921, %add3A_3936 : vector<8x2304xf32>
    %scan3A_3941 = arith.constant 77 : i32
    %mul3A_3942 = arith.constant 8 : i32
    %mul3A_3943 = arith.muli %scan3A_3941, %mul3A_3942 : i32
    %get3A_3944 = arith.index_cast %mul3A_3943 : i32 to index
    %get3A_3945 = arith.constant 2304 : index
    %get3A_3946 = vector.load %arg6[%get3A_3944, %get3A_3945] : memref<1024x4608xf32, #tpu.memory_space<vmem>>, vector<8x2304xf32>
    %add3A_3947 = vector.broadcast %slice3A_2473 : vector<1x2304xf32> to vector<8x2304xf32>
    %add3A_3948 = arith.addf %add3A_3947, %get3A_3946 : vector<8x2304xf32>
    %mul3A_3949 = arith.constant 8 : i32
    %mul3A_3950 = arith.muli %scan3A_3941, %mul3A_3949 : i32
    %get3A_3951 = arith.index_cast %mul3A_3950 : i32 to index
    %get3A_3952 = arith.constant 0 : index
    %get3A_3953 = vector.load %arg5[%get3A_3951, %get3A_3952] : memref<1024x1xf32, #tpu.memory_space<vmem>>, vector<8x1xf32>
    %add3A_3954 = vector.broadcast %get3A_3953 : vector<8x1xf32> to vector<8x2304xf32>
    %add3A_3955 = arith.addf %add3A_3948, %add3A_3954 : vector<8x2304xf32>
    %lt3A_3956 = arith.cmpf olt, %add3A_3955, %min3A_3940 : vector<8x2304xf32>
    %broadcast_in_dim3A_3957 = vector.broadcast %scan3A_3941 : i32 to vector<8x2304xi32>
    %select_n3A_3958 = arith.select %lt3A_3956, %broadcast_in_dim3A_3957, %select_n3A_3939 : vector<8x2304xi1>, vector<8x2304xi32>
    %min3A_3959 = arith.minimumf %min3A_3940, %add3A_3955 : vector<8x2304xf32>
    %scan3A_3960 = arith.constant 78 : i32
    %mul3A_3961 = arith.constant 8 : i32
    %mul3A_3962 = arith.muli %scan3A_3960, %mul3A_3961 : i32
    %get3A_3963 = arith.index_cast %mul3A_3962 : i32 to index
    %get3A_3964 = arith.constant 2304 : index
    %get3A_3965 = vector.load %arg6[%get3A_3963, %get3A_3964] : memref<1024x4608xf32, #tpu.memory_space<vmem>>, vector<8x2304xf32>
    %add3A_3966 = vector.broadcast %slice3A_2473 : vector<1x2304xf32> to vector<8x2304xf32>
    %add3A_3967 = arith.addf %add3A_3966, %get3A_3965 : vector<8x2304xf32>
    %mul3A_3968 = arith.constant 8 : i32
    %mul3A_3969 = arith.muli %scan3A_3960, %mul3A_3968 : i32
    %get3A_3970 = arith.index_cast %mul3A_3969 : i32 to index
    %get3A_3971 = arith.constant 0 : index
    %get3A_3972 = vector.load %arg5[%get3A_3970, %get3A_3971] : memref<1024x1xf32, #tpu.memory_space<vmem>>, vector<8x1xf32>
    %add3A_3973 = vector.broadcast %get3A_3972 : vector<8x1xf32> to vector<8x2304xf32>
    %add3A_3974 = arith.addf %add3A_3967, %add3A_3973 : vector<8x2304xf32>
    %lt3A_3975 = arith.cmpf olt, %add3A_3974, %min3A_3959 : vector<8x2304xf32>
    %broadcast_in_dim3A_3976 = vector.broadcast %scan3A_3960 : i32 to vector<8x2304xi32>
    %select_n3A_3977 = arith.select %lt3A_3975, %broadcast_in_dim3A_3976, %select_n3A_3958 : vector<8x2304xi1>, vector<8x2304xi32>
    %min3A_3978 = arith.minimumf %min3A_3959, %add3A_3974 : vector<8x2304xf32>
    %scan3A_3979 = arith.constant 79 : i32
    %mul3A_3980 = arith.constant 8 : i32
    %mul3A_3981 = arith.muli %scan3A_3979, %mul3A_3980 : i32
    %get3A_3982 = arith.index_cast %mul3A_3981 : i32 to index
    %get3A_3983 = arith.constant 2304 : index
    %get3A_3984 = vector.load %arg6[%get3A_3982, %get3A_3983] : memref<1024x4608xf32, #tpu.memory_space<vmem>>, vector<8x2304xf32>
    %add3A_3985 = vector.broadcast %slice3A_2473 : vector<1x2304xf32> to vector<8x2304xf32>
    %add3A_3986 = arith.addf %add3A_3985, %get3A_3984 : vector<8x2304xf32>
    %mul3A_3987 = arith.constant 8 : i32
    %mul3A_3988 = arith.muli %scan3A_3979, %mul3A_3987 : i32
    %get3A_3989 = arith.index_cast %mul3A_3988 : i32 to index
    %get3A_3990 = arith.constant 0 : index
    %get3A_3991 = vector.load %arg5[%get3A_3989, %get3A_3990] : memref<1024x1xf32, #tpu.memory_space<vmem>>, vector<8x1xf32>
    %add3A_3992 = vector.broadcast %get3A_3991 : vector<8x1xf32> to vector<8x2304xf32>
    %add3A_3993 = arith.addf %add3A_3986, %add3A_3992 : vector<8x2304xf32>
    %lt3A_3994 = arith.cmpf olt, %add3A_3993, %min3A_3978 : vector<8x2304xf32>
    %broadcast_in_dim3A_3995 = vector.broadcast %scan3A_3979 : i32 to vector<8x2304xi32>
    %select_n3A_3996 = arith.select %lt3A_3994, %broadcast_in_dim3A_3995, %select_n3A_3977 : vector<8x2304xi1>, vector<8x2304xi32>
    %min3A_3997 = arith.minimumf %min3A_3978, %add3A_3993 : vector<8x2304xf32>
    %scan3A_3998 = arith.constant 80 : i32
    %mul3A_3999 = arith.constant 8 : i32
    %mul3A_4000 = arith.muli %scan3A_3998, %mul3A_3999 : i32
    %get3A_4001 = arith.index_cast %mul3A_4000 : i32 to index
    %get3A_4002 = arith.constant 2304 : index
    %get3A_4003 = vector.load %arg6[%get3A_4001, %get3A_4002] : memref<1024x4608xf32, #tpu.memory_space<vmem>>, vector<8x2304xf32>
    %add3A_4004 = vector.broadcast %slice3A_2473 : vector<1x2304xf32> to vector<8x2304xf32>
    %add3A_4005 = arith.addf %add3A_4004, %get3A_4003 : vector<8x2304xf32>
    %mul3A_4006 = arith.constant 8 : i32
    %mul3A_4007 = arith.muli %scan3A_3998, %mul3A_4006 : i32
    %get3A_4008 = arith.index_cast %mul3A_4007 : i32 to index
    %get3A_4009 = arith.constant 0 : index
    %get3A_4010 = vector.load %arg5[%get3A_4008, %get3A_4009] : memref<1024x1xf32, #tpu.memory_space<vmem>>, vector<8x1xf32>
    %add3A_4011 = vector.broadcast %get3A_4010 : vector<8x1xf32> to vector<8x2304xf32>
    %add3A_4012 = arith.addf %add3A_4005, %add3A_4011 : vector<8x2304xf32>
    %lt3A_4013 = arith.cmpf olt, %add3A_4012, %min3A_3997 : vector<8x2304xf32>
    %broadcast_in_dim3A_4014 = vector.broadcast %scan3A_3998 : i32 to vector<8x2304xi32>
    %select_n3A_4015 = arith.select %lt3A_4013, %broadcast_in_dim3A_4014, %select_n3A_3996 : vector<8x2304xi1>, vector<8x2304xi32>
    %min3A_4016 = arith.minimumf %min3A_3997, %add3A_4012 : vector<8x2304xf32>
    %scan3A_4017 = arith.constant 81 : i32
    %mul3A_4018 = arith.constant 8 : i32
    %mul3A_4019 = arith.muli %scan3A_4017, %mul3A_4018 : i32
    %get3A_4020 = arith.index_cast %mul3A_4019 : i32 to index
    %get3A_4021 = arith.constant 2304 : index
    %get3A_4022 = vector.load %arg6[%get3A_4020, %get3A_4021] : memref<1024x4608xf32, #tpu.memory_space<vmem>>, vector<8x2304xf32>
    %add3A_4023 = vector.broadcast %slice3A_2473 : vector<1x2304xf32> to vector<8x2304xf32>
    %add3A_4024 = arith.addf %add3A_4023, %get3A_4022 : vector<8x2304xf32>
    %mul3A_4025 = arith.constant 8 : i32
    %mul3A_4026 = arith.muli %scan3A_4017, %mul3A_4025 : i32
    %get3A_4027 = arith.index_cast %mul3A_4026 : i32 to index
    %get3A_4028 = arith.constant 0 : index
    %get3A_4029 = vector.load %arg5[%get3A_4027, %get3A_4028] : memref<1024x1xf32, #tpu.memory_space<vmem>>, vector<8x1xf32>
    %add3A_4030 = vector.broadcast %get3A_4029 : vector<8x1xf32> to vector<8x2304xf32>
    %add3A_4031 = arith.addf %add3A_4024, %add3A_4030 : vector<8x2304xf32>
    %lt3A_4032 = arith.cmpf olt, %add3A_4031, %min3A_4016 : vector<8x2304xf32>
    %broadcast_in_dim3A_4033 = vector.broadcast %scan3A_4017 : i32 to vector<8x2304xi32>
    %select_n3A_4034 = arith.select %lt3A_4032, %broadcast_in_dim3A_4033, %select_n3A_4015 : vector<8x2304xi1>, vector<8x2304xi32>
    %min3A_4035 = arith.minimumf %min3A_4016, %add3A_4031 : vector<8x2304xf32>
    %scan3A_4036 = arith.constant 82 : i32
    %mul3A_4037 = arith.constant 8 : i32
    %mul3A_4038 = arith.muli %scan3A_4036, %mul3A_4037 : i32
    %get3A_4039 = arith.index_cast %mul3A_4038 : i32 to index
    %get3A_4040 = arith.constant 2304 : index
    %get3A_4041 = vector.load %arg6[%get3A_4039, %get3A_4040] : memref<1024x4608xf32, #tpu.memory_space<vmem>>, vector<8x2304xf32>
    %add3A_4042 = vector.broadcast %slice3A_2473 : vector<1x2304xf32> to vector<8x2304xf32>
    %add3A_4043 = arith.addf %add3A_4042, %get3A_4041 : vector<8x2304xf32>
    %mul3A_4044 = arith.constant 8 : i32
    %mul3A_4045 = arith.muli %scan3A_4036, %mul3A_4044 : i32
    %get3A_4046 = arith.index_cast %mul3A_4045 : i32 to index
    %get3A_4047 = arith.constant 0 : index
    %get3A_4048 = vector.load %arg5[%get3A_4046, %get3A_4047] : memref<1024x1xf32, #tpu.memory_space<vmem>>, vector<8x1xf32>
    %add3A_4049 = vector.broadcast %get3A_4048 : vector<8x1xf32> to vector<8x2304xf32>
    %add3A_4050 = arith.addf %add3A_4043, %add3A_4049 : vector<8x2304xf32>
    %lt3A_4051 = arith.cmpf olt, %add3A_4050, %min3A_4035 : vector<8x2304xf32>
    %broadcast_in_dim3A_4052 = vector.broadcast %scan3A_4036 : i32 to vector<8x2304xi32>
    %select_n3A_4053 = arith.select %lt3A_4051, %broadcast_in_dim3A_4052, %select_n3A_4034 : vector<8x2304xi1>, vector<8x2304xi32>
    %min3A_4054 = arith.minimumf %min3A_4035, %add3A_4050 : vector<8x2304xf32>
    %scan3A_4055 = arith.constant 83 : i32
    %mul3A_4056 = arith.constant 8 : i32
    %mul3A_4057 = arith.muli %scan3A_4055, %mul3A_4056 : i32
    %get3A_4058 = arith.index_cast %mul3A_4057 : i32 to index
    %get3A_4059 = arith.constant 2304 : index
    %get3A_4060 = vector.load %arg6[%get3A_4058, %get3A_4059] : memref<1024x4608xf32, #tpu.memory_space<vmem>>, vector<8x2304xf32>
    %add3A_4061 = vector.broadcast %slice3A_2473 : vector<1x2304xf32> to vector<8x2304xf32>
    %add3A_4062 = arith.addf %add3A_4061, %get3A_4060 : vector<8x2304xf32>
    %mul3A_4063 = arith.constant 8 : i32
    %mul3A_4064 = arith.muli %scan3A_4055, %mul3A_4063 : i32
    %get3A_4065 = arith.index_cast %mul3A_4064 : i32 to index
    %get3A_4066 = arith.constant 0 : index
    %get3A_4067 = vector.load %arg5[%get3A_4065, %get3A_4066] : memref<1024x1xf32, #tpu.memory_space<vmem>>, vector<8x1xf32>
    %add3A_4068 = vector.broadcast %get3A_4067 : vector<8x1xf32> to vector<8x2304xf32>
    %add3A_4069 = arith.addf %add3A_4062, %add3A_4068 : vector<8x2304xf32>
    %lt3A_4070 = arith.cmpf olt, %add3A_4069, %min3A_4054 : vector<8x2304xf32>
    %broadcast_in_dim3A_4071 = vector.broadcast %scan3A_4055 : i32 to vector<8x2304xi32>
    %select_n3A_4072 = arith.select %lt3A_4070, %broadcast_in_dim3A_4071, %select_n3A_4053 : vector<8x2304xi1>, vector<8x2304xi32>
    %min3A_4073 = arith.minimumf %min3A_4054, %add3A_4069 : vector<8x2304xf32>
    %scan3A_4074 = arith.constant 84 : i32
    %mul3A_4075 = arith.constant 8 : i32
    %mul3A_4076 = arith.muli %scan3A_4074, %mul3A_4075 : i32
    %get3A_4077 = arith.index_cast %mul3A_4076 : i32 to index
    %get3A_4078 = arith.constant 2304 : index
    %get3A_4079 = vector.load %arg6[%get3A_4077, %get3A_4078] : memref<1024x4608xf32, #tpu.memory_space<vmem>>, vector<8x2304xf32>
    %add3A_4080 = vector.broadcast %slice3A_2473 : vector<1x2304xf32> to vector<8x2304xf32>
    %add3A_4081 = arith.addf %add3A_4080, %get3A_4079 : vector<8x2304xf32>
    %mul3A_4082 = arith.constant 8 : i32
    %mul3A_4083 = arith.muli %scan3A_4074, %mul3A_4082 : i32
    %get3A_4084 = arith.index_cast %mul3A_4083 : i32 to index
    %get3A_4085 = arith.constant 0 : index
    %get3A_4086 = vector.load %arg5[%get3A_4084, %get3A_4085] : memref<1024x1xf32, #tpu.memory_space<vmem>>, vector<8x1xf32>
    %add3A_4087 = vector.broadcast %get3A_4086 : vector<8x1xf32> to vector<8x2304xf32>
    %add3A_4088 = arith.addf %add3A_4081, %add3A_4087 : vector<8x2304xf32>
    %lt3A_4089 = arith.cmpf olt, %add3A_4088, %min3A_4073 : vector<8x2304xf32>
    %broadcast_in_dim3A_4090 = vector.broadcast %scan3A_4074 : i32 to vector<8x2304xi32>
    %select_n3A_4091 = arith.select %lt3A_4089, %broadcast_in_dim3A_4090, %select_n3A_4072 : vector<8x2304xi1>, vector<8x2304xi32>
    %min3A_4092 = arith.minimumf %min3A_4073, %add3A_4088 : vector<8x2304xf32>
    %scan3A_4093 = arith.constant 85 : i32
    %mul3A_4094 = arith.constant 8 : i32
    %mul3A_4095 = arith.muli %scan3A_4093, %mul3A_4094 : i32
    %get3A_4096 = arith.index_cast %mul3A_4095 : i32 to index
    %get3A_4097 = arith.constant 2304 : index
    %get3A_4098 = vector.load %arg6[%get3A_4096, %get3A_4097] : memref<1024x4608xf32, #tpu.memory_space<vmem>>, vector<8x2304xf32>
    %add3A_4099 = vector.broadcast %slice3A_2473 : vector<1x2304xf32> to vector<8x2304xf32>
    %add3A_4100 = arith.addf %add3A_4099, %get3A_4098 : vector<8x2304xf32>
    %mul3A_4101 = arith.constant 8 : i32
    %mul3A_4102 = arith.muli %scan3A_4093, %mul3A_4101 : i32
    %get3A_4103 = arith.index_cast %mul3A_4102 : i32 to index
    %get3A_4104 = arith.constant 0 : index
    %get3A_4105 = vector.load %arg5[%get3A_4103, %get3A_4104] : memref<1024x1xf32, #tpu.memory_space<vmem>>, vector<8x1xf32>
    %add3A_4106 = vector.broadcast %get3A_4105 : vector<8x1xf32> to vector<8x2304xf32>
    %add3A_4107 = arith.addf %add3A_4100, %add3A_4106 : vector<8x2304xf32>
    %lt3A_4108 = arith.cmpf olt, %add3A_4107, %min3A_4092 : vector<8x2304xf32>
    %broadcast_in_dim3A_4109 = vector.broadcast %scan3A_4093 : i32 to vector<8x2304xi32>
    %select_n3A_4110 = arith.select %lt3A_4108, %broadcast_in_dim3A_4109, %select_n3A_4091 : vector<8x2304xi1>, vector<8x2304xi32>
    %min3A_4111 = arith.minimumf %min3A_4092, %add3A_4107 : vector<8x2304xf32>
    %scan3A_4112 = arith.constant 86 : i32
    %mul3A_4113 = arith.constant 8 : i32
    %mul3A_4114 = arith.muli %scan3A_4112, %mul3A_4113 : i32
    %get3A_4115 = arith.index_cast %mul3A_4114 : i32 to index
    %get3A_4116 = arith.constant 2304 : index
    %get3A_4117 = vector.load %arg6[%get3A_4115, %get3A_4116] : memref<1024x4608xf32, #tpu.memory_space<vmem>>, vector<8x2304xf32>
    %add3A_4118 = vector.broadcast %slice3A_2473 : vector<1x2304xf32> to vector<8x2304xf32>
    %add3A_4119 = arith.addf %add3A_4118, %get3A_4117 : vector<8x2304xf32>
    %mul3A_4120 = arith.constant 8 : i32
    %mul3A_4121 = arith.muli %scan3A_4112, %mul3A_4120 : i32
    %get3A_4122 = arith.index_cast %mul3A_4121 : i32 to index
    %get3A_4123 = arith.constant 0 : index
    %get3A_4124 = vector.load %arg5[%get3A_4122, %get3A_4123] : memref<1024x1xf32, #tpu.memory_space<vmem>>, vector<8x1xf32>
    %add3A_4125 = vector.broadcast %get3A_4124 : vector<8x1xf32> to vector<8x2304xf32>
    %add3A_4126 = arith.addf %add3A_4119, %add3A_4125 : vector<8x2304xf32>
    %lt3A_4127 = arith.cmpf olt, %add3A_4126, %min3A_4111 : vector<8x2304xf32>
    %broadcast_in_dim3A_4128 = vector.broadcast %scan3A_4112 : i32 to vector<8x2304xi32>
    %select_n3A_4129 = arith.select %lt3A_4127, %broadcast_in_dim3A_4128, %select_n3A_4110 : vector<8x2304xi1>, vector<8x2304xi32>
    %min3A_4130 = arith.minimumf %min3A_4111, %add3A_4126 : vector<8x2304xf32>
    %scan3A_4131 = arith.constant 87 : i32
    %mul3A_4132 = arith.constant 8 : i32
    %mul3A_4133 = arith.muli %scan3A_4131, %mul3A_4132 : i32
    %get3A_4134 = arith.index_cast %mul3A_4133 : i32 to index
    %get3A_4135 = arith.constant 2304 : index
    %get3A_4136 = vector.load %arg6[%get3A_4134, %get3A_4135] : memref<1024x4608xf32, #tpu.memory_space<vmem>>, vector<8x2304xf32>
    %add3A_4137 = vector.broadcast %slice3A_2473 : vector<1x2304xf32> to vector<8x2304xf32>
    %add3A_4138 = arith.addf %add3A_4137, %get3A_4136 : vector<8x2304xf32>
    %mul3A_4139 = arith.constant 8 : i32
    %mul3A_4140 = arith.muli %scan3A_4131, %mul3A_4139 : i32
    %get3A_4141 = arith.index_cast %mul3A_4140 : i32 to index
    %get3A_4142 = arith.constant 0 : index
    %get3A_4143 = vector.load %arg5[%get3A_4141, %get3A_4142] : memref<1024x1xf32, #tpu.memory_space<vmem>>, vector<8x1xf32>
    %add3A_4144 = vector.broadcast %get3A_4143 : vector<8x1xf32> to vector<8x2304xf32>
    %add3A_4145 = arith.addf %add3A_4138, %add3A_4144 : vector<8x2304xf32>
    %lt3A_4146 = arith.cmpf olt, %add3A_4145, %min3A_4130 : vector<8x2304xf32>
    %broadcast_in_dim3A_4147 = vector.broadcast %scan3A_4131 : i32 to vector<8x2304xi32>
    %select_n3A_4148 = arith.select %lt3A_4146, %broadcast_in_dim3A_4147, %select_n3A_4129 : vector<8x2304xi1>, vector<8x2304xi32>
    %min3A_4149 = arith.minimumf %min3A_4130, %add3A_4145 : vector<8x2304xf32>
    %scan3A_4150 = arith.constant 88 : i32
    %mul3A_4151 = arith.constant 8 : i32
    %mul3A_4152 = arith.muli %scan3A_4150, %mul3A_4151 : i32
    %get3A_4153 = arith.index_cast %mul3A_4152 : i32 to index
    %get3A_4154 = arith.constant 2304 : index
    %get3A_4155 = vector.load %arg6[%get3A_4153, %get3A_4154] : memref<1024x4608xf32, #tpu.memory_space<vmem>>, vector<8x2304xf32>
    %add3A_4156 = vector.broadcast %slice3A_2473 : vector<1x2304xf32> to vector<8x2304xf32>
    %add3A_4157 = arith.addf %add3A_4156, %get3A_4155 : vector<8x2304xf32>
    %mul3A_4158 = arith.constant 8 : i32
    %mul3A_4159 = arith.muli %scan3A_4150, %mul3A_4158 : i32
    %get3A_4160 = arith.index_cast %mul3A_4159 : i32 to index
    %get3A_4161 = arith.constant 0 : index
    %get3A_4162 = vector.load %arg5[%get3A_4160, %get3A_4161] : memref<1024x1xf32, #tpu.memory_space<vmem>>, vector<8x1xf32>
    %add3A_4163 = vector.broadcast %get3A_4162 : vector<8x1xf32> to vector<8x2304xf32>
    %add3A_4164 = arith.addf %add3A_4157, %add3A_4163 : vector<8x2304xf32>
    %lt3A_4165 = arith.cmpf olt, %add3A_4164, %min3A_4149 : vector<8x2304xf32>
    %broadcast_in_dim3A_4166 = vector.broadcast %scan3A_4150 : i32 to vector<8x2304xi32>
    %select_n3A_4167 = arith.select %lt3A_4165, %broadcast_in_dim3A_4166, %select_n3A_4148 : vector<8x2304xi1>, vector<8x2304xi32>
    %min3A_4168 = arith.minimumf %min3A_4149, %add3A_4164 : vector<8x2304xf32>
    %scan3A_4169 = arith.constant 89 : i32
    %mul3A_4170 = arith.constant 8 : i32
    %mul3A_4171 = arith.muli %scan3A_4169, %mul3A_4170 : i32
    %get3A_4172 = arith.index_cast %mul3A_4171 : i32 to index
    %get3A_4173 = arith.constant 2304 : index
    %get3A_4174 = vector.load %arg6[%get3A_4172, %get3A_4173] : memref<1024x4608xf32, #tpu.memory_space<vmem>>, vector<8x2304xf32>
    %add3A_4175 = vector.broadcast %slice3A_2473 : vector<1x2304xf32> to vector<8x2304xf32>
    %add3A_4176 = arith.addf %add3A_4175, %get3A_4174 : vector<8x2304xf32>
    %mul3A_4177 = arith.constant 8 : i32
    %mul3A_4178 = arith.muli %scan3A_4169, %mul3A_4177 : i32
    %get3A_4179 = arith.index_cast %mul3A_4178 : i32 to index
    %get3A_4180 = arith.constant 0 : index
    %get3A_4181 = vector.load %arg5[%get3A_4179, %get3A_4180] : memref<1024x1xf32, #tpu.memory_space<vmem>>, vector<8x1xf32>
    %add3A_4182 = vector.broadcast %get3A_4181 : vector<8x1xf32> to vector<8x2304xf32>
    %add3A_4183 = arith.addf %add3A_4176, %add3A_4182 : vector<8x2304xf32>
    %lt3A_4184 = arith.cmpf olt, %add3A_4183, %min3A_4168 : vector<8x2304xf32>
    %broadcast_in_dim3A_4185 = vector.broadcast %scan3A_4169 : i32 to vector<8x2304xi32>
    %select_n3A_4186 = arith.select %lt3A_4184, %broadcast_in_dim3A_4185, %select_n3A_4167 : vector<8x2304xi1>, vector<8x2304xi32>
    %min3A_4187 = arith.minimumf %min3A_4168, %add3A_4183 : vector<8x2304xf32>
    %scan3A_4188 = arith.constant 90 : i32
    %mul3A_4189 = arith.constant 8 : i32
    %mul3A_4190 = arith.muli %scan3A_4188, %mul3A_4189 : i32
    %get3A_4191 = arith.index_cast %mul3A_4190 : i32 to index
    %get3A_4192 = arith.constant 2304 : index
    %get3A_4193 = vector.load %arg6[%get3A_4191, %get3A_4192] : memref<1024x4608xf32, #tpu.memory_space<vmem>>, vector<8x2304xf32>
    %add3A_4194 = vector.broadcast %slice3A_2473 : vector<1x2304xf32> to vector<8x2304xf32>
    %add3A_4195 = arith.addf %add3A_4194, %get3A_4193 : vector<8x2304xf32>
    %mul3A_4196 = arith.constant 8 : i32
    %mul3A_4197 = arith.muli %scan3A_4188, %mul3A_4196 : i32
    %get3A_4198 = arith.index_cast %mul3A_4197 : i32 to index
    %get3A_4199 = arith.constant 0 : index
    %get3A_4200 = vector.load %arg5[%get3A_4198, %get3A_4199] : memref<1024x1xf32, #tpu.memory_space<vmem>>, vector<8x1xf32>
    %add3A_4201 = vector.broadcast %get3A_4200 : vector<8x1xf32> to vector<8x2304xf32>
    %add3A_4202 = arith.addf %add3A_4195, %add3A_4201 : vector<8x2304xf32>
    %lt3A_4203 = arith.cmpf olt, %add3A_4202, %min3A_4187 : vector<8x2304xf32>
    %broadcast_in_dim3A_4204 = vector.broadcast %scan3A_4188 : i32 to vector<8x2304xi32>
    %select_n3A_4205 = arith.select %lt3A_4203, %broadcast_in_dim3A_4204, %select_n3A_4186 : vector<8x2304xi1>, vector<8x2304xi32>
    %min3A_4206 = arith.minimumf %min3A_4187, %add3A_4202 : vector<8x2304xf32>
    %scan3A_4207 = arith.constant 91 : i32
    %mul3A_4208 = arith.constant 8 : i32
    %mul3A_4209 = arith.muli %scan3A_4207, %mul3A_4208 : i32
    %get3A_4210 = arith.index_cast %mul3A_4209 : i32 to index
    %get3A_4211 = arith.constant 2304 : index
    %get3A_4212 = vector.load %arg6[%get3A_4210, %get3A_4211] : memref<1024x4608xf32, #tpu.memory_space<vmem>>, vector<8x2304xf32>
    %add3A_4213 = vector.broadcast %slice3A_2473 : vector<1x2304xf32> to vector<8x2304xf32>
    %add3A_4214 = arith.addf %add3A_4213, %get3A_4212 : vector<8x2304xf32>
    %mul3A_4215 = arith.constant 8 : i32
    %mul3A_4216 = arith.muli %scan3A_4207, %mul3A_4215 : i32
    %get3A_4217 = arith.index_cast %mul3A_4216 : i32 to index
    %get3A_4218 = arith.constant 0 : index
    %get3A_4219 = vector.load %arg5[%get3A_4217, %get3A_4218] : memref<1024x1xf32, #tpu.memory_space<vmem>>, vector<8x1xf32>
    %add3A_4220 = vector.broadcast %get3A_4219 : vector<8x1xf32> to vector<8x2304xf32>
    %add3A_4221 = arith.addf %add3A_4214, %add3A_4220 : vector<8x2304xf32>
    %lt3A_4222 = arith.cmpf olt, %add3A_4221, %min3A_4206 : vector<8x2304xf32>
    %broadcast_in_dim3A_4223 = vector.broadcast %scan3A_4207 : i32 to vector<8x2304xi32>
    %select_n3A_4224 = arith.select %lt3A_4222, %broadcast_in_dim3A_4223, %select_n3A_4205 : vector<8x2304xi1>, vector<8x2304xi32>
    %min3A_4225 = arith.minimumf %min3A_4206, %add3A_4221 : vector<8x2304xf32>
    %scan3A_4226 = arith.constant 92 : i32
    %mul3A_4227 = arith.constant 8 : i32
    %mul3A_4228 = arith.muli %scan3A_4226, %mul3A_4227 : i32
    %get3A_4229 = arith.index_cast %mul3A_4228 : i32 to index
    %get3A_4230 = arith.constant 2304 : index
    %get3A_4231 = vector.load %arg6[%get3A_4229, %get3A_4230] : memref<1024x4608xf32, #tpu.memory_space<vmem>>, vector<8x2304xf32>
    %add3A_4232 = vector.broadcast %slice3A_2473 : vector<1x2304xf32> to vector<8x2304xf32>
    %add3A_4233 = arith.addf %add3A_4232, %get3A_4231 : vector<8x2304xf32>
    %mul3A_4234 = arith.constant 8 : i32
    %mul3A_4235 = arith.muli %scan3A_4226, %mul3A_4234 : i32
    %get3A_4236 = arith.index_cast %mul3A_4235 : i32 to index
    %get3A_4237 = arith.constant 0 : index
    %get3A_4238 = vector.load %arg5[%get3A_4236, %get3A_4237] : memref<1024x1xf32, #tpu.memory_space<vmem>>, vector<8x1xf32>
    %add3A_4239 = vector.broadcast %get3A_4238 : vector<8x1xf32> to vector<8x2304xf32>
    %add3A_4240 = arith.addf %add3A_4233, %add3A_4239 : vector<8x2304xf32>
    %lt3A_4241 = arith.cmpf olt, %add3A_4240, %min3A_4225 : vector<8x2304xf32>
    %broadcast_in_dim3A_4242 = vector.broadcast %scan3A_4226 : i32 to vector<8x2304xi32>
    %select_n3A_4243 = arith.select %lt3A_4241, %broadcast_in_dim3A_4242, %select_n3A_4224 : vector<8x2304xi1>, vector<8x2304xi32>
    %min3A_4244 = arith.minimumf %min3A_4225, %add3A_4240 : vector<8x2304xf32>
    %scan3A_4245 = arith.constant 93 : i32
    %mul3A_4246 = arith.constant 8 : i32
    %mul3A_4247 = arith.muli %scan3A_4245, %mul3A_4246 : i32
    %get3A_4248 = arith.index_cast %mul3A_4247 : i32 to index
    %get3A_4249 = arith.constant 2304 : index
    %get3A_4250 = vector.load %arg6[%get3A_4248, %get3A_4249] : memref<1024x4608xf32, #tpu.memory_space<vmem>>, vector<8x2304xf32>
    %add3A_4251 = vector.broadcast %slice3A_2473 : vector<1x2304xf32> to vector<8x2304xf32>
    %add3A_4252 = arith.addf %add3A_4251, %get3A_4250 : vector<8x2304xf32>
    %mul3A_4253 = arith.constant 8 : i32
    %mul3A_4254 = arith.muli %scan3A_4245, %mul3A_4253 : i32
    %get3A_4255 = arith.index_cast %mul3A_4254 : i32 to index
    %get3A_4256 = arith.constant 0 : index
    %get3A_4257 = vector.load %arg5[%get3A_4255, %get3A_4256] : memref<1024x1xf32, #tpu.memory_space<vmem>>, vector<8x1xf32>
    %add3A_4258 = vector.broadcast %get3A_4257 : vector<8x1xf32> to vector<8x2304xf32>
    %add3A_4259 = arith.addf %add3A_4252, %add3A_4258 : vector<8x2304xf32>
    %lt3A_4260 = arith.cmpf olt, %add3A_4259, %min3A_4244 : vector<8x2304xf32>
    %broadcast_in_dim3A_4261 = vector.broadcast %scan3A_4245 : i32 to vector<8x2304xi32>
    %select_n3A_4262 = arith.select %lt3A_4260, %broadcast_in_dim3A_4261, %select_n3A_4243 : vector<8x2304xi1>, vector<8x2304xi32>
    %min3A_4263 = arith.minimumf %min3A_4244, %add3A_4259 : vector<8x2304xf32>
    %scan3A_4264 = arith.constant 94 : i32
    %mul3A_4265 = arith.constant 8 : i32
    %mul3A_4266 = arith.muli %scan3A_4264, %mul3A_4265 : i32
    %get3A_4267 = arith.index_cast %mul3A_4266 : i32 to index
    %get3A_4268 = arith.constant 2304 : index
    %get3A_4269 = vector.load %arg6[%get3A_4267, %get3A_4268] : memref<1024x4608xf32, #tpu.memory_space<vmem>>, vector<8x2304xf32>
    %add3A_4270 = vector.broadcast %slice3A_2473 : vector<1x2304xf32> to vector<8x2304xf32>
    %add3A_4271 = arith.addf %add3A_4270, %get3A_4269 : vector<8x2304xf32>
    %mul3A_4272 = arith.constant 8 : i32
    %mul3A_4273 = arith.muli %scan3A_4264, %mul3A_4272 : i32
    %get3A_4274 = arith.index_cast %mul3A_4273 : i32 to index
    %get3A_4275 = arith.constant 0 : index
    %get3A_4276 = vector.load %arg5[%get3A_4274, %get3A_4275] : memref<1024x1xf32, #tpu.memory_space<vmem>>, vector<8x1xf32>
    %add3A_4277 = vector.broadcast %get3A_4276 : vector<8x1xf32> to vector<8x2304xf32>
    %add3A_4278 = arith.addf %add3A_4271, %add3A_4277 : vector<8x2304xf32>
    %lt3A_4279 = arith.cmpf olt, %add3A_4278, %min3A_4263 : vector<8x2304xf32>
    %broadcast_in_dim3A_4280 = vector.broadcast %scan3A_4264 : i32 to vector<8x2304xi32>
    %select_n3A_4281 = arith.select %lt3A_4279, %broadcast_in_dim3A_4280, %select_n3A_4262 : vector<8x2304xi1>, vector<8x2304xi32>
    %min3A_4282 = arith.minimumf %min3A_4263, %add3A_4278 : vector<8x2304xf32>
    %scan3A_4283 = arith.constant 95 : i32
    %mul3A_4284 = arith.constant 8 : i32
    %mul3A_4285 = arith.muli %scan3A_4283, %mul3A_4284 : i32
    %get3A_4286 = arith.index_cast %mul3A_4285 : i32 to index
    %get3A_4287 = arith.constant 2304 : index
    %get3A_4288 = vector.load %arg6[%get3A_4286, %get3A_4287] : memref<1024x4608xf32, #tpu.memory_space<vmem>>, vector<8x2304xf32>
    %add3A_4289 = vector.broadcast %slice3A_2473 : vector<1x2304xf32> to vector<8x2304xf32>
    %add3A_4290 = arith.addf %add3A_4289, %get3A_4288 : vector<8x2304xf32>
    %mul3A_4291 = arith.constant 8 : i32
    %mul3A_4292 = arith.muli %scan3A_4283, %mul3A_4291 : i32
    %get3A_4293 = arith.index_cast %mul3A_4292 : i32 to index
    %get3A_4294 = arith.constant 0 : index
    %get3A_4295 = vector.load %arg5[%get3A_4293, %get3A_4294] : memref<1024x1xf32, #tpu.memory_space<vmem>>, vector<8x1xf32>
    %add3A_4296 = vector.broadcast %get3A_4295 : vector<8x1xf32> to vector<8x2304xf32>
    %add3A_4297 = arith.addf %add3A_4290, %add3A_4296 : vector<8x2304xf32>
    %lt3A_4298 = arith.cmpf olt, %add3A_4297, %min3A_4282 : vector<8x2304xf32>
    %broadcast_in_dim3A_4299 = vector.broadcast %scan3A_4283 : i32 to vector<8x2304xi32>
    %select_n3A_4300 = arith.select %lt3A_4298, %broadcast_in_dim3A_4299, %select_n3A_4281 : vector<8x2304xi1>, vector<8x2304xi32>
    %min3A_4301 = arith.minimumf %min3A_4282, %add3A_4297 : vector<8x2304xf32>
    %scan3A_4302 = arith.constant 96 : i32
    %mul3A_4303 = arith.constant 8 : i32
    %mul3A_4304 = arith.muli %scan3A_4302, %mul3A_4303 : i32
    %get3A_4305 = arith.index_cast %mul3A_4304 : i32 to index
    %get3A_4306 = arith.constant 2304 : index
    %get3A_4307 = vector.load %arg6[%get3A_4305, %get3A_4306] : memref<1024x4608xf32, #tpu.memory_space<vmem>>, vector<8x2304xf32>
    %add3A_4308 = vector.broadcast %slice3A_2473 : vector<1x2304xf32> to vector<8x2304xf32>
    %add3A_4309 = arith.addf %add3A_4308, %get3A_4307 : vector<8x2304xf32>
    %mul3A_4310 = arith.constant 8 : i32
    %mul3A_4311 = arith.muli %scan3A_4302, %mul3A_4310 : i32
    %get3A_4312 = arith.index_cast %mul3A_4311 : i32 to index
    %get3A_4313 = arith.constant 0 : index
    %get3A_4314 = vector.load %arg5[%get3A_4312, %get3A_4313] : memref<1024x1xf32, #tpu.memory_space<vmem>>, vector<8x1xf32>
    %add3A_4315 = vector.broadcast %get3A_4314 : vector<8x1xf32> to vector<8x2304xf32>
    %add3A_4316 = arith.addf %add3A_4309, %add3A_4315 : vector<8x2304xf32>
    %lt3A_4317 = arith.cmpf olt, %add3A_4316, %min3A_4301 : vector<8x2304xf32>
    %broadcast_in_dim3A_4318 = vector.broadcast %scan3A_4302 : i32 to vector<8x2304xi32>
    %select_n3A_4319 = arith.select %lt3A_4317, %broadcast_in_dim3A_4318, %select_n3A_4300 : vector<8x2304xi1>, vector<8x2304xi32>
    %min3A_4320 = arith.minimumf %min3A_4301, %add3A_4316 : vector<8x2304xf32>
    %scan3A_4321 = arith.constant 97 : i32
    %mul3A_4322 = arith.constant 8 : i32
    %mul3A_4323 = arith.muli %scan3A_4321, %mul3A_4322 : i32
    %get3A_4324 = arith.index_cast %mul3A_4323 : i32 to index
    %get3A_4325 = arith.constant 2304 : index
    %get3A_4326 = vector.load %arg6[%get3A_4324, %get3A_4325] : memref<1024x4608xf32, #tpu.memory_space<vmem>>, vector<8x2304xf32>
    %add3A_4327 = vector.broadcast %slice3A_2473 : vector<1x2304xf32> to vector<8x2304xf32>
    %add3A_4328 = arith.addf %add3A_4327, %get3A_4326 : vector<8x2304xf32>
    %mul3A_4329 = arith.constant 8 : i32
    %mul3A_4330 = arith.muli %scan3A_4321, %mul3A_4329 : i32
    %get3A_4331 = arith.index_cast %mul3A_4330 : i32 to index
    %get3A_4332 = arith.constant 0 : index
    %get3A_4333 = vector.load %arg5[%get3A_4331, %get3A_4332] : memref<1024x1xf32, #tpu.memory_space<vmem>>, vector<8x1xf32>
    %add3A_4334 = vector.broadcast %get3A_4333 : vector<8x1xf32> to vector<8x2304xf32>
    %add3A_4335 = arith.addf %add3A_4328, %add3A_4334 : vector<8x2304xf32>
    %lt3A_4336 = arith.cmpf olt, %add3A_4335, %min3A_4320 : vector<8x2304xf32>
    %broadcast_in_dim3A_4337 = vector.broadcast %scan3A_4321 : i32 to vector<8x2304xi32>
    %select_n3A_4338 = arith.select %lt3A_4336, %broadcast_in_dim3A_4337, %select_n3A_4319 : vector<8x2304xi1>, vector<8x2304xi32>
    %min3A_4339 = arith.minimumf %min3A_4320, %add3A_4335 : vector<8x2304xf32>
    %scan3A_4340 = arith.constant 98 : i32
    %mul3A_4341 = arith.constant 8 : i32
    %mul3A_4342 = arith.muli %scan3A_4340, %mul3A_4341 : i32
    %get3A_4343 = arith.index_cast %mul3A_4342 : i32 to index
    %get3A_4344 = arith.constant 2304 : index
    %get3A_4345 = vector.load %arg6[%get3A_4343, %get3A_4344] : memref<1024x4608xf32, #tpu.memory_space<vmem>>, vector<8x2304xf32>
    %add3A_4346 = vector.broadcast %slice3A_2473 : vector<1x2304xf32> to vector<8x2304xf32>
    %add3A_4347 = arith.addf %add3A_4346, %get3A_4345 : vector<8x2304xf32>
    %mul3A_4348 = arith.constant 8 : i32
    %mul3A_4349 = arith.muli %scan3A_4340, %mul3A_4348 : i32
    %get3A_4350 = arith.index_cast %mul3A_4349 : i32 to index
    %get3A_4351 = arith.constant 0 : index
    %get3A_4352 = vector.load %arg5[%get3A_4350, %get3A_4351] : memref<1024x1xf32, #tpu.memory_space<vmem>>, vector<8x1xf32>
    %add3A_4353 = vector.broadcast %get3A_4352 : vector<8x1xf32> to vector<8x2304xf32>
    %add3A_4354 = arith.addf %add3A_4347, %add3A_4353 : vector<8x2304xf32>
    %lt3A_4355 = arith.cmpf olt, %add3A_4354, %min3A_4339 : vector<8x2304xf32>
    %broadcast_in_dim3A_4356 = vector.broadcast %scan3A_4340 : i32 to vector<8x2304xi32>
    %select_n3A_4357 = arith.select %lt3A_4355, %broadcast_in_dim3A_4356, %select_n3A_4338 : vector<8x2304xi1>, vector<8x2304xi32>
    %min3A_4358 = arith.minimumf %min3A_4339, %add3A_4354 : vector<8x2304xf32>
    %scan3A_4359 = arith.constant 99 : i32
    %mul3A_4360 = arith.constant 8 : i32
    %mul3A_4361 = arith.muli %scan3A_4359, %mul3A_4360 : i32
    %get3A_4362 = arith.index_cast %mul3A_4361 : i32 to index
    %get3A_4363 = arith.constant 2304 : index
    %get3A_4364 = vector.load %arg6[%get3A_4362, %get3A_4363] : memref<1024x4608xf32, #tpu.memory_space<vmem>>, vector<8x2304xf32>
    %add3A_4365 = vector.broadcast %slice3A_2473 : vector<1x2304xf32> to vector<8x2304xf32>
    %add3A_4366 = arith.addf %add3A_4365, %get3A_4364 : vector<8x2304xf32>
    %mul3A_4367 = arith.constant 8 : i32
    %mul3A_4368 = arith.muli %scan3A_4359, %mul3A_4367 : i32
    %get3A_4369 = arith.index_cast %mul3A_4368 : i32 to index
    %get3A_4370 = arith.constant 0 : index
    %get3A_4371 = vector.load %arg5[%get3A_4369, %get3A_4370] : memref<1024x1xf32, #tpu.memory_space<vmem>>, vector<8x1xf32>
    %add3A_4372 = vector.broadcast %get3A_4371 : vector<8x1xf32> to vector<8x2304xf32>
    %add3A_4373 = arith.addf %add3A_4366, %add3A_4372 : vector<8x2304xf32>
    %lt3A_4374 = arith.cmpf olt, %add3A_4373, %min3A_4358 : vector<8x2304xf32>
    %broadcast_in_dim3A_4375 = vector.broadcast %scan3A_4359 : i32 to vector<8x2304xi32>
    %select_n3A_4376 = arith.select %lt3A_4374, %broadcast_in_dim3A_4375, %select_n3A_4357 : vector<8x2304xi1>, vector<8x2304xi32>
    %min3A_4377 = arith.minimumf %min3A_4358, %add3A_4373 : vector<8x2304xf32>
    %scan3A_4378 = arith.constant 100 : i32
    %mul3A_4379 = arith.constant 8 : i32
    %mul3A_4380 = arith.muli %scan3A_4378, %mul3A_4379 : i32
    %get3A_4381 = arith.index_cast %mul3A_4380 : i32 to index
    %get3A_4382 = arith.constant 2304 : index
    %get3A_4383 = vector.load %arg6[%get3A_4381, %get3A_4382] : memref<1024x4608xf32, #tpu.memory_space<vmem>>, vector<8x2304xf32>
    %add3A_4384 = vector.broadcast %slice3A_2473 : vector<1x2304xf32> to vector<8x2304xf32>
    %add3A_4385 = arith.addf %add3A_4384, %get3A_4383 : vector<8x2304xf32>
    %mul3A_4386 = arith.constant 8 : i32
    %mul3A_4387 = arith.muli %scan3A_4378, %mul3A_4386 : i32
    %get3A_4388 = arith.index_cast %mul3A_4387 : i32 to index
    %get3A_4389 = arith.constant 0 : index
    %get3A_4390 = vector.load %arg5[%get3A_4388, %get3A_4389] : memref<1024x1xf32, #tpu.memory_space<vmem>>, vector<8x1xf32>
    %add3A_4391 = vector.broadcast %get3A_4390 : vector<8x1xf32> to vector<8x2304xf32>
    %add3A_4392 = arith.addf %add3A_4385, %add3A_4391 : vector<8x2304xf32>
    %lt3A_4393 = arith.cmpf olt, %add3A_4392, %min3A_4377 : vector<8x2304xf32>
    %broadcast_in_dim3A_4394 = vector.broadcast %scan3A_4378 : i32 to vector<8x2304xi32>
    %select_n3A_4395 = arith.select %lt3A_4393, %broadcast_in_dim3A_4394, %select_n3A_4376 : vector<8x2304xi1>, vector<8x2304xi32>
    %min3A_4396 = arith.minimumf %min3A_4377, %add3A_4392 : vector<8x2304xf32>
    %scan3A_4397 = arith.constant 101 : i32
    %mul3A_4398 = arith.constant 8 : i32
    %mul3A_4399 = arith.muli %scan3A_4397, %mul3A_4398 : i32
    %get3A_4400 = arith.index_cast %mul3A_4399 : i32 to index
    %get3A_4401 = arith.constant 2304 : index
    %get3A_4402 = vector.load %arg6[%get3A_4400, %get3A_4401] : memref<1024x4608xf32, #tpu.memory_space<vmem>>, vector<8x2304xf32>
    %add3A_4403 = vector.broadcast %slice3A_2473 : vector<1x2304xf32> to vector<8x2304xf32>
    %add3A_4404 = arith.addf %add3A_4403, %get3A_4402 : vector<8x2304xf32>
    %mul3A_4405 = arith.constant 8 : i32
    %mul3A_4406 = arith.muli %scan3A_4397, %mul3A_4405 : i32
    %get3A_4407 = arith.index_cast %mul3A_4406 : i32 to index
    %get3A_4408 = arith.constant 0 : index
    %get3A_4409 = vector.load %arg5[%get3A_4407, %get3A_4408] : memref<1024x1xf32, #tpu.memory_space<vmem>>, vector<8x1xf32>
    %add3A_4410 = vector.broadcast %get3A_4409 : vector<8x1xf32> to vector<8x2304xf32>
    %add3A_4411 = arith.addf %add3A_4404, %add3A_4410 : vector<8x2304xf32>
    %lt3A_4412 = arith.cmpf olt, %add3A_4411, %min3A_4396 : vector<8x2304xf32>
    %broadcast_in_dim3A_4413 = vector.broadcast %scan3A_4397 : i32 to vector<8x2304xi32>
    %select_n3A_4414 = arith.select %lt3A_4412, %broadcast_in_dim3A_4413, %select_n3A_4395 : vector<8x2304xi1>, vector<8x2304xi32>
    %min3A_4415 = arith.minimumf %min3A_4396, %add3A_4411 : vector<8x2304xf32>
    %scan3A_4416 = arith.constant 102 : i32
    %mul3A_4417 = arith.constant 8 : i32
    %mul3A_4418 = arith.muli %scan3A_4416, %mul3A_4417 : i32
    %get3A_4419 = arith.index_cast %mul3A_4418 : i32 to index
    %get3A_4420 = arith.constant 2304 : index
    %get3A_4421 = vector.load %arg6[%get3A_4419, %get3A_4420] : memref<1024x4608xf32, #tpu.memory_space<vmem>>, vector<8x2304xf32>
    %add3A_4422 = vector.broadcast %slice3A_2473 : vector<1x2304xf32> to vector<8x2304xf32>
    %add3A_4423 = arith.addf %add3A_4422, %get3A_4421 : vector<8x2304xf32>
    %mul3A_4424 = arith.constant 8 : i32
    %mul3A_4425 = arith.muli %scan3A_4416, %mul3A_4424 : i32
    %get3A_4426 = arith.index_cast %mul3A_4425 : i32 to index
    %get3A_4427 = arith.constant 0 : index
    %get3A_4428 = vector.load %arg5[%get3A_4426, %get3A_4427] : memref<1024x1xf32, #tpu.memory_space<vmem>>, vector<8x1xf32>
    %add3A_4429 = vector.broadcast %get3A_4428 : vector<8x1xf32> to vector<8x2304xf32>
    %add3A_4430 = arith.addf %add3A_4423, %add3A_4429 : vector<8x2304xf32>
    %lt3A_4431 = arith.cmpf olt, %add3A_4430, %min3A_4415 : vector<8x2304xf32>
    %broadcast_in_dim3A_4432 = vector.broadcast %scan3A_4416 : i32 to vector<8x2304xi32>
    %select_n3A_4433 = arith.select %lt3A_4431, %broadcast_in_dim3A_4432, %select_n3A_4414 : vector<8x2304xi1>, vector<8x2304xi32>
    %min3A_4434 = arith.minimumf %min3A_4415, %add3A_4430 : vector<8x2304xf32>
    %scan3A_4435 = arith.constant 103 : i32
    %mul3A_4436 = arith.constant 8 : i32
    %mul3A_4437 = arith.muli %scan3A_4435, %mul3A_4436 : i32
    %get3A_4438 = arith.index_cast %mul3A_4437 : i32 to index
    %get3A_4439 = arith.constant 2304 : index
    %get3A_4440 = vector.load %arg6[%get3A_4438, %get3A_4439] : memref<1024x4608xf32, #tpu.memory_space<vmem>>, vector<8x2304xf32>
    %add3A_4441 = vector.broadcast %slice3A_2473 : vector<1x2304xf32> to vector<8x2304xf32>
    %add3A_4442 = arith.addf %add3A_4441, %get3A_4440 : vector<8x2304xf32>
    %mul3A_4443 = arith.constant 8 : i32
    %mul3A_4444 = arith.muli %scan3A_4435, %mul3A_4443 : i32
    %get3A_4445 = arith.index_cast %mul3A_4444 : i32 to index
    %get3A_4446 = arith.constant 0 : index
    %get3A_4447 = vector.load %arg5[%get3A_4445, %get3A_4446] : memref<1024x1xf32, #tpu.memory_space<vmem>>, vector<8x1xf32>
    %add3A_4448 = vector.broadcast %get3A_4447 : vector<8x1xf32> to vector<8x2304xf32>
    %add3A_4449 = arith.addf %add3A_4442, %add3A_4448 : vector<8x2304xf32>
    %lt3A_4450 = arith.cmpf olt, %add3A_4449, %min3A_4434 : vector<8x2304xf32>
    %broadcast_in_dim3A_4451 = vector.broadcast %scan3A_4435 : i32 to vector<8x2304xi32>
    %select_n3A_4452 = arith.select %lt3A_4450, %broadcast_in_dim3A_4451, %select_n3A_4433 : vector<8x2304xi1>, vector<8x2304xi32>
    %min3A_4453 = arith.minimumf %min3A_4434, %add3A_4449 : vector<8x2304xf32>
    %scan3A_4454 = arith.constant 104 : i32
    %mul3A_4455 = arith.constant 8 : i32
    %mul3A_4456 = arith.muli %scan3A_4454, %mul3A_4455 : i32
    %get3A_4457 = arith.index_cast %mul3A_4456 : i32 to index
    %get3A_4458 = arith.constant 2304 : index
    %get3A_4459 = vector.load %arg6[%get3A_4457, %get3A_4458] : memref<1024x4608xf32, #tpu.memory_space<vmem>>, vector<8x2304xf32>
    %add3A_4460 = vector.broadcast %slice3A_2473 : vector<1x2304xf32> to vector<8x2304xf32>
    %add3A_4461 = arith.addf %add3A_4460, %get3A_4459 : vector<8x2304xf32>
    %mul3A_4462 = arith.constant 8 : i32
    %mul3A_4463 = arith.muli %scan3A_4454, %mul3A_4462 : i32
    %get3A_4464 = arith.index_cast %mul3A_4463 : i32 to index
    %get3A_4465 = arith.constant 0 : index
    %get3A_4466 = vector.load %arg5[%get3A_4464, %get3A_4465] : memref<1024x1xf32, #tpu.memory_space<vmem>>, vector<8x1xf32>
    %add3A_4467 = vector.broadcast %get3A_4466 : vector<8x1xf32> to vector<8x2304xf32>
    %add3A_4468 = arith.addf %add3A_4461, %add3A_4467 : vector<8x2304xf32>
    %lt3A_4469 = arith.cmpf olt, %add3A_4468, %min3A_4453 : vector<8x2304xf32>
    %broadcast_in_dim3A_4470 = vector.broadcast %scan3A_4454 : i32 to vector<8x2304xi32>
    %select_n3A_4471 = arith.select %lt3A_4469, %broadcast_in_dim3A_4470, %select_n3A_4452 : vector<8x2304xi1>, vector<8x2304xi32>
    %min3A_4472 = arith.minimumf %min3A_4453, %add3A_4468 : vector<8x2304xf32>
    %scan3A_4473 = arith.constant 105 : i32
    %mul3A_4474 = arith.constant 8 : i32
    %mul3A_4475 = arith.muli %scan3A_4473, %mul3A_4474 : i32
    %get3A_4476 = arith.index_cast %mul3A_4475 : i32 to index
    %get3A_4477 = arith.constant 2304 : index
    %get3A_4478 = vector.load %arg6[%get3A_4476, %get3A_4477] : memref<1024x4608xf32, #tpu.memory_space<vmem>>, vector<8x2304xf32>
    %add3A_4479 = vector.broadcast %slice3A_2473 : vector<1x2304xf32> to vector<8x2304xf32>
    %add3A_4480 = arith.addf %add3A_4479, %get3A_4478 : vector<8x2304xf32>
    %mul3A_4481 = arith.constant 8 : i32
    %mul3A_4482 = arith.muli %scan3A_4473, %mul3A_4481 : i32
    %get3A_4483 = arith.index_cast %mul3A_4482 : i32 to index
    %get3A_4484 = arith.constant 0 : index
    %get3A_4485 = vector.load %arg5[%get3A_4483, %get3A_4484] : memref<1024x1xf32, #tpu.memory_space<vmem>>, vector<8x1xf32>
    %add3A_4486 = vector.broadcast %get3A_4485 : vector<8x1xf32> to vector<8x2304xf32>
    %add3A_4487 = arith.addf %add3A_4480, %add3A_4486 : vector<8x2304xf32>
    %lt3A_4488 = arith.cmpf olt, %add3A_4487, %min3A_4472 : vector<8x2304xf32>
    %broadcast_in_dim3A_4489 = vector.broadcast %scan3A_4473 : i32 to vector<8x2304xi32>
    %select_n3A_4490 = arith.select %lt3A_4488, %broadcast_in_dim3A_4489, %select_n3A_4471 : vector<8x2304xi1>, vector<8x2304xi32>
    %min3A_4491 = arith.minimumf %min3A_4472, %add3A_4487 : vector<8x2304xf32>
    %scan3A_4492 = arith.constant 106 : i32
    %mul3A_4493 = arith.constant 8 : i32
    %mul3A_4494 = arith.muli %scan3A_4492, %mul3A_4493 : i32
    %get3A_4495 = arith.index_cast %mul3A_4494 : i32 to index
    %get3A_4496 = arith.constant 2304 : index
    %get3A_4497 = vector.load %arg6[%get3A_4495, %get3A_4496] : memref<1024x4608xf32, #tpu.memory_space<vmem>>, vector<8x2304xf32>
    %add3A_4498 = vector.broadcast %slice3A_2473 : vector<1x2304xf32> to vector<8x2304xf32>
    %add3A_4499 = arith.addf %add3A_4498, %get3A_4497 : vector<8x2304xf32>
    %mul3A_4500 = arith.constant 8 : i32
    %mul3A_4501 = arith.muli %scan3A_4492, %mul3A_4500 : i32
    %get3A_4502 = arith.index_cast %mul3A_4501 : i32 to index
    %get3A_4503 = arith.constant 0 : index
    %get3A_4504 = vector.load %arg5[%get3A_4502, %get3A_4503] : memref<1024x1xf32, #tpu.memory_space<vmem>>, vector<8x1xf32>
    %add3A_4505 = vector.broadcast %get3A_4504 : vector<8x1xf32> to vector<8x2304xf32>
    %add3A_4506 = arith.addf %add3A_4499, %add3A_4505 : vector<8x2304xf32>
    %lt3A_4507 = arith.cmpf olt, %add3A_4506, %min3A_4491 : vector<8x2304xf32>
    %broadcast_in_dim3A_4508 = vector.broadcast %scan3A_4492 : i32 to vector<8x2304xi32>
    %select_n3A_4509 = arith.select %lt3A_4507, %broadcast_in_dim3A_4508, %select_n3A_4490 : vector<8x2304xi1>, vector<8x2304xi32>
    %min3A_4510 = arith.minimumf %min3A_4491, %add3A_4506 : vector<8x2304xf32>
    %scan3A_4511 = arith.constant 107 : i32
    %mul3A_4512 = arith.constant 8 : i32
    %mul3A_4513 = arith.muli %scan3A_4511, %mul3A_4512 : i32
    %get3A_4514 = arith.index_cast %mul3A_4513 : i32 to index
    %get3A_4515 = arith.constant 2304 : index
    %get3A_4516 = vector.load %arg6[%get3A_4514, %get3A_4515] : memref<1024x4608xf32, #tpu.memory_space<vmem>>, vector<8x2304xf32>
    %add3A_4517 = vector.broadcast %slice3A_2473 : vector<1x2304xf32> to vector<8x2304xf32>
    %add3A_4518 = arith.addf %add3A_4517, %get3A_4516 : vector<8x2304xf32>
    %mul3A_4519 = arith.constant 8 : i32
    %mul3A_4520 = arith.muli %scan3A_4511, %mul3A_4519 : i32
    %get3A_4521 = arith.index_cast %mul3A_4520 : i32 to index
    %get3A_4522 = arith.constant 0 : index
    %get3A_4523 = vector.load %arg5[%get3A_4521, %get3A_4522] : memref<1024x1xf32, #tpu.memory_space<vmem>>, vector<8x1xf32>
    %add3A_4524 = vector.broadcast %get3A_4523 : vector<8x1xf32> to vector<8x2304xf32>
    %add3A_4525 = arith.addf %add3A_4518, %add3A_4524 : vector<8x2304xf32>
    %lt3A_4526 = arith.cmpf olt, %add3A_4525, %min3A_4510 : vector<8x2304xf32>
    %broadcast_in_dim3A_4527 = vector.broadcast %scan3A_4511 : i32 to vector<8x2304xi32>
    %select_n3A_4528 = arith.select %lt3A_4526, %broadcast_in_dim3A_4527, %select_n3A_4509 : vector<8x2304xi1>, vector<8x2304xi32>
    %min3A_4529 = arith.minimumf %min3A_4510, %add3A_4525 : vector<8x2304xf32>
    %scan3A_4530 = arith.constant 108 : i32
    %mul3A_4531 = arith.constant 8 : i32
    %mul3A_4532 = arith.muli %scan3A_4530, %mul3A_4531 : i32
    %get3A_4533 = arith.index_cast %mul3A_4532 : i32 to index
    %get3A_4534 = arith.constant 2304 : index
    %get3A_4535 = vector.load %arg6[%get3A_4533, %get3A_4534] : memref<1024x4608xf32, #tpu.memory_space<vmem>>, vector<8x2304xf32>
    %add3A_4536 = vector.broadcast %slice3A_2473 : vector<1x2304xf32> to vector<8x2304xf32>
    %add3A_4537 = arith.addf %add3A_4536, %get3A_4535 : vector<8x2304xf32>
    %mul3A_4538 = arith.constant 8 : i32
    %mul3A_4539 = arith.muli %scan3A_4530, %mul3A_4538 : i32
    %get3A_4540 = arith.index_cast %mul3A_4539 : i32 to index
    %get3A_4541 = arith.constant 0 : index
    %get3A_4542 = vector.load %arg5[%get3A_4540, %get3A_4541] : memref<1024x1xf32, #tpu.memory_space<vmem>>, vector<8x1xf32>
    %add3A_4543 = vector.broadcast %get3A_4542 : vector<8x1xf32> to vector<8x2304xf32>
    %add3A_4544 = arith.addf %add3A_4537, %add3A_4543 : vector<8x2304xf32>
    %lt3A_4545 = arith.cmpf olt, %add3A_4544, %min3A_4529 : vector<8x2304xf32>
    %broadcast_in_dim3A_4546 = vector.broadcast %scan3A_4530 : i32 to vector<8x2304xi32>
    %select_n3A_4547 = arith.select %lt3A_4545, %broadcast_in_dim3A_4546, %select_n3A_4528 : vector<8x2304xi1>, vector<8x2304xi32>
    %min3A_4548 = arith.minimumf %min3A_4529, %add3A_4544 : vector<8x2304xf32>
    %scan3A_4549 = arith.constant 109 : i32
    %mul3A_4550 = arith.constant 8 : i32
    %mul3A_4551 = arith.muli %scan3A_4549, %mul3A_4550 : i32
    %get3A_4552 = arith.index_cast %mul3A_4551 : i32 to index
    %get3A_4553 = arith.constant 2304 : index
    %get3A_4554 = vector.load %arg6[%get3A_4552, %get3A_4553] : memref<1024x4608xf32, #tpu.memory_space<vmem>>, vector<8x2304xf32>
    %add3A_4555 = vector.broadcast %slice3A_2473 : vector<1x2304xf32> to vector<8x2304xf32>
    %add3A_4556 = arith.addf %add3A_4555, %get3A_4554 : vector<8x2304xf32>
    %mul3A_4557 = arith.constant 8 : i32
    %mul3A_4558 = arith.muli %scan3A_4549, %mul3A_4557 : i32
    %get3A_4559 = arith.index_cast %mul3A_4558 : i32 to index
    %get3A_4560 = arith.constant 0 : index
    %get3A_4561 = vector.load %arg5[%get3A_4559, %get3A_4560] : memref<1024x1xf32, #tpu.memory_space<vmem>>, vector<8x1xf32>
    %add3A_4562 = vector.broadcast %get3A_4561 : vector<8x1xf32> to vector<8x2304xf32>
    %add3A_4563 = arith.addf %add3A_4556, %add3A_4562 : vector<8x2304xf32>
    %lt3A_4564 = arith.cmpf olt, %add3A_4563, %min3A_4548 : vector<8x2304xf32>
    %broadcast_in_dim3A_4565 = vector.broadcast %scan3A_4549 : i32 to vector<8x2304xi32>
    %select_n3A_4566 = arith.select %lt3A_4564, %broadcast_in_dim3A_4565, %select_n3A_4547 : vector<8x2304xi1>, vector<8x2304xi32>
    %min3A_4567 = arith.minimumf %min3A_4548, %add3A_4563 : vector<8x2304xf32>
    %scan3A_4568 = arith.constant 110 : i32
    %mul3A_4569 = arith.constant 8 : i32
    %mul3A_4570 = arith.muli %scan3A_4568, %mul3A_4569 : i32
    %get3A_4571 = arith.index_cast %mul3A_4570 : i32 to index
    %get3A_4572 = arith.constant 2304 : index
    %get3A_4573 = vector.load %arg6[%get3A_4571, %get3A_4572] : memref<1024x4608xf32, #tpu.memory_space<vmem>>, vector<8x2304xf32>
    %add3A_4574 = vector.broadcast %slice3A_2473 : vector<1x2304xf32> to vector<8x2304xf32>
    %add3A_4575 = arith.addf %add3A_4574, %get3A_4573 : vector<8x2304xf32>
    %mul3A_4576 = arith.constant 8 : i32
    %mul3A_4577 = arith.muli %scan3A_4568, %mul3A_4576 : i32
    %get3A_4578 = arith.index_cast %mul3A_4577 : i32 to index
    %get3A_4579 = arith.constant 0 : index
    %get3A_4580 = vector.load %arg5[%get3A_4578, %get3A_4579] : memref<1024x1xf32, #tpu.memory_space<vmem>>, vector<8x1xf32>
    %add3A_4581 = vector.broadcast %get3A_4580 : vector<8x1xf32> to vector<8x2304xf32>
    %add3A_4582 = arith.addf %add3A_4575, %add3A_4581 : vector<8x2304xf32>
    %lt3A_4583 = arith.cmpf olt, %add3A_4582, %min3A_4567 : vector<8x2304xf32>
    %broadcast_in_dim3A_4584 = vector.broadcast %scan3A_4568 : i32 to vector<8x2304xi32>
    %select_n3A_4585 = arith.select %lt3A_4583, %broadcast_in_dim3A_4584, %select_n3A_4566 : vector<8x2304xi1>, vector<8x2304xi32>
    %min3A_4586 = arith.minimumf %min3A_4567, %add3A_4582 : vector<8x2304xf32>
    %scan3A_4587 = arith.constant 111 : i32
    %mul3A_4588 = arith.constant 8 : i32
    %mul3A_4589 = arith.muli %scan3A_4587, %mul3A_4588 : i32
    %get3A_4590 = arith.index_cast %mul3A_4589 : i32 to index
    %get3A_4591 = arith.constant 2304 : index
    %get3A_4592 = vector.load %arg6[%get3A_4590, %get3A_4591] : memref<1024x4608xf32, #tpu.memory_space<vmem>>, vector<8x2304xf32>
    %add3A_4593 = vector.broadcast %slice3A_2473 : vector<1x2304xf32> to vector<8x2304xf32>
    %add3A_4594 = arith.addf %add3A_4593, %get3A_4592 : vector<8x2304xf32>
    %mul3A_4595 = arith.constant 8 : i32
    %mul3A_4596 = arith.muli %scan3A_4587, %mul3A_4595 : i32
    %get3A_4597 = arith.index_cast %mul3A_4596 : i32 to index
    %get3A_4598 = arith.constant 0 : index
    %get3A_4599 = vector.load %arg5[%get3A_4597, %get3A_4598] : memref<1024x1xf32, #tpu.memory_space<vmem>>, vector<8x1xf32>
    %add3A_4600 = vector.broadcast %get3A_4599 : vector<8x1xf32> to vector<8x2304xf32>
    %add3A_4601 = arith.addf %add3A_4594, %add3A_4600 : vector<8x2304xf32>
    %lt3A_4602 = arith.cmpf olt, %add3A_4601, %min3A_4586 : vector<8x2304xf32>
    %broadcast_in_dim3A_4603 = vector.broadcast %scan3A_4587 : i32 to vector<8x2304xi32>
    %select_n3A_4604 = arith.select %lt3A_4602, %broadcast_in_dim3A_4603, %select_n3A_4585 : vector<8x2304xi1>, vector<8x2304xi32>
    %min3A_4605 = arith.minimumf %min3A_4586, %add3A_4601 : vector<8x2304xf32>
    %scan3A_4606 = arith.constant 112 : i32
    %mul3A_4607 = arith.constant 8 : i32
    %mul3A_4608 = arith.muli %scan3A_4606, %mul3A_4607 : i32
    %get3A_4609 = arith.index_cast %mul3A_4608 : i32 to index
    %get3A_4610 = arith.constant 2304 : index
    %get3A_4611 = vector.load %arg6[%get3A_4609, %get3A_4610] : memref<1024x4608xf32, #tpu.memory_space<vmem>>, vector<8x2304xf32>
    %add3A_4612 = vector.broadcast %slice3A_2473 : vector<1x2304xf32> to vector<8x2304xf32>
    %add3A_4613 = arith.addf %add3A_4612, %get3A_4611 : vector<8x2304xf32>
    %mul3A_4614 = arith.constant 8 : i32
    %mul3A_4615 = arith.muli %scan3A_4606, %mul3A_4614 : i32
    %get3A_4616 = arith.index_cast %mul3A_4615 : i32 to index
    %get3A_4617 = arith.constant 0 : index
    %get3A_4618 = vector.load %arg5[%get3A_4616, %get3A_4617] : memref<1024x1xf32, #tpu.memory_space<vmem>>, vector<8x1xf32>
    %add3A_4619 = vector.broadcast %get3A_4618 : vector<8x1xf32> to vector<8x2304xf32>
    %add3A_4620 = arith.addf %add3A_4613, %add3A_4619 : vector<8x2304xf32>
    %lt3A_4621 = arith.cmpf olt, %add3A_4620, %min3A_4605 : vector<8x2304xf32>
    %broadcast_in_dim3A_4622 = vector.broadcast %scan3A_4606 : i32 to vector<8x2304xi32>
    %select_n3A_4623 = arith.select %lt3A_4621, %broadcast_in_dim3A_4622, %select_n3A_4604 : vector<8x2304xi1>, vector<8x2304xi32>
    %min3A_4624 = arith.minimumf %min3A_4605, %add3A_4620 : vector<8x2304xf32>
    %scan3A_4625 = arith.constant 113 : i32
    %mul3A_4626 = arith.constant 8 : i32
    %mul3A_4627 = arith.muli %scan3A_4625, %mul3A_4626 : i32
    %get3A_4628 = arith.index_cast %mul3A_4627 : i32 to index
    %get3A_4629 = arith.constant 2304 : index
    %get3A_4630 = vector.load %arg6[%get3A_4628, %get3A_4629] : memref<1024x4608xf32, #tpu.memory_space<vmem>>, vector<8x2304xf32>
    %add3A_4631 = vector.broadcast %slice3A_2473 : vector<1x2304xf32> to vector<8x2304xf32>
    %add3A_4632 = arith.addf %add3A_4631, %get3A_4630 : vector<8x2304xf32>
    %mul3A_4633 = arith.constant 8 : i32
    %mul3A_4634 = arith.muli %scan3A_4625, %mul3A_4633 : i32
    %get3A_4635 = arith.index_cast %mul3A_4634 : i32 to index
    %get3A_4636 = arith.constant 0 : index
    %get3A_4637 = vector.load %arg5[%get3A_4635, %get3A_4636] : memref<1024x1xf32, #tpu.memory_space<vmem>>, vector<8x1xf32>
    %add3A_4638 = vector.broadcast %get3A_4637 : vector<8x1xf32> to vector<8x2304xf32>
    %add3A_4639 = arith.addf %add3A_4632, %add3A_4638 : vector<8x2304xf32>
    %lt3A_4640 = arith.cmpf olt, %add3A_4639, %min3A_4624 : vector<8x2304xf32>
    %broadcast_in_dim3A_4641 = vector.broadcast %scan3A_4625 : i32 to vector<8x2304xi32>
    %select_n3A_4642 = arith.select %lt3A_4640, %broadcast_in_dim3A_4641, %select_n3A_4623 : vector<8x2304xi1>, vector<8x2304xi32>
    %min3A_4643 = arith.minimumf %min3A_4624, %add3A_4639 : vector<8x2304xf32>
    %scan3A_4644 = arith.constant 114 : i32
    %mul3A_4645 = arith.constant 8 : i32
    %mul3A_4646 = arith.muli %scan3A_4644, %mul3A_4645 : i32
    %get3A_4647 = arith.index_cast %mul3A_4646 : i32 to index
    %get3A_4648 = arith.constant 2304 : index
    %get3A_4649 = vector.load %arg6[%get3A_4647, %get3A_4648] : memref<1024x4608xf32, #tpu.memory_space<vmem>>, vector<8x2304xf32>
    %add3A_4650 = vector.broadcast %slice3A_2473 : vector<1x2304xf32> to vector<8x2304xf32>
    %add3A_4651 = arith.addf %add3A_4650, %get3A_4649 : vector<8x2304xf32>
    %mul3A_4652 = arith.constant 8 : i32
    %mul3A_4653 = arith.muli %scan3A_4644, %mul3A_4652 : i32
    %get3A_4654 = arith.index_cast %mul3A_4653 : i32 to index
    %get3A_4655 = arith.constant 0 : index
    %get3A_4656 = vector.load %arg5[%get3A_4654, %get3A_4655] : memref<1024x1xf32, #tpu.memory_space<vmem>>, vector<8x1xf32>
    %add3A_4657 = vector.broadcast %get3A_4656 : vector<8x1xf32> to vector<8x2304xf32>
    %add3A_4658 = arith.addf %add3A_4651, %add3A_4657 : vector<8x2304xf32>
    %lt3A_4659 = arith.cmpf olt, %add3A_4658, %min3A_4643 : vector<8x2304xf32>
    %broadcast_in_dim3A_4660 = vector.broadcast %scan3A_4644 : i32 to vector<8x2304xi32>
    %select_n3A_4661 = arith.select %lt3A_4659, %broadcast_in_dim3A_4660, %select_n3A_4642 : vector<8x2304xi1>, vector<8x2304xi32>
    %min3A_4662 = arith.minimumf %min3A_4643, %add3A_4658 : vector<8x2304xf32>
    %scan3A_4663 = arith.constant 115 : i32
    %mul3A_4664 = arith.constant 8 : i32
    %mul3A_4665 = arith.muli %scan3A_4663, %mul3A_4664 : i32
    %get3A_4666 = arith.index_cast %mul3A_4665 : i32 to index
    %get3A_4667 = arith.constant 2304 : index
    %get3A_4668 = vector.load %arg6[%get3A_4666, %get3A_4667] : memref<1024x4608xf32, #tpu.memory_space<vmem>>, vector<8x2304xf32>
    %add3A_4669 = vector.broadcast %slice3A_2473 : vector<1x2304xf32> to vector<8x2304xf32>
    %add3A_4670 = arith.addf %add3A_4669, %get3A_4668 : vector<8x2304xf32>
    %mul3A_4671 = arith.constant 8 : i32
    %mul3A_4672 = arith.muli %scan3A_4663, %mul3A_4671 : i32
    %get3A_4673 = arith.index_cast %mul3A_4672 : i32 to index
    %get3A_4674 = arith.constant 0 : index
    %get3A_4675 = vector.load %arg5[%get3A_4673, %get3A_4674] : memref<1024x1xf32, #tpu.memory_space<vmem>>, vector<8x1xf32>
    %add3A_4676 = vector.broadcast %get3A_4675 : vector<8x1xf32> to vector<8x2304xf32>
    %add3A_4677 = arith.addf %add3A_4670, %add3A_4676 : vector<8x2304xf32>
    %lt3A_4678 = arith.cmpf olt, %add3A_4677, %min3A_4662 : vector<8x2304xf32>
    %broadcast_in_dim3A_4679 = vector.broadcast %scan3A_4663 : i32 to vector<8x2304xi32>
    %select_n3A_4680 = arith.select %lt3A_4678, %broadcast_in_dim3A_4679, %select_n3A_4661 : vector<8x2304xi1>, vector<8x2304xi32>
    %min3A_4681 = arith.minimumf %min3A_4662, %add3A_4677 : vector<8x2304xf32>
    %scan3A_4682 = arith.constant 116 : i32
    %mul3A_4683 = arith.constant 8 : i32
    %mul3A_4684 = arith.muli %scan3A_4682, %mul3A_4683 : i32
    %get3A_4685 = arith.index_cast %mul3A_4684 : i32 to index
    %get3A_4686 = arith.constant 2304 : index
    %get3A_4687 = vector.load %arg6[%get3A_4685, %get3A_4686] : memref<1024x4608xf32, #tpu.memory_space<vmem>>, vector<8x2304xf32>
    %add3A_4688 = vector.broadcast %slice3A_2473 : vector<1x2304xf32> to vector<8x2304xf32>
    %add3A_4689 = arith.addf %add3A_4688, %get3A_4687 : vector<8x2304xf32>
    %mul3A_4690 = arith.constant 8 : i32
    %mul3A_4691 = arith.muli %scan3A_4682, %mul3A_4690 : i32
    %get3A_4692 = arith.index_cast %mul3A_4691 : i32 to index
    %get3A_4693 = arith.constant 0 : index
    %get3A_4694 = vector.load %arg5[%get3A_4692, %get3A_4693] : memref<1024x1xf32, #tpu.memory_space<vmem>>, vector<8x1xf32>
    %add3A_4695 = vector.broadcast %get3A_4694 : vector<8x1xf32> to vector<8x2304xf32>
    %add3A_4696 = arith.addf %add3A_4689, %add3A_4695 : vector<8x2304xf32>
    %lt3A_4697 = arith.cmpf olt, %add3A_4696, %min3A_4681 : vector<8x2304xf32>
    %broadcast_in_dim3A_4698 = vector.broadcast %scan3A_4682 : i32 to vector<8x2304xi32>
    %select_n3A_4699 = arith.select %lt3A_4697, %broadcast_in_dim3A_4698, %select_n3A_4680 : vector<8x2304xi1>, vector<8x2304xi32>
    %min3A_4700 = arith.minimumf %min3A_4681, %add3A_4696 : vector<8x2304xf32>
    %scan3A_4701 = arith.constant 117 : i32
    %mul3A_4702 = arith.constant 8 : i32
    %mul3A_4703 = arith.muli %scan3A_4701, %mul3A_4702 : i32
    %get3A_4704 = arith.index_cast %mul3A_4703 : i32 to index
    %get3A_4705 = arith.constant 2304 : index
    %get3A_4706 = vector.load %arg6[%get3A_4704, %get3A_4705] : memref<1024x4608xf32, #tpu.memory_space<vmem>>, vector<8x2304xf32>
    %add3A_4707 = vector.broadcast %slice3A_2473 : vector<1x2304xf32> to vector<8x2304xf32>
    %add3A_4708 = arith.addf %add3A_4707, %get3A_4706 : vector<8x2304xf32>
    %mul3A_4709 = arith.constant 8 : i32
    %mul3A_4710 = arith.muli %scan3A_4701, %mul3A_4709 : i32
    %get3A_4711 = arith.index_cast %mul3A_4710 : i32 to index
    %get3A_4712 = arith.constant 0 : index
    %get3A_4713 = vector.load %arg5[%get3A_4711, %get3A_4712] : memref<1024x1xf32, #tpu.memory_space<vmem>>, vector<8x1xf32>
    %add3A_4714 = vector.broadcast %get3A_4713 : vector<8x1xf32> to vector<8x2304xf32>
    %add3A_4715 = arith.addf %add3A_4708, %add3A_4714 : vector<8x2304xf32>
    %lt3A_4716 = arith.cmpf olt, %add3A_4715, %min3A_4700 : vector<8x2304xf32>
    %broadcast_in_dim3A_4717 = vector.broadcast %scan3A_4701 : i32 to vector<8x2304xi32>
    %select_n3A_4718 = arith.select %lt3A_4716, %broadcast_in_dim3A_4717, %select_n3A_4699 : vector<8x2304xi1>, vector<8x2304xi32>
    %min3A_4719 = arith.minimumf %min3A_4700, %add3A_4715 : vector<8x2304xf32>
    %scan3A_4720 = arith.constant 118 : i32
    %mul3A_4721 = arith.constant 8 : i32
    %mul3A_4722 = arith.muli %scan3A_4720, %mul3A_4721 : i32
    %get3A_4723 = arith.index_cast %mul3A_4722 : i32 to index
    %get3A_4724 = arith.constant 2304 : index
    %get3A_4725 = vector.load %arg6[%get3A_4723, %get3A_4724] : memref<1024x4608xf32, #tpu.memory_space<vmem>>, vector<8x2304xf32>
    %add3A_4726 = vector.broadcast %slice3A_2473 : vector<1x2304xf32> to vector<8x2304xf32>
    %add3A_4727 = arith.addf %add3A_4726, %get3A_4725 : vector<8x2304xf32>
    %mul3A_4728 = arith.constant 8 : i32
    %mul3A_4729 = arith.muli %scan3A_4720, %mul3A_4728 : i32
    %get3A_4730 = arith.index_cast %mul3A_4729 : i32 to index
    %get3A_4731 = arith.constant 0 : index
    %get3A_4732 = vector.load %arg5[%get3A_4730, %get3A_4731] : memref<1024x1xf32, #tpu.memory_space<vmem>>, vector<8x1xf32>
    %add3A_4733 = vector.broadcast %get3A_4732 : vector<8x1xf32> to vector<8x2304xf32>
    %add3A_4734 = arith.addf %add3A_4727, %add3A_4733 : vector<8x2304xf32>
    %lt3A_4735 = arith.cmpf olt, %add3A_4734, %min3A_4719 : vector<8x2304xf32>
    %broadcast_in_dim3A_4736 = vector.broadcast %scan3A_4720 : i32 to vector<8x2304xi32>
    %select_n3A_4737 = arith.select %lt3A_4735, %broadcast_in_dim3A_4736, %select_n3A_4718 : vector<8x2304xi1>, vector<8x2304xi32>
    %min3A_4738 = arith.minimumf %min3A_4719, %add3A_4734 : vector<8x2304xf32>
    %scan3A_4739 = arith.constant 119 : i32
    %mul3A_4740 = arith.constant 8 : i32
    %mul3A_4741 = arith.muli %scan3A_4739, %mul3A_4740 : i32
    %get3A_4742 = arith.index_cast %mul3A_4741 : i32 to index
    %get3A_4743 = arith.constant 2304 : index
    %get3A_4744 = vector.load %arg6[%get3A_4742, %get3A_4743] : memref<1024x4608xf32, #tpu.memory_space<vmem>>, vector<8x2304xf32>
    %add3A_4745 = vector.broadcast %slice3A_2473 : vector<1x2304xf32> to vector<8x2304xf32>
    %add3A_4746 = arith.addf %add3A_4745, %get3A_4744 : vector<8x2304xf32>
    %mul3A_4747 = arith.constant 8 : i32
    %mul3A_4748 = arith.muli %scan3A_4739, %mul3A_4747 : i32
    %get3A_4749 = arith.index_cast %mul3A_4748 : i32 to index
    %get3A_4750 = arith.constant 0 : index
    %get3A_4751 = vector.load %arg5[%get3A_4749, %get3A_4750] : memref<1024x1xf32, #tpu.memory_space<vmem>>, vector<8x1xf32>
    %add3A_4752 = vector.broadcast %get3A_4751 : vector<8x1xf32> to vector<8x2304xf32>
    %add3A_4753 = arith.addf %add3A_4746, %add3A_4752 : vector<8x2304xf32>
    %lt3A_4754 = arith.cmpf olt, %add3A_4753, %min3A_4738 : vector<8x2304xf32>
    %broadcast_in_dim3A_4755 = vector.broadcast %scan3A_4739 : i32 to vector<8x2304xi32>
    %select_n3A_4756 = arith.select %lt3A_4754, %broadcast_in_dim3A_4755, %select_n3A_4737 : vector<8x2304xi1>, vector<8x2304xi32>
    %min3A_4757 = arith.minimumf %min3A_4738, %add3A_4753 : vector<8x2304xf32>
    %scan3A_4758 = arith.constant 120 : i32
    %mul3A_4759 = arith.constant 8 : i32
    %mul3A_4760 = arith.muli %scan3A_4758, %mul3A_4759 : i32
    %get3A_4761 = arith.index_cast %mul3A_4760 : i32 to index
    %get3A_4762 = arith.constant 2304 : index
    %get3A_4763 = vector.load %arg6[%get3A_4761, %get3A_4762] : memref<1024x4608xf32, #tpu.memory_space<vmem>>, vector<8x2304xf32>
    %add3A_4764 = vector.broadcast %slice3A_2473 : vector<1x2304xf32> to vector<8x2304xf32>
    %add3A_4765 = arith.addf %add3A_4764, %get3A_4763 : vector<8x2304xf32>
    %mul3A_4766 = arith.constant 8 : i32
    %mul3A_4767 = arith.muli %scan3A_4758, %mul3A_4766 : i32
    %get3A_4768 = arith.index_cast %mul3A_4767 : i32 to index
    %get3A_4769 = arith.constant 0 : index
    %get3A_4770 = vector.load %arg5[%get3A_4768, %get3A_4769] : memref<1024x1xf32, #tpu.memory_space<vmem>>, vector<8x1xf32>
    %add3A_4771 = vector.broadcast %get3A_4770 : vector<8x1xf32> to vector<8x2304xf32>
    %add3A_4772 = arith.addf %add3A_4765, %add3A_4771 : vector<8x2304xf32>
    %lt3A_4773 = arith.cmpf olt, %add3A_4772, %min3A_4757 : vector<8x2304xf32>
    %broadcast_in_dim3A_4774 = vector.broadcast %scan3A_4758 : i32 to vector<8x2304xi32>
    %select_n3A_4775 = arith.select %lt3A_4773, %broadcast_in_dim3A_4774, %select_n3A_4756 : vector<8x2304xi1>, vector<8x2304xi32>
    %min3A_4776 = arith.minimumf %min3A_4757, %add3A_4772 : vector<8x2304xf32>
    %scan3A_4777 = arith.constant 121 : i32
    %mul3A_4778 = arith.constant 8 : i32
    %mul3A_4779 = arith.muli %scan3A_4777, %mul3A_4778 : i32
    %get3A_4780 = arith.index_cast %mul3A_4779 : i32 to index
    %get3A_4781 = arith.constant 2304 : index
    %get3A_4782 = vector.load %arg6[%get3A_4780, %get3A_4781] : memref<1024x4608xf32, #tpu.memory_space<vmem>>, vector<8x2304xf32>
    %add3A_4783 = vector.broadcast %slice3A_2473 : vector<1x2304xf32> to vector<8x2304xf32>
    %add3A_4784 = arith.addf %add3A_4783, %get3A_4782 : vector<8x2304xf32>
    %mul3A_4785 = arith.constant 8 : i32
    %mul3A_4786 = arith.muli %scan3A_4777, %mul3A_4785 : i32
    %get3A_4787 = arith.index_cast %mul3A_4786 : i32 to index
    %get3A_4788 = arith.constant 0 : index
    %get3A_4789 = vector.load %arg5[%get3A_4787, %get3A_4788] : memref<1024x1xf32, #tpu.memory_space<vmem>>, vector<8x1xf32>
    %add3A_4790 = vector.broadcast %get3A_4789 : vector<8x1xf32> to vector<8x2304xf32>
    %add3A_4791 = arith.addf %add3A_4784, %add3A_4790 : vector<8x2304xf32>
    %lt3A_4792 = arith.cmpf olt, %add3A_4791, %min3A_4776 : vector<8x2304xf32>
    %broadcast_in_dim3A_4793 = vector.broadcast %scan3A_4777 : i32 to vector<8x2304xi32>
    %select_n3A_4794 = arith.select %lt3A_4792, %broadcast_in_dim3A_4793, %select_n3A_4775 : vector<8x2304xi1>, vector<8x2304xi32>
    %min3A_4795 = arith.minimumf %min3A_4776, %add3A_4791 : vector<8x2304xf32>
    %scan3A_4796 = arith.constant 122 : i32
    %mul3A_4797 = arith.constant 8 : i32
    %mul3A_4798 = arith.muli %scan3A_4796, %mul3A_4797 : i32
    %get3A_4799 = arith.index_cast %mul3A_4798 : i32 to index
    %get3A_4800 = arith.constant 2304 : index
    %get3A_4801 = vector.load %arg6[%get3A_4799, %get3A_4800] : memref<1024x4608xf32, #tpu.memory_space<vmem>>, vector<8x2304xf32>
    %add3A_4802 = vector.broadcast %slice3A_2473 : vector<1x2304xf32> to vector<8x2304xf32>
    %add3A_4803 = arith.addf %add3A_4802, %get3A_4801 : vector<8x2304xf32>
    %mul3A_4804 = arith.constant 8 : i32
    %mul3A_4805 = arith.muli %scan3A_4796, %mul3A_4804 : i32
    %get3A_4806 = arith.index_cast %mul3A_4805 : i32 to index
    %get3A_4807 = arith.constant 0 : index
    %get3A_4808 = vector.load %arg5[%get3A_4806, %get3A_4807] : memref<1024x1xf32, #tpu.memory_space<vmem>>, vector<8x1xf32>
    %add3A_4809 = vector.broadcast %get3A_4808 : vector<8x1xf32> to vector<8x2304xf32>
    %add3A_4810 = arith.addf %add3A_4803, %add3A_4809 : vector<8x2304xf32>
    %lt3A_4811 = arith.cmpf olt, %add3A_4810, %min3A_4795 : vector<8x2304xf32>
    %broadcast_in_dim3A_4812 = vector.broadcast %scan3A_4796 : i32 to vector<8x2304xi32>
    %select_n3A_4813 = arith.select %lt3A_4811, %broadcast_in_dim3A_4812, %select_n3A_4794 : vector<8x2304xi1>, vector<8x2304xi32>
    %min3A_4814 = arith.minimumf %min3A_4795, %add3A_4810 : vector<8x2304xf32>
    %scan3A_4815 = arith.constant 123 : i32
    %mul3A_4816 = arith.constant 8 : i32
    %mul3A_4817 = arith.muli %scan3A_4815, %mul3A_4816 : i32
    %get3A_4818 = arith.index_cast %mul3A_4817 : i32 to index
    %get3A_4819 = arith.constant 2304 : index
    %get3A_4820 = vector.load %arg6[%get3A_4818, %get3A_4819] : memref<1024x4608xf32, #tpu.memory_space<vmem>>, vector<8x2304xf32>
    %add3A_4821 = vector.broadcast %slice3A_2473 : vector<1x2304xf32> to vector<8x2304xf32>
    %add3A_4822 = arith.addf %add3A_4821, %get3A_4820 : vector<8x2304xf32>
    %mul3A_4823 = arith.constant 8 : i32
    %mul3A_4824 = arith.muli %scan3A_4815, %mul3A_4823 : i32
    %get3A_4825 = arith.index_cast %mul3A_4824 : i32 to index
    %get3A_4826 = arith.constant 0 : index
    %get3A_4827 = vector.load %arg5[%get3A_4825, %get3A_4826] : memref<1024x1xf32, #tpu.memory_space<vmem>>, vector<8x1xf32>
    %add3A_4828 = vector.broadcast %get3A_4827 : vector<8x1xf32> to vector<8x2304xf32>
    %add3A_4829 = arith.addf %add3A_4822, %add3A_4828 : vector<8x2304xf32>
    %lt3A_4830 = arith.cmpf olt, %add3A_4829, %min3A_4814 : vector<8x2304xf32>
    %broadcast_in_dim3A_4831 = vector.broadcast %scan3A_4815 : i32 to vector<8x2304xi32>
    %select_n3A_4832 = arith.select %lt3A_4830, %broadcast_in_dim3A_4831, %select_n3A_4813 : vector<8x2304xi1>, vector<8x2304xi32>
    %min3A_4833 = arith.minimumf %min3A_4814, %add3A_4829 : vector<8x2304xf32>
    %scan3A_4834 = arith.constant 124 : i32
    %mul3A_4835 = arith.constant 8 : i32
    %mul3A_4836 = arith.muli %scan3A_4834, %mul3A_4835 : i32
    %get3A_4837 = arith.index_cast %mul3A_4836 : i32 to index
    %get3A_4838 = arith.constant 2304 : index
    %get3A_4839 = vector.load %arg6[%get3A_4837, %get3A_4838] : memref<1024x4608xf32, #tpu.memory_space<vmem>>, vector<8x2304xf32>
    %add3A_4840 = vector.broadcast %slice3A_2473 : vector<1x2304xf32> to vector<8x2304xf32>
    %add3A_4841 = arith.addf %add3A_4840, %get3A_4839 : vector<8x2304xf32>
    %mul3A_4842 = arith.constant 8 : i32
    %mul3A_4843 = arith.muli %scan3A_4834, %mul3A_4842 : i32
    %get3A_4844 = arith.index_cast %mul3A_4843 : i32 to index
    %get3A_4845 = arith.constant 0 : index
    %get3A_4846 = vector.load %arg5[%get3A_4844, %get3A_4845] : memref<1024x1xf32, #tpu.memory_space<vmem>>, vector<8x1xf32>
    %add3A_4847 = vector.broadcast %get3A_4846 : vector<8x1xf32> to vector<8x2304xf32>
    %add3A_4848 = arith.addf %add3A_4841, %add3A_4847 : vector<8x2304xf32>
    %lt3A_4849 = arith.cmpf olt, %add3A_4848, %min3A_4833 : vector<8x2304xf32>
    %broadcast_in_dim3A_4850 = vector.broadcast %scan3A_4834 : i32 to vector<8x2304xi32>
    %select_n3A_4851 = arith.select %lt3A_4849, %broadcast_in_dim3A_4850, %select_n3A_4832 : vector<8x2304xi1>, vector<8x2304xi32>
    %min3A_4852 = arith.minimumf %min3A_4833, %add3A_4848 : vector<8x2304xf32>
    %scan3A_4853 = arith.constant 125 : i32
    %mul3A_4854 = arith.constant 8 : i32
    %mul3A_4855 = arith.muli %scan3A_4853, %mul3A_4854 : i32
    %get3A_4856 = arith.index_cast %mul3A_4855 : i32 to index
    %get3A_4857 = arith.constant 2304 : index
    %get3A_4858 = vector.load %arg6[%get3A_4856, %get3A_4857] : memref<1024x4608xf32, #tpu.memory_space<vmem>>, vector<8x2304xf32>
    %add3A_4859 = vector.broadcast %slice3A_2473 : vector<1x2304xf32> to vector<8x2304xf32>
    %add3A_4860 = arith.addf %add3A_4859, %get3A_4858 : vector<8x2304xf32>
    %mul3A_4861 = arith.constant 8 : i32
    %mul3A_4862 = arith.muli %scan3A_4853, %mul3A_4861 : i32
    %get3A_4863 = arith.index_cast %mul3A_4862 : i32 to index
    %get3A_4864 = arith.constant 0 : index
    %get3A_4865 = vector.load %arg5[%get3A_4863, %get3A_4864] : memref<1024x1xf32, #tpu.memory_space<vmem>>, vector<8x1xf32>
    %add3A_4866 = vector.broadcast %get3A_4865 : vector<8x1xf32> to vector<8x2304xf32>
    %add3A_4867 = arith.addf %add3A_4860, %add3A_4866 : vector<8x2304xf32>
    %lt3A_4868 = arith.cmpf olt, %add3A_4867, %min3A_4852 : vector<8x2304xf32>
    %broadcast_in_dim3A_4869 = vector.broadcast %scan3A_4853 : i32 to vector<8x2304xi32>
    %select_n3A_4870 = arith.select %lt3A_4868, %broadcast_in_dim3A_4869, %select_n3A_4851 : vector<8x2304xi1>, vector<8x2304xi32>
    %min3A_4871 = arith.minimumf %min3A_4852, %add3A_4867 : vector<8x2304xf32>
    %scan3A_4872 = arith.constant 126 : i32
    %mul3A_4873 = arith.constant 8 : i32
    %mul3A_4874 = arith.muli %scan3A_4872, %mul3A_4873 : i32
    %get3A_4875 = arith.index_cast %mul3A_4874 : i32 to index
    %get3A_4876 = arith.constant 2304 : index
    %get3A_4877 = vector.load %arg6[%get3A_4875, %get3A_4876] : memref<1024x4608xf32, #tpu.memory_space<vmem>>, vector<8x2304xf32>
    %add3A_4878 = vector.broadcast %slice3A_2473 : vector<1x2304xf32> to vector<8x2304xf32>
    %add3A_4879 = arith.addf %add3A_4878, %get3A_4877 : vector<8x2304xf32>
    %mul3A_4880 = arith.constant 8 : i32
    %mul3A_4881 = arith.muli %scan3A_4872, %mul3A_4880 : i32
    %get3A_4882 = arith.index_cast %mul3A_4881 : i32 to index
    %get3A_4883 = arith.constant 0 : index
    %get3A_4884 = vector.load %arg5[%get3A_4882, %get3A_4883] : memref<1024x1xf32, #tpu.memory_space<vmem>>, vector<8x1xf32>
    %add3A_4885 = vector.broadcast %get3A_4884 : vector<8x1xf32> to vector<8x2304xf32>
    %add3A_4886 = arith.addf %add3A_4879, %add3A_4885 : vector<8x2304xf32>
    %lt3A_4887 = arith.cmpf olt, %add3A_4886, %min3A_4871 : vector<8x2304xf32>
    %broadcast_in_dim3A_4888 = vector.broadcast %scan3A_4872 : i32 to vector<8x2304xi32>
    %select_n3A_4889 = arith.select %lt3A_4887, %broadcast_in_dim3A_4888, %select_n3A_4870 : vector<8x2304xi1>, vector<8x2304xi32>
    %min3A_4890 = arith.minimumf %min3A_4871, %add3A_4886 : vector<8x2304xf32>
    %scan3A_4891 = arith.constant 127 : i32
    %mul3A_4892 = arith.constant 8 : i32
    %mul3A_4893 = arith.muli %scan3A_4891, %mul3A_4892 : i32
    %get3A_4894 = arith.index_cast %mul3A_4893 : i32 to index
    %get3A_4895 = arith.constant 2304 : index
    %get3A_4896 = vector.load %arg6[%get3A_4894, %get3A_4895] : memref<1024x4608xf32, #tpu.memory_space<vmem>>, vector<8x2304xf32>
    %add3A_4897 = vector.broadcast %slice3A_2473 : vector<1x2304xf32> to vector<8x2304xf32>
    %add3A_4898 = arith.addf %add3A_4897, %get3A_4896 : vector<8x2304xf32>
    %mul3A_4899 = arith.constant 8 : i32
    %mul3A_4900 = arith.muli %scan3A_4891, %mul3A_4899 : i32
    %get3A_4901 = arith.index_cast %mul3A_4900 : i32 to index
    %get3A_4902 = arith.constant 0 : index
    %get3A_4903 = vector.load %arg5[%get3A_4901, %get3A_4902] : memref<1024x1xf32, #tpu.memory_space<vmem>>, vector<8x1xf32>
    %add3A_4904 = vector.broadcast %get3A_4903 : vector<8x1xf32> to vector<8x2304xf32>
    %add3A_4905 = arith.addf %add3A_4898, %add3A_4904 : vector<8x2304xf32>
    %lt3A_4906 = arith.cmpf olt, %add3A_4905, %min3A_4890 : vector<8x2304xf32>
    %broadcast_in_dim3A_4907 = vector.broadcast %scan3A_4891 : i32 to vector<8x2304xi32>
    %select_n3A_4908 = arith.select %lt3A_4906, %broadcast_in_dim3A_4907, %select_n3A_4889 : vector<8x2304xi1>, vector<8x2304xi32>
    %min3A_4909 = arith.minimumf %min3A_4890, %add3A_4905 : vector<8x2304xf32>
    %scan3A_4910 = arith.constant 128 : i32
    %reduce_min3A_4911 = arith.constant dense<0x7F800000> : vector<2304xf32>
    %reduce_min3A_4912 = vector.multi_reduction <minimumf>, %min3A_4909, %reduce_min3A_4911 [0] : vector<8x2304xf32> to vector<2304xf32>
    %broadcast_in_dim3A_4913 = vector.shape_cast %reduce_min3A_4912 : vector<2304xf32> to vector<1x2304xf32>
    %iota3A_4914 = tpu.iota {dimensions = array<i32: 0>} : vector<8x2304xi32>
    %mul3A_4915 = arith.constant 8 : i32
    %mul3A_4916 = vector.broadcast %mul3A_4915 : i32 to vector<8x2304xi32>
    %mul3A_4917 = arith.muli %select_n3A_4908, %mul3A_4916 : vector<8x2304xi32>
    %add3A_4918 = arith.addi %mul3A_4917, %iota3A_4914 : vector<8x2304xi32>
    %eq3A_4919 = vector.broadcast %broadcast_in_dim3A_4913 : vector<1x2304xf32> to vector<8x2304xf32>
    %eq3A_4920 = arith.cmpf oeq, %min3A_4909, %eq3A_4919 : vector<8x2304xf32>
    %jit3A_4921 = arith.constant 1024 : i32
    %broadcast_in_dim3A_4922 = vector.broadcast %jit3A_4921 : i32 to vector<8x2304xi32>
    %select_n3A_4923 = arith.select %eq3A_4920, %add3A_4918, %broadcast_in_dim3A_4922 : vector<8x2304xi1>, vector<8x2304xi32>
    %reduce_min3A_4924 = arith.constant dense<2147483647> : vector<2304xi32>
    %reduce_min3A_4925 = vector.multi_reduction <minsi>, %select_n3A_4923, %reduce_min3A_4924 [0] : vector<8x2304xi32> to vector<2304xi32>
    %swap3A_4926 = arith.constant 0 : index
    %swap3A_4927 = arith.constant 0 : index
    %swap3A_4928 = arith.constant 2304 : index
    %swap3A_4929 = vector.load %arg3[%swap3A_4926, %swap3A_4927, %swap3A_4928] : memref<1x1x4608xi32, #tpu.memory_space<vmem>>, vector<1x1x2304xi32>
    %swap3A_4930 = vector.shape_cast %swap3A_4929 : vector<1x1x2304xi32> to vector<2304xi32>
    %swap3A_4931 = vector.shape_cast %reduce_min3A_4925 : vector<2304xi32> to vector<1x1x2304xi32>
    tpu.vector_store %arg3[%swap3A_4926, %swap3A_4927, %swap3A_4928], %swap3A_4931 {strides = array<i32>} : memref<1x1x4608xi32, #tpu.memory_space<vmem>>, vector<1x1x2304xi32>,
    %get3A_4932 = arith.constant 0 : index
    %get3A_4933 = arith.constant 0 : index
    %get3A_4934 = vector.load %arg4[%get3A_4932, %get3A_4933] : memref<1x1xf32, #tpu.memory_space<vmem>>, vector<1x1xf32>
    %reduce_sum3A_4935 = vector.shape_cast %broadcast_in_dim3A_4913 : vector<1x2304xf32> to vector<1x1x2304xf32>
    %reduce_sum3A_4936 = arith.constant dense<0.000000e+00> : vector<1xf32>
    %reduce_sum3A_4937 = vector.multi_reduction <add>, %reduce_sum3A_4935, %reduce_sum3A_4936 [1, 2] : vector<1x1x2304xf32> to vector<1xf32>
    %reduce_sum3A_4938 = vector.shape_cast %reduce_sum3A_4937 : vector<1xf32> to vector<1x1x1xf32>
    %reduce_sum3A_4939 = vector.extract %reduce_sum3A_4938[0, 0, 0] : f32 from vector<1x1x1xf32>
    %reshape3A_4940 = vector.broadcast %reduce_sum3A_4939 : f32 to vector<1x1xf32>
    %add3A_4941 = arith.addf %get3A_4934, %reshape3A_4940 : vector<1x1xf32>
    %swap3A_4942 = arith.constant 0 : index
    %swap3A_4943 = arith.constant 0 : index
    %swap3A_4944 = vector.load %arg4[%swap3A_4942, %swap3A_4943] : memref<1x1xf32, #tpu.memory_space<vmem>>, vector<1x1xf32>
    tpu.vector_store %arg4[%swap3A_4942, %swap3A_4943], %add3A_4941 {strides = array<i32>} : memref<1x1xf32, #tpu.memory_space<vmem>>, vector<1x1xf32>,
    return
  }
  func.func @transform_0(%arg0: i32) -> (i32, i32) {
    %c0_i32 = arith.constant 0 : i32
    %c0_i32_0 = arith.constant 0 : i32
    return %arg0, %c0_i32 : i32, i32
  }
  func.func @transform_1(%arg0: i32) -> (i32, i32) {
    %c0_i32 = arith.constant 0 : i32
    %c0_i32_0 = arith.constant 0 : i32
    %c0_i32_1 = arith.constant 0 : i32
    return %c0_i32, %c0_i32_0 : i32, i32
  }
  func.func @transform_2(%arg0: i32) -> (i32, i32, i32) {
    %c0_i32 = arith.constant 0 : i32
    %c0_i32_0 = arith.constant 0 : i32
    %c0_i32_1 = arith.constant 0 : i32
    return %arg0, %c0_i32, %c0_i32_0 : i32, i32, i32
  }
  func.func @transform_3(%arg0: i32) -> (i32, i32) {
    %c0_i32 = arith.constant 0 : i32
    %c0_i32_0 = arith.constant 0 : i32
    %c0_i32_1 = arith.constant 0 : i32
    return %c0_i32, %c0_i32_0 : i32, i32
  }
}

</mosaic_0001>

<sc_bundles>
// kernel: kernel.4.cloned.1.call-start
scs
__scs_entry_jumppad:
0x0: {  	(pc) =	sbr.rel $0x88, $3  }
0x1: {  	(tag) =	ssettag $0x0;
	lr =	simm.s32 $0x1  }
0x2: {  	[smem:$0x3F9F] =	sst lr;
	_ =	strace $0xD0000000  }
0x3: {  	_ = 	snop  }
0x4: {  	_ = 	snop  }
0x5: {  	_ = 	snop  }
0x6: {  	_ = 	snop  }
0x7: {  	_ = 	snop  }
__scs_overlays_trampoline_lowered:
0x8: {  	[smem:$0x3FAE] =	sst s0  }
0x9: {  	[smem:$0x3FAF] =	sst s1  }
0xa: {  	[smem:$0x3FB0] =	sst s2  }
0xb: {  	[smem:$0x3FB1] =	sst s3  }
0xc: {  	[smem:$0x3FB2] =	sst s4  }
0xd: {  	[smem:$0x3FB3] =	sst s5  }
0xe: {  	[smem:$0x3FB4] =	sst s6  }
0xf: {  	[smem:$0x3FB5] =	sst s7  }
0x10: {  	[smem:$0x3FB6] =	sst s8  }
0x11: {  	[smem:$0x3FB7] =	sst s9;
	s0 =	simm.s32 @!p0 $0x0  }
0x12: {  	s1 =	sld [smem:$0x3F9D];
	s0 =	simm.s32 @p0 $0x1  }
0x13: {  	[smem:$0x3FB8] =	sst s0;
	s0 =	simm.s32 @!p1 $0x0  }
0x14: {  	s2 =	sld [smem:$0x3F9C];
	s0 =	simm.s32 @p1 $0x1  }
0x15: {  	[smem:$0x3FB9] =	sst s0;
	s0 =	simm.s32 @!p2 $0x0  }
0x16: {  	s3 =	sld [smem:$0x3FDB];
	s0 =	simm.s32 @p2 $0x1  }
0x17: {  	s4 =	simm.s32 $0x1BF5;
	[smem:$0x3FBB] =	sst s0  }
0x18: {  	s0 =	sld [smem:$0x3F9E];
	_ =	swait.ge [sflag:s4], $0x0  }
0x19: {  	s7 =	sld [smem:$0x3F9F]  }
0x1a: {  	s8 =	sadd.s32 $0xFFFFE003, lr  }
0x1b: {  	s9 =	sadd.s32 $0xFFFFFEF7, lr;
	s5 =	simm.s32 $0xFFFFFFFF;
	p2 =	slt.u32 s8, $0xFFFFF086  }
0x1c: {  	p1 =	slt.u32 s9, $0xF7A;
	s5 =	simm.s32 @!p2 $0x0  }
0x1d: {  	s5 =	simm.s32 @p1 $0x1;
	p0 =	seq.s32 s7, s2  }
0x1e: {  	s7 =	smul.u32 @!p0 $0xF7A, s2;
	p2 =	seq.s32 @!p0 s5, $0x0  }
0x1f: {  	s9 =	smul.u32 $0xF7A, s1;
	s8 =	simm.s32 @!p0 $0x1BF5;
	p2 =	por !p2, p0  }
0x20: {  	[sflag:s8] =	ssyncset.s32 @!p0 $0xFFFFF086;
	s6 =	sadd.s32 @!p0 s3, s7;
	s7 =	simm.s32 @!p0 $0x108  }
0x21: {  	s3 =	sadd.s32 s3, s9;
	s6 =	sadd.s32 @!p0 $0x88, s6;
	s7 =	simm.s32 @p2 $0x1082  }
0x22: {  	[simem:s7], [sflag:s8] =	dma.local @!p0 [hbm:s6], $0xF7A  }
0x23: {  	s9 =	sor.u32 $0xD0000000, s2;
	s6 =	simm.s32 $0x108;
	_ =	swait.ge @!p0 [sflag:s8], $0x0  }
0x24: {  	s3 =	sadd.s32 $0x88, s3;
	s6 =	simm.s32 @!p1 $0x1082;
	[sflag:s4] =	ssyncset.s32 $0xFFFFF086  }
0x25: {  	[simem:s6], [sflag:s4] =	dma.local [hbm:s3], $0xF7A  }
0x26: {  	[smem:$0x3F9F] =	sst s1;
	(tag) =	ssettag s2;
	_ =	strace s9  }
0x27: {  	s1 =	sld [smem:$0x3FAF]  }
0x28: {  	s2 =	sld [smem:$0x3FB0]  }
0x29: {  	s4 =	sld [smem:$0x3FB2]  }
0x2a: {  	p0 =	seq.s32 s5, $0x0;
	s5 =	sld [smem:$0x3FB3]  }
0x2b: {  	s6 =	sld [smem:$0x3FB4]  }
0x2c: {  	s7 =	sld [smem:$0x3FB5]  }
0x2d: {  	s3 =	simm.s32 $0x108;
	s8 =	sld [smem:$0x3FB6]  }
0x2e: {  	s3 =	simm.s32 @!p0 $0x1082;
	s9 =	sld [smem:$0x3FB7]  }
0x2f: {  	lr =	sadd.s32 s0, s3;
	s0 =	sld [smem:$0x3FAE]  }
0x30: {  	s3 =	sld [smem:$0x3FB1]  }
0x31: {  	[smem:$0x3FBA] =	sst s10  }
0x32: {  	s10 =	sld [smem:$0x3FB8];
	_ =	sdelay $0x3  }
0x33: {  	p0 =	seq.s32 s10, $0x1;
	s10 =	sld [smem:$0x3FBA];
	_ =	sdelay $0x3  }
0x34: {  	[smem:$0x3FBA] =	sst s10  }
0x35: {  	s10 =	sld [smem:$0x3FB9];
	_ =	sdelay $0x3  }
0x36: {  	p1 =	seq.s32 s10, $0x1;
	s10 =	sld [smem:$0x3FBA];
	_ =	sdelay $0x3  }
0x37: {  	[smem:$0x3FBA] =	sst s10  }
0x38: {  	s10 =	sld [smem:$0x3FBB]  }
0x39: {  	_ = 	snop;
	(pc) =	sbr.ind lr, $3  }
0x3a: {  	_ = 	snop  }
0x3b: {  	_ = 	snop  }
0x3c: {  	p2 =	seq.s32 s10, $0x1;
	s10 =	sld [smem:$0x3FBA]  }
0x3d: {  	_ =	shalt  }
0x3e: {  	_ =	shalt  }
0x3f: {  	_ =	shalt  }
0x40: {  	_ =	shalt  }
0x41: {  	_ =	shalt  }
0x42: {  	_ =	shalt  }
0x43: {  	_ =	shalt  }
0x44: {  	_ =	shalt  }
0x45: {  	_ =	shalt  }
0x46: {  	_ =	shalt  }
0x47: {  	_ =	shalt  }
0x48: {  	_ =	shalt  }
0x49: {  	_ =	shalt  }
0x4a: {  	_ =	shalt  }
0x4b: {  	_ =	shalt  }
0x4c: {  	_ =	shalt  }
0x4d: {  	_ =	shalt  }
0x4e: {  	_ =	shalt  }
0x4f: {  	_ =	shalt  }
0x50: {  	_ =	shalt  }
0x51: {  	_ =	shalt  }
0x52: {  	_ =	shalt  }
0x53: {  	_ =	shalt  }
0x54: {  	_ =	shalt  }
0x55: {  	_ =	shalt  }
0x56: {  	_ =	shalt  }
0x57: {  	_ =	shalt  }
0x58: {  	_ =	shalt  }
0x59: {  	_ =	shalt  }
0x5a: {  	_ =	shalt  }
0x5b: {  	_ =	shalt  }
0x5c: {  	_ =	shalt  }
0x5d: {  	_ =	shalt  }
0x5e: {  	_ =	shalt  }
0x5f: {  	_ =	shalt  }
0x60: {  	_ =	shalt  }
0x61: {  	_ =	shalt  }
0x62: {  	_ =	shalt  }
0x63: {  	_ =	shalt  }
0x64: {  	_ =	shalt  }
0x65: {  	_ =	shalt  }
0x66: {  	_ =	shalt  }
0x67: {  	_ =	shalt  }
0x68: {  	_ =	shalt  }
0x69: {  	_ =	shalt  }
0x6a: {  	_ =	shalt  }
0x6b: {  	_ =	shalt  }
0x6c: {  	_ =	shalt  }
0x6d: {  	_ =	shalt  }
0x6e: {  	_ =	shalt  }
0x6f: {  	_ =	shalt  }
0x70: {  	_ =	shalt  }
0x71: {  	_ =	shalt  }
0x72: {  	_ =	shalt  }
0x73: {  	_ =	shalt  }
0x74: {  	_ =	shalt  }
0x75: {  	_ =	shalt  }
0x76: {  	_ =	shalt  }
0x77: {  	_ =	shalt  }
0x78: {  	_ =	shalt  }
0x79: {  	_ =	shalt  }
0x7a: {  	_ =	shalt  }
0x7b: {  	_ =	shalt  }
0x7c: {  	_ =	shalt  }
0x7d: {  	_ =	shalt  }
0x7e: {  	_ =	shalt  }
0x7f: {  	_ =	shalt  }
0x80: {  	_ =	shalt  }
0x81: {  	_ =	shalt  }
0x82: {  	_ =	shalt  }
0x83: {  	_ =	shalt  }
0x84: {  	_ =	shalt  }
0x85: {  	_ =	shalt  }
0x86: {  	_ =	shalt  }
0x87: {  	_ =	shalt  }
.Lfunc_end0:
.L_simem_size_0:
called_computation_lowered:
.L_overlay_start_0:
0x88: {  	s2 =	sld [smem:$0x3FD9]  }
0x89: {  	s3 =	sld [smem:$0x3FFE];
	_ =	sdelay $0x1  }
0x8a: {  	s1 =	srdreg.scid  }
0x8b: {  	s0 =	sand.u32 $0x1, s1  }
0x8c: {  	s14 =	sshll.u32 s0, $0xA;
	s2 =	sadd.s32 s3, s2  }
0x8d: {  	s2 =	sadd.s32 s2, s14  }
0x8e: {  	[smem:$0x3FC6] =	sst s2  }
0x8f: {  	_ = 	snop  }
0x90: {  	s2 =	sld [smem:$0x3FD0];
	_ =	sdelay $0x2  }
0x91: {  	s15 =	simm.s32 $0xA;
	s4 =	simm.s32 $0x10  }
0x92: {  	[smem:s4], [sflag:s15] =	dma.local [hbm:s2], $0x1  }
0x93: {  	_ =	swait.eq [sflag:s15], $0x1  }
0x94: {  	[sflag:s15] =	ssyncset.done $0x0  }
0x95: {  	[sflag:s15] =	ssyncadd.s32 $0xFFFFFFFF  }
0x96: {  	s16 =	sld [smem:$0x10];
	(tm) =	ssettm $0x1  }
0x97: {  	s17 =	sld [smem:$0x3FFB];
	_ =	sdelay $0x3  }
0x98: {  	_ =	strace s17  }
0x99: {  	s3 =	sld [smem:$0x3FFC];
	_ =	sdelay $0x3  }
0x9a: {  	_ =	strace s3  }
0x9b: {  	s3 =	sld [smem:$0x3FFD];
	_ =	sdelay $0x3  }
0x9c: {  	_ =	strace s3  }
0x9d: {  	_ =	strace $0x8FFFFFFF  }
0x9e: {  	s18 =	sld [smem:$0x3FDB];
	_ =	sdelay $0x1  }
0x9f: {  	s19 =	simm.s32 $_scs_section_size  }
0xa0: {  	s5 =	simm.s32 $_size__tile_overlayer_lowered;
	s6 =	simm.s32 $_tile_overlayer_lowered  }
0xa1: {  	s22 =	simm.s32 $0x1BFF;
	s21 =	sshll.u32 s6, $0x1;
	s3 =	sadd.s32 s19, s18  }
0xa2: {  	s7 =	simm.s32 $0x0;
	s20 =	sshll.u32 s5, $0x1;
	s5 =	sadd.s32 s21, s3  }
0xa3: {  	[timem:s7], [sflag:s22] =	dma.local [hbm:s5], s20  }
0xa4: {  	_ =	swait.ge [sflag:s22], s20  }
0xa5: {  	s4 =	ssub.s32 $0x0, s20;
	[sflag:s22] =	ssyncset.done $0x0  }
0xa6: {  	[sflag:s22] =	ssyncadd.s32 s4;
	_ =	sdelay $0x1  }
0xa7: {  	s23 =	simm.s32 $0x1B8B  }
0xa8: {  	_ =	swait.ge [sflag:s23], $0x1  }
0xa9: {  	[sflag:s23] =	ssyncset.done $0x0  }
0xaa: {  	s25 =	simm.s32 $0x1B8E;
	s24 =	sld [smem:$0x3FFE];
	[sflag:s23] =	ssyncadd.s32 $0xFFFFFFFF  }
0xab: {  	s26 =	simm.s32 $execute0_lowered;
	[smem:$0x3FD2] =	sst s25  }
0xac: {  	s5 =	sshll.u32 s26, $0x1;
	_ =	strace $0x80000046;
	[dreg:$0x1] =	wrdreg $0xFFFFFFFF  }
0xad: {  	s28 =	simm.s32 $_size_execute0_lowered;
	s3 =	sadd.s32 s3, s5;
	[dreg:$0x0] =	wrdreg $0x0  }
0xae: {  	s5 =	sshll.u32 s28, $0x1;
	[dreg:$0x2] =	wrdreg s3  }
0xaf: {  	[dreg:$0x3] =	wrdreg s5  }
0xb0: {  	[dreg:$0x4] =	wrdreg $0xC0  }
0xb1: {  	_ =	task [dreg:s7], $0x5FFFF  }
0xb2: {  	[dreg:$0x1] =	wrdreg $0xFFFFFFFF  }
0xb3: {  	[dreg:$0x0] =	wrdreg $0x60  }
0xb4: {  	[dreg:$0x2] =	wrdreg s16  }
0xb5: {  	[dreg:$0x3] =	wrdreg s24  }
0xb6: {  	[dreg:$0x4] =	wrdreg $0x9  }
0xb7: {  	_ =	task.clear_ibuf [dreg:s7], $0x5FFFF;
	_ =	strace $0x90000046  }
0xb8: {  	s29 =	simm.s32 $0x9;
	_ =	strace $0x80000048  }
0xb9: {  	_ =	swait.ge [sflag:s29], $0x1  }
0xba: {  	[sflag:s29] =	ssyncadd.s32 $0xFFFFFFFF  }
0xbb: {  	_ =	strace $0x90000048  }
0xbc: {  	_ =	sfence  }
0xbd: {  	s30 =	sld [smem:$0x0];
	_ =	sdelay $0x2  }
0xbe: {  	s31 =	sshll.u32 s1, $0xD;
	s1 =	sshrl.u32 s1, $0x2  }
0xbf: {  	s3 =	sand.u32 $0x4000, s31;
	s1 =	sadd.s32 s1, s30  }
0xc0: {  	s0 =	sor.u32 s3, s0;
	s1 =	sshll.u32 s1, $0x11  }
0xc1: {  	s0 =	sor.u32 s1, s0  }
0xc2: {  	s0 =	sadd.s32 $0x8F2B, s0  }
0xc3: {  	[sflag:s0] =	ssyncadd.remote.s32 $0x1  }
0xc4: {  	_ =	sfence.sel $0xFFFF  }
0xc5: {  	[dreg:$0x0] =	wrdreg $0xFFFFFFFF;
	(pc) =	sbr.abs _section_cstart, $3  }
0xc6: {  	[dreg:$0x1] =	wrdreg $0xFFFFFFFF  }
0xc7: {  	_ =	task.clear_ibuf [dreg:s7], $0x2FFFF;
	_ =	strace $0x9FFFFFFF  }
0xc8: {  	(tm) =	ssettm $0x7FFFFFFF  }
0xc9: {  	_ =	shalt  }
tec
execute0_lowered:
.L_overlay_start_1:
0x0: {  	(tag) =	ssettag $0x1  }
0x1: {  	s1 =	srdreg.scid;
	s0 =	stileid.u32  }
0x2: {  	s11 =	sand.u32 $0x1, s1;
	s26 =	sshll.u32 s0, $0x1  }
0x3: {  	s2 =	rddreg [dreg:$0x0];
	s9 =	sor.u32 s11, s26  }
0x4: {  	s10 =	rddreg [dreg:$0x1];
	s12 =	smul.u32 $0x480, s9  }
0x5: {  	s3 =	simm.s32 $0x0;
	s1 =	rddreg [dreg:$0x2]  }
0x6: {  	[smem:$0x7FF] =	sst s3;
	s13 =	sadd.s32 $0x800, s10;
	s4 =	sshrl.u32 s12, $0x3  }
0x7: {  	_ =	strace $0x80000047;
	s5 =	sadd.s32 s13, s4;
	s4 =	simm.s32 $0x2  }
0x8: {  	[tilespmem:s3], [sflag:$0x2] =	stream.linear.gather [hbm4b:s5+s3], $0x240, $0x38;
	[tilespmem:$0x12280] =	vst v63  }
0x9: {  	_ =	swait.ge [sflag:s4], $0x240  }
0xa: {  	s6 =	simm.s32 $0x240;
	[sflag:s4] =	ssyncset.done $0x0  }
0xb: {  	s7 =	simm.s32 $0x280;
	s8 =	simm.s32 $0x1;
	[sflag:s4] =	ssyncadd.s32 $0xFFFFFDC0  }
0xc: {  	[tilespmem:s7], [sflag:$0x1] =	stream.indirect.gather [hbm4b:s2+s6], $0x80, s3, s6, $0xb8;
	[tilespmem:$0x12280] =	vst v63  }
0xd: {  	s9 =	smul.u32 $0x4800, s9;
	_ =	swait.ge [sflag:s8], $0x12000  }
0xe: {  	s14 =	sadd.s32 $0x1A00, s10;
	[sflag:s8] =	ssyncset.done $0x0  }
0xf: {  	s9 =	sadd.s32 s14, s9;
	[sflag:s8] =	ssyncadd.s32 $0xFFFEE000  }
0x10: {  	[hbm4b:s9+s3] =	stream.linear.scatter [tilespmem:s7], [sflag:$0x2], $0x12000, $0x38;
	[tilespmem:$0x12280] =	vst v63  }
0x11: {  	s12 =	sadd.s32 $0x240, s12;
	_ =	swait.ge [sflag:s4], $0x12000  }
0x12: {  	s28 =	sshrl.u32 s12, $0x3;
	[sflag:s4] =	ssyncset.done $0x0  }
0x13: {  	s11 =	ssub.s32 $0x2, s11;
	s10 =	sadd.s32 s13, s28;
	[sflag:s4] =	ssyncadd.s32 $0xFFFEE000  }
0x14: {  	[tilespmem:s3], [sflag:$0x2] =	stream.linear.gather [hbm4b:s10+s3], $0x240, $0x38;
	[tilespmem:$0x12280] =	vst v63  }
0x15: {  	s29 =	sshrl.u32 s11, $0x1;
	_ =	swait.ge [sflag:s4], $0x240  }
0x16: {  	s13 =	ssub.s32 s11, s29;
	[sflag:s4] =	ssyncset.done $0x0  }
0x17: {  	s31 =	smax.u32 s13, $0x1;
	[sflag:s4] =	ssyncadd.s32 $0xFFFFFDC0  }
0x18: {  	[tilespmem:s7], [sflag:$0x1] =	stream.indirect.gather [hbm4b:s2+s6], $0x80, s3, s6, $0xb8;
	[tilespmem:$0x12280] =	vst v63  }
0x19: {  	p0 =	sne.s32 s31, $0x1;
	_ =	swait.ge [sflag:s8], $0x12000  }
.Ltmp0:
0x1a: {  	s30 =	sshll.u32 s12, $0x4;
	[sflag:s8] =	ssyncset.done $0x0;
	(pc) =	sbr.rel @!p0 .LBB2_2-.Ltmp0, $4  }
0x1b: {  	s11 =	sadd.s32 s14, s30;
	[sflag:s8] =	ssyncadd.s32 $0xFFFEE000  }
0x1c: {  	[hbm4b:s11+s3] =	stream.linear.scatter [tilespmem:s7], [sflag:$0x2], $0x12000, $0x38;
	[tilespmem:$0x12280] =	vst v63  }
0x1d: {  	_ =	swait.ge [sflag:s4], $0x12000  }
0x1e: {  	s12 =	sadd.s32 $0xFFFFFFFF, s31;
	[sflag:s4] =	ssyncset.done $0x0  }
.LBB2_1:
0x1f: {  	p0 =	sne.s32 s12, $0x1;
	s12 =	sadd.s32 $0xFFFFFFFF, s12;
	[sflag:s4] =	ssyncadd.s32 $0xFFFEE000  }
0x20: {  	[tilespmem:s3], [sflag:$0x2] =	stream.linear.gather [hbm4b:s5+s3], $0x240, $0x38;
	[tilespmem:$0x12280] =	vst v63  }
0x21: {  	_ =	swait.ge [sflag:s4], $0x240  }
0x22: {  	[sflag:s4] =	ssyncset.done $0x0  }
0x23: {  	[sflag:s4] =	ssyncadd.s32 $0xFFFFFDC0  }
0x24: {  	[tilespmem:s7], [sflag:$0x1] =	stream.indirect.gather [hbm4b:s2+s6], $0x80, s3, s6, $0xb8;
	[tilespmem:$0x12280] =	vst v63  }
0x25: {  	_ =	swait.ge [sflag:s8], $0x12000  }
0x26: {  	[sflag:s8] =	ssyncset.done $0x0  }
0x27: {  	[sflag:s8] =	ssyncadd.s32 $0xFFFEE000  }
0x28: {  	[hbm4b:s9+s3] =	stream.linear.scatter [tilespmem:s7], [sflag:$0x2], $0x12000, $0x38;
	[tilespmem:$0x12280] =	vst v63  }
0x29: {  	_ =	swait.ge [sflag:s4], $0x12000  }
0x2a: {  	[sflag:s4] =	ssyncset.done $0x0  }
0x2b: {  	[sflag:s4] =	ssyncadd.s32 $0xFFFEE000  }
0x2c: {  	[tilespmem:s3], [sflag:$0x2] =	stream.linear.gather [hbm4b:s10+s3], $0x240, $0x38;
	[tilespmem:$0x12280] =	vst v63  }
0x2d: {  	_ =	swait.ge [sflag:s4], $0x240  }
0x2e: {  	[sflag:s4] =	ssyncset.done $0x0  }
0x2f: {  	[sflag:s4] =	ssyncadd.s32 $0xFFFFFDC0  }
0x30: {  	[tilespmem:s7], [sflag:$0x1] =	stream.indirect.gather [hbm4b:s2+s6], $0x80, s3, s6, $0xb8;
	[tilespmem:$0x12280] =	vst v63  }
0x31: {  	_ =	swait.ge [sflag:s8], $0x12000  }
.Ltmp1:
0x32: {  	[sflag:s8] =	ssyncset.done $0x0;
	(pc) =	sbr.rel @p0 .LBB2_1-.Ltmp1, $4  }
0x33: {  	[sflag:s8] =	ssyncadd.s32 $0xFFFEE000  }
0x34: {  	[hbm4b:s11+s3] =	stream.linear.scatter [tilespmem:s7], [sflag:$0x2], $0x12000, $0x38;
	[tilespmem:$0x12280] =	vst v63  }
0x35: {  	_ =	swait.ge [sflag:s4], $0x12000  }
0x36: {  	[sflag:s4] =	ssyncset.done $0x0  }
.LBB2_2:
0x37: {  	[sflag:s4] =	ssyncadd.s32 $0xFFFEE000  }
0x38: {  	_ =	sfence.sel $0x180000  }
0x39: {  	[bflag:$0x0] =	sbarrier.arrive $0xFFFF  }
0x3a: {  	p0 =	sne.s32 s0, $0x0;
	_ =	strace $0x90000047  }
0x3b: {  	s0 =	sadd.s32 @!p0 $0x100000, s1;
	[bflag:$0x2] =	sbarrier.arrive $0xFFFF  }
0x3c: {  	[sflag:s0] =	ssyncadd.tile.s32 @!p0 $0x1;
	_ =	shalt  }
.Lfunc_end2:
_tile_overlayer_lowered:
.L_overlay_start_2:
0x3d: {  	(tag) =	ssettag $0x2  }
0x3e: {  	s0 =	rddreg [dreg:$0x0];
	s2 =	stileid.u32  }
0x3f: {  	s1 =	rddreg [dreg:$0x1];
	p0 =	sne.s32 s2, $0x0  }
0x40: {  	s3 =	rddreg [dreg:$0x2];
	[bflag:$0x3] =	sbarrier.arrive $0xFFFF;
	s2 =	simm.s32 @!p0 $0x1C02  }
0x41: {  	[timem:s3], [sflag:s2] =	dma.local @!p0 [hbm:s0], s1  }
0x42: {  	s0 =	simm.s32 @!p0 $0x2  }
0x43: {  	_ =	swait.ge @!p0 [sflag:s0], s1  }
0x44: {  	s1 =	ssub.s32 @!p0 $0x0, s1;
	[sflag:s0] =	ssyncset.done @!p0 $0x0  }
0x45: {  	[sflag:s0] =	ssyncadd.s32 @!p0 s1  }
0x46: {  	[bflag:$0x3] =	sbarrier.arrive $0xFFFF  }
0x47: {  	_ =	shalt  }

</sc_bundles>
